<compile_context>
chip_gen: v7x
topology: tpu7x:2x2x1
jax: 0.10.2.dev20260603
libtpu: 0.0.44.dev20260713+nightly
codegen_flags: <defaults>
</compile_context>

<pallas_src>
import functools

import jax
import jax.numpy as jnp
from jax import lax
from jax.experimental import pallas as pl
from jax.experimental.pallas import tpu as pltpu
from jax.experimental.pallas import tpu_sc as plsc

N_FIELDS = 26
VOCAB = 100000
EMB_DIM = 16
N_CONT = 13
BATCH = 16384
EMB_FEATS = N_FIELDS * EMB_DIM

_NW = 32

_VS = 1536
_NFULL = 64
_TAIL1 = 1536
_TAIL2 = 128
_REM0 = 99968
_NREM = VOCAB - _REM0

_B_PER_W = BATCH // _NW
_CHUNK_B = 128
_CHUNK_R = _CHUNK_B * N_FIELDS
_N_CHUNKS = _B_PER_W // _CHUNK_B


@functools.cache
def _make_sc_transpose():
    @functools.partial(
        pl.kernel,
        out_type=jax.ShapeDtypeStruct((N_FIELDS * VOCAB * EMB_DIM,), jnp.float32),
        mesh=plsc.VectorSubcoreMesh(core_axis_name="c", subcore_axis_name="s"),
        scratch_types=[
            pltpu.VMEM((EMB_DIM, _VS), jnp.float32),
            pltpu.VMEM((EMB_DIM, _VS), jnp.float32),
            pltpu.VMEM((_VS * EMB_DIM,), jnp.float32),
            pltpu.VMEM((_VS * EMB_DIM,), jnp.float32),
            pltpu.SemaphoreType.DMA,
            pltpu.SemaphoreType.DMA,
            pltpu.SemaphoreType.DMA,
            pltpu.SemaphoreType.DMA,
        ],
        compiler_params=pltpu.CompilerParams(use_tc_tiling_on_sc=True,
                                             needs_layout_passes=False),
    )
    def _t(t2_hbm, tail_hbm, out_hbm, slab0, slab1, outf0, outf1,
           si0, si1, so0, so1):
        wid = lax.axis_index("s") * 2 + lax.axis_index("c")
        lane = lax.iota(jnp.int32, 16)
        lane16 = lane * 16
        v0 = wid * _VS
        v1 = (wid + 32) * _VS
        FB = VOCAB * EMB_DIM

        def transpose_groups(slab, outf, n_groups):
            def body(g, _):
                for e in range(EMB_DIM):
                    rvec = slab[e, pl.ds(g * 16, 16)]
                    plsc.store_scatter(outf, [lane16 + (g * 256 + e)], rvec)
                return 0
            lax.fori_loop(0, n_groups, body, 0, unroll=4)

        def start_in(kk, vv, slab, sem):
            pltpu.async_copy(
                t2_hbm.at[pl.ds(kk * 16, 16), pl.ds(vv, _VS)], slab, sem)

        def wait_in(slab, sem):
            pltpu.make_async_copy(
                t2_hbm.at[pl.ds(0, 16), pl.ds(0, _VS)], slab, sem).wait()

        def wait_out(outf, sem):
            pltpu.make_async_copy(
                outf, out_hbm.at[pl.ds(0, _VS * EMB_DIM)], sem).wait()

        start_in(0, v0, slab0, si0)

        def body(jj, _):
            start_in(jj, v1, slab1, si1)
            wait_in(slab0, si0)
            @pl.when(jj > 0)
            def _():
                wait_out(outf0, so0)
            transpose_groups(slab0, outf0, _VS // 16)
            pltpu.async_copy(
                outf0, out_hbm.at[pl.ds(jj * FB + v0 * EMB_DIM,
                                        _VS * EMB_DIM)], so0)
            @pl.when(jj < N_FIELDS - 1)
            def _():
                start_in(jj + 1, v0, slab0, si0)
            wait_in(slab1, si1)
            @pl.when(jj > 0)
            def _():
                wait_out(outf1, so1)
            transpose_groups(slab1, outf1, _VS // 16)
            pltpu.async_copy(
                outf1, out_hbm.at[pl.ds(jj * FB + v1 * EMB_DIM,
                                        _VS * EMB_DIM)], so1)
            return 0

        lax.fori_loop(0, N_FIELDS, body, 0)
        wait_out(outf0, so0)
        wait_out(outf1, so1)

        @pl.when(wid < N_FIELDS)
        def _():
            base = wid * FB
            r0 = wid * 16
            pltpu.sync_copy(t2_hbm.at[pl.ds(r0, 16), pl.ds(98304, _TAIL1)],
                            slab0)
            transpose_groups(slab0, outf0, _TAIL1 // 16)
            pltpu.sync_copy(outf0,
                            out_hbm.at[pl.ds(base + 98304 * EMB_DIM,
                                             _TAIL1 * EMB_DIM)])
            pltpu.sync_copy(t2_hbm.at[pl.ds(r0, 16), pl.ds(99840, _TAIL2)],
                            slab1.at[:, pl.ds(0, _TAIL2)])
            transpose_groups(slab1, outf1, _TAIL2 // 16)
            pltpu.sync_copy(outf1.at[pl.ds(0, _TAIL2 * EMB_DIM)],
                            out_hbm.at[pl.ds(base + 99840 * EMB_DIM,
                                             _TAIL2 * EMB_DIM)])
            n = _NREM * EMB_DIM
            pltpu.sync_copy(tail_hbm.at[pl.ds(wid * n, n)],
                            outf0.at[pl.ds(0, n)])
            pltpu.sync_copy(outf0.at[pl.ds(0, n)],
                            out_hbm.at[pl.ds(base + _REM0 * EMB_DIM, n)])

    return _t


@functools.cache
def _make_sc_gather(nbatch):
    n_chunks = nbatch // _NW // _CHUNK_B
    @functools.partial(
        pl.kernel,
        out_type=jax.ShapeDtypeStruct((nbatch * N_FIELDS, EMB_DIM), jnp.float32),
        mesh=plsc.VectorSubcoreMesh(core_axis_name="c", subcore_axis_name="s"),
        scratch_types=[
            pltpu.VMEM((_CHUNK_R,), jnp.int32),
            pltpu.VMEM((_CHUNK_R, EMB_DIM), jnp.float32),
            pltpu.SemaphoreType.DMA,
        ],
        compiler_params=pltpu.CompilerParams(use_tc_tiling_on_sc=False),
    )
    def _sc_gather(table_hbm, idx_hbm, out_hbm, idx_v, rows_v, sem):
        wid = lax.axis_index("s") * 2 + lax.axis_index("c")
        base = wid * (n_chunks * _CHUNK_R)
        for g in range(n_chunks):
            off = base + g * _CHUNK_R
            pltpu.sync_copy(idx_hbm.at[pl.ds(off, _CHUNK_R)], idx_v)
            pltpu.async_copy(table_hbm.at[idx_v], rows_v, sem).wait()
            pltpu.sync_copy(rows_v, out_hbm.at[pl.ds(off, _CHUNK_R)])

    return _sc_gather


def _mlp_body(xe_ref, xc_ref, w0e_ref, w0c_ref, b0_ref, w1_ref, b1_ref,
              w2_ref, b2_ref, wh_ref, bh_ref, out_ref):
    h = jnp.dot(xe_ref[...], w0e_ref[...], preferred_element_type=jnp.float32)
    h += jnp.dot(xc_ref[...], w0c_ref[...], preferred_element_type=jnp.float32)
    h = jnp.maximum(h + b0_ref[...], 0.0)
    h = jnp.maximum(
        jnp.dot(h, w1_ref[...], preferred_element_type=jnp.float32) + b1_ref[...], 0.0)
    h = jnp.maximum(
        jnp.dot(h, w2_ref[...], preferred_element_type=jnp.float32) + b2_ref[...], 0.0)
    out_ref[...] = jnp.dot(h, wh_ref[...], preferred_element_type=jnp.float32) + bh_ref[...]


_BT = 1024


def _mlp(xe, xc, w0e, w0c, b0, w1, b1, w2, b2, wh, bh):
    nbatch = xe.shape[0]
    n_blocks = nbatch // _BT
    full = lambda shape: pl.BlockSpec(shape, lambda i: (0, 0))
    return pl.pallas_call(
        _mlp_body,
        grid=(n_blocks,),
        in_specs=[
            pl.BlockSpec((_BT, EMB_FEATS), lambda i: (i, 0)),
            pl.BlockSpec((_BT, N_CONT), lambda i: (i, 0)),
            full((EMB_FEATS, 512)),
            full((N_CONT, 512)),
            full((1, 512)),
            full((512, 256)),
            full((1, 256)),
            full((256, 128)),
            full((1, 128)),
            full((128, 1)),
            full((1, 1)),
        ],
        out_specs=pl.BlockSpec((_BT, 1), lambda i: (i, 0)),
        out_shape=jax.ShapeDtypeStruct((nbatch, 1), jnp.float32),
    )(xe, xc, w0e, w0c, b0, w1, b1, w2, b2, wh, bh)


def kernel(x_cont, x_cat, emb_tables, W0, b0, W1, b1, W2, b2, Wh, bh):
    t2 = jnp.transpose(emb_tables, (0, 2, 1)).reshape(N_FIELDS * EMB_DIM, VOCAB)
    tail = emb_tables[:, _REM0:, :].reshape(-1)
    flat = _make_sc_transpose()(t2, tail)
    table = flat.reshape(N_FIELDS * VOCAB, EMB_DIM)
    offs = jnp.arange(N_FIELDS, dtype=jnp.int32) * VOCAB
    idx = (x_cat.astype(jnp.int32) + offs[None, :]).reshape(-1)
    hb = BATCH // 2
    w0e, w0c = W0[N_CONT:], W0[:N_CONT]
    b0r, b1r, b2r, bhr = (b0.reshape(1, -1), b1.reshape(1, -1),
                          b2.reshape(1, -1), bh.reshape(1, 1))
    outs = []
    for h in range(2):
        rows_h = _make_sc_gather(hb)(table, lax.slice_in_dim(
            idx, h * hb * N_FIELDS, (h + 1) * hb * N_FIELDS))
        xe_h = rows_h.reshape(hb, EMB_FEATS)
        outs.append(_mlp(xe_h, lax.slice_in_dim(x_cont, h * hb, (h + 1) * hb),
                         w0e, w0c, b0r, W1, b1r, W2, b2r, Wh, bhr))
    return jnp.concatenate(outs, axis=0)

# --- scband reference (transcript-rebuilt; emitter-appended) ---
"""Pipeline reference for scband-tabular-mlp-6502580486432 (READ-ONLY COPY).

The authoritative reference and input builder live on the scoring server;
editing this copy changes nothing except your own understanding.
"""

import jax, jax.numpy as jnp
import numpy as np

N_FIELDS = 26
VOCAB = 100000
EMB_DIM = 16
N_CONT = 13
BATCH = 16384
HIDDEN = [512, 256, 128]
INPUT_DIM = N_CONT + N_FIELDS * EMB_DIM  # 429


def setup_inputs(seed: int = 0) -> dict:
    key = jax.random.key(seed)
    ks = jax.random.split(key, 12)
    x_cont = jax.random.normal(ks[0], (BATCH, N_CONT), dtype=jnp.float32)
    x_cat = jax.random.randint(ks[1], (BATCH, N_FIELDS), 0, VOCAB, dtype=jnp.int64)
    # stacked embedding tables [n_fields, vocab, emb_dim]
    emb_tables = jax.random.normal(ks[2], (N_FIELDS, VOCAB, EMB_DIM), dtype=jnp.float32) * 0.05
    W0 = jax.random.normal(ks[3], (INPUT_DIM, HIDDEN[0]), dtype=jnp.float32) * (1.0 / np.sqrt(INPUT_DIM))
    b0 = jnp.zeros((HIDDEN[0],), dtype=jnp.float32)
    W1 = jax.random.normal(ks[4], (HIDDEN[0], HIDDEN[1]), dtype=jnp.float32) * (1.0 / np.sqrt(HIDDEN[0]))
    b1 = jnp.zeros((HIDDEN[1],), dtype=jnp.float32)
    W2 = jax.random.normal(ks[5], (HIDDEN[1], HIDDEN[2]), dtype=jnp.float32) * (1.0 / np.sqrt(HIDDEN[1]))
    b2 = jnp.zeros((HIDDEN[2],), dtype=jnp.float32)
    Wh = jax.random.normal(ks[6], (HIDDEN[2], 1), dtype=jnp.float32) * (1.0 / np.sqrt(HIDDEN[2]))
    bh = jnp.zeros((1,), dtype=jnp.float32)
    return {"x_cont": x_cont, "x_cat": x_cat, "emb_tables": emb_tables,
            "W0": W0, "b0": b0, "W1": W1, "b1": b1, "W2": W2, "b2": b2,
            "Wh": Wh, "bh": bh}


def reference(x_cont, x_cat, emb_tables, W0, b0, W1, b1, W2, b2, Wh, bh):
    # per-field embedding lookup (gather rows from each table)
    embs = [jnp.take(emb_tables[i], x_cat[:, i], axis=0) for i in range(N_FIELDS)]
    x = jnp.concatenate([x_cont] + embs, axis=1)
    # DenseBlock = Linear + ReLU (bn=False, dropout=0.0)
    x = jax.nn.relu(x @ W0 + b0)
    x = jax.nn.relu(x @ W1 + b1)
    x = jax.nn.relu(x @ W2 + b2)
    return x @ Wh + bh

if __name__ == "__main__":
    import jax
    _d = setup_inputs()
    print(jax.jit(kernel)(*tuple(_d.values())))

</pallas_src>

<mosaic_0001>
#map = affine_map<(d0, d1) -> (0, 0)>
#map1 = affine_map<(d0, d1) -> (0)>
module attributes {stable_mosaic.version = 14 : i64} {
  func.func @_sc_gather(%arg0: i32, %arg1: i32, %arg2: memref<2600000x16xf32, #tpu.memory_space<hbm>>, %arg3: memref<212992xi32, #tpu.memory_space<hbm>>, %arg4: memref<212992x16xf32, #tpu.memory_space<hbm>>, %arg5: memref<3328xi32, #tpu.memory_space<vmem>>, %arg6: memref<3328x16xf32, #tpu.memory_space<vmem>>, %arg7: memref<!tpu.dma_semaphore, #tpu.memory_space<semaphore_mem>>) attributes {dimension_semantics = [#tpu.dimension_semantics<core_parallel>, #tpu.dimension_semantics<subcore_parallel>], iteration_bounds = array<i64: 2, 16>, scalar_prefetch = 0 : i64, scratch_operands = 3 : i64, tpu.core_type = #tpu.core_type<sc_vector_subcore>, window_params = [{transform_indices = #map}, {transform_indices = #map1}, {transform_indices = #map}]} {
    %mul3A = arith.constant 2 : i32
    %mul3A_0 = arith.muli %arg1, %mul3A : i32
    %add3A = arith.addi %mul3A_0, %arg0 : i32
    %mul3A_1 = arith.constant 6656 : i32
    %mul3A_2 = arith.muli %add3A, %mul3A_1 : i32
    %add3A_3 = arith.constant 0 : i32
    %add3A_4 = arith.addi %mul3A_2, %add3A_3 : i32
    "tpu.region"() ({
      %run_scoped3A = tpu.sem_alloc : memref<!tpu.dma_semaphore, #tpu.memory_space<semaphore_mem>>
      %dma_start3A_17 = tpu.memref_slice %arg3[%add3A_4] : memref<212992xi32, #tpu.memory_space<hbm>> -> memref<3328xi32, #tpu.memory_space<hbm>>
      %dma_start3A_18 = tpu.memref_slice %arg3[%add3A_4] : memref<212992xi32, #tpu.memory_space<hbm>> -> memref<3328xi32, #tpu.memory_space<hbm>>
      tpu.enqueue_dma source(%dma_start3A_18 : memref<3328xi32, #tpu.memory_space<hbm>>) target(%arg5 : memref<3328xi32, #tpu.memory_space<vmem>>) target_semaphore(%run_scoped3A : memref<!tpu.dma_semaphore, #tpu.memory_space<semaphore_mem>>)
      %dma_wait3A_19 = tpu.memref_slice %arg3[%add3A_4] : memref<212992xi32, #tpu.memory_space<hbm>> -> memref<3328xi32, #tpu.memory_space<hbm>>
      %dma_wait3A_20 = tpu.memref_slice %arg3[%add3A_4] : memref<212992xi32, #tpu.memory_space<hbm>> -> memref<3328xi32, #tpu.memory_space<hbm>>
      tpu.wait_dma2 semaphore(%run_scoped3A : memref<!tpu.dma_semaphore, #tpu.memory_space<semaphore_mem>>) src(%dma_wait3A_20 : memref<3328xi32, #tpu.memory_space<hbm>>) dst(%arg5 : memref<3328xi32, #tpu.memory_space<vmem>>)
      tpu.yield
    }) : () -> ()
    %dma_start3A = arith.constant 0 : i32
    %dma_start3A_5 = arith.constant 0 : i32
    %dma_start3A_6 = tpu.memref_slice %arg2[%dma_start3A, %dma_start3A_5] : memref<2600000x16xf32, #tpu.memory_space<hbm>> -> memref<2600000x16xf32, #tpu.memory_space<hbm>>
    tpu.enqueue_indirect_dma source(%dma_start3A_6 : memref<2600000x16xf32, #tpu.memory_space<hbm>>) target(%arg6 : memref<3328x16xf32, #tpu.memory_space<vmem>>) offsets(%arg5 : memref<3328xi32, #tpu.memory_space<vmem>>) semaphore(%arg7 : memref<!tpu.dma_semaphore, #tpu.memory_space<semaphore_mem>>)
    %dma_wait3A = arith.constant 0 : i32
    %dma_wait3A_7 = arith.constant 0 : i32
    %dma_wait3A_8 = tpu.memref_slice %arg2[%dma_wait3A, %dma_wait3A_7] : memref<2600000x16xf32, #tpu.memory_space<hbm>> -> memref<2600000x16xf32, #tpu.memory_space<hbm>>
    tpu.wait_indirect_dma semaphore(%arg7 : memref<!tpu.dma_semaphore, #tpu.memory_space<semaphore_mem>>) src(%dma_wait3A_8 : memref<2600000x16xf32, #tpu.memory_space<hbm>>) dst(%arg6 : memref<3328x16xf32, #tpu.memory_space<vmem>>)
    "tpu.region"() ({
      %run_scoped3A = tpu.sem_alloc : memref<!tpu.dma_semaphore, #tpu.memory_space<semaphore_mem>>
      %dma_start3A_17 = arith.constant 0 : i32
      %dma_start3A_18 = tpu.memref_slice %arg4[%add3A_4, %dma_start3A_17] : memref<212992x16xf32, #tpu.memory_space<hbm>> -> memref<3328x16xf32, #tpu.memory_space<hbm>>
      %dma_start3A_19 = arith.constant 0 : i32
      %dma_start3A_20 = tpu.memref_slice %arg4[%add3A_4, %dma_start3A_19] : memref<212992x16xf32, #tpu.memory_space<hbm>> -> memref<3328x16xf32, #tpu.memory_space<hbm>>
      tpu.enqueue_dma source(%arg6 : memref<3328x16xf32, #tpu.memory_space<vmem>>) target(%dma_start3A_20 : memref<3328x16xf32, #tpu.memory_space<hbm>>) target_semaphore(%run_scoped3A : memref<!tpu.dma_semaphore, #tpu.memory_space<semaphore_mem>>)
      %dma_wait3A_21 = arith.constant 0 : i32
      %dma_wait3A_22 = tpu.memref_slice %arg4[%add3A_4, %dma_wait3A_21] : memref<212992x16xf32, #tpu.memory_space<hbm>> -> memref<3328x16xf32, #tpu.memory_space<hbm>>
      %dma_wait3A_23 = arith.constant 0 : i32
      %dma_wait3A_24 = tpu.memref_slice %arg4[%add3A_4, %dma_wait3A_23] : memref<212992x16xf32, #tpu.memory_space<hbm>> -> memref<3328x16xf32, #tpu.memory_space<hbm>>
      tpu.wait_dma2 semaphore(%run_scoped3A : memref<!tpu.dma_semaphore, #tpu.memory_space<semaphore_mem>>) src(%arg6 : memref<3328x16xf32, #tpu.memory_space<vmem>>) dst(%dma_wait3A_24 : memref<3328x16xf32, #tpu.memory_space<hbm>>)
      tpu.yield
    }) : () -> ()
    %add3A_9 = arith.constant 3328 : i32
    %add3A_10 = arith.addi %mul3A_2, %add3A_9 : i32
    "tpu.region"() ({
      %run_scoped3A = tpu.sem_alloc : memref<!tpu.dma_semaphore, #tpu.memory_space<semaphore_mem>>
      %dma_start3A_17 = tpu.memref_slice %arg3[%add3A_10] : memref<212992xi32, #tpu.memory_space<hbm>> -> memref<3328xi32, #tpu.memory_space<hbm>>
      %dma_start3A_18 = tpu.memref_slice %arg3[%add3A_10] : memref<212992xi32, #tpu.memory_space<hbm>> -> memref<3328xi32, #tpu.memory_space<hbm>>
      tpu.enqueue_dma source(%dma_start3A_18 : memref<3328xi32, #tpu.memory_space<hbm>>) target(%arg5 : memref<3328xi32, #tpu.memory_space<vmem>>) target_semaphore(%run_scoped3A : memref<!tpu.dma_semaphore, #tpu.memory_space<semaphore_mem>>)
      %dma_wait3A_19 = tpu.memref_slice %arg3[%add3A_10] : memref<212992xi32, #tpu.memory_space<hbm>> -> memref<3328xi32, #tpu.memory_space<hbm>>
      %dma_wait3A_20 = tpu.memref_slice %arg3[%add3A_10] : memref<212992xi32, #tpu.memory_space<hbm>> -> memref<3328xi32, #tpu.memory_space<hbm>>
      tpu.wait_dma2 semaphore(%run_scoped3A : memref<!tpu.dma_semaphore, #tpu.memory_space<semaphore_mem>>) src(%dma_wait3A_20 : memref<3328xi32, #tpu.memory_space<hbm>>) dst(%arg5 : memref<3328xi32, #tpu.memory_space<vmem>>)
      tpu.yield
    }) : () -> ()
    %dma_start3A_11 = arith.constant 0 : i32
    %dma_start3A_12 = arith.constant 0 : i32
    %dma_start3A_13 = tpu.memref_slice %arg2[%dma_start3A_11, %dma_start3A_12] : memref<2600000x16xf32, #tpu.memory_space<hbm>> -> memref<2600000x16xf32, #tpu.memory_space<hbm>>
    tpu.enqueue_indirect_dma source(%dma_start3A_13 : memref<2600000x16xf32, #tpu.memory_space<hbm>>) target(%arg6 : memref<3328x16xf32, #tpu.memory_space<vmem>>) offsets(%arg5 : memref<3328xi32, #tpu.memory_space<vmem>>) semaphore(%arg7 : memref<!tpu.dma_semaphore, #tpu.memory_space<semaphore_mem>>)
    %dma_wait3A_14 = arith.constant 0 : i32
    %dma_wait3A_15 = arith.constant 0 : i32
    %dma_wait3A_16 = tpu.memref_slice %arg2[%dma_wait3A_14, %dma_wait3A_15] : memref<2600000x16xf32, #tpu.memory_space<hbm>> -> memref<2600000x16xf32, #tpu.memory_space<hbm>>
    tpu.wait_indirect_dma semaphore(%arg7 : memref<!tpu.dma_semaphore, #tpu.memory_space<semaphore_mem>>) src(%dma_wait3A_16 : memref<2600000x16xf32, #tpu.memory_space<hbm>>) dst(%arg6 : memref<3328x16xf32, #tpu.memory_space<vmem>>)
    "tpu.region"() ({
      %run_scoped3A = tpu.sem_alloc : memref<!tpu.dma_semaphore, #tpu.memory_space<semaphore_mem>>
      %dma_start3A_17 = arith.constant 0 : i32
      %dma_start3A_18 = tpu.memref_slice %arg4[%add3A_10, %dma_start3A_17] : memref<212992x16xf32, #tpu.memory_space<hbm>> -> memref<3328x16xf32, #tpu.memory_space<hbm>>
      %dma_start3A_19 = arith.constant 0 : i32
      %dma_start3A_20 = tpu.memref_slice %arg4[%add3A_10, %dma_start3A_19] : memref<212992x16xf32, #tpu.memory_space<hbm>> -> memref<3328x16xf32, #tpu.memory_space<hbm>>
      tpu.enqueue_dma source(%arg6 : memref<3328x16xf32, #tpu.memory_space<vmem>>) target(%dma_start3A_20 : memref<3328x16xf32, #tpu.memory_space<hbm>>) target_semaphore(%run_scoped3A : memref<!tpu.dma_semaphore, #tpu.memory_space<semaphore_mem>>)
      %dma_wait3A_21 = arith.constant 0 : i32
      %dma_wait3A_22 = tpu.memref_slice %arg4[%add3A_10, %dma_wait3A_21] : memref<212992x16xf32, #tpu.memory_space<hbm>> -> memref<3328x16xf32, #tpu.memory_space<hbm>>
      %dma_wait3A_23 = arith.constant 0 : i32
      %dma_wait3A_24 = tpu.memref_slice %arg4[%add3A_10, %dma_wait3A_23] : memref<212992x16xf32, #tpu.memory_space<hbm>> -> memref<3328x16xf32, #tpu.memory_space<hbm>>
      tpu.wait_dma2 semaphore(%run_scoped3A : memref<!tpu.dma_semaphore, #tpu.memory_space<semaphore_mem>>) src(%arg6 : memref<3328x16xf32, #tpu.memory_space<vmem>>) dst(%dma_wait3A_24 : memref<3328x16xf32, #tpu.memory_space<hbm>>)
      tpu.yield
    }) : () -> ()
    return
  }
}

#map = affine_map<(d0, d1) -> (0, 0)>
#map1 = affine_map<(d0, d1) -> (0)>
module attributes {stable_mosaic.version = 14 : i64} {
  func.func @_sc_gather(%arg0: i32, %arg1: i32, %arg2: memref<2600000x16xf32, #tpu.memory_space<hbm>>, %arg3: memref<212992xi32, #tpu.memory_space<hbm>>, %arg4: memref<212992x16xf32, #tpu.memory_space<hbm>>, %arg5: memref<3328xi32, #tpu.memory_space<vmem>>, %arg6: memref<3328x16xf32, #tpu.memory_space<vmem>>, %arg7: memref<!tpu.dma_semaphore, #tpu.memory_space<semaphore_mem>>) attributes {dimension_semantics = [#tpu.dimension_semantics<core_parallel>, #tpu.dimension_semantics<subcore_parallel>], iteration_bounds = array<i64: 2, 16>, scalar_prefetch = 0 : i64, scratch_operands = 3 : i64, tpu.core_type = #tpu.core_type<sc_vector_subcore>, window_params = [{transform_indices = #map}, {transform_indices = #map1}, {transform_indices = #map}]} {
    %mul3A = arith.constant 2 : i32
    %mul3A_0 = arith.muli %arg1, %mul3A : i32
    %add3A = arith.addi %mul3A_0, %arg0 : i32
    %mul3A_1 = arith.constant 6656 : i32
    %mul3A_2 = arith.muli %add3A, %mul3A_1 : i32
    %add3A_3 = arith.constant 0 : i32
    %add3A_4 = arith.addi %mul3A_2, %add3A_3 : i32
    "tpu.region"() ({
      %run_scoped3A = tpu.sem_alloc : memref<!tpu.dma_semaphore, #tpu.memory_space<semaphore_mem>>
      %dma_start3A_17 = tpu.memref_slice %arg3[%add3A_4] : memref<212992xi32, #tpu.memory_space<hbm>> -> memref<3328xi32, #tpu.memory_space<hbm>>
      %dma_start3A_18 = tpu.memref_slice %arg3[%add3A_4] : memref<212992xi32, #tpu.memory_space<hbm>> -> memref<3328xi32, #tpu.memory_space<hbm>>
      tpu.enqueue_dma source(%dma_start3A_18 : memref<3328xi32, #tpu.memory_space<hbm>>) target(%arg5 : memref<3328xi32, #tpu.memory_space<vmem>>) target_semaphore(%run_scoped3A : memref<!tpu.dma_semaphore, #tpu.memory_space<semaphore_mem>>)
      %dma_wait3A_19 = tpu.memref_slice %arg3[%add3A_4] : memref<212992xi32, #tpu.memory_space<hbm>> -> memref<3328xi32, #tpu.memory_space<hbm>>
      %dma_wait3A_20 = tpu.memref_slice %arg3[%add3A_4] : memref<212992xi32, #tpu.memory_space<hbm>> -> memref<3328xi32, #tpu.memory_space<hbm>>
      tpu.wait_dma2 semaphore(%run_scoped3A : memref<!tpu.dma_semaphore, #tpu.memory_space<semaphore_mem>>) src(%dma_wait3A_20 : memref<3328xi32, #tpu.memory_space<hbm>>) dst(%arg5 : memref<3328xi32, #tpu.memory_space<vmem>>)
      tpu.yield
    }) : () -> ()
    %dma_start3A = arith.constant 0 : i32
    %dma_start3A_5 = arith.constant 0 : i32
    %dma_start3A_6 = tpu.memref_slice %arg2[%dma_start3A, %dma_start3A_5] : memref<2600000x16xf32, #tpu.memory_space<hbm>> -> memref<2600000x16xf32, #tpu.memory_space<hbm>>
    tpu.enqueue_indirect_dma source(%dma_start3A_6 : memref<2600000x16xf32, #tpu.memory_space<hbm>>) target(%arg6 : memref<3328x16xf32, #tpu.memory_space<vmem>>) offsets(%arg5 : memref<3328xi32, #tpu.memory_space<vmem>>) semaphore(%arg7 : memref<!tpu.dma_semaphore, #tpu.memory_space<semaphore_mem>>)
    %dma_wait3A = arith.constant 0 : i32
    %dma_wait3A_7 = arith.constant 0 : i32
    %dma_wait3A_8 = tpu.memref_slice %arg2[%dma_wait3A, %dma_wait3A_7] : memref<2600000x16xf32, #tpu.memory_space<hbm>> -> memref<2600000x16xf32, #tpu.memory_space<hbm>>
    tpu.wait_indirect_dma semaphore(%arg7 : memref<!tpu.dma_semaphore, #tpu.memory_space<semaphore_mem>>) src(%dma_wait3A_8 : memref<2600000x16xf32, #tpu.memory_space<hbm>>) dst(%arg6 : memref<3328x16xf32, #tpu.memory_space<vmem>>)
    "tpu.region"() ({
      %run_scoped3A = tpu.sem_alloc : memref<!tpu.dma_semaphore, #tpu.memory_space<semaphore_mem>>
      %dma_start3A_17 = arith.constant 0 : i32
      %dma_start3A_18 = tpu.memref_slice %arg4[%add3A_4, %dma_start3A_17] : memref<212992x16xf32, #tpu.memory_space<hbm>> -> memref<3328x16xf32, #tpu.memory_space<hbm>>
      %dma_start3A_19 = arith.constant 0 : i32
      %dma_start3A_20 = tpu.memref_slice %arg4[%add3A_4, %dma_start3A_19] : memref<212992x16xf32, #tpu.memory_space<hbm>> -> memref<3328x16xf32, #tpu.memory_space<hbm>>
      tpu.enqueue_dma source(%arg6 : memref<3328x16xf32, #tpu.memory_space<vmem>>) target(%dma_start3A_20 : memref<3328x16xf32, #tpu.memory_space<hbm>>) target_semaphore(%run_scoped3A : memref<!tpu.dma_semaphore, #tpu.memory_space<semaphore_mem>>)
      %dma_wait3A_21 = arith.constant 0 : i32
      %dma_wait3A_22 = tpu.memref_slice %arg4[%add3A_4, %dma_wait3A_21] : memref<212992x16xf32, #tpu.memory_space<hbm>> -> memref<3328x16xf32, #tpu.memory_space<hbm>>
      %dma_wait3A_23 = arith.constant 0 : i32
      %dma_wait3A_24 = tpu.memref_slice %arg4[%add3A_4, %dma_wait3A_23] : memref<212992x16xf32, #tpu.memory_space<hbm>> -> memref<3328x16xf32, #tpu.memory_space<hbm>>
      tpu.wait_dma2 semaphore(%run_scoped3A : memref<!tpu.dma_semaphore, #tpu.memory_space<semaphore_mem>>) src(%arg6 : memref<3328x16xf32, #tpu.memory_space<vmem>>) dst(%dma_wait3A_24 : memref<3328x16xf32, #tpu.memory_space<hbm>>)
      tpu.yield
    }) : () -> ()
    %add3A_9 = arith.constant 3328 : i32
    %add3A_10 = arith.addi %mul3A_2, %add3A_9 : i32
    "tpu.region"() ({
      %run_scoped3A = tpu.sem_alloc : memref<!tpu.dma_semaphore, #tpu.memory_space<semaphore_mem>>
      %dma_start3A_17 = tpu.memref_slice %arg3[%add3A_10] : memref<212992xi32, #tpu.memory_space<hbm>> -> memref<3328xi32, #tpu.memory_space<hbm>>
      %dma_start3A_18 = tpu.memref_slice %arg3[%add3A_10] : memref<212992xi32, #tpu.memory_space<hbm>> -> memref<3328xi32, #tpu.memory_space<hbm>>
      tpu.enqueue_dma source(%dma_start3A_18 : memref<3328xi32, #tpu.memory_space<hbm>>) target(%arg5 : memref<3328xi32, #tpu.memory_space<vmem>>) target_semaphore(%run_scoped3A : memref<!tpu.dma_semaphore, #tpu.memory_space<semaphore_mem>>)
      %dma_wait3A_19 = tpu.memref_slice %arg3[%add3A_10] : memref<212992xi32, #tpu.memory_space<hbm>> -> memref<3328xi32, #tpu.memory_space<hbm>>
      %dma_wait3A_20 = tpu.memref_slice %arg3[%add3A_10] : memref<212992xi32, #tpu.memory_space<hbm>> -> memref<3328xi32, #tpu.memory_space<hbm>>
      tpu.wait_dma2 semaphore(%run_scoped3A : memref<!tpu.dma_semaphore, #tpu.memory_space<semaphore_mem>>) src(%dma_wait3A_20 : memref<3328xi32, #tpu.memory_space<hbm>>) dst(%arg5 : memref<3328xi32, #tpu.memory_space<vmem>>)
      tpu.yield
    }) : () -> ()
    %dma_start3A_11 = arith.constant 0 : i32
    %dma_start3A_12 = arith.constant 0 : i32
    %dma_start3A_13 = tpu.memref_slice %arg2[%dma_start3A_11, %dma_start3A_12] : memref<2600000x16xf32, #tpu.memory_space<hbm>> -> memref<2600000x16xf32, #tpu.memory_space<hbm>>
    tpu.enqueue_indirect_dma source(%dma_start3A_13 : memref<2600000x16xf32, #tpu.memory_space<hbm>>) target(%arg6 : memref<3328x16xf32, #tpu.memory_space<vmem>>) offsets(%arg5 : memref<3328xi32, #tpu.memory_space<vmem>>) semaphore(%arg7 : memref<!tpu.dma_semaphore, #tpu.memory_space<semaphore_mem>>)
    %dma_wait3A_14 = arith.constant 0 : i32
    %dma_wait3A_15 = arith.constant 0 : i32
    %dma_wait3A_16 = tpu.memref_slice %arg2[%dma_wait3A_14, %dma_wait3A_15] : memref<2600000x16xf32, #tpu.memory_space<hbm>> -> memref<2600000x16xf32, #tpu.memory_space<hbm>>
    tpu.wait_indirect_dma semaphore(%arg7 : memref<!tpu.dma_semaphore, #tpu.memory_space<semaphore_mem>>) src(%dma_wait3A_16 : memref<2600000x16xf32, #tpu.memory_space<hbm>>) dst(%arg6 : memref<3328x16xf32, #tpu.memory_space<vmem>>)
    "tpu.region"() ({
      %run_scoped3A = tpu.sem_alloc : memref<!tpu.dma_semaphore, #tpu.memory_space<semaphore_mem>>
      %dma_start3A_17 = arith.constant 0 : i32
      %dma_start3A_18 = tpu.memref_slice %arg4[%add3A_10, %dma_start3A_17] : memref<212992x16xf32, #tpu.memory_space<hbm>> -> memref<3328x16xf32, #tpu.memory_space<hbm>>
      %dma_start3A_19 = arith.constant 0 : i32
      %dma_start3A_20 = tpu.memref_slice %arg4[%add3A_10, %dma_start3A_19] : memref<212992x16xf32, #tpu.memory_space<hbm>> -> memref<3328x16xf32, #tpu.memory_space<hbm>>
      tpu.enqueue_dma source(%arg6 : memref<3328x16xf32, #tpu.memory_space<vmem>>) target(%dma_start3A_20 : memref<3328x16xf32, #tpu.memory_space<hbm>>) target_semaphore(%run_scoped3A : memref<!tpu.dma_semaphore, #tpu.memory_space<semaphore_mem>>)
      %dma_wait3A_21 = arith.constant 0 : i32
      %dma_wait3A_22 = tpu.memref_slice %arg4[%add3A_10, %dma_wait3A_21] : memref<212992x16xf32, #tpu.memory_space<hbm>> -> memref<3328x16xf32, #tpu.memory_space<hbm>>
      %dma_wait3A_23 = arith.constant 0 : i32
      %dma_wait3A_24 = tpu.memref_slice %arg4[%add3A_10, %dma_wait3A_23] : memref<212992x16xf32, #tpu.memory_space<hbm>> -> memref<3328x16xf32, #tpu.memory_space<hbm>>
      tpu.wait_dma2 semaphore(%run_scoped3A : memref<!tpu.dma_semaphore, #tpu.memory_space<semaphore_mem>>) src(%arg6 : memref<3328x16xf32, #tpu.memory_space<vmem>>) dst(%dma_wait3A_24 : memref<3328x16xf32, #tpu.memory_space<hbm>>)
      tpu.yield
    }) : () -> ()
    return
  }
}

#map = affine_map<(d0, d1) -> (0, 0)>
#map1 = affine_map<(d0, d1) -> (0)>
module attributes {stable_mosaic.version = 14 : i64} {
  func.func @_t(%arg0: i32, %arg1: i32, %arg2: memref<416x100000xf32, #tpu.memory_space<hbm>>, %arg3: memref<13312xf32, #tpu.memory_space<hbm>>, %arg4: memref<41600000xf32, #tpu.memory_space<hbm>>, %arg5: memref<16x1536xf32, #tpu.memory_space<vmem>>, %arg6: memref<16x1536xf32, #tpu.memory_space<vmem>>, %arg7: memref<24576xf32, #tpu.memory_space<vmem>>, %arg8: memref<24576xf32, #tpu.memory_space<vmem>>, %arg9: memref<!tpu.dma_semaphore, #tpu.memory_space<semaphore_mem>>, %arg10: memref<!tpu.dma_semaphore, #tpu.memory_space<semaphore_mem>>, %arg11: memref<!tpu.dma_semaphore, #tpu.memory_space<semaphore_mem>>, %arg12: memref<!tpu.dma_semaphore, #tpu.memory_space<semaphore_mem>>) attributes {dimension_semantics = [#tpu.dimension_semantics<core_parallel>, #tpu.dimension_semantics<subcore_parallel>], iteration_bounds = array<i64: 2, 16>, scalar_prefetch = 0 : i64, scratch_operands = 8 : i64, tpu.core_type = #tpu.core_type<sc_vector_subcore>, window_params = [{transform_indices = #map}, {transform_indices = #map1}, {transform_indices = #map1}]} {
    %mul3A = arith.constant 2 : i32
    %mul3A_0 = arith.muli %arg1, %mul3A : i32
    %add3A = arith.addi %mul3A_0, %arg0 : i32
    %iota3A = tpu.iota {dimensions = array<i32: 0>} : vector<16xi32>
    %mul3A_1 = arith.constant 16 : i32
    %mul3A_2 = vector.broadcast %mul3A_1 : i32 to vector<16xi32>
    %mul3A_3 = arith.muli %iota3A, %mul3A_2 : vector<16xi32>
    %mul3A_4 = arith.constant 1536 : i32
    %mul3A_5 = arith.muli %add3A, %mul3A_4 : i32
    %add3A_6 = arith.constant 32 : i32
    %add3A_7 = arith.addi %add3A, %add3A_6 : i32
    %mul3A_8 = arith.constant 1536 : i32
    %mul3A_9 = arith.muli %add3A_7, %mul3A_8 : i32
    %dma_start3A = arith.constant 0 : i32
    %dma_start3A_10 = tpu.memref_slice %arg2[%dma_start3A, %mul3A_5] : memref<416x100000xf32, #tpu.memory_space<hbm>> -> memref<16x1536xf32, #tpu.memory_space<hbm>>
    %dma_start3A_11 = arith.constant 0 : i32
    %dma_start3A_12 = tpu.memref_slice %arg2[%dma_start3A_11, %mul3A_5] : memref<416x100000xf32, #tpu.memory_space<hbm>> -> memref<16x1536xf32, #tpu.memory_space<hbm>>
    tpu.enqueue_dma source(%dma_start3A_12 : memref<16x1536xf32, #tpu.memory_space<hbm>>) target(%arg5 : memref<16x1536xf32, #tpu.memory_space<vmem>>) target_semaphore(%arg9 : memref<!tpu.dma_semaphore, #tpu.memory_space<semaphore_mem>>)
    %scan3A = arith.constant 0 : i32
    %scan3A_13 = arith.constant 0 : i32
    %scan3A_14 = arith.constant 26 : i32
    %scan3A_15 = arith.addi %scan3A_13, %scan3A_14 : i32
    %scan3A_16 = arith.constant 1 : i32
    %scan3A_17 = scf.for %scan3A_28 = %scan3A_13 to %scan3A_15 step %scan3A_16 iter_args(%scan3A_29 = %scan3A) -> (i32)  : i32 {
      %mul3A_30 = arith.constant 16 : i32
      %mul3A_31 = arith.muli %scan3A_28, %mul3A_30 : i32
      %dma_start3A_32 = tpu.memref_slice %arg2[%mul3A_31, %mul3A_9] : memref<416x100000xf32, #tpu.memory_space<hbm>> -> memref<16x1536xf32, #tpu.memory_space<hbm>>
      %dma_start3A_33 = tpu.memref_slice %arg2[%mul3A_31, %mul3A_9] : memref<416x100000xf32, #tpu.memory_space<hbm>> -> memref<16x1536xf32, #tpu.memory_space<hbm>>
      tpu.enqueue_dma source(%dma_start3A_33 : memref<16x1536xf32, #tpu.memory_space<hbm>>) target(%arg6 : memref<16x1536xf32, #tpu.memory_space<vmem>>) target_semaphore(%arg10 : memref<!tpu.dma_semaphore, #tpu.memory_space<semaphore_mem>>)
      %dma_wait3A_34 = arith.constant 0 : i32
      %dma_wait3A_35 = arith.constant 0 : i32
      %dma_wait3A_36 = tpu.memref_slice %arg2[%dma_wait3A_34, %dma_wait3A_35] : memref<416x100000xf32, #tpu.memory_space<hbm>> -> memref<16x1536xf32, #tpu.memory_space<hbm>>
      %dma_wait3A_37 = arith.constant 0 : i32
      %dma_wait3A_38 = arith.constant 0 : i32
      %dma_wait3A_39 = tpu.memref_slice %arg2[%dma_wait3A_37, %dma_wait3A_38] : memref<416x100000xf32, #tpu.memory_space<hbm>> -> memref<16x1536xf32, #tpu.memory_space<hbm>>
      tpu.wait_dma2 semaphore(%arg9 : memref<!tpu.dma_semaphore, #tpu.memory_space<semaphore_mem>>) src(%dma_wait3A_39 : memref<16x1536xf32, #tpu.memory_space<hbm>>) dst(%arg5 : memref<16x1536xf32, #tpu.memory_space<vmem>>)
      %gt3A = arith.constant 0 : i32
      %gt3A_40 = arith.cmpi sgt, %scan3A_28, %gt3A : i32
      %convert_element_type3A_41 = arith.extui %gt3A_40 : i1 to i32
      %cond3A_42 = arith.constant 0 : i32
      %cond3A_43 = arith.cmpi ne, %convert_element_type3A_41, %cond3A_42 : i32
      scf.if %cond3A_43 {
        %dma_wait3A_89 = arith.constant 0 : i32
        %dma_wait3A_90 = tpu.memref_slice %arg4[%dma_wait3A_89] : memref<41600000xf32, #tpu.memory_space<hbm>> -> memref<24576xf32, #tpu.memory_space<hbm>>
        %dma_wait3A_91 = arith.constant 0 : i32
        %dma_wait3A_92 = tpu.memref_slice %arg4[%dma_wait3A_91] : memref<41600000xf32, #tpu.memory_space<hbm>> -> memref<24576xf32, #tpu.memory_space<hbm>>
        tpu.wait_dma2 semaphore(%arg11 : memref<!tpu.dma_semaphore, #tpu.memory_space<semaphore_mem>>) src(%arg7 : memref<24576xf32, #tpu.memory_space<vmem>>) dst(%dma_wait3A_92 : memref<24576xf32, #tpu.memory_space<hbm>>)
      } else {
      }
      %scan3A_44 = arith.constant 0 : i32
      %scan3A_45 = arith.constant 0 : i32
      %scan3A_46 = arith.constant 96 : i32
      %scan3A_47 = arith.addi %scan3A_45, %scan3A_46 : i32
      %scan3A_48 = arith.constant 4 : i32
      %scan3A_49 = scf.for %scan3A_89 = %scan3A_45 to %scan3A_47 step %scan3A_48 iter_args(%scan3A_90 = %scan3A_44) -> (i32)  : i32 {
        %mul3A_91 = arith.constant 16 : i32
        %mul3A_92 = arith.muli %scan3A_89, %mul3A_91 : i32
        %get3A = arith.constant 0 : i32
        %get3A_93 = arith.index_cast %get3A : i32 to index
        %get3A_94 = arith.index_cast %mul3A_92 : i32 to index
        %get3A_95 = tpu.vector_load %arg5[%get3A_93, %get3A_94] {strides = array<i32>} : memref<16x1536xf32, #tpu.memory_space<vmem>>, vector<16xf32>,
        %mul3A_96 = arith.constant 256 : i32
        %mul3A_97 = arith.muli %scan3A_89, %mul3A_96 : i32
        %add3A_98 = arith.constant 0 : i32
        %add3A_99 = arith.addi %mul3A_97, %add3A_98 : i32
        %add3A_100 = vector.broadcast %add3A_99 : i32 to vector<16xi32>
        %add3A_101 = arith.addi %mul3A_3, %add3A_100 : vector<16xi32>
        tpu.vector_store_idx %arg7[%add3A_101], %get3A_95 : memref<24576xf32, #tpu.memory_space<vmem>>[vector<16xi32>], vector<16xf32>,
        %mul3A_102 = arith.constant 16 : i32
        %mul3A_103 = arith.muli %scan3A_89, %mul3A_102 : i32
        %get3A_104 = arith.constant 1 : i32
        %get3A_105 = arith.index_cast %get3A_104 : i32 to index
        %get3A_106 = arith.index_cast %mul3A_103 : i32 to index
        %get3A_107 = tpu.vector_load %arg5[%get3A_105, %get3A_106] {strides = array<i32>} : memref<16x1536xf32, #tpu.memory_space<vmem>>, vector<16xf32>,
        %mul3A_108 = arith.constant 256 : i32
        %mul3A_109 = arith.muli %scan3A_89, %mul3A_108 : i32
        %add3A_110 = arith.constant 1 : i32
        %add3A_111 = arith.addi %mul3A_109, %add3A_110 : i32
        %add3A_112 = vector.broadcast %add3A_111 : i32 to vector<16xi32>
        %add3A_113 = arith.addi %mul3A_3, %add3A_112 : vector<16xi32>
        tpu.vector_store_idx %arg7[%add3A_113], %get3A_107 : memref<24576xf32, #tpu.memory_space<vmem>>[vector<16xi32>], vector<16xf32>,
        %mul3A_114 = arith.constant 16 : i32
        %mul3A_115 = arith.muli %scan3A_89, %mul3A_114 : i32
        %get3A_116 = arith.constant 2 : i32
        %get3A_117 = arith.index_cast %get3A_116 : i32 to index
        %get3A_118 = arith.index_cast %mul3A_115 : i32 to index
        %get3A_119 = tpu.vector_load %arg5[%get3A_117, %get3A_118] {strides = array<i32>} : memref<16x1536xf32, #tpu.memory_space<vmem>>, vector<16xf32>,
        %mul3A_120 = arith.constant 256 : i32
        %mul3A_121 = arith.muli %scan3A_89, %mul3A_120 : i32
        %add3A_122 = arith.constant 2 : i32
        %add3A_123 = arith.addi %mul3A_121, %add3A_122 : i32
        %add3A_124 = vector.broadcast %add3A_123 : i32 to vector<16xi32>
        %add3A_125 = arith.addi %mul3A_3, %add3A_124 : vector<16xi32>
        tpu.vector_store_idx %arg7[%add3A_125], %get3A_119 : memref<24576xf32, #tpu.memory_space<vmem>>[vector<16xi32>], vector<16xf32>,
        %mul3A_126 = arith.constant 16 : i32
        %mul3A_127 = arith.muli %scan3A_89, %mul3A_126 : i32
        %get3A_128 = arith.constant 3 : i32
        %get3A_129 = arith.index_cast %get3A_128 : i32 to index
        %get3A_130 = arith.index_cast %mul3A_127 : i32 to index
        %get3A_131 = tpu.vector_load %arg5[%get3A_129, %get3A_130] {strides = array<i32>} : memref<16x1536xf32, #tpu.memory_space<vmem>>, vector<16xf32>,
        %mul3A_132 = arith.constant 256 : i32
        %mul3A_133 = arith.muli %scan3A_89, %mul3A_132 : i32
        %add3A_134 = arith.constant 3 : i32
        %add3A_135 = arith.addi %mul3A_133, %add3A_134 : i32
        %add3A_136 = vector.broadcast %add3A_135 : i32 to vector<16xi32>
        %add3A_137 = arith.addi %mul3A_3, %add3A_136 : vector<16xi32>
        tpu.vector_store_idx %arg7[%add3A_137], %get3A_131 : memref<24576xf32, #tpu.memory_space<vmem>>[vector<16xi32>], vector<16xf32>,
        %mul3A_138 = arith.constant 16 : i32
        %mul3A_139 = arith.muli %scan3A_89, %mul3A_138 : i32
        %get3A_140 = arith.constant 4 : i32
        %get3A_141 = arith.index_cast %get3A_140 : i32 to index
        %get3A_142 = arith.index_cast %mul3A_139 : i32 to index
        %get3A_143 = tpu.vector_load %arg5[%get3A_141, %get3A_142] {strides = array<i32>} : memref<16x1536xf32, #tpu.memory_space<vmem>>, vector<16xf32>,
        %mul3A_144 = arith.constant 256 : i32
        %mul3A_145 = arith.muli %scan3A_89, %mul3A_144 : i32
        %add3A_146 = arith.constant 4 : i32
        %add3A_147 = arith.addi %mul3A_145, %add3A_146 : i32
        %add3A_148 = vector.broadcast %add3A_147 : i32 to vector<16xi32>
        %add3A_149 = arith.addi %mul3A_3, %add3A_148 : vector<16xi32>
        tpu.vector_store_idx %arg7[%add3A_149], %get3A_143 : memref<24576xf32, #tpu.memory_space<vmem>>[vector<16xi32>], vector<16xf32>,
        %mul3A_150 = arith.constant 16 : i32
        %mul3A_151 = arith.muli %scan3A_89, %mul3A_150 : i32
        %get3A_152 = arith.constant 5 : i32
        %get3A_153 = arith.index_cast %get3A_152 : i32 to index
        %get3A_154 = arith.index_cast %mul3A_151 : i32 to index
        %get3A_155 = tpu.vector_load %arg5[%get3A_153, %get3A_154] {strides = array<i32>} : memref<16x1536xf32, #tpu.memory_space<vmem>>, vector<16xf32>,
        %mul3A_156 = arith.constant 256 : i32
        %mul3A_157 = arith.muli %scan3A_89, %mul3A_156 : i32
        %add3A_158 = arith.constant 5 : i32
        %add3A_159 = arith.addi %mul3A_157, %add3A_158 : i32
        %add3A_160 = vector.broadcast %add3A_159 : i32 to vector<16xi32>
        %add3A_161 = arith.addi %mul3A_3, %add3A_160 : vector<16xi32>
        tpu.vector_store_idx %arg7[%add3A_161], %get3A_155 : memref<24576xf32, #tpu.memory_space<vmem>>[vector<16xi32>], vector<16xf32>,
        %mul3A_162 = arith.constant 16 : i32
        %mul3A_163 = arith.muli %scan3A_89, %mul3A_162 : i32
        %get3A_164 = arith.constant 6 : i32
        %get3A_165 = arith.index_cast %get3A_164 : i32 to index
        %get3A_166 = arith.index_cast %mul3A_163 : i32 to index
        %get3A_167 = tpu.vector_load %arg5[%get3A_165, %get3A_166] {strides = array<i32>} : memref<16x1536xf32, #tpu.memory_space<vmem>>, vector<16xf32>,
        %mul3A_168 = arith.constant 256 : i32
        %mul3A_169 = arith.muli %scan3A_89, %mul3A_168 : i32
        %add3A_170 = arith.constant 6 : i32
        %add3A_171 = arith.addi %mul3A_169, %add3A_170 : i32
        %add3A_172 = vector.broadcast %add3A_171 : i32 to vector<16xi32>
        %add3A_173 = arith.addi %mul3A_3, %add3A_172 : vector<16xi32>
        tpu.vector_store_idx %arg7[%add3A_173], %get3A_167 : memref<24576xf32, #tpu.memory_space<vmem>>[vector<16xi32>], vector<16xf32>,
        %mul3A_174 = arith.constant 16 : i32
        %mul3A_175 = arith.muli %scan3A_89, %mul3A_174 : i32
        %get3A_176 = arith.constant 7 : i32
        %get3A_177 = arith.index_cast %get3A_176 : i32 to index
        %get3A_178 = arith.index_cast %mul3A_175 : i32 to index
        %get3A_179 = tpu.vector_load %arg5[%get3A_177, %get3A_178] {strides = array<i32>} : memref<16x1536xf32, #tpu.memory_space<vmem>>, vector<16xf32>,
        %mul3A_180 = arith.constant 256 : i32
        %mul3A_181 = arith.muli %scan3A_89, %mul3A_180 : i32
        %add3A_182 = arith.constant 7 : i32
        %add3A_183 = arith.addi %mul3A_181, %add3A_182 : i32
        %add3A_184 = vector.broadcast %add3A_183 : i32 to vector<16xi32>
        %add3A_185 = arith.addi %mul3A_3, %add3A_184 : vector<16xi32>
        tpu.vector_store_idx %arg7[%add3A_185], %get3A_179 : memref<24576xf32, #tpu.memory_space<vmem>>[vector<16xi32>], vector<16xf32>,
        %mul3A_186 = arith.constant 16 : i32
        %mul3A_187 = arith.muli %scan3A_89, %mul3A_186 : i32
        %get3A_188 = arith.constant 8 : i32
        %get3A_189 = arith.index_cast %get3A_188 : i32 to index
        %get3A_190 = arith.index_cast %mul3A_187 : i32 to index
        %get3A_191 = tpu.vector_load %arg5[%get3A_189, %get3A_190] {strides = array<i32>} : memref<16x1536xf32, #tpu.memory_space<vmem>>, vector<16xf32>,
        %mul3A_192 = arith.constant 256 : i32
        %mul3A_193 = arith.muli %scan3A_89, %mul3A_192 : i32
        %add3A_194 = arith.constant 8 : i32
        %add3A_195 = arith.addi %mul3A_193, %add3A_194 : i32
        %add3A_196 = vector.broadcast %add3A_195 : i32 to vector<16xi32>
        %add3A_197 = arith.addi %mul3A_3, %add3A_196 : vector<16xi32>
        tpu.vector_store_idx %arg7[%add3A_197], %get3A_191 : memref<24576xf32, #tpu.memory_space<vmem>>[vector<16xi32>], vector<16xf32>,
        %mul3A_198 = arith.constant 16 : i32
        %mul3A_199 = arith.muli %scan3A_89, %mul3A_198 : i32
        %get3A_200 = arith.constant 9 : i32
        %get3A_201 = arith.index_cast %get3A_200 : i32 to index
        %get3A_202 = arith.index_cast %mul3A_199 : i32 to index
        %get3A_203 = tpu.vector_load %arg5[%get3A_201, %get3A_202] {strides = array<i32>} : memref<16x1536xf32, #tpu.memory_space<vmem>>, vector<16xf32>,
        %mul3A_204 = arith.constant 256 : i32
        %mul3A_205 = arith.muli %scan3A_89, %mul3A_204 : i32
        %add3A_206 = arith.constant 9 : i32
        %add3A_207 = arith.addi %mul3A_205, %add3A_206 : i32
        %add3A_208 = vector.broadcast %add3A_207 : i32 to vector<16xi32>
        %add3A_209 = arith.addi %mul3A_3, %add3A_208 : vector<16xi32>
        tpu.vector_store_idx %arg7[%add3A_209], %get3A_203 : memref<24576xf32, #tpu.memory_space<vmem>>[vector<16xi32>], vector<16xf32>,
        %mul3A_210 = arith.constant 16 : i32
        %mul3A_211 = arith.muli %scan3A_89, %mul3A_210 : i32
        %get3A_212 = arith.constant 10 : i32
        %get3A_213 = arith.index_cast %get3A_212 : i32 to index
        %get3A_214 = arith.index_cast %mul3A_211 : i32 to index
        %get3A_215 = tpu.vector_load %arg5[%get3A_213, %get3A_214] {strides = array<i32>} : memref<16x1536xf32, #tpu.memory_space<vmem>>, vector<16xf32>,
        %mul3A_216 = arith.constant 256 : i32
        %mul3A_217 = arith.muli %scan3A_89, %mul3A_216 : i32
        %add3A_218 = arith.constant 10 : i32
        %add3A_219 = arith.addi %mul3A_217, %add3A_218 : i32
        %add3A_220 = vector.broadcast %add3A_219 : i32 to vector<16xi32>
        %add3A_221 = arith.addi %mul3A_3, %add3A_220 : vector<16xi32>
        tpu.vector_store_idx %arg7[%add3A_221], %get3A_215 : memref<24576xf32, #tpu.memory_space<vmem>>[vector<16xi32>], vector<16xf32>,
        %mul3A_222 = arith.constant 16 : i32
        %mul3A_223 = arith.muli %scan3A_89, %mul3A_222 : i32
        %get3A_224 = arith.constant 11 : i32
        %get3A_225 = arith.index_cast %get3A_224 : i32 to index
        %get3A_226 = arith.index_cast %mul3A_223 : i32 to index
        %get3A_227 = tpu.vector_load %arg5[%get3A_225, %get3A_226] {strides = array<i32>} : memref<16x1536xf32, #tpu.memory_space<vmem>>, vector<16xf32>,
        %mul3A_228 = arith.constant 256 : i32
        %mul3A_229 = arith.muli %scan3A_89, %mul3A_228 : i32
        %add3A_230 = arith.constant 11 : i32
        %add3A_231 = arith.addi %mul3A_229, %add3A_230 : i32
        %add3A_232 = vector.broadcast %add3A_231 : i32 to vector<16xi32>
        %add3A_233 = arith.addi %mul3A_3, %add3A_232 : vector<16xi32>
        tpu.vector_store_idx %arg7[%add3A_233], %get3A_227 : memref<24576xf32, #tpu.memory_space<vmem>>[vector<16xi32>], vector<16xf32>,
        %mul3A_234 = arith.constant 16 : i32
        %mul3A_235 = arith.muli %scan3A_89, %mul3A_234 : i32
        %get3A_236 = arith.constant 12 : i32
        %get3A_237 = arith.index_cast %get3A_236 : i32 to index
        %get3A_238 = arith.index_cast %mul3A_235 : i32 to index
        %get3A_239 = tpu.vector_load %arg5[%get3A_237, %get3A_238] {strides = array<i32>} : memref<16x1536xf32, #tpu.memory_space<vmem>>, vector<16xf32>,
        %mul3A_240 = arith.constant 256 : i32
        %mul3A_241 = arith.muli %scan3A_89, %mul3A_240 : i32
        %add3A_242 = arith.constant 12 : i32
        %add3A_243 = arith.addi %mul3A_241, %add3A_242 : i32
        %add3A_244 = vector.broadcast %add3A_243 : i32 to vector<16xi32>
        %add3A_245 = arith.addi %mul3A_3, %add3A_244 : vector<16xi32>
        tpu.vector_store_idx %arg7[%add3A_245], %get3A_239 : memref<24576xf32, #tpu.memory_space<vmem>>[vector<16xi32>], vector<16xf32>,
        %mul3A_246 = arith.constant 16 : i32
        %mul3A_247 = arith.muli %scan3A_89, %mul3A_246 : i32
        %get3A_248 = arith.constant 13 : i32
        %get3A_249 = arith.index_cast %get3A_248 : i32 to index
        %get3A_250 = arith.index_cast %mul3A_247 : i32 to index
        %get3A_251 = tpu.vector_load %arg5[%get3A_249, %get3A_250] {strides = array<i32>} : memref<16x1536xf32, #tpu.memory_space<vmem>>, vector<16xf32>,
        %mul3A_252 = arith.constant 256 : i32
        %mul3A_253 = arith.muli %scan3A_89, %mul3A_252 : i32
        %add3A_254 = arith.constant 13 : i32
        %add3A_255 = arith.addi %mul3A_253, %add3A_254 : i32
        %add3A_256 = vector.broadcast %add3A_255 : i32 to vector<16xi32>
        %add3A_257 = arith.addi %mul3A_3, %add3A_256 : vector<16xi32>
        tpu.vector_store_idx %arg7[%add3A_257], %get3A_251 : memref<24576xf32, #tpu.memory_space<vmem>>[vector<16xi32>], vector<16xf32>,
        %mul3A_258 = arith.constant 16 : i32
        %mul3A_259 = arith.muli %scan3A_89, %mul3A_258 : i32
        %get3A_260 = arith.constant 14 : i32
        %get3A_261 = arith.index_cast %get3A_260 : i32 to index
        %get3A_262 = arith.index_cast %mul3A_259 : i32 to index
        %get3A_263 = tpu.vector_load %arg5[%get3A_261, %get3A_262] {strides = array<i32>} : memref<16x1536xf32, #tpu.memory_space<vmem>>, vector<16xf32>,
        %mul3A_264 = arith.constant 256 : i32
        %mul3A_265 = arith.muli %scan3A_89, %mul3A_264 : i32
        %add3A_266 = arith.constant 14 : i32
        %add3A_267 = arith.addi %mul3A_265, %add3A_266 : i32
        %add3A_268 = vector.broadcast %add3A_267 : i32 to vector<16xi32>
        %add3A_269 = arith.addi %mul3A_3, %add3A_268 : vector<16xi32>
        tpu.vector_store_idx %arg7[%add3A_269], %get3A_263 : memref<24576xf32, #tpu.memory_space<vmem>>[vector<16xi32>], vector<16xf32>,
        %mul3A_270 = arith.constant 16 : i32
        %mul3A_271 = arith.muli %scan3A_89, %mul3A_270 : i32
        %get3A_272 = arith.constant 15 : i32
        %get3A_273 = arith.index_cast %get3A_272 : i32 to index
        %get3A_274 = arith.index_cast %mul3A_271 : i32 to index
        %get3A_275 = tpu.vector_load %arg5[%get3A_273, %get3A_274] {strides = array<i32>} : memref<16x1536xf32, #tpu.memory_space<vmem>>, vector<16xf32>,
        %mul3A_276 = arith.constant 256 : i32
        %mul3A_277 = arith.muli %scan3A_89, %mul3A_276 : i32
        %add3A_278 = arith.constant 15 : i32
        %add3A_279 = arith.addi %mul3A_277, %add3A_278 : i32
        %add3A_280 = vector.broadcast %add3A_279 : i32 to vector<16xi32>
        %add3A_281 = arith.addi %mul3A_3, %add3A_280 : vector<16xi32>
        tpu.vector_store_idx %arg7[%add3A_281], %get3A_275 : memref<24576xf32, #tpu.memory_space<vmem>>[vector<16xi32>], vector<16xf32>,
        %scan3A_282 = arith.constant 0 : i32
        %scan3A_283 = arith.constant 1 : i32
        %scan3A_284 = arith.addi %scan3A_89, %scan3A_283 : i32
        %mul3A_285 = arith.constant 16 : i32
        %mul3A_286 = arith.muli %scan3A_284, %mul3A_285 : i32
        %get3A_287 = arith.constant 0 : i32
        %get3A_288 = arith.index_cast %get3A_287 : i32 to index
        %get3A_289 = arith.index_cast %mul3A_286 : i32 to index
        %get3A_290 = tpu.vector_load %arg5[%get3A_288, %get3A_289] {strides = array<i32>} : memref<16x1536xf32, #tpu.memory_space<vmem>>, vector<16xf32>,
        %mul3A_291 = arith.constant 256 : i32
        %mul3A_292 = arith.muli %scan3A_284, %mul3A_291 : i32
        %add3A_293 = arith.constant 0 : i32
        %add3A_294 = arith.addi %mul3A_292, %add3A_293 : i32
        %add3A_295 = vector.broadcast %add3A_294 : i32 to vector<16xi32>
        %add3A_296 = arith.addi %mul3A_3, %add3A_295 : vector<16xi32>
        tpu.vector_store_idx %arg7[%add3A_296], %get3A_290 : memref<24576xf32, #tpu.memory_space<vmem>>[vector<16xi32>], vector<16xf32>,
        %mul3A_297 = arith.constant 16 : i32
        %mul3A_298 = arith.muli %scan3A_284, %mul3A_297 : i32
        %get3A_299 = arith.constant 1 : i32
        %get3A_300 = arith.index_cast %get3A_299 : i32 to index
        %get3A_301 = arith.index_cast %mul3A_298 : i32 to index
        %get3A_302 = tpu.vector_load %arg5[%get3A_300, %get3A_301] {strides = array<i32>} : memref<16x1536xf32, #tpu.memory_space<vmem>>, vector<16xf32>,
        %mul3A_303 = arith.constant 256 : i32
        %mul3A_304 = arith.muli %scan3A_284, %mul3A_303 : i32
        %add3A_305 = arith.constant 1 : i32
        %add3A_306 = arith.addi %mul3A_304, %add3A_305 : i32
        %add3A_307 = vector.broadcast %add3A_306 : i32 to vector<16xi32>
        %add3A_308 = arith.addi %mul3A_3, %add3A_307 : vector<16xi32>
        tpu.vector_store_idx %arg7[%add3A_308], %get3A_302 : memref<24576xf32, #tpu.memory_space<vmem>>[vector<16xi32>], vector<16xf32>,
        %mul3A_309 = arith.constant 16 : i32
        %mul3A_310 = arith.muli %scan3A_284, %mul3A_309 : i32
        %get3A_311 = arith.constant 2 : i32
        %get3A_312 = arith.index_cast %get3A_311 : i32 to index
        %get3A_313 = arith.index_cast %mul3A_310 : i32 to index
        %get3A_314 = tpu.vector_load %arg5[%get3A_312, %get3A_313] {strides = array<i32>} : memref<16x1536xf32, #tpu.memory_space<vmem>>, vector<16xf32>,
        %mul3A_315 = arith.constant 256 : i32
        %mul3A_316 = arith.muli %scan3A_284, %mul3A_315 : i32
        %add3A_317 = arith.constant 2 : i32
        %add3A_318 = arith.addi %mul3A_316, %add3A_317 : i32
        %add3A_319 = vector.broadcast %add3A_318 : i32 to vector<16xi32>
        %add3A_320 = arith.addi %mul3A_3, %add3A_319 : vector<16xi32>
        tpu.vector_store_idx %arg7[%add3A_320], %get3A_314 : memref<24576xf32, #tpu.memory_space<vmem>>[vector<16xi32>], vector<16xf32>,
        %mul3A_321 = arith.constant 16 : i32
        %mul3A_322 = arith.muli %scan3A_284, %mul3A_321 : i32
        %get3A_323 = arith.constant 3 : i32
        %get3A_324 = arith.index_cast %get3A_323 : i32 to index
        %get3A_325 = arith.index_cast %mul3A_322 : i32 to index
        %get3A_326 = tpu.vector_load %arg5[%get3A_324, %get3A_325] {strides = array<i32>} : memref<16x1536xf32, #tpu.memory_space<vmem>>, vector<16xf32>,
        %mul3A_327 = arith.constant 256 : i32
        %mul3A_328 = arith.muli %scan3A_284, %mul3A_327 : i32
        %add3A_329 = arith.constant 3 : i32
        %add3A_330 = arith.addi %mul3A_328, %add3A_329 : i32
        %add3A_331 = vector.broadcast %add3A_330 : i32 to vector<16xi32>
        %add3A_332 = arith.addi %mul3A_3, %add3A_331 : vector<16xi32>
        tpu.vector_store_idx %arg7[%add3A_332], %get3A_326 : memref<24576xf32, #tpu.memory_space<vmem>>[vector<16xi32>], vector<16xf32>,
        %mul3A_333 = arith.constant 16 : i32
        %mul3A_334 = arith.muli %scan3A_284, %mul3A_333 : i32
        %get3A_335 = arith.constant 4 : i32
        %get3A_336 = arith.index_cast %get3A_335 : i32 to index
        %get3A_337 = arith.index_cast %mul3A_334 : i32 to index
        %get3A_338 = tpu.vector_load %arg5[%get3A_336, %get3A_337] {strides = array<i32>} : memref<16x1536xf32, #tpu.memory_space<vmem>>, vector<16xf32>,
        %mul3A_339 = arith.constant 256 : i32
        %mul3A_340 = arith.muli %scan3A_284, %mul3A_339 : i32
        %add3A_341 = arith.constant 4 : i32
        %add3A_342 = arith.addi %mul3A_340, %add3A_341 : i32
        %add3A_343 = vector.broadcast %add3A_342 : i32 to vector<16xi32>
        %add3A_344 = arith.addi %mul3A_3, %add3A_343 : vector<16xi32>
        tpu.vector_store_idx %arg7[%add3A_344], %get3A_338 : memref<24576xf32, #tpu.memory_space<vmem>>[vector<16xi32>], vector<16xf32>,
        %mul3A_345 = arith.constant 16 : i32
        %mul3A_346 = arith.muli %scan3A_284, %mul3A_345 : i32
        %get3A_347 = arith.constant 5 : i32
        %get3A_348 = arith.index_cast %get3A_347 : i32 to index
        %get3A_349 = arith.index_cast %mul3A_346 : i32 to index
        %get3A_350 = tpu.vector_load %arg5[%get3A_348, %get3A_349] {strides = array<i32>} : memref<16x1536xf32, #tpu.memory_space<vmem>>, vector<16xf32>,
        %mul3A_351 = arith.constant 256 : i32
        %mul3A_352 = arith.muli %scan3A_284, %mul3A_351 : i32
        %add3A_353 = arith.constant 5 : i32
        %add3A_354 = arith.addi %mul3A_352, %add3A_353 : i32
        %add3A_355 = vector.broadcast %add3A_354 : i32 to vector<16xi32>
        %add3A_356 = arith.addi %mul3A_3, %add3A_355 : vector<16xi32>
        tpu.vector_store_idx %arg7[%add3A_356], %get3A_350 : memref<24576xf32, #tpu.memory_space<vmem>>[vector<16xi32>], vector<16xf32>,
        %mul3A_357 = arith.constant 16 : i32
        %mul3A_358 = arith.muli %scan3A_284, %mul3A_357 : i32
        %get3A_359 = arith.constant 6 : i32
        %get3A_360 = arith.index_cast %get3A_359 : i32 to index
        %get3A_361 = arith.index_cast %mul3A_358 : i32 to index
        %get3A_362 = tpu.vector_load %arg5[%get3A_360, %get3A_361] {strides = array<i32>} : memref<16x1536xf32, #tpu.memory_space<vmem>>, vector<16xf32>,
        %mul3A_363 = arith.constant 256 : i32
        %mul3A_364 = arith.muli %scan3A_284, %mul3A_363 : i32
        %add3A_365 = arith.constant 6 : i32
        %add3A_366 = arith.addi %mul3A_364, %add3A_365 : i32
        %add3A_367 = vector.broadcast %add3A_366 : i32 to vector<16xi32>
        %add3A_368 = arith.addi %mul3A_3, %add3A_367 : vector<16xi32>
        tpu.vector_store_idx %arg7[%add3A_368], %get3A_362 : memref<24576xf32, #tpu.memory_space<vmem>>[vector<16xi32>], vector<16xf32>,
        %mul3A_369 = arith.constant 16 : i32
        %mul3A_370 = arith.muli %scan3A_284, %mul3A_369 : i32
        %get3A_371 = arith.constant 7 : i32
        %get3A_372 = arith.index_cast %get3A_371 : i32 to index
        %get3A_373 = arith.index_cast %mul3A_370 : i32 to index
        %get3A_374 = tpu.vector_load %arg5[%get3A_372, %get3A_373] {strides = array<i32>} : memref<16x1536xf32, #tpu.memory_space<vmem>>, vector<16xf32>,
        %mul3A_375 = arith.constant 256 : i32
        %mul3A_376 = arith.muli %scan3A_284, %mul3A_375 : i32
        %add3A_377 = arith.constant 7 : i32
        %add3A_378 = arith.addi %mul3A_376, %add3A_377 : i32
        %add3A_379 = vector.broadcast %add3A_378 : i32 to vector<16xi32>
        %add3A_380 = arith.addi %mul3A_3, %add3A_379 : vector<16xi32>
        tpu.vector_store_idx %arg7[%add3A_380], %get3A_374 : memref<24576xf32, #tpu.memory_space<vmem>>[vector<16xi32>], vector<16xf32>,
        %mul3A_381 = arith.constant 16 : i32
        %mul3A_382 = arith.muli %scan3A_284, %mul3A_381 : i32
        %get3A_383 = arith.constant 8 : i32
        %get3A_384 = arith.index_cast %get3A_383 : i32 to index
        %get3A_385 = arith.index_cast %mul3A_382 : i32 to index
        %get3A_386 = tpu.vector_load %arg5[%get3A_384, %get3A_385] {strides = array<i32>} : memref<16x1536xf32, #tpu.memory_space<vmem>>, vector<16xf32>,
        %mul3A_387 = arith.constant 256 : i32
        %mul3A_388 = arith.muli %scan3A_284, %mul3A_387 : i32
        %add3A_389 = arith.constant 8 : i32
        %add3A_390 = arith.addi %mul3A_388, %add3A_389 : i32
        %add3A_391 = vector.broadcast %add3A_390 : i32 to vector<16xi32>
        %add3A_392 = arith.addi %mul3A_3, %add3A_391 : vector<16xi32>
        tpu.vector_store_idx %arg7[%add3A_392], %get3A_386 : memref<24576xf32, #tpu.memory_space<vmem>>[vector<16xi32>], vector<16xf32>,
        %mul3A_393 = arith.constant 16 : i32
        %mul3A_394 = arith.muli %scan3A_284, %mul3A_393 : i32
        %get3A_395 = arith.constant 9 : i32
        %get3A_396 = arith.index_cast %get3A_395 : i32 to index
        %get3A_397 = arith.index_cast %mul3A_394 : i32 to index
        %get3A_398 = tpu.vector_load %arg5[%get3A_396, %get3A_397] {strides = array<i32>} : memref<16x1536xf32, #tpu.memory_space<vmem>>, vector<16xf32>,
        %mul3A_399 = arith.constant 256 : i32
        %mul3A_400 = arith.muli %scan3A_284, %mul3A_399 : i32
        %add3A_401 = arith.constant 9 : i32
        %add3A_402 = arith.addi %mul3A_400, %add3A_401 : i32
        %add3A_403 = vector.broadcast %add3A_402 : i32 to vector<16xi32>
        %add3A_404 = arith.addi %mul3A_3, %add3A_403 : vector<16xi32>
        tpu.vector_store_idx %arg7[%add3A_404], %get3A_398 : memref<24576xf32, #tpu.memory_space<vmem>>[vector<16xi32>], vector<16xf32>,
        %mul3A_405 = arith.constant 16 : i32
        %mul3A_406 = arith.muli %scan3A_284, %mul3A_405 : i32
        %get3A_407 = arith.constant 10 : i32
        %get3A_408 = arith.index_cast %get3A_407 : i32 to index
        %get3A_409 = arith.index_cast %mul3A_406 : i32 to index
        %get3A_410 = tpu.vector_load %arg5[%get3A_408, %get3A_409] {strides = array<i32>} : memref<16x1536xf32, #tpu.memory_space<vmem>>, vector<16xf32>,
        %mul3A_411 = arith.constant 256 : i32
        %mul3A_412 = arith.muli %scan3A_284, %mul3A_411 : i32
        %add3A_413 = arith.constant 10 : i32
        %add3A_414 = arith.addi %mul3A_412, %add3A_413 : i32
        %add3A_415 = vector.broadcast %add3A_414 : i32 to vector<16xi32>
        %add3A_416 = arith.addi %mul3A_3, %add3A_415 : vector<16xi32>
        tpu.vector_store_idx %arg7[%add3A_416], %get3A_410 : memref<24576xf32, #tpu.memory_space<vmem>>[vector<16xi32>], vector<16xf32>,
        %mul3A_417 = arith.constant 16 : i32
        %mul3A_418 = arith.muli %scan3A_284, %mul3A_417 : i32
        %get3A_419 = arith.constant 11 : i32
        %get3A_420 = arith.index_cast %get3A_419 : i32 to index
        %get3A_421 = arith.index_cast %mul3A_418 : i32 to index
        %get3A_422 = tpu.vector_load %arg5[%get3A_420, %get3A_421] {strides = array<i32>} : memref<16x1536xf32, #tpu.memory_space<vmem>>, vector<16xf32>,
        %mul3A_423 = arith.constant 256 : i32
        %mul3A_424 = arith.muli %scan3A_284, %mul3A_423 : i32
        %add3A_425 = arith.constant 11 : i32
        %add3A_426 = arith.addi %mul3A_424, %add3A_425 : i32
        %add3A_427 = vector.broadcast %add3A_426 : i32 to vector<16xi32>
        %add3A_428 = arith.addi %mul3A_3, %add3A_427 : vector<16xi32>
        tpu.vector_store_idx %arg7[%add3A_428], %get3A_422 : memref<24576xf32, #tpu.memory_space<vmem>>[vector<16xi32>], vector<16xf32>,
        %mul3A_429 = arith.constant 16 : i32
        %mul3A_430 = arith.muli %scan3A_284, %mul3A_429 : i32
        %get3A_431 = arith.constant 12 : i32
        %get3A_432 = arith.index_cast %get3A_431 : i32 to index
        %get3A_433 = arith.index_cast %mul3A_430 : i32 to index
        %get3A_434 = tpu.vector_load %arg5[%get3A_432, %get3A_433] {strides = array<i32>} : memref<16x1536xf32, #tpu.memory_space<vmem>>, vector<16xf32>,
        %mul3A_435 = arith.constant 256 : i32
        %mul3A_436 = arith.muli %scan3A_284, %mul3A_435 : i32
        %add3A_437 = arith.constant 12 : i32
        %add3A_438 = arith.addi %mul3A_436, %add3A_437 : i32
        %add3A_439 = vector.broadcast %add3A_438 : i32 to vector<16xi32>
        %add3A_440 = arith.addi %mul3A_3, %add3A_439 : vector<16xi32>
        tpu.vector_store_idx %arg7[%add3A_440], %get3A_434 : memref<24576xf32, #tpu.memory_space<vmem>>[vector<16xi32>], vector<16xf32>,
        %mul3A_441 = arith.constant 16 : i32
        %mul3A_442 = arith.muli %scan3A_284, %mul3A_441 : i32
        %get3A_443 = arith.constant 13 : i32
        %get3A_444 = arith.index_cast %get3A_443 : i32 to index
        %get3A_445 = arith.index_cast %mul3A_442 : i32 to index
        %get3A_446 = tpu.vector_load %arg5[%get3A_444, %get3A_445] {strides = array<i32>} : memref<16x1536xf32, #tpu.memory_space<vmem>>, vector<16xf32>,
        %mul3A_447 = arith.constant 256 : i32
        %mul3A_448 = arith.muli %scan3A_284, %mul3A_447 : i32
        %add3A_449 = arith.constant 13 : i32
        %add3A_450 = arith.addi %mul3A_448, %add3A_449 : i32
        %add3A_451 = vector.broadcast %add3A_450 : i32 to vector<16xi32>
        %add3A_452 = arith.addi %mul3A_3, %add3A_451 : vector<16xi32>
        tpu.vector_store_idx %arg7[%add3A_452], %get3A_446 : memref<24576xf32, #tpu.memory_space<vmem>>[vector<16xi32>], vector<16xf32>,
        %mul3A_453 = arith.constant 16 : i32
        %mul3A_454 = arith.muli %scan3A_284, %mul3A_453 : i32
        %get3A_455 = arith.constant 14 : i32
        %get3A_456 = arith.index_cast %get3A_455 : i32 to index
        %get3A_457 = arith.index_cast %mul3A_454 : i32 to index
        %get3A_458 = tpu.vector_load %arg5[%get3A_456, %get3A_457] {strides = array<i32>} : memref<16x1536xf32, #tpu.memory_space<vmem>>, vector<16xf32>,
        %mul3A_459 = arith.constant 256 : i32
        %mul3A_460 = arith.muli %scan3A_284, %mul3A_459 : i32
        %add3A_461 = arith.constant 14 : i32
        %add3A_462 = arith.addi %mul3A_460, %add3A_461 : i32
        %add3A_463 = vector.broadcast %add3A_462 : i32 to vector<16xi32>
        %add3A_464 = arith.addi %mul3A_3, %add3A_463 : vector<16xi32>
        tpu.vector_store_idx %arg7[%add3A_464], %get3A_458 : memref<24576xf32, #tpu.memory_space<vmem>>[vector<16xi32>], vector<16xf32>,
        %mul3A_465 = arith.constant 16 : i32
        %mul3A_466 = arith.muli %scan3A_284, %mul3A_465 : i32
        %get3A_467 = arith.constant 15 : i32
        %get3A_468 = arith.index_cast %get3A_467 : i32 to index
        %get3A_469 = arith.index_cast %mul3A_466 : i32 to index
        %get3A_470 = tpu.vector_load %arg5[%get3A_468, %get3A_469] {strides = array<i32>} : memref<16x1536xf32, #tpu.memory_space<vmem>>, vector<16xf32>,
        %mul3A_471 = arith.constant 256 : i32
        %mul3A_472 = arith.muli %scan3A_284, %mul3A_471 : i32
        %add3A_473 = arith.constant 15 : i32
        %add3A_474 = arith.addi %mul3A_472, %add3A_473 : i32
        %add3A_475 = vector.broadcast %add3A_474 : i32 to vector<16xi32>
        %add3A_476 = arith.addi %mul3A_3, %add3A_475 : vector<16xi32>
        tpu.vector_store_idx %arg7[%add3A_476], %get3A_470 : memref<24576xf32, #tpu.memory_space<vmem>>[vector<16xi32>], vector<16xf32>,
        %scan3A_477 = arith.constant 0 : i32
        %scan3A_478 = arith.constant 2 : i32
        %scan3A_479 = arith.addi %scan3A_89, %scan3A_478 : i32
        %mul3A_480 = arith.constant 16 : i32
        %mul3A_481 = arith.muli %scan3A_479, %mul3A_480 : i32
        %get3A_482 = arith.constant 0 : i32
        %get3A_483 = arith.index_cast %get3A_482 : i32 to index
        %get3A_484 = arith.index_cast %mul3A_481 : i32 to index
        %get3A_485 = tpu.vector_load %arg5[%get3A_483, %get3A_484] {strides = array<i32>} : memref<16x1536xf32, #tpu.memory_space<vmem>>, vector<16xf32>,
        %mul3A_486 = arith.constant 256 : i32
        %mul3A_487 = arith.muli %scan3A_479, %mul3A_486 : i32
        %add3A_488 = arith.constant 0 : i32
        %add3A_489 = arith.addi %mul3A_487, %add3A_488 : i32
        %add3A_490 = vector.broadcast %add3A_489 : i32 to vector<16xi32>
        %add3A_491 = arith.addi %mul3A_3, %add3A_490 : vector<16xi32>
        tpu.vector_store_idx %arg7[%add3A_491], %get3A_485 : memref<24576xf32, #tpu.memory_space<vmem>>[vector<16xi32>], vector<16xf32>,
        %mul3A_492 = arith.constant 16 : i32
        %mul3A_493 = arith.muli %scan3A_479, %mul3A_492 : i32
        %get3A_494 = arith.constant 1 : i32
        %get3A_495 = arith.index_cast %get3A_494 : i32 to index
        %get3A_496 = arith.index_cast %mul3A_493 : i32 to index
        %get3A_497 = tpu.vector_load %arg5[%get3A_495, %get3A_496] {strides = array<i32>} : memref<16x1536xf32, #tpu.memory_space<vmem>>, vector<16xf32>,
        %mul3A_498 = arith.constant 256 : i32
        %mul3A_499 = arith.muli %scan3A_479, %mul3A_498 : i32
        %add3A_500 = arith.constant 1 : i32
        %add3A_501 = arith.addi %mul3A_499, %add3A_500 : i32
        %add3A_502 = vector.broadcast %add3A_501 : i32 to vector<16xi32>
        %add3A_503 = arith.addi %mul3A_3, %add3A_502 : vector<16xi32>
        tpu.vector_store_idx %arg7[%add3A_503], %get3A_497 : memref<24576xf32, #tpu.memory_space<vmem>>[vector<16xi32>], vector<16xf32>,
        %mul3A_504 = arith.constant 16 : i32
        %mul3A_505 = arith.muli %scan3A_479, %mul3A_504 : i32
        %get3A_506 = arith.constant 2 : i32
        %get3A_507 = arith.index_cast %get3A_506 : i32 to index
        %get3A_508 = arith.index_cast %mul3A_505 : i32 to index
        %get3A_509 = tpu.vector_load %arg5[%get3A_507, %get3A_508] {strides = array<i32>} : memref<16x1536xf32, #tpu.memory_space<vmem>>, vector<16xf32>,
        %mul3A_510 = arith.constant 256 : i32
        %mul3A_511 = arith.muli %scan3A_479, %mul3A_510 : i32
        %add3A_512 = arith.constant 2 : i32
        %add3A_513 = arith.addi %mul3A_511, %add3A_512 : i32
        %add3A_514 = vector.broadcast %add3A_513 : i32 to vector<16xi32>
        %add3A_515 = arith.addi %mul3A_3, %add3A_514 : vector<16xi32>
        tpu.vector_store_idx %arg7[%add3A_515], %get3A_509 : memref<24576xf32, #tpu.memory_space<vmem>>[vector<16xi32>], vector<16xf32>,
        %mul3A_516 = arith.constant 16 : i32
        %mul3A_517 = arith.muli %scan3A_479, %mul3A_516 : i32
        %get3A_518 = arith.constant 3 : i32
        %get3A_519 = arith.index_cast %get3A_518 : i32 to index
        %get3A_520 = arith.index_cast %mul3A_517 : i32 to index
        %get3A_521 = tpu.vector_load %arg5[%get3A_519, %get3A_520] {strides = array<i32>} : memref<16x1536xf32, #tpu.memory_space<vmem>>, vector<16xf32>,
        %mul3A_522 = arith.constant 256 : i32
        %mul3A_523 = arith.muli %scan3A_479, %mul3A_522 : i32
        %add3A_524 = arith.constant 3 : i32
        %add3A_525 = arith.addi %mul3A_523, %add3A_524 : i32
        %add3A_526 = vector.broadcast %add3A_525 : i32 to vector<16xi32>
        %add3A_527 = arith.addi %mul3A_3, %add3A_526 : vector<16xi32>
        tpu.vector_store_idx %arg7[%add3A_527], %get3A_521 : memref<24576xf32, #tpu.memory_space<vmem>>[vector<16xi32>], vector<16xf32>,
        %mul3A_528 = arith.constant 16 : i32
        %mul3A_529 = arith.muli %scan3A_479, %mul3A_528 : i32
        %get3A_530 = arith.constant 4 : i32
        %get3A_531 = arith.index_cast %get3A_530 : i32 to index
        %get3A_532 = arith.index_cast %mul3A_529 : i32 to index
        %get3A_533 = tpu.vector_load %arg5[%get3A_531, %get3A_532] {strides = array<i32>} : memref<16x1536xf32, #tpu.memory_space<vmem>>, vector<16xf32>,
        %mul3A_534 = arith.constant 256 : i32
        %mul3A_535 = arith.muli %scan3A_479, %mul3A_534 : i32
        %add3A_536 = arith.constant 4 : i32
        %add3A_537 = arith.addi %mul3A_535, %add3A_536 : i32
        %add3A_538 = vector.broadcast %add3A_537 : i32 to vector<16xi32>
        %add3A_539 = arith.addi %mul3A_3, %add3A_538 : vector<16xi32>
        tpu.vector_store_idx %arg7[%add3A_539], %get3A_533 : memref<24576xf32, #tpu.memory_space<vmem>>[vector<16xi32>], vector<16xf32>,
        %mul3A_540 = arith.constant 16 : i32
        %mul3A_541 = arith.muli %scan3A_479, %mul3A_540 : i32
        %get3A_542 = arith.constant 5 : i32
        %get3A_543 = arith.index_cast %get3A_542 : i32 to index
        %get3A_544 = arith.index_cast %mul3A_541 : i32 to index
        %get3A_545 = tpu.vector_load %arg5[%get3A_543, %get3A_544] {strides = array<i32>} : memref<16x1536xf32, #tpu.memory_space<vmem>>, vector<16xf32>,
        %mul3A_546 = arith.constant 256 : i32
        %mul3A_547 = arith.muli %scan3A_479, %mul3A_546 : i32
        %add3A_548 = arith.constant 5 : i32
        %add3A_549 = arith.addi %mul3A_547, %add3A_548 : i32
        %add3A_550 = vector.broadcast %add3A_549 : i32 to vector<16xi32>
        %add3A_551 = arith.addi %mul3A_3, %add3A_550 : vector<16xi32>
        tpu.vector_store_idx %arg7[%add3A_551], %get3A_545 : memref<24576xf32, #tpu.memory_space<vmem>>[vector<16xi32>], vector<16xf32>,
        %mul3A_552 = arith.constant 16 : i32
        %mul3A_553 = arith.muli %scan3A_479, %mul3A_552 : i32
        %get3A_554 = arith.constant 6 : i32
        %get3A_555 = arith.index_cast %get3A_554 : i32 to index
        %get3A_556 = arith.index_cast %mul3A_553 : i32 to index
        %get3A_557 = tpu.vector_load %arg5[%get3A_555, %get3A_556] {strides = array<i32>} : memref<16x1536xf32, #tpu.memory_space<vmem>>, vector<16xf32>,
        %mul3A_558 = arith.constant 256 : i32
        %mul3A_559 = arith.muli %scan3A_479, %mul3A_558 : i32
        %add3A_560 = arith.constant 6 : i32
        %add3A_561 = arith.addi %mul3A_559, %add3A_560 : i32
        %add3A_562 = vector.broadcast %add3A_561 : i32 to vector<16xi32>
        %add3A_563 = arith.addi %mul3A_3, %add3A_562 : vector<16xi32>
        tpu.vector_store_idx %arg7[%add3A_563], %get3A_557 : memref<24576xf32, #tpu.memory_space<vmem>>[vector<16xi32>], vector<16xf32>,
        %mul3A_564 = arith.constant 16 : i32
        %mul3A_565 = arith.muli %scan3A_479, %mul3A_564 : i32
        %get3A_566 = arith.constant 7 : i32
        %get3A_567 = arith.index_cast %get3A_566 : i32 to index
        %get3A_568 = arith.index_cast %mul3A_565 : i32 to index
        %get3A_569 = tpu.vector_load %arg5[%get3A_567, %get3A_568] {strides = array<i32>} : memref<16x1536xf32, #tpu.memory_space<vmem>>, vector<16xf32>,
        %mul3A_570 = arith.constant 256 : i32
        %mul3A_571 = arith.muli %scan3A_479, %mul3A_570 : i32
        %add3A_572 = arith.constant 7 : i32
        %add3A_573 = arith.addi %mul3A_571, %add3A_572 : i32
        %add3A_574 = vector.broadcast %add3A_573 : i32 to vector<16xi32>
        %add3A_575 = arith.addi %mul3A_3, %add3A_574 : vector<16xi32>
        tpu.vector_store_idx %arg7[%add3A_575], %get3A_569 : memref<24576xf32, #tpu.memory_space<vmem>>[vector<16xi32>], vector<16xf32>,
        %mul3A_576 = arith.constant 16 : i32
        %mul3A_577 = arith.muli %scan3A_479, %mul3A_576 : i32
        %get3A_578 = arith.constant 8 : i32
        %get3A_579 = arith.index_cast %get3A_578 : i32 to index
        %get3A_580 = arith.index_cast %mul3A_577 : i32 to index
        %get3A_581 = tpu.vector_load %arg5[%get3A_579, %get3A_580] {strides = array<i32>} : memref<16x1536xf32, #tpu.memory_space<vmem>>, vector<16xf32>,
        %mul3A_582 = arith.constant 256 : i32
        %mul3A_583 = arith.muli %scan3A_479, %mul3A_582 : i32
        %add3A_584 = arith.constant 8 : i32
        %add3A_585 = arith.addi %mul3A_583, %add3A_584 : i32
        %add3A_586 = vector.broadcast %add3A_585 : i32 to vector<16xi32>
        %add3A_587 = arith.addi %mul3A_3, %add3A_586 : vector<16xi32>
        tpu.vector_store_idx %arg7[%add3A_587], %get3A_581 : memref<24576xf32, #tpu.memory_space<vmem>>[vector<16xi32>], vector<16xf32>,
        %mul3A_588 = arith.constant 16 : i32
        %mul3A_589 = arith.muli %scan3A_479, %mul3A_588 : i32
        %get3A_590 = arith.constant 9 : i32
        %get3A_591 = arith.index_cast %get3A_590 : i32 to index
        %get3A_592 = arith.index_cast %mul3A_589 : i32 to index
        %get3A_593 = tpu.vector_load %arg5[%get3A_591, %get3A_592] {strides = array<i32>} : memref<16x1536xf32, #tpu.memory_space<vmem>>, vector<16xf32>,
        %mul3A_594 = arith.constant 256 : i32
        %mul3A_595 = arith.muli %scan3A_479, %mul3A_594 : i32
        %add3A_596 = arith.constant 9 : i32
        %add3A_597 = arith.addi %mul3A_595, %add3A_596 : i32
        %add3A_598 = vector.broadcast %add3A_597 : i32 to vector<16xi32>
        %add3A_599 = arith.addi %mul3A_3, %add3A_598 : vector<16xi32>
        tpu.vector_store_idx %arg7[%add3A_599], %get3A_593 : memref<24576xf32, #tpu.memory_space<vmem>>[vector<16xi32>], vector<16xf32>,
        %mul3A_600 = arith.constant 16 : i32
        %mul3A_601 = arith.muli %scan3A_479, %mul3A_600 : i32
        %get3A_602 = arith.constant 10 : i32
        %get3A_603 = arith.index_cast %get3A_602 : i32 to index
        %get3A_604 = arith.index_cast %mul3A_601 : i32 to index
        %get3A_605 = tpu.vector_load %arg5[%get3A_603, %get3A_604] {strides = array<i32>} : memref<16x1536xf32, #tpu.memory_space<vmem>>, vector<16xf32>,
        %mul3A_606 = arith.constant 256 : i32
        %mul3A_607 = arith.muli %scan3A_479, %mul3A_606 : i32
        %add3A_608 = arith.constant 10 : i32
        %add3A_609 = arith.addi %mul3A_607, %add3A_608 : i32
        %add3A_610 = vector.broadcast %add3A_609 : i32 to vector<16xi32>
        %add3A_611 = arith.addi %mul3A_3, %add3A_610 : vector<16xi32>
        tpu.vector_store_idx %arg7[%add3A_611], %get3A_605 : memref<24576xf32, #tpu.memory_space<vmem>>[vector<16xi32>], vector<16xf32>,
        %mul3A_612 = arith.constant 16 : i32
        %mul3A_613 = arith.muli %scan3A_479, %mul3A_612 : i32
        %get3A_614 = arith.constant 11 : i32
        %get3A_615 = arith.index_cast %get3A_614 : i32 to index
        %get3A_616 = arith.index_cast %mul3A_613 : i32 to index
        %get3A_617 = tpu.vector_load %arg5[%get3A_615, %get3A_616] {strides = array<i32>} : memref<16x1536xf32, #tpu.memory_space<vmem>>, vector<16xf32>,
        %mul3A_618 = arith.constant 256 : i32
        %mul3A_619 = arith.muli %scan3A_479, %mul3A_618 : i32
        %add3A_620 = arith.constant 11 : i32
        %add3A_621 = arith.addi %mul3A_619, %add3A_620 : i32
        %add3A_622 = vector.broadcast %add3A_621 : i32 to vector<16xi32>
        %add3A_623 = arith.addi %mul3A_3, %add3A_622 : vector<16xi32>
        tpu.vector_store_idx %arg7[%add3A_623], %get3A_617 : memref<24576xf32, #tpu.memory_space<vmem>>[vector<16xi32>], vector<16xf32>,
        %mul3A_624 = arith.constant 16 : i32
        %mul3A_625 = arith.muli %scan3A_479, %mul3A_624 : i32
        %get3A_626 = arith.constant 12 : i32
        %get3A_627 = arith.index_cast %get3A_626 : i32 to index
        %get3A_628 = arith.index_cast %mul3A_625 : i32 to index
        %get3A_629 = tpu.vector_load %arg5[%get3A_627, %get3A_628] {strides = array<i32>} : memref<16x1536xf32, #tpu.memory_space<vmem>>, vector<16xf32>,
        %mul3A_630 = arith.constant 256 : i32
        %mul3A_631 = arith.muli %scan3A_479, %mul3A_630 : i32
        %add3A_632 = arith.constant 12 : i32
        %add3A_633 = arith.addi %mul3A_631, %add3A_632 : i32
        %add3A_634 = vector.broadcast %add3A_633 : i32 to vector<16xi32>
        %add3A_635 = arith.addi %mul3A_3, %add3A_634 : vector<16xi32>
        tpu.vector_store_idx %arg7[%add3A_635], %get3A_629 : memref<24576xf32, #tpu.memory_space<vmem>>[vector<16xi32>], vector<16xf32>,
        %mul3A_636 = arith.constant 16 : i32
        %mul3A_637 = arith.muli %scan3A_479, %mul3A_636 : i32
        %get3A_638 = arith.constant 13 : i32
        %get3A_639 = arith.index_cast %get3A_638 : i32 to index
        %get3A_640 = arith.index_cast %mul3A_637 : i32 to index
        %get3A_641 = tpu.vector_load %arg5[%get3A_639, %get3A_640] {strides = array<i32>} : memref<16x1536xf32, #tpu.memory_space<vmem>>, vector<16xf32>,
        %mul3A_642 = arith.constant 256 : i32
        %mul3A_643 = arith.muli %scan3A_479, %mul3A_642 : i32
        %add3A_644 = arith.constant 13 : i32
        %add3A_645 = arith.addi %mul3A_643, %add3A_644 : i32
        %add3A_646 = vector.broadcast %add3A_645 : i32 to vector<16xi32>
        %add3A_647 = arith.addi %mul3A_3, %add3A_646 : vector<16xi32>
        tpu.vector_store_idx %arg7[%add3A_647], %get3A_641 : memref<24576xf32, #tpu.memory_space<vmem>>[vector<16xi32>], vector<16xf32>,
        %mul3A_648 = arith.constant 16 : i32
        %mul3A_649 = arith.muli %scan3A_479, %mul3A_648 : i32
        %get3A_650 = arith.constant 14 : i32
        %get3A_651 = arith.index_cast %get3A_650 : i32 to index
        %get3A_652 = arith.index_cast %mul3A_649 : i32 to index
        %get3A_653 = tpu.vector_load %arg5[%get3A_651, %get3A_652] {strides = array<i32>} : memref<16x1536xf32, #tpu.memory_space<vmem>>, vector<16xf32>,
        %mul3A_654 = arith.constant 256 : i32
        %mul3A_655 = arith.muli %scan3A_479, %mul3A_654 : i32
        %add3A_656 = arith.constant 14 : i32
        %add3A_657 = arith.addi %mul3A_655, %add3A_656 : i32
        %add3A_658 = vector.broadcast %add3A_657 : i32 to vector<16xi32>
        %add3A_659 = arith.addi %mul3A_3, %add3A_658 : vector<16xi32>
        tpu.vector_store_idx %arg7[%add3A_659], %get3A_653 : memref<24576xf32, #tpu.memory_space<vmem>>[vector<16xi32>], vector<16xf32>,
        %mul3A_660 = arith.constant 16 : i32
        %mul3A_661 = arith.muli %scan3A_479, %mul3A_660 : i32
        %get3A_662 = arith.constant 15 : i32
        %get3A_663 = arith.index_cast %get3A_662 : i32 to index
        %get3A_664 = arith.index_cast %mul3A_661 : i32 to index
        %get3A_665 = tpu.vector_load %arg5[%get3A_663, %get3A_664] {strides = array<i32>} : memref<16x1536xf32, #tpu.memory_space<vmem>>, vector<16xf32>,
        %mul3A_666 = arith.constant 256 : i32
        %mul3A_667 = arith.muli %scan3A_479, %mul3A_666 : i32
        %add3A_668 = arith.constant 15 : i32
        %add3A_669 = arith.addi %mul3A_667, %add3A_668 : i32
        %add3A_670 = vector.broadcast %add3A_669 : i32 to vector<16xi32>
        %add3A_671 = arith.addi %mul3A_3, %add3A_670 : vector<16xi32>
        tpu.vector_store_idx %arg7[%add3A_671], %get3A_665 : memref<24576xf32, #tpu.memory_space<vmem>>[vector<16xi32>], vector<16xf32>,
        %scan3A_672 = arith.constant 0 : i32
        %scan3A_673 = arith.constant 3 : i32
        %scan3A_674 = arith.addi %scan3A_89, %scan3A_673 : i32
        %mul3A_675 = arith.constant 16 : i32
        %mul3A_676 = arith.muli %scan3A_674, %mul3A_675 : i32
        %get3A_677 = arith.constant 0 : i32
        %get3A_678 = arith.index_cast %get3A_677 : i32 to index
        %get3A_679 = arith.index_cast %mul3A_676 : i32 to index
        %get3A_680 = tpu.vector_load %arg5[%get3A_678, %get3A_679] {strides = array<i32>} : memref<16x1536xf32, #tpu.memory_space<vmem>>, vector<16xf32>,
        %mul3A_681 = arith.constant 256 : i32
        %mul3A_682 = arith.muli %scan3A_674, %mul3A_681 : i32
        %add3A_683 = arith.constant 0 : i32
        %add3A_684 = arith.addi %mul3A_682, %add3A_683 : i32
        %add3A_685 = vector.broadcast %add3A_684 : i32 to vector<16xi32>
        %add3A_686 = arith.addi %mul3A_3, %add3A_685 : vector<16xi32>
        tpu.vector_store_idx %arg7[%add3A_686], %get3A_680 : memref<24576xf32, #tpu.memory_space<vmem>>[vector<16xi32>], vector<16xf32>,
        %mul3A_687 = arith.constant 16 : i32
        %mul3A_688 = arith.muli %scan3A_674, %mul3A_687 : i32
        %get3A_689 = arith.constant 1 : i32
        %get3A_690 = arith.index_cast %get3A_689 : i32 to index
        %get3A_691 = arith.index_cast %mul3A_688 : i32 to index
        %get3A_692 = tpu.vector_load %arg5[%get3A_690, %get3A_691] {strides = array<i32>} : memref<16x1536xf32, #tpu.memory_space<vmem>>, vector<16xf32>,
        %mul3A_693 = arith.constant 256 : i32
        %mul3A_694 = arith.muli %scan3A_674, %mul3A_693 : i32
        %add3A_695 = arith.constant 1 : i32
        %add3A_696 = arith.addi %mul3A_694, %add3A_695 : i32
        %add3A_697 = vector.broadcast %add3A_696 : i32 to vector<16xi32>
        %add3A_698 = arith.addi %mul3A_3, %add3A_697 : vector<16xi32>
        tpu.vector_store_idx %arg7[%add3A_698], %get3A_692 : memref<24576xf32, #tpu.memory_space<vmem>>[vector<16xi32>], vector<16xf32>,
        %mul3A_699 = arith.constant 16 : i32
        %mul3A_700 = arith.muli %scan3A_674, %mul3A_699 : i32
        %get3A_701 = arith.constant 2 : i32
        %get3A_702 = arith.index_cast %get3A_701 : i32 to index
        %get3A_703 = arith.index_cast %mul3A_700 : i32 to index
        %get3A_704 = tpu.vector_load %arg5[%get3A_702, %get3A_703] {strides = array<i32>} : memref<16x1536xf32, #tpu.memory_space<vmem>>, vector<16xf32>,
        %mul3A_705 = arith.constant 256 : i32
        %mul3A_706 = arith.muli %scan3A_674, %mul3A_705 : i32
        %add3A_707 = arith.constant 2 : i32
        %add3A_708 = arith.addi %mul3A_706, %add3A_707 : i32
        %add3A_709 = vector.broadcast %add3A_708 : i32 to vector<16xi32>
        %add3A_710 = arith.addi %mul3A_3, %add3A_709 : vector<16xi32>
        tpu.vector_store_idx %arg7[%add3A_710], %get3A_704 : memref<24576xf32, #tpu.memory_space<vmem>>[vector<16xi32>], vector<16xf32>,
        %mul3A_711 = arith.constant 16 : i32
        %mul3A_712 = arith.muli %scan3A_674, %mul3A_711 : i32
        %get3A_713 = arith.constant 3 : i32
        %get3A_714 = arith.index_cast %get3A_713 : i32 to index
        %get3A_715 = arith.index_cast %mul3A_712 : i32 to index
        %get3A_716 = tpu.vector_load %arg5[%get3A_714, %get3A_715] {strides = array<i32>} : memref<16x1536xf32, #tpu.memory_space<vmem>>, vector<16xf32>,
        %mul3A_717 = arith.constant 256 : i32
        %mul3A_718 = arith.muli %scan3A_674, %mul3A_717 : i32
        %add3A_719 = arith.constant 3 : i32
        %add3A_720 = arith.addi %mul3A_718, %add3A_719 : i32
        %add3A_721 = vector.broadcast %add3A_720 : i32 to vector<16xi32>
        %add3A_722 = arith.addi %mul3A_3, %add3A_721 : vector<16xi32>
        tpu.vector_store_idx %arg7[%add3A_722], %get3A_716 : memref<24576xf32, #tpu.memory_space<vmem>>[vector<16xi32>], vector<16xf32>,
        %mul3A_723 = arith.constant 16 : i32
        %mul3A_724 = arith.muli %scan3A_674, %mul3A_723 : i32
        %get3A_725 = arith.constant 4 : i32
        %get3A_726 = arith.index_cast %get3A_725 : i32 to index
        %get3A_727 = arith.index_cast %mul3A_724 : i32 to index
        %get3A_728 = tpu.vector_load %arg5[%get3A_726, %get3A_727] {strides = array<i32>} : memref<16x1536xf32, #tpu.memory_space<vmem>>, vector<16xf32>,
        %mul3A_729 = arith.constant 256 : i32
        %mul3A_730 = arith.muli %scan3A_674, %mul3A_729 : i32
        %add3A_731 = arith.constant 4 : i32
        %add3A_732 = arith.addi %mul3A_730, %add3A_731 : i32
        %add3A_733 = vector.broadcast %add3A_732 : i32 to vector<16xi32>
        %add3A_734 = arith.addi %mul3A_3, %add3A_733 : vector<16xi32>
        tpu.vector_store_idx %arg7[%add3A_734], %get3A_728 : memref<24576xf32, #tpu.memory_space<vmem>>[vector<16xi32>], vector<16xf32>,
        %mul3A_735 = arith.constant 16 : i32
        %mul3A_736 = arith.muli %scan3A_674, %mul3A_735 : i32
        %get3A_737 = arith.constant 5 : i32
        %get3A_738 = arith.index_cast %get3A_737 : i32 to index
        %get3A_739 = arith.index_cast %mul3A_736 : i32 to index
        %get3A_740 = tpu.vector_load %arg5[%get3A_738, %get3A_739] {strides = array<i32>} : memref<16x1536xf32, #tpu.memory_space<vmem>>, vector<16xf32>,
        %mul3A_741 = arith.constant 256 : i32
        %mul3A_742 = arith.muli %scan3A_674, %mul3A_741 : i32
        %add3A_743 = arith.constant 5 : i32
        %add3A_744 = arith.addi %mul3A_742, %add3A_743 : i32
        %add3A_745 = vector.broadcast %add3A_744 : i32 to vector<16xi32>
        %add3A_746 = arith.addi %mul3A_3, %add3A_745 : vector<16xi32>
        tpu.vector_store_idx %arg7[%add3A_746], %get3A_740 : memref<24576xf32, #tpu.memory_space<vmem>>[vector<16xi32>], vector<16xf32>,
        %mul3A_747 = arith.constant 16 : i32
        %mul3A_748 = arith.muli %scan3A_674, %mul3A_747 : i32
        %get3A_749 = arith.constant 6 : i32
        %get3A_750 = arith.index_cast %get3A_749 : i32 to index
        %get3A_751 = arith.index_cast %mul3A_748 : i32 to index
        %get3A_752 = tpu.vector_load %arg5[%get3A_750, %get3A_751] {strides = array<i32>} : memref<16x1536xf32, #tpu.memory_space<vmem>>, vector<16xf32>,
        %mul3A_753 = arith.constant 256 : i32
        %mul3A_754 = arith.muli %scan3A_674, %mul3A_753 : i32
        %add3A_755 = arith.constant 6 : i32
        %add3A_756 = arith.addi %mul3A_754, %add3A_755 : i32
        %add3A_757 = vector.broadcast %add3A_756 : i32 to vector<16xi32>
        %add3A_758 = arith.addi %mul3A_3, %add3A_757 : vector<16xi32>
        tpu.vector_store_idx %arg7[%add3A_758], %get3A_752 : memref<24576xf32, #tpu.memory_space<vmem>>[vector<16xi32>], vector<16xf32>,
        %mul3A_759 = arith.constant 16 : i32
        %mul3A_760 = arith.muli %scan3A_674, %mul3A_759 : i32
        %get3A_761 = arith.constant 7 : i32
        %get3A_762 = arith.index_cast %get3A_761 : i32 to index
        %get3A_763 = arith.index_cast %mul3A_760 : i32 to index
        %get3A_764 = tpu.vector_load %arg5[%get3A_762, %get3A_763] {strides = array<i32>} : memref<16x1536xf32, #tpu.memory_space<vmem>>, vector<16xf32>,
        %mul3A_765 = arith.constant 256 : i32
        %mul3A_766 = arith.muli %scan3A_674, %mul3A_765 : i32
        %add3A_767 = arith.constant 7 : i32
        %add3A_768 = arith.addi %mul3A_766, %add3A_767 : i32
        %add3A_769 = vector.broadcast %add3A_768 : i32 to vector<16xi32>
        %add3A_770 = arith.addi %mul3A_3, %add3A_769 : vector<16xi32>
        tpu.vector_store_idx %arg7[%add3A_770], %get3A_764 : memref<24576xf32, #tpu.memory_space<vmem>>[vector<16xi32>], vector<16xf32>,
        %mul3A_771 = arith.constant 16 : i32
        %mul3A_772 = arith.muli %scan3A_674, %mul3A_771 : i32
        %get3A_773 = arith.constant 8 : i32
        %get3A_774 = arith.index_cast %get3A_773 : i32 to index
        %get3A_775 = arith.index_cast %mul3A_772 : i32 to index
        %get3A_776 = tpu.vector_load %arg5[%get3A_774, %get3A_775] {strides = array<i32>} : memref<16x1536xf32, #tpu.memory_space<vmem>>, vector<16xf32>,
        %mul3A_777 = arith.constant 256 : i32
        %mul3A_778 = arith.muli %scan3A_674, %mul3A_777 : i32
        %add3A_779 = arith.constant 8 : i32
        %add3A_780 = arith.addi %mul3A_778, %add3A_779 : i32
        %add3A_781 = vector.broadcast %add3A_780 : i32 to vector<16xi32>
        %add3A_782 = arith.addi %mul3A_3, %add3A_781 : vector<16xi32>
        tpu.vector_store_idx %arg7[%add3A_782], %get3A_776 : memref<24576xf32, #tpu.memory_space<vmem>>[vector<16xi32>], vector<16xf32>,
        %mul3A_783 = arith.constant 16 : i32
        %mul3A_784 = arith.muli %scan3A_674, %mul3A_783 : i32
        %get3A_785 = arith.constant 9 : i32
        %get3A_786 = arith.index_cast %get3A_785 : i32 to index
        %get3A_787 = arith.index_cast %mul3A_784 : i32 to index
        %get3A_788 = tpu.vector_load %arg5[%get3A_786, %get3A_787] {strides = array<i32>} : memref<16x1536xf32, #tpu.memory_space<vmem>>, vector<16xf32>,
        %mul3A_789 = arith.constant 256 : i32
        %mul3A_790 = arith.muli %scan3A_674, %mul3A_789 : i32
        %add3A_791 = arith.constant 9 : i32
        %add3A_792 = arith.addi %mul3A_790, %add3A_791 : i32
        %add3A_793 = vector.broadcast %add3A_792 : i32 to vector<16xi32>
        %add3A_794 = arith.addi %mul3A_3, %add3A_793 : vector<16xi32>
        tpu.vector_store_idx %arg7[%add3A_794], %get3A_788 : memref<24576xf32, #tpu.memory_space<vmem>>[vector<16xi32>], vector<16xf32>,
        %mul3A_795 = arith.constant 16 : i32
        %mul3A_796 = arith.muli %scan3A_674, %mul3A_795 : i32
        %get3A_797 = arith.constant 10 : i32
        %get3A_798 = arith.index_cast %get3A_797 : i32 to index
        %get3A_799 = arith.index_cast %mul3A_796 : i32 to index
        %get3A_800 = tpu.vector_load %arg5[%get3A_798, %get3A_799] {strides = array<i32>} : memref<16x1536xf32, #tpu.memory_space<vmem>>, vector<16xf32>,
        %mul3A_801 = arith.constant 256 : i32
        %mul3A_802 = arith.muli %scan3A_674, %mul3A_801 : i32
        %add3A_803 = arith.constant 10 : i32
        %add3A_804 = arith.addi %mul3A_802, %add3A_803 : i32
        %add3A_805 = vector.broadcast %add3A_804 : i32 to vector<16xi32>
        %add3A_806 = arith.addi %mul3A_3, %add3A_805 : vector<16xi32>
        tpu.vector_store_idx %arg7[%add3A_806], %get3A_800 : memref<24576xf32, #tpu.memory_space<vmem>>[vector<16xi32>], vector<16xf32>,
        %mul3A_807 = arith.constant 16 : i32
        %mul3A_808 = arith.muli %scan3A_674, %mul3A_807 : i32
        %get3A_809 = arith.constant 11 : i32
        %get3A_810 = arith.index_cast %get3A_809 : i32 to index
        %get3A_811 = arith.index_cast %mul3A_808 : i32 to index
        %get3A_812 = tpu.vector_load %arg5[%get3A_810, %get3A_811] {strides = array<i32>} : memref<16x1536xf32, #tpu.memory_space<vmem>>, vector<16xf32>,
        %mul3A_813 = arith.constant 256 : i32
        %mul3A_814 = arith.muli %scan3A_674, %mul3A_813 : i32
        %add3A_815 = arith.constant 11 : i32
        %add3A_816 = arith.addi %mul3A_814, %add3A_815 : i32
        %add3A_817 = vector.broadcast %add3A_816 : i32 to vector<16xi32>
        %add3A_818 = arith.addi %mul3A_3, %add3A_817 : vector<16xi32>
        tpu.vector_store_idx %arg7[%add3A_818], %get3A_812 : memref<24576xf32, #tpu.memory_space<vmem>>[vector<16xi32>], vector<16xf32>,
        %mul3A_819 = arith.constant 16 : i32
        %mul3A_820 = arith.muli %scan3A_674, %mul3A_819 : i32
        %get3A_821 = arith.constant 12 : i32
        %get3A_822 = arith.index_cast %get3A_821 : i32 to index
        %get3A_823 = arith.index_cast %mul3A_820 : i32 to index
        %get3A_824 = tpu.vector_load %arg5[%get3A_822, %get3A_823] {strides = array<i32>} : memref<16x1536xf32, #tpu.memory_space<vmem>>, vector<16xf32>,
        %mul3A_825 = arith.constant 256 : i32
        %mul3A_826 = arith.muli %scan3A_674, %mul3A_825 : i32
        %add3A_827 = arith.constant 12 : i32
        %add3A_828 = arith.addi %mul3A_826, %add3A_827 : i32
        %add3A_829 = vector.broadcast %add3A_828 : i32 to vector<16xi32>
        %add3A_830 = arith.addi %mul3A_3, %add3A_829 : vector<16xi32>
        tpu.vector_store_idx %arg7[%add3A_830], %get3A_824 : memref<24576xf32, #tpu.memory_space<vmem>>[vector<16xi32>], vector<16xf32>,
        %mul3A_831 = arith.constant 16 : i32
        %mul3A_832 = arith.muli %scan3A_674, %mul3A_831 : i32
        %get3A_833 = arith.constant 13 : i32
        %get3A_834 = arith.index_cast %get3A_833 : i32 to index
        %get3A_835 = arith.index_cast %mul3A_832 : i32 to index
        %get3A_836 = tpu.vector_load %arg5[%get3A_834, %get3A_835] {strides = array<i32>} : memref<16x1536xf32, #tpu.memory_space<vmem>>, vector<16xf32>,
        %mul3A_837 = arith.constant 256 : i32
        %mul3A_838 = arith.muli %scan3A_674, %mul3A_837 : i32
        %add3A_839 = arith.constant 13 : i32
        %add3A_840 = arith.addi %mul3A_838, %add3A_839 : i32
        %add3A_841 = vector.broadcast %add3A_840 : i32 to vector<16xi32>
        %add3A_842 = arith.addi %mul3A_3, %add3A_841 : vector<16xi32>
        tpu.vector_store_idx %arg7[%add3A_842], %get3A_836 : memref<24576xf32, #tpu.memory_space<vmem>>[vector<16xi32>], vector<16xf32>,
        %mul3A_843 = arith.constant 16 : i32
        %mul3A_844 = arith.muli %scan3A_674, %mul3A_843 : i32
        %get3A_845 = arith.constant 14 : i32
        %get3A_846 = arith.index_cast %get3A_845 : i32 to index
        %get3A_847 = arith.index_cast %mul3A_844 : i32 to index
        %get3A_848 = tpu.vector_load %arg5[%get3A_846, %get3A_847] {strides = array<i32>} : memref<16x1536xf32, #tpu.memory_space<vmem>>, vector<16xf32>,
        %mul3A_849 = arith.constant 256 : i32
        %mul3A_850 = arith.muli %scan3A_674, %mul3A_849 : i32
        %add3A_851 = arith.constant 14 : i32
        %add3A_852 = arith.addi %mul3A_850, %add3A_851 : i32
        %add3A_853 = vector.broadcast %add3A_852 : i32 to vector<16xi32>
        %add3A_854 = arith.addi %mul3A_3, %add3A_853 : vector<16xi32>
        tpu.vector_store_idx %arg7[%add3A_854], %get3A_848 : memref<24576xf32, #tpu.memory_space<vmem>>[vector<16xi32>], vector<16xf32>,
        %mul3A_855 = arith.constant 16 : i32
        %mul3A_856 = arith.muli %scan3A_674, %mul3A_855 : i32
        %get3A_857 = arith.constant 15 : i32
        %get3A_858 = arith.index_cast %get3A_857 : i32 to index
        %get3A_859 = arith.index_cast %mul3A_856 : i32 to index
        %get3A_860 = tpu.vector_load %arg5[%get3A_858, %get3A_859] {strides = array<i32>} : memref<16x1536xf32, #tpu.memory_space<vmem>>, vector<16xf32>,
        %mul3A_861 = arith.constant 256 : i32
        %mul3A_862 = arith.muli %scan3A_674, %mul3A_861 : i32
        %add3A_863 = arith.constant 15 : i32
        %add3A_864 = arith.addi %mul3A_862, %add3A_863 : i32
        %add3A_865 = vector.broadcast %add3A_864 : i32 to vector<16xi32>
        %add3A_866 = arith.addi %mul3A_3, %add3A_865 : vector<16xi32>
        tpu.vector_store_idx %arg7[%add3A_866], %get3A_860 : memref<24576xf32, #tpu.memory_space<vmem>>[vector<16xi32>], vector<16xf32>,
        %scan3A_867 = arith.constant 0 : i32
        scf.yield %scan3A_867 : i32
      }
      %scan3A_50 = arith.constant 96 : i32
      %mul3A_51 = arith.constant 1600000 : i32
      %mul3A_52 = arith.muli %scan3A_28, %mul3A_51 : i32
      %mul3A_53 = arith.constant 16 : i32
      %mul3A_54 = arith.muli %mul3A_5, %mul3A_53 : i32
      %add3A_55 = arith.addi %mul3A_52, %mul3A_54 : i32
      %dma_start3A_56 = tpu.memref_slice %arg4[%add3A_55] : memref<41600000xf32, #tpu.memory_space<hbm>> -> memref<24576xf32, #tpu.memory_space<hbm>>
      %dma_start3A_57 = tpu.memref_slice %arg4[%add3A_55] : memref<41600000xf32, #tpu.memory_space<hbm>> -> memref<24576xf32, #tpu.memory_space<hbm>>
      tpu.enqueue_dma source(%arg7 : memref<24576xf32, #tpu.memory_space<vmem>>) target(%dma_start3A_57 : memref<24576xf32, #tpu.memory_space<hbm>>) target_semaphore(%arg11 : memref<!tpu.dma_semaphore, #tpu.memory_space<semaphore_mem>>)
      %lt3A_58 = arith.constant 25 : i32
      %lt3A_59 = arith.cmpi slt, %scan3A_28, %lt3A_58 : i32
      %convert_element_type3A_60 = arith.extui %lt3A_59 : i1 to i32
      %cond3A_61 = arith.constant 0 : i32
      %cond3A_62 = arith.cmpi ne, %convert_element_type3A_60, %cond3A_61 : i32
      scf.if %cond3A_62 {
        %add3A_89 = arith.constant 1 : i32
        %add3A_90 = arith.addi %scan3A_28, %add3A_89 : i32
        %mul3A_91 = arith.constant 16 : i32
        %mul3A_92 = arith.muli %add3A_90, %mul3A_91 : i32
        %dma_start3A_93 = tpu.memref_slice %arg2[%mul3A_92, %mul3A_5] : memref<416x100000xf32, #tpu.memory_space<hbm>> -> memref<16x1536xf32, #tpu.memory_space<hbm>>
        %dma_start3A_94 = tpu.memref_slice %arg2[%mul3A_92, %mul3A_5] : memref<416x100000xf32, #tpu.memory_space<hbm>> -> memref<16x1536xf32, #tpu.memory_space<hbm>>
        tpu.enqueue_dma source(%dma_start3A_94 : memref<16x1536xf32, #tpu.memory_space<hbm>>) target(%arg5 : memref<16x1536xf32, #tpu.memory_space<vmem>>) target_semaphore(%arg9 : memref<!tpu.dma_semaphore, #tpu.memory_space<semaphore_mem>>)
      } else {
      }
      %dma_wait3A_63 = arith.constant 0 : i32
      %dma_wait3A_64 = arith.constant 0 : i32
      %dma_wait3A_65 = tpu.memref_slice %arg2[%dma_wait3A_63, %dma_wait3A_64] : memref<416x100000xf32, #tpu.memory_space<hbm>> -> memref<16x1536xf32, #tpu.memory_space<hbm>>
      %dma_wait3A_66 = arith.constant 0 : i32
      %dma_wait3A_67 = arith.constant 0 : i32
      %dma_wait3A_68 = tpu.memref_slice %arg2[%dma_wait3A_66, %dma_wait3A_67] : memref<416x100000xf32, #tpu.memory_space<hbm>> -> memref<16x1536xf32, #tpu.memory_space<hbm>>
      tpu.wait_dma2 semaphore(%arg10 : memref<!tpu.dma_semaphore, #tpu.memory_space<semaphore_mem>>) src(%dma_wait3A_68 : memref<16x1536xf32, #tpu.memory_space<hbm>>) dst(%arg6 : memref<16x1536xf32, #tpu.memory_space<vmem>>)
      %gt3A_69 = arith.constant 0 : i32
      %gt3A_70 = arith.cmpi sgt, %scan3A_28, %gt3A_69 : i32
      %convert_element_type3A_71 = arith.extui %gt3A_70 : i1 to i32
      %cond3A_72 = arith.constant 0 : i32
      %cond3A_73 = arith.cmpi ne, %convert_element_type3A_71, %cond3A_72 : i32
      scf.if %cond3A_73 {
        %dma_wait3A_89 = arith.constant 0 : i32
        %dma_wait3A_90 = tpu.memref_slice %arg4[%dma_wait3A_89] : memref<41600000xf32, #tpu.memory_space<hbm>> -> memref<24576xf32, #tpu.memory_space<hbm>>
        %dma_wait3A_91 = arith.constant 0 : i32
        %dma_wait3A_92 = tpu.memref_slice %arg4[%dma_wait3A_91] : memref<41600000xf32, #tpu.memory_space<hbm>> -> memref<24576xf32, #tpu.memory_space<hbm>>
        tpu.wait_dma2 semaphore(%arg12 : memref<!tpu.dma_semaphore, #tpu.memory_space<semaphore_mem>>) src(%arg8 : memref<24576xf32, #tpu.memory_space<vmem>>) dst(%dma_wait3A_92 : memref<24576xf32, #tpu.memory_space<hbm>>)
      } else {
      }
      %scan3A_74 = arith.constant 0 : i32
      %scan3A_75 = arith.constant 0 : i32
      %scan3A_76 = arith.constant 96 : i32
      %scan3A_77 = arith.addi %scan3A_75, %scan3A_76 : i32
      %scan3A_78 = arith.constant 4 : i32
      %scan3A_79 = scf.for %scan3A_89 = %scan3A_75 to %scan3A_77 step %scan3A_78 iter_args(%scan3A_90 = %scan3A_74) -> (i32)  : i32 {
        %mul3A_91 = arith.constant 16 : i32
        %mul3A_92 = arith.muli %scan3A_89, %mul3A_91 : i32
        %get3A = arith.constant 0 : i32
        %get3A_93 = arith.index_cast %get3A : i32 to index
        %get3A_94 = arith.index_cast %mul3A_92 : i32 to index
        %get3A_95 = tpu.vector_load %arg6[%get3A_93, %get3A_94] {strides = array<i32>} : memref<16x1536xf32, #tpu.memory_space<vmem>>, vector<16xf32>,
        %mul3A_96 = arith.constant 256 : i32
        %mul3A_97 = arith.muli %scan3A_89, %mul3A_96 : i32
        %add3A_98 = arith.constant 0 : i32
        %add3A_99 = arith.addi %mul3A_97, %add3A_98 : i32
        %add3A_100 = vector.broadcast %add3A_99 : i32 to vector<16xi32>
        %add3A_101 = arith.addi %mul3A_3, %add3A_100 : vector<16xi32>
        tpu.vector_store_idx %arg8[%add3A_101], %get3A_95 : memref<24576xf32, #tpu.memory_space<vmem>>[vector<16xi32>], vector<16xf32>,
        %mul3A_102 = arith.constant 16 : i32
        %mul3A_103 = arith.muli %scan3A_89, %mul3A_102 : i32
        %get3A_104 = arith.constant 1 : i32
        %get3A_105 = arith.index_cast %get3A_104 : i32 to index
        %get3A_106 = arith.index_cast %mul3A_103 : i32 to index
        %get3A_107 = tpu.vector_load %arg6[%get3A_105, %get3A_106] {strides = array<i32>} : memref<16x1536xf32, #tpu.memory_space<vmem>>, vector<16xf32>,
        %mul3A_108 = arith.constant 256 : i32
        %mul3A_109 = arith.muli %scan3A_89, %mul3A_108 : i32
        %add3A_110 = arith.constant 1 : i32
        %add3A_111 = arith.addi %mul3A_109, %add3A_110 : i32
        %add3A_112 = vector.broadcast %add3A_111 : i32 to vector<16xi32>
        %add3A_113 = arith.addi %mul3A_3, %add3A_112 : vector<16xi32>
        tpu.vector_store_idx %arg8[%add3A_113], %get3A_107 : memref<24576xf32, #tpu.memory_space<vmem>>[vector<16xi32>], vector<16xf32>,
        %mul3A_114 = arith.constant 16 : i32
        %mul3A_115 = arith.muli %scan3A_89, %mul3A_114 : i32
        %get3A_116 = arith.constant 2 : i32
        %get3A_117 = arith.index_cast %get3A_116 : i32 to index
        %get3A_118 = arith.index_cast %mul3A_115 : i32 to index
        %get3A_119 = tpu.vector_load %arg6[%get3A_117, %get3A_118] {strides = array<i32>} : memref<16x1536xf32, #tpu.memory_space<vmem>>, vector<16xf32>,
        %mul3A_120 = arith.constant 256 : i32
        %mul3A_121 = arith.muli %scan3A_89, %mul3A_120 : i32
        %add3A_122 = arith.constant 2 : i32
        %add3A_123 = arith.addi %mul3A_121, %add3A_122 : i32
        %add3A_124 = vector.broadcast %add3A_123 : i32 to vector<16xi32>
        %add3A_125 = arith.addi %mul3A_3, %add3A_124 : vector<16xi32>
        tpu.vector_store_idx %arg8[%add3A_125], %get3A_119 : memref<24576xf32, #tpu.memory_space<vmem>>[vector<16xi32>], vector<16xf32>,
        %mul3A_126 = arith.constant 16 : i32
        %mul3A_127 = arith.muli %scan3A_89, %mul3A_126 : i32
        %get3A_128 = arith.constant 3 : i32
        %get3A_129 = arith.index_cast %get3A_128 : i32 to index
        %get3A_130 = arith.index_cast %mul3A_127 : i32 to index
        %get3A_131 = tpu.vector_load %arg6[%get3A_129, %get3A_130] {strides = array<i32>} : memref<16x1536xf32, #tpu.memory_space<vmem>>, vector<16xf32>,
        %mul3A_132 = arith.constant 256 : i32
        %mul3A_133 = arith.muli %scan3A_89, %mul3A_132 : i32
        %add3A_134 = arith.constant 3 : i32
        %add3A_135 = arith.addi %mul3A_133, %add3A_134 : i32
        %add3A_136 = vector.broadcast %add3A_135 : i32 to vector<16xi32>
        %add3A_137 = arith.addi %mul3A_3, %add3A_136 : vector<16xi32>
        tpu.vector_store_idx %arg8[%add3A_137], %get3A_131 : memref<24576xf32, #tpu.memory_space<vmem>>[vector<16xi32>], vector<16xf32>,
        %mul3A_138 = arith.constant 16 : i32
        %mul3A_139 = arith.muli %scan3A_89, %mul3A_138 : i32
        %get3A_140 = arith.constant 4 : i32
        %get3A_141 = arith.index_cast %get3A_140 : i32 to index
        %get3A_142 = arith.index_cast %mul3A_139 : i32 to index
        %get3A_143 = tpu.vector_load %arg6[%get3A_141, %get3A_142] {strides = array<i32>} : memref<16x1536xf32, #tpu.memory_space<vmem>>, vector<16xf32>,
        %mul3A_144 = arith.constant 256 : i32
        %mul3A_145 = arith.muli %scan3A_89, %mul3A_144 : i32
        %add3A_146 = arith.constant 4 : i32
        %add3A_147 = arith.addi %mul3A_145, %add3A_146 : i32
        %add3A_148 = vector.broadcast %add3A_147 : i32 to vector<16xi32>
        %add3A_149 = arith.addi %mul3A_3, %add3A_148 : vector<16xi32>
        tpu.vector_store_idx %arg8[%add3A_149], %get3A_143 : memref<24576xf32, #tpu.memory_space<vmem>>[vector<16xi32>], vector<16xf32>,
        %mul3A_150 = arith.constant 16 : i32
        %mul3A_151 = arith.muli %scan3A_89, %mul3A_150 : i32
        %get3A_152 = arith.constant 5 : i32
        %get3A_153 = arith.index_cast %get3A_152 : i32 to index
        %get3A_154 = arith.index_cast %mul3A_151 : i32 to index
        %get3A_155 = tpu.vector_load %arg6[%get3A_153, %get3A_154] {strides = array<i32>} : memref<16x1536xf32, #tpu.memory_space<vmem>>, vector<16xf32>,
        %mul3A_156 = arith.constant 256 : i32
        %mul3A_157 = arith.muli %scan3A_89, %mul3A_156 : i32
        %add3A_158 = arith.constant 5 : i32
        %add3A_159 = arith.addi %mul3A_157, %add3A_158 : i32
        %add3A_160 = vector.broadcast %add3A_159 : i32 to vector<16xi32>
        %add3A_161 = arith.addi %mul3A_3, %add3A_160 : vector<16xi32>
        tpu.vector_store_idx %arg8[%add3A_161], %get3A_155 : memref<24576xf32, #tpu.memory_space<vmem>>[vector<16xi32>], vector<16xf32>,
        %mul3A_162 = arith.constant 16 : i32
        %mul3A_163 = arith.muli %scan3A_89, %mul3A_162 : i32
        %get3A_164 = arith.constant 6 : i32
        %get3A_165 = arith.index_cast %get3A_164 : i32 to index
        %get3A_166 = arith.index_cast %mul3A_163 : i32 to index
        %get3A_167 = tpu.vector_load %arg6[%get3A_165, %get3A_166] {strides = array<i32>} : memref<16x1536xf32, #tpu.memory_space<vmem>>, vector<16xf32>,
        %mul3A_168 = arith.constant 256 : i32
        %mul3A_169 = arith.muli %scan3A_89, %mul3A_168 : i32
        %add3A_170 = arith.constant 6 : i32
        %add3A_171 = arith.addi %mul3A_169, %add3A_170 : i32
        %add3A_172 = vector.broadcast %add3A_171 : i32 to vector<16xi32>
        %add3A_173 = arith.addi %mul3A_3, %add3A_172 : vector<16xi32>
        tpu.vector_store_idx %arg8[%add3A_173], %get3A_167 : memref<24576xf32, #tpu.memory_space<vmem>>[vector<16xi32>], vector<16xf32>,
        %mul3A_174 = arith.constant 16 : i32
        %mul3A_175 = arith.muli %scan3A_89, %mul3A_174 : i32
        %get3A_176 = arith.constant 7 : i32
        %get3A_177 = arith.index_cast %get3A_176 : i32 to index
        %get3A_178 = arith.index_cast %mul3A_175 : i32 to index
        %get3A_179 = tpu.vector_load %arg6[%get3A_177, %get3A_178] {strides = array<i32>} : memref<16x1536xf32, #tpu.memory_space<vmem>>, vector<16xf32>,
        %mul3A_180 = arith.constant 256 : i32
        %mul3A_181 = arith.muli %scan3A_89, %mul3A_180 : i32
        %add3A_182 = arith.constant 7 : i32
        %add3A_183 = arith.addi %mul3A_181, %add3A_182 : i32
        %add3A_184 = vector.broadcast %add3A_183 : i32 to vector<16xi32>
        %add3A_185 = arith.addi %mul3A_3, %add3A_184 : vector<16xi32>
        tpu.vector_store_idx %arg8[%add3A_185], %get3A_179 : memref<24576xf32, #tpu.memory_space<vmem>>[vector<16xi32>], vector<16xf32>,
        %mul3A_186 = arith.constant 16 : i32
        %mul3A_187 = arith.muli %scan3A_89, %mul3A_186 : i32
        %get3A_188 = arith.constant 8 : i32
        %get3A_189 = arith.index_cast %get3A_188 : i32 to index
        %get3A_190 = arith.index_cast %mul3A_187 : i32 to index
        %get3A_191 = tpu.vector_load %arg6[%get3A_189, %get3A_190] {strides = array<i32>} : memref<16x1536xf32, #tpu.memory_space<vmem>>, vector<16xf32>,
        %mul3A_192 = arith.constant 256 : i32
        %mul3A_193 = arith.muli %scan3A_89, %mul3A_192 : i32
        %add3A_194 = arith.constant 8 : i32
        %add3A_195 = arith.addi %mul3A_193, %add3A_194 : i32
        %add3A_196 = vector.broadcast %add3A_195 : i32 to vector<16xi32>
        %add3A_197 = arith.addi %mul3A_3, %add3A_196 : vector<16xi32>
        tpu.vector_store_idx %arg8[%add3A_197], %get3A_191 : memref<24576xf32, #tpu.memory_space<vmem>>[vector<16xi32>], vector<16xf32>,
        %mul3A_198 = arith.constant 16 : i32
        %mul3A_199 = arith.muli %scan3A_89, %mul3A_198 : i32
        %get3A_200 = arith.constant 9 : i32
        %get3A_201 = arith.index_cast %get3A_200 : i32 to index
        %get3A_202 = arith.index_cast %mul3A_199 : i32 to index
        %get3A_203 = tpu.vector_load %arg6[%get3A_201, %get3A_202] {strides = array<i32>} : memref<16x1536xf32, #tpu.memory_space<vmem>>, vector<16xf32>,
        %mul3A_204 = arith.constant 256 : i32
        %mul3A_205 = arith.muli %scan3A_89, %mul3A_204 : i32
        %add3A_206 = arith.constant 9 : i32
        %add3A_207 = arith.addi %mul3A_205, %add3A_206 : i32
        %add3A_208 = vector.broadcast %add3A_207 : i32 to vector<16xi32>
        %add3A_209 = arith.addi %mul3A_3, %add3A_208 : vector<16xi32>
        tpu.vector_store_idx %arg8[%add3A_209], %get3A_203 : memref<24576xf32, #tpu.memory_space<vmem>>[vector<16xi32>], vector<16xf32>,
        %mul3A_210 = arith.constant 16 : i32
        %mul3A_211 = arith.muli %scan3A_89, %mul3A_210 : i32
        %get3A_212 = arith.constant 10 : i32
        %get3A_213 = arith.index_cast %get3A_212 : i32 to index
        %get3A_214 = arith.index_cast %mul3A_211 : i32 to index
        %get3A_215 = tpu.vector_load %arg6[%get3A_213, %get3A_214] {strides = array<i32>} : memref<16x1536xf32, #tpu.memory_space<vmem>>, vector<16xf32>,
        %mul3A_216 = arith.constant 256 : i32
        %mul3A_217 = arith.muli %scan3A_89, %mul3A_216 : i32
        %add3A_218 = arith.constant 10 : i32
        %add3A_219 = arith.addi %mul3A_217, %add3A_218 : i32
        %add3A_220 = vector.broadcast %add3A_219 : i32 to vector<16xi32>
        %add3A_221 = arith.addi %mul3A_3, %add3A_220 : vector<16xi32>
        tpu.vector_store_idx %arg8[%add3A_221], %get3A_215 : memref<24576xf32, #tpu.memory_space<vmem>>[vector<16xi32>], vector<16xf32>,
        %mul3A_222 = arith.constant 16 : i32
        %mul3A_223 = arith.muli %scan3A_89, %mul3A_222 : i32
        %get3A_224 = arith.constant 11 : i32
        %get3A_225 = arith.index_cast %get3A_224 : i32 to index
        %get3A_226 = arith.index_cast %mul3A_223 : i32 to index
        %get3A_227 = tpu.vector_load %arg6[%get3A_225, %get3A_226] {strides = array<i32>} : memref<16x1536xf32, #tpu.memory_space<vmem>>, vector<16xf32>,
        %mul3A_228 = arith.constant 256 : i32
        %mul3A_229 = arith.muli %scan3A_89, %mul3A_228 : i32
        %add3A_230 = arith.constant 11 : i32
        %add3A_231 = arith.addi %mul3A_229, %add3A_230 : i32
        %add3A_232 = vector.broadcast %add3A_231 : i32 to vector<16xi32>
        %add3A_233 = arith.addi %mul3A_3, %add3A_232 : vector<16xi32>
        tpu.vector_store_idx %arg8[%add3A_233], %get3A_227 : memref<24576xf32, #tpu.memory_space<vmem>>[vector<16xi32>], vector<16xf32>,
        %mul3A_234 = arith.constant 16 : i32
        %mul3A_235 = arith.muli %scan3A_89, %mul3A_234 : i32
        %get3A_236 = arith.constant 12 : i32
        %get3A_237 = arith.index_cast %get3A_236 : i32 to index
        %get3A_238 = arith.index_cast %mul3A_235 : i32 to index
        %get3A_239 = tpu.vector_load %arg6[%get3A_237, %get3A_238] {strides = array<i32>} : memref<16x1536xf32, #tpu.memory_space<vmem>>, vector<16xf32>,
        %mul3A_240 = arith.constant 256 : i32
        %mul3A_241 = arith.muli %scan3A_89, %mul3A_240 : i32
        %add3A_242 = arith.constant 12 : i32
        %add3A_243 = arith.addi %mul3A_241, %add3A_242 : i32
        %add3A_244 = vector.broadcast %add3A_243 : i32 to vector<16xi32>
        %add3A_245 = arith.addi %mul3A_3, %add3A_244 : vector<16xi32>
        tpu.vector_store_idx %arg8[%add3A_245], %get3A_239 : memref<24576xf32, #tpu.memory_space<vmem>>[vector<16xi32>], vector<16xf32>,
        %mul3A_246 = arith.constant 16 : i32
        %mul3A_247 = arith.muli %scan3A_89, %mul3A_246 : i32
        %get3A_248 = arith.constant 13 : i32
        %get3A_249 = arith.index_cast %get3A_248 : i32 to index
        %get3A_250 = arith.index_cast %mul3A_247 : i32 to index
        %get3A_251 = tpu.vector_load %arg6[%get3A_249, %get3A_250] {strides = array<i32>} : memref<16x1536xf32, #tpu.memory_space<vmem>>, vector<16xf32>,
        %mul3A_252 = arith.constant 256 : i32
        %mul3A_253 = arith.muli %scan3A_89, %mul3A_252 : i32
        %add3A_254 = arith.constant 13 : i32
        %add3A_255 = arith.addi %mul3A_253, %add3A_254 : i32
        %add3A_256 = vector.broadcast %add3A_255 : i32 to vector<16xi32>
        %add3A_257 = arith.addi %mul3A_3, %add3A_256 : vector<16xi32>
        tpu.vector_store_idx %arg8[%add3A_257], %get3A_251 : memref<24576xf32, #tpu.memory_space<vmem>>[vector<16xi32>], vector<16xf32>,
        %mul3A_258 = arith.constant 16 : i32
        %mul3A_259 = arith.muli %scan3A_89, %mul3A_258 : i32
        %get3A_260 = arith.constant 14 : i32
        %get3A_261 = arith.index_cast %get3A_260 : i32 to index
        %get3A_262 = arith.index_cast %mul3A_259 : i32 to index
        %get3A_263 = tpu.vector_load %arg6[%get3A_261, %get3A_262] {strides = array<i32>} : memref<16x1536xf32, #tpu.memory_space<vmem>>, vector<16xf32>,
        %mul3A_264 = arith.constant 256 : i32
        %mul3A_265 = arith.muli %scan3A_89, %mul3A_264 : i32
        %add3A_266 = arith.constant 14 : i32
        %add3A_267 = arith.addi %mul3A_265, %add3A_266 : i32
        %add3A_268 = vector.broadcast %add3A_267 : i32 to vector<16xi32>
        %add3A_269 = arith.addi %mul3A_3, %add3A_268 : vector<16xi32>
        tpu.vector_store_idx %arg8[%add3A_269], %get3A_263 : memref<24576xf32, #tpu.memory_space<vmem>>[vector<16xi32>], vector<16xf32>,
        %mul3A_270 = arith.constant 16 : i32
        %mul3A_271 = arith.muli %scan3A_89, %mul3A_270 : i32
        %get3A_272 = arith.constant 15 : i32
        %get3A_273 = arith.index_cast %get3A_272 : i32 to index
        %get3A_274 = arith.index_cast %mul3A_271 : i32 to index
        %get3A_275 = tpu.vector_load %arg6[%get3A_273, %get3A_274] {strides = array<i32>} : memref<16x1536xf32, #tpu.memory_space<vmem>>, vector<16xf32>,
        %mul3A_276 = arith.constant 256 : i32
        %mul3A_277 = arith.muli %scan3A_89, %mul3A_276 : i32
        %add3A_278 = arith.constant 15 : i32
        %add3A_279 = arith.addi %mul3A_277, %add3A_278 : i32
        %add3A_280 = vector.broadcast %add3A_279 : i32 to vector<16xi32>
        %add3A_281 = arith.addi %mul3A_3, %add3A_280 : vector<16xi32>
        tpu.vector_store_idx %arg8[%add3A_281], %get3A_275 : memref<24576xf32, #tpu.memory_space<vmem>>[vector<16xi32>], vector<16xf32>,
        %scan3A_282 = arith.constant 0 : i32
        %scan3A_283 = arith.constant 1 : i32
        %scan3A_284 = arith.addi %scan3A_89, %scan3A_283 : i32
        %mul3A_285 = arith.constant 16 : i32
        %mul3A_286 = arith.muli %scan3A_284, %mul3A_285 : i32
        %get3A_287 = arith.constant 0 : i32
        %get3A_288 = arith.index_cast %get3A_287 : i32 to index
        %get3A_289 = arith.index_cast %mul3A_286 : i32 to index
        %get3A_290 = tpu.vector_load %arg6[%get3A_288, %get3A_289] {strides = array<i32>} : memref<16x1536xf32, #tpu.memory_space<vmem>>, vector<16xf32>,
        %mul3A_291 = arith.constant 256 : i32
        %mul3A_292 = arith.muli %scan3A_284, %mul3A_291 : i32
        %add3A_293 = arith.constant 0 : i32
        %add3A_294 = arith.addi %mul3A_292, %add3A_293 : i32
        %add3A_295 = vector.broadcast %add3A_294 : i32 to vector<16xi32>
        %add3A_296 = arith.addi %mul3A_3, %add3A_295 : vector<16xi32>
        tpu.vector_store_idx %arg8[%add3A_296], %get3A_290 : memref<24576xf32, #tpu.memory_space<vmem>>[vector<16xi32>], vector<16xf32>,
        %mul3A_297 = arith.constant 16 : i32
        %mul3A_298 = arith.muli %scan3A_284, %mul3A_297 : i32
        %get3A_299 = arith.constant 1 : i32
        %get3A_300 = arith.index_cast %get3A_299 : i32 to index
        %get3A_301 = arith.index_cast %mul3A_298 : i32 to index
        %get3A_302 = tpu.vector_load %arg6[%get3A_300, %get3A_301] {strides = array<i32>} : memref<16x1536xf32, #tpu.memory_space<vmem>>, vector<16xf32>,
        %mul3A_303 = arith.constant 256 : i32
        %mul3A_304 = arith.muli %scan3A_284, %mul3A_303 : i32
        %add3A_305 = arith.constant 1 : i32
        %add3A_306 = arith.addi %mul3A_304, %add3A_305 : i32
        %add3A_307 = vector.broadcast %add3A_306 : i32 to vector<16xi32>
        %add3A_308 = arith.addi %mul3A_3, %add3A_307 : vector<16xi32>
        tpu.vector_store_idx %arg8[%add3A_308], %get3A_302 : memref<24576xf32, #tpu.memory_space<vmem>>[vector<16xi32>], vector<16xf32>,
        %mul3A_309 = arith.constant 16 : i32
        %mul3A_310 = arith.muli %scan3A_284, %mul3A_309 : i32
        %get3A_311 = arith.constant 2 : i32
        %get3A_312 = arith.index_cast %get3A_311 : i32 to index
        %get3A_313 = arith.index_cast %mul3A_310 : i32 to index
        %get3A_314 = tpu.vector_load %arg6[%get3A_312, %get3A_313] {strides = array<i32>} : memref<16x1536xf32, #tpu.memory_space<vmem>>, vector<16xf32>,
        %mul3A_315 = arith.constant 256 : i32
        %mul3A_316 = arith.muli %scan3A_284, %mul3A_315 : i32
        %add3A_317 = arith.constant 2 : i32
        %add3A_318 = arith.addi %mul3A_316, %add3A_317 : i32
        %add3A_319 = vector.broadcast %add3A_318 : i32 to vector<16xi32>
        %add3A_320 = arith.addi %mul3A_3, %add3A_319 : vector<16xi32>
        tpu.vector_store_idx %arg8[%add3A_320], %get3A_314 : memref<24576xf32, #tpu.memory_space<vmem>>[vector<16xi32>], vector<16xf32>,
        %mul3A_321 = arith.constant 16 : i32
        %mul3A_322 = arith.muli %scan3A_284, %mul3A_321 : i32
        %get3A_323 = arith.constant 3 : i32
        %get3A_324 = arith.index_cast %get3A_323 : i32 to index
        %get3A_325 = arith.index_cast %mul3A_322 : i32 to index
        %get3A_326 = tpu.vector_load %arg6[%get3A_324, %get3A_325] {strides = array<i32>} : memref<16x1536xf32, #tpu.memory_space<vmem>>, vector<16xf32>,
        %mul3A_327 = arith.constant 256 : i32
        %mul3A_328 = arith.muli %scan3A_284, %mul3A_327 : i32
        %add3A_329 = arith.constant 3 : i32
        %add3A_330 = arith.addi %mul3A_328, %add3A_329 : i32
        %add3A_331 = vector.broadcast %add3A_330 : i32 to vector<16xi32>
        %add3A_332 = arith.addi %mul3A_3, %add3A_331 : vector<16xi32>
        tpu.vector_store_idx %arg8[%add3A_332], %get3A_326 : memref<24576xf32, #tpu.memory_space<vmem>>[vector<16xi32>], vector<16xf32>,
        %mul3A_333 = arith.constant 16 : i32
        %mul3A_334 = arith.muli %scan3A_284, %mul3A_333 : i32
        %get3A_335 = arith.constant 4 : i32
        %get3A_336 = arith.index_cast %get3A_335 : i32 to index
        %get3A_337 = arith.index_cast %mul3A_334 : i32 to index
        %get3A_338 = tpu.vector_load %arg6[%get3A_336, %get3A_337] {strides = array<i32>} : memref<16x1536xf32, #tpu.memory_space<vmem>>, vector<16xf32>,
        %mul3A_339 = arith.constant 256 : i32
        %mul3A_340 = arith.muli %scan3A_284, %mul3A_339 : i32
        %add3A_341 = arith.constant 4 : i32
        %add3A_342 = arith.addi %mul3A_340, %add3A_341 : i32
        %add3A_343 = vector.broadcast %add3A_342 : i32 to vector<16xi32>
        %add3A_344 = arith.addi %mul3A_3, %add3A_343 : vector<16xi32>
        tpu.vector_store_idx %arg8[%add3A_344], %get3A_338 : memref<24576xf32, #tpu.memory_space<vmem>>[vector<16xi32>], vector<16xf32>,
        %mul3A_345 = arith.constant 16 : i32
        %mul3A_346 = arith.muli %scan3A_284, %mul3A_345 : i32
        %get3A_347 = arith.constant 5 : i32
        %get3A_348 = arith.index_cast %get3A_347 : i32 to index
        %get3A_349 = arith.index_cast %mul3A_346 : i32 to index
        %get3A_350 = tpu.vector_load %arg6[%get3A_348, %get3A_349] {strides = array<i32>} : memref<16x1536xf32, #tpu.memory_space<vmem>>, vector<16xf32>,
        %mul3A_351 = arith.constant 256 : i32
        %mul3A_352 = arith.muli %scan3A_284, %mul3A_351 : i32
        %add3A_353 = arith.constant 5 : i32
        %add3A_354 = arith.addi %mul3A_352, %add3A_353 : i32
        %add3A_355 = vector.broadcast %add3A_354 : i32 to vector<16xi32>
        %add3A_356 = arith.addi %mul3A_3, %add3A_355 : vector<16xi32>
        tpu.vector_store_idx %arg8[%add3A_356], %get3A_350 : memref<24576xf32, #tpu.memory_space<vmem>>[vector<16xi32>], vector<16xf32>,
        %mul3A_357 = arith.constant 16 : i32
        %mul3A_358 = arith.muli %scan3A_284, %mul3A_357 : i32
        %get3A_359 = arith.constant 6 : i32
        %get3A_360 = arith.index_cast %get3A_359 : i32 to index
        %get3A_361 = arith.index_cast %mul3A_358 : i32 to index
        %get3A_362 = tpu.vector_load %arg6[%get3A_360, %get3A_361] {strides = array<i32>} : memref<16x1536xf32, #tpu.memory_space<vmem>>, vector<16xf32>,
        %mul3A_363 = arith.constant 256 : i32
        %mul3A_364 = arith.muli %scan3A_284, %mul3A_363 : i32
        %add3A_365 = arith.constant 6 : i32
        %add3A_366 = arith.addi %mul3A_364, %add3A_365 : i32
        %add3A_367 = vector.broadcast %add3A_366 : i32 to vector<16xi32>
        %add3A_368 = arith.addi %mul3A_3, %add3A_367 : vector<16xi32>
        tpu.vector_store_idx %arg8[%add3A_368], %get3A_362 : memref<24576xf32, #tpu.memory_space<vmem>>[vector<16xi32>], vector<16xf32>,
        %mul3A_369 = arith.constant 16 : i32
        %mul3A_370 = arith.muli %scan3A_284, %mul3A_369 : i32
        %get3A_371 = arith.constant 7 : i32
        %get3A_372 = arith.index_cast %get3A_371 : i32 to index
        %get3A_373 = arith.index_cast %mul3A_370 : i32 to index
        %get3A_374 = tpu.vector_load %arg6[%get3A_372, %get3A_373] {strides = array<i32>} : memref<16x1536xf32, #tpu.memory_space<vmem>>, vector<16xf32>,
        %mul3A_375 = arith.constant 256 : i32
        %mul3A_376 = arith.muli %scan3A_284, %mul3A_375 : i32
        %add3A_377 = arith.constant 7 : i32
        %add3A_378 = arith.addi %mul3A_376, %add3A_377 : i32
        %add3A_379 = vector.broadcast %add3A_378 : i32 to vector<16xi32>
        %add3A_380 = arith.addi %mul3A_3, %add3A_379 : vector<16xi32>
        tpu.vector_store_idx %arg8[%add3A_380], %get3A_374 : memref<24576xf32, #tpu.memory_space<vmem>>[vector<16xi32>], vector<16xf32>,
        %mul3A_381 = arith.constant 16 : i32
        %mul3A_382 = arith.muli %scan3A_284, %mul3A_381 : i32
        %get3A_383 = arith.constant 8 : i32
        %get3A_384 = arith.index_cast %get3A_383 : i32 to index
        %get3A_385 = arith.index_cast %mul3A_382 : i32 to index
        %get3A_386 = tpu.vector_load %arg6[%get3A_384, %get3A_385] {strides = array<i32>} : memref<16x1536xf32, #tpu.memory_space<vmem>>, vector<16xf32>,
        %mul3A_387 = arith.constant 256 : i32
        %mul3A_388 = arith.muli %scan3A_284, %mul3A_387 : i32
        %add3A_389 = arith.constant 8 : i32
        %add3A_390 = arith.addi %mul3A_388, %add3A_389 : i32
        %add3A_391 = vector.broadcast %add3A_390 : i32 to vector<16xi32>
        %add3A_392 = arith.addi %mul3A_3, %add3A_391 : vector<16xi32>
        tpu.vector_store_idx %arg8[%add3A_392], %get3A_386 : memref<24576xf32, #tpu.memory_space<vmem>>[vector<16xi32>], vector<16xf32>,
        %mul3A_393 = arith.constant 16 : i32
        %mul3A_394 = arith.muli %scan3A_284, %mul3A_393 : i32
        %get3A_395 = arith.constant 9 : i32
        %get3A_396 = arith.index_cast %get3A_395 : i32 to index
        %get3A_397 = arith.index_cast %mul3A_394 : i32 to index
        %get3A_398 = tpu.vector_load %arg6[%get3A_396, %get3A_397] {strides = array<i32>} : memref<16x1536xf32, #tpu.memory_space<vmem>>, vector<16xf32>,
        %mul3A_399 = arith.constant 256 : i32
        %mul3A_400 = arith.muli %scan3A_284, %mul3A_399 : i32
        %add3A_401 = arith.constant 9 : i32
        %add3A_402 = arith.addi %mul3A_400, %add3A_401 : i32
        %add3A_403 = vector.broadcast %add3A_402 : i32 to vector<16xi32>
        %add3A_404 = arith.addi %mul3A_3, %add3A_403 : vector<16xi32>
        tpu.vector_store_idx %arg8[%add3A_404], %get3A_398 : memref<24576xf32, #tpu.memory_space<vmem>>[vector<16xi32>], vector<16xf32>,
        %mul3A_405 = arith.constant 16 : i32
        %mul3A_406 = arith.muli %scan3A_284, %mul3A_405 : i32
        %get3A_407 = arith.constant 10 : i32
        %get3A_408 = arith.index_cast %get3A_407 : i32 to index
        %get3A_409 = arith.index_cast %mul3A_406 : i32 to index
        %get3A_410 = tpu.vector_load %arg6[%get3A_408, %get3A_409] {strides = array<i32>} : memref<16x1536xf32, #tpu.memory_space<vmem>>, vector<16xf32>,
        %mul3A_411 = arith.constant 256 : i32
        %mul3A_412 = arith.muli %scan3A_284, %mul3A_411 : i32
        %add3A_413 = arith.constant 10 : i32
        %add3A_414 = arith.addi %mul3A_412, %add3A_413 : i32
        %add3A_415 = vector.broadcast %add3A_414 : i32 to vector<16xi32>
        %add3A_416 = arith.addi %mul3A_3, %add3A_415 : vector<16xi32>
        tpu.vector_store_idx %arg8[%add3A_416], %get3A_410 : memref<24576xf32, #tpu.memory_space<vmem>>[vector<16xi32>], vector<16xf32>,
        %mul3A_417 = arith.constant 16 : i32
        %mul3A_418 = arith.muli %scan3A_284, %mul3A_417 : i32
        %get3A_419 = arith.constant 11 : i32
        %get3A_420 = arith.index_cast %get3A_419 : i32 to index
        %get3A_421 = arith.index_cast %mul3A_418 : i32 to index
        %get3A_422 = tpu.vector_load %arg6[%get3A_420, %get3A_421] {strides = array<i32>} : memref<16x1536xf32, #tpu.memory_space<vmem>>, vector<16xf32>,
        %mul3A_423 = arith.constant 256 : i32
        %mul3A_424 = arith.muli %scan3A_284, %mul3A_423 : i32
        %add3A_425 = arith.constant 11 : i32
        %add3A_426 = arith.addi %mul3A_424, %add3A_425 : i32
        %add3A_427 = vector.broadcast %add3A_426 : i32 to vector<16xi32>
        %add3A_428 = arith.addi %mul3A_3, %add3A_427 : vector<16xi32>
        tpu.vector_store_idx %arg8[%add3A_428], %get3A_422 : memref<24576xf32, #tpu.memory_space<vmem>>[vector<16xi32>], vector<16xf32>,
        %mul3A_429 = arith.constant 16 : i32
        %mul3A_430 = arith.muli %scan3A_284, %mul3A_429 : i32
        %get3A_431 = arith.constant 12 : i32
        %get3A_432 = arith.index_cast %get3A_431 : i32 to index
        %get3A_433 = arith.index_cast %mul3A_430 : i32 to index
        %get3A_434 = tpu.vector_load %arg6[%get3A_432, %get3A_433] {strides = array<i32>} : memref<16x1536xf32, #tpu.memory_space<vmem>>, vector<16xf32>,
        %mul3A_435 = arith.constant 256 : i32
        %mul3A_436 = arith.muli %scan3A_284, %mul3A_435 : i32
        %add3A_437 = arith.constant 12 : i32
        %add3A_438 = arith.addi %mul3A_436, %add3A_437 : i32
        %add3A_439 = vector.broadcast %add3A_438 : i32 to vector<16xi32>
        %add3A_440 = arith.addi %mul3A_3, %add3A_439 : vector<16xi32>
        tpu.vector_store_idx %arg8[%add3A_440], %get3A_434 : memref<24576xf32, #tpu.memory_space<vmem>>[vector<16xi32>], vector<16xf32>,
        %mul3A_441 = arith.constant 16 : i32
        %mul3A_442 = arith.muli %scan3A_284, %mul3A_441 : i32
        %get3A_443 = arith.constant 13 : i32
        %get3A_444 = arith.index_cast %get3A_443 : i32 to index
        %get3A_445 = arith.index_cast %mul3A_442 : i32 to index
        %get3A_446 = tpu.vector_load %arg6[%get3A_444, %get3A_445] {strides = array<i32>} : memref<16x1536xf32, #tpu.memory_space<vmem>>, vector<16xf32>,
        %mul3A_447 = arith.constant 256 : i32
        %mul3A_448 = arith.muli %scan3A_284, %mul3A_447 : i32
        %add3A_449 = arith.constant 13 : i32
        %add3A_450 = arith.addi %mul3A_448, %add3A_449 : i32
        %add3A_451 = vector.broadcast %add3A_450 : i32 to vector<16xi32>
        %add3A_452 = arith.addi %mul3A_3, %add3A_451 : vector<16xi32>
        tpu.vector_store_idx %arg8[%add3A_452], %get3A_446 : memref<24576xf32, #tpu.memory_space<vmem>>[vector<16xi32>], vector<16xf32>,
        %mul3A_453 = arith.constant 16 : i32
        %mul3A_454 = arith.muli %scan3A_284, %mul3A_453 : i32
        %get3A_455 = arith.constant 14 : i32
        %get3A_456 = arith.index_cast %get3A_455 : i32 to index
        %get3A_457 = arith.index_cast %mul3A_454 : i32 to index
        %get3A_458 = tpu.vector_load %arg6[%get3A_456, %get3A_457] {strides = array<i32>} : memref<16x1536xf32, #tpu.memory_space<vmem>>, vector<16xf32>,
        %mul3A_459 = arith.constant 256 : i32
        %mul3A_460 = arith.muli %scan3A_284, %mul3A_459 : i32
        %add3A_461 = arith.constant 14 : i32
        %add3A_462 = arith.addi %mul3A_460, %add3A_461 : i32
        %add3A_463 = vector.broadcast %add3A_462 : i32 to vector<16xi32>
        %add3A_464 = arith.addi %mul3A_3, %add3A_463 : vector<16xi32>
        tpu.vector_store_idx %arg8[%add3A_464], %get3A_458 : memref<24576xf32, #tpu.memory_space<vmem>>[vector<16xi32>], vector<16xf32>,
        %mul3A_465 = arith.constant 16 : i32
        %mul3A_466 = arith.muli %scan3A_284, %mul3A_465 : i32
        %get3A_467 = arith.constant 15 : i32
        %get3A_468 = arith.index_cast %get3A_467 : i32 to index
        %get3A_469 = arith.index_cast %mul3A_466 : i32 to index
        %get3A_470 = tpu.vector_load %arg6[%get3A_468, %get3A_469] {strides = array<i32>} : memref<16x1536xf32, #tpu.memory_space<vmem>>, vector<16xf32>,
        %mul3A_471 = arith.constant 256 : i32
        %mul3A_472 = arith.muli %scan3A_284, %mul3A_471 : i32
        %add3A_473 = arith.constant 15 : i32
        %add3A_474 = arith.addi %mul3A_472, %add3A_473 : i32
        %add3A_475 = vector.broadcast %add3A_474 : i32 to vector<16xi32>
        %add3A_476 = arith.addi %mul3A_3, %add3A_475 : vector<16xi32>
        tpu.vector_store_idx %arg8[%add3A_476], %get3A_470 : memref<24576xf32, #tpu.memory_space<vmem>>[vector<16xi32>], vector<16xf32>,
        %scan3A_477 = arith.constant 0 : i32
        %scan3A_478 = arith.constant 2 : i32
        %scan3A_479 = arith.addi %scan3A_89, %scan3A_478 : i32
        %mul3A_480 = arith.constant 16 : i32
        %mul3A_481 = arith.muli %scan3A_479, %mul3A_480 : i32
        %get3A_482 = arith.constant 0 : i32
        %get3A_483 = arith.index_cast %get3A_482 : i32 to index
        %get3A_484 = arith.index_cast %mul3A_481 : i32 to index
        %get3A_485 = tpu.vector_load %arg6[%get3A_483, %get3A_484] {strides = array<i32>} : memref<16x1536xf32, #tpu.memory_space<vmem>>, vector<16xf32>,
        %mul3A_486 = arith.constant 256 : i32
        %mul3A_487 = arith.muli %scan3A_479, %mul3A_486 : i32
        %add3A_488 = arith.constant 0 : i32
        %add3A_489 = arith.addi %mul3A_487, %add3A_488 : i32
        %add3A_490 = vector.broadcast %add3A_489 : i32 to vector<16xi32>
        %add3A_491 = arith.addi %mul3A_3, %add3A_490 : vector<16xi32>
        tpu.vector_store_idx %arg8[%add3A_491], %get3A_485 : memref<24576xf32, #tpu.memory_space<vmem>>[vector<16xi32>], vector<16xf32>,
        %mul3A_492 = arith.constant 16 : i32
        %mul3A_493 = arith.muli %scan3A_479, %mul3A_492 : i32
        %get3A_494 = arith.constant 1 : i32
        %get3A_495 = arith.index_cast %get3A_494 : i32 to index
        %get3A_496 = arith.index_cast %mul3A_493 : i32 to index
        %get3A_497 = tpu.vector_load %arg6[%get3A_495, %get3A_496] {strides = array<i32>} : memref<16x1536xf32, #tpu.memory_space<vmem>>, vector<16xf32>,
        %mul3A_498 = arith.constant 256 : i32
        %mul3A_499 = arith.muli %scan3A_479, %mul3A_498 : i32
        %add3A_500 = arith.constant 1 : i32
        %add3A_501 = arith.addi %mul3A_499, %add3A_500 : i32
        %add3A_502 = vector.broadcast %add3A_501 : i32 to vector<16xi32>
        %add3A_503 = arith.addi %mul3A_3, %add3A_502 : vector<16xi32>
        tpu.vector_store_idx %arg8[%add3A_503], %get3A_497 : memref<24576xf32, #tpu.memory_space<vmem>>[vector<16xi32>], vector<16xf32>,
        %mul3A_504 = arith.constant 16 : i32
        %mul3A_505 = arith.muli %scan3A_479, %mul3A_504 : i32
        %get3A_506 = arith.constant 2 : i32
        %get3A_507 = arith.index_cast %get3A_506 : i32 to index
        %get3A_508 = arith.index_cast %mul3A_505 : i32 to index
        %get3A_509 = tpu.vector_load %arg6[%get3A_507, %get3A_508] {strides = array<i32>} : memref<16x1536xf32, #tpu.memory_space<vmem>>, vector<16xf32>,
        %mul3A_510 = arith.constant 256 : i32
        %mul3A_511 = arith.muli %scan3A_479, %mul3A_510 : i32
        %add3A_512 = arith.constant 2 : i32
        %add3A_513 = arith.addi %mul3A_511, %add3A_512 : i32
        %add3A_514 = vector.broadcast %add3A_513 : i32 to vector<16xi32>
        %add3A_515 = arith.addi %mul3A_3, %add3A_514 : vector<16xi32>
        tpu.vector_store_idx %arg8[%add3A_515], %get3A_509 : memref<24576xf32, #tpu.memory_space<vmem>>[vector<16xi32>], vector<16xf32>,
        %mul3A_516 = arith.constant 16 : i32
        %mul3A_517 = arith.muli %scan3A_479, %mul3A_516 : i32
        %get3A_518 = arith.constant 3 : i32
        %get3A_519 = arith.index_cast %get3A_518 : i32 to index
        %get3A_520 = arith.index_cast %mul3A_517 : i32 to index
        %get3A_521 = tpu.vector_load %arg6[%get3A_519, %get3A_520] {strides = array<i32>} : memref<16x1536xf32, #tpu.memory_space<vmem>>, vector<16xf32>,
        %mul3A_522 = arith.constant 256 : i32
        %mul3A_523 = arith.muli %scan3A_479, %mul3A_522 : i32
        %add3A_524 = arith.constant 3 : i32
        %add3A_525 = arith.addi %mul3A_523, %add3A_524 : i32
        %add3A_526 = vector.broadcast %add3A_525 : i32 to vector<16xi32>
        %add3A_527 = arith.addi %mul3A_3, %add3A_526 : vector<16xi32>
        tpu.vector_store_idx %arg8[%add3A_527], %get3A_521 : memref<24576xf32, #tpu.memory_space<vmem>>[vector<16xi32>], vector<16xf32>,
        %mul3A_528 = arith.constant 16 : i32
        %mul3A_529 = arith.muli %scan3A_479, %mul3A_528 : i32
        %get3A_530 = arith.constant 4 : i32
        %get3A_531 = arith.index_cast %get3A_530 : i32 to index
        %get3A_532 = arith.index_cast %mul3A_529 : i32 to index
        %get3A_533 = tpu.vector_load %arg6[%get3A_531, %get3A_532] {strides = array<i32>} : memref<16x1536xf32, #tpu.memory_space<vmem>>, vector<16xf32>,
        %mul3A_534 = arith.constant 256 : i32
        %mul3A_535 = arith.muli %scan3A_479, %mul3A_534 : i32
        %add3A_536 = arith.constant 4 : i32
        %add3A_537 = arith.addi %mul3A_535, %add3A_536 : i32
        %add3A_538 = vector.broadcast %add3A_537 : i32 to vector<16xi32>
        %add3A_539 = arith.addi %mul3A_3, %add3A_538 : vector<16xi32>
        tpu.vector_store_idx %arg8[%add3A_539], %get3A_533 : memref<24576xf32, #tpu.memory_space<vmem>>[vector<16xi32>], vector<16xf32>,
        %mul3A_540 = arith.constant 16 : i32
        %mul3A_541 = arith.muli %scan3A_479, %mul3A_540 : i32
        %get3A_542 = arith.constant 5 : i32
        %get3A_543 = arith.index_cast %get3A_542 : i32 to index
        %get3A_544 = arith.index_cast %mul3A_541 : i32 to index
        %get3A_545 = tpu.vector_load %arg6[%get3A_543, %get3A_544] {strides = array<i32>} : memref<16x1536xf32, #tpu.memory_space<vmem>>, vector<16xf32>,
        %mul3A_546 = arith.constant 256 : i32
        %mul3A_547 = arith.muli %scan3A_479, %mul3A_546 : i32
        %add3A_548 = arith.constant 5 : i32
        %add3A_549 = arith.addi %mul3A_547, %add3A_548 : i32
        %add3A_550 = vector.broadcast %add3A_549 : i32 to vector<16xi32>
        %add3A_551 = arith.addi %mul3A_3, %add3A_550 : vector<16xi32>
        tpu.vector_store_idx %arg8[%add3A_551], %get3A_545 : memref<24576xf32, #tpu.memory_space<vmem>>[vector<16xi32>], vector<16xf32>,
        %mul3A_552 = arith.constant 16 : i32
        %mul3A_553 = arith.muli %scan3A_479, %mul3A_552 : i32
        %get3A_554 = arith.constant 6 : i32
        %get3A_555 = arith.index_cast %get3A_554 : i32 to index
        %get3A_556 = arith.index_cast %mul3A_553 : i32 to index
        %get3A_557 = tpu.vector_load %arg6[%get3A_555, %get3A_556] {strides = array<i32>} : memref<16x1536xf32, #tpu.memory_space<vmem>>, vector<16xf32>,
        %mul3A_558 = arith.constant 256 : i32
        %mul3A_559 = arith.muli %scan3A_479, %mul3A_558 : i32
        %add3A_560 = arith.constant 6 : i32
        %add3A_561 = arith.addi %mul3A_559, %add3A_560 : i32
        %add3A_562 = vector.broadcast %add3A_561 : i32 to vector<16xi32>
        %add3A_563 = arith.addi %mul3A_3, %add3A_562 : vector<16xi32>
        tpu.vector_store_idx %arg8[%add3A_563], %get3A_557 : memref<24576xf32, #tpu.memory_space<vmem>>[vector<16xi32>], vector<16xf32>,
        %mul3A_564 = arith.constant 16 : i32
        %mul3A_565 = arith.muli %scan3A_479, %mul3A_564 : i32
        %get3A_566 = arith.constant 7 : i32
        %get3A_567 = arith.index_cast %get3A_566 : i32 to index
        %get3A_568 = arith.index_cast %mul3A_565 : i32 to index
        %get3A_569 = tpu.vector_load %arg6[%get3A_567, %get3A_568] {strides = array<i32>} : memref<16x1536xf32, #tpu.memory_space<vmem>>, vector<16xf32>,
        %mul3A_570 = arith.constant 256 : i32
        %mul3A_571 = arith.muli %scan3A_479, %mul3A_570 : i32
        %add3A_572 = arith.constant 7 : i32
        %add3A_573 = arith.addi %mul3A_571, %add3A_572 : i32
        %add3A_574 = vector.broadcast %add3A_573 : i32 to vector<16xi32>
        %add3A_575 = arith.addi %mul3A_3, %add3A_574 : vector<16xi32>
        tpu.vector_store_idx %arg8[%add3A_575], %get3A_569 : memref<24576xf32, #tpu.memory_space<vmem>>[vector<16xi32>], vector<16xf32>,
        %mul3A_576 = arith.constant 16 : i32
        %mul3A_577 = arith.muli %scan3A_479, %mul3A_576 : i32
        %get3A_578 = arith.constant 8 : i32
        %get3A_579 = arith.index_cast %get3A_578 : i32 to index
        %get3A_580 = arith.index_cast %mul3A_577 : i32 to index
        %get3A_581 = tpu.vector_load %arg6[%get3A_579, %get3A_580] {strides = array<i32>} : memref<16x1536xf32, #tpu.memory_space<vmem>>, vector<16xf32>,
        %mul3A_582 = arith.constant 256 : i32
        %mul3A_583 = arith.muli %scan3A_479, %mul3A_582 : i32
        %add3A_584 = arith.constant 8 : i32
        %add3A_585 = arith.addi %mul3A_583, %add3A_584 : i32
        %add3A_586 = vector.broadcast %add3A_585 : i32 to vector<16xi32>
        %add3A_587 = arith.addi %mul3A_3, %add3A_586 : vector<16xi32>
        tpu.vector_store_idx %arg8[%add3A_587], %get3A_581 : memref<24576xf32, #tpu.memory_space<vmem>>[vector<16xi32>], vector<16xf32>,
        %mul3A_588 = arith.constant 16 : i32
        %mul3A_589 = arith.muli %scan3A_479, %mul3A_588 : i32
        %get3A_590 = arith.constant 9 : i32
        %get3A_591 = arith.index_cast %get3A_590 : i32 to index
        %get3A_592 = arith.index_cast %mul3A_589 : i32 to index
        %get3A_593 = tpu.vector_load %arg6[%get3A_591, %get3A_592] {strides = array<i32>} : memref<16x1536xf32, #tpu.memory_space<vmem>>, vector<16xf32>,
        %mul3A_594 = arith.constant 256 : i32
        %mul3A_595 = arith.muli %scan3A_479, %mul3A_594 : i32
        %add3A_596 = arith.constant 9 : i32
        %add3A_597 = arith.addi %mul3A_595, %add3A_596 : i32
        %add3A_598 = vector.broadcast %add3A_597 : i32 to vector<16xi32>
        %add3A_599 = arith.addi %mul3A_3, %add3A_598 : vector<16xi32>
        tpu.vector_store_idx %arg8[%add3A_599], %get3A_593 : memref<24576xf32, #tpu.memory_space<vmem>>[vector<16xi32>], vector<16xf32>,
        %mul3A_600 = arith.constant 16 : i32
        %mul3A_601 = arith.muli %scan3A_479, %mul3A_600 : i32
        %get3A_602 = arith.constant 10 : i32
        %get3A_603 = arith.index_cast %get3A_602 : i32 to index
        %get3A_604 = arith.index_cast %mul3A_601 : i32 to index
        %get3A_605 = tpu.vector_load %arg6[%get3A_603, %get3A_604] {strides = array<i32>} : memref<16x1536xf32, #tpu.memory_space<vmem>>, vector<16xf32>,
        %mul3A_606 = arith.constant 256 : i32
        %mul3A_607 = arith.muli %scan3A_479, %mul3A_606 : i32
        %add3A_608 = arith.constant 10 : i32
        %add3A_609 = arith.addi %mul3A_607, %add3A_608 : i32
        %add3A_610 = vector.broadcast %add3A_609 : i32 to vector<16xi32>
        %add3A_611 = arith.addi %mul3A_3, %add3A_610 : vector<16xi32>
        tpu.vector_store_idx %arg8[%add3A_611], %get3A_605 : memref<24576xf32, #tpu.memory_space<vmem>>[vector<16xi32>], vector<16xf32>,
        %mul3A_612 = arith.constant 16 : i32
        %mul3A_613 = arith.muli %scan3A_479, %mul3A_612 : i32
        %get3A_614 = arith.constant 11 : i32
        %get3A_615 = arith.index_cast %get3A_614 : i32 to index
        %get3A_616 = arith.index_cast %mul3A_613 : i32 to index
        %get3A_617 = tpu.vector_load %arg6[%get3A_615, %get3A_616] {strides = array<i32>} : memref<16x1536xf32, #tpu.memory_space<vmem>>, vector<16xf32>,
        %mul3A_618 = arith.constant 256 : i32
        %mul3A_619 = arith.muli %scan3A_479, %mul3A_618 : i32
        %add3A_620 = arith.constant 11 : i32
        %add3A_621 = arith.addi %mul3A_619, %add3A_620 : i32
        %add3A_622 = vector.broadcast %add3A_621 : i32 to vector<16xi32>
        %add3A_623 = arith.addi %mul3A_3, %add3A_622 : vector<16xi32>
        tpu.vector_store_idx %arg8[%add3A_623], %get3A_617 : memref<24576xf32, #tpu.memory_space<vmem>>[vector<16xi32>], vector<16xf32>,
        %mul3A_624 = arith.constant 16 : i32
        %mul3A_625 = arith.muli %scan3A_479, %mul3A_624 : i32
        %get3A_626 = arith.constant 12 : i32
        %get3A_627 = arith.index_cast %get3A_626 : i32 to index
        %get3A_628 = arith.index_cast %mul3A_625 : i32 to index
        %get3A_629 = tpu.vector_load %arg6[%get3A_627, %get3A_628] {strides = array<i32>} : memref<16x1536xf32, #tpu.memory_space<vmem>>, vector<16xf32>,
        %mul3A_630 = arith.constant 256 : i32
        %mul3A_631 = arith.muli %scan3A_479, %mul3A_630 : i32
        %add3A_632 = arith.constant 12 : i32
        %add3A_633 = arith.addi %mul3A_631, %add3A_632 : i32
        %add3A_634 = vector.broadcast %add3A_633 : i32 to vector<16xi32>
        %add3A_635 = arith.addi %mul3A_3, %add3A_634 : vector<16xi32>
        tpu.vector_store_idx %arg8[%add3A_635], %get3A_629 : memref<24576xf32, #tpu.memory_space<vmem>>[vector<16xi32>], vector<16xf32>,
        %mul3A_636 = arith.constant 16 : i32
        %mul3A_637 = arith.muli %scan3A_479, %mul3A_636 : i32
        %get3A_638 = arith.constant 13 : i32
        %get3A_639 = arith.index_cast %get3A_638 : i32 to index
        %get3A_640 = arith.index_cast %mul3A_637 : i32 to index
        %get3A_641 = tpu.vector_load %arg6[%get3A_639, %get3A_640] {strides = array<i32>} : memref<16x1536xf32, #tpu.memory_space<vmem>>, vector<16xf32>,
        %mul3A_642 = arith.constant 256 : i32
        %mul3A_643 = arith.muli %scan3A_479, %mul3A_642 : i32
        %add3A_644 = arith.constant 13 : i32
        %add3A_645 = arith.addi %mul3A_643, %add3A_644 : i32
        %add3A_646 = vector.broadcast %add3A_645 : i32 to vector<16xi32>
        %add3A_647 = arith.addi %mul3A_3, %add3A_646 : vector<16xi32>
        tpu.vector_store_idx %arg8[%add3A_647], %get3A_641 : memref<24576xf32, #tpu.memory_space<vmem>>[vector<16xi32>], vector<16xf32>,
        %mul3A_648 = arith.constant 16 : i32
        %mul3A_649 = arith.muli %scan3A_479, %mul3A_648 : i32
        %get3A_650 = arith.constant 14 : i32
        %get3A_651 = arith.index_cast %get3A_650 : i32 to index
        %get3A_652 = arith.index_cast %mul3A_649 : i32 to index
        %get3A_653 = tpu.vector_load %arg6[%get3A_651, %get3A_652] {strides = array<i32>} : memref<16x1536xf32, #tpu.memory_space<vmem>>, vector<16xf32>,
        %mul3A_654 = arith.constant 256 : i32
        %mul3A_655 = arith.muli %scan3A_479, %mul3A_654 : i32
        %add3A_656 = arith.constant 14 : i32
        %add3A_657 = arith.addi %mul3A_655, %add3A_656 : i32
        %add3A_658 = vector.broadcast %add3A_657 : i32 to vector<16xi32>
        %add3A_659 = arith.addi %mul3A_3, %add3A_658 : vector<16xi32>
        tpu.vector_store_idx %arg8[%add3A_659], %get3A_653 : memref<24576xf32, #tpu.memory_space<vmem>>[vector<16xi32>], vector<16xf32>,
        %mul3A_660 = arith.constant 16 : i32
        %mul3A_661 = arith.muli %scan3A_479, %mul3A_660 : i32
        %get3A_662 = arith.constant 15 : i32
        %get3A_663 = arith.index_cast %get3A_662 : i32 to index
        %get3A_664 = arith.index_cast %mul3A_661 : i32 to index
        %get3A_665 = tpu.vector_load %arg6[%get3A_663, %get3A_664] {strides = array<i32>} : memref<16x1536xf32, #tpu.memory_space<vmem>>, vector<16xf32>,
        %mul3A_666 = arith.constant 256 : i32
        %mul3A_667 = arith.muli %scan3A_479, %mul3A_666 : i32
        %add3A_668 = arith.constant 15 : i32
        %add3A_669 = arith.addi %mul3A_667, %add3A_668 : i32
        %add3A_670 = vector.broadcast %add3A_669 : i32 to vector<16xi32>
        %add3A_671 = arith.addi %mul3A_3, %add3A_670 : vector<16xi32>
        tpu.vector_store_idx %arg8[%add3A_671], %get3A_665 : memref<24576xf32, #tpu.memory_space<vmem>>[vector<16xi32>], vector<16xf32>,
        %scan3A_672 = arith.constant 0 : i32
        %scan3A_673 = arith.constant 3 : i32
        %scan3A_674 = arith.addi %scan3A_89, %scan3A_673 : i32
        %mul3A_675 = arith.constant 16 : i32
        %mul3A_676 = arith.muli %scan3A_674, %mul3A_675 : i32
        %get3A_677 = arith.constant 0 : i32
        %get3A_678 = arith.index_cast %get3A_677 : i32 to index
        %get3A_679 = arith.index_cast %mul3A_676 : i32 to index
        %get3A_680 = tpu.vector_load %arg6[%get3A_678, %get3A_679] {strides = array<i32>} : memref<16x1536xf32, #tpu.memory_space<vmem>>, vector<16xf32>,
        %mul3A_681 = arith.constant 256 : i32
        %mul3A_682 = arith.muli %scan3A_674, %mul3A_681 : i32
        %add3A_683 = arith.constant 0 : i32
        %add3A_684 = arith.addi %mul3A_682, %add3A_683 : i32
        %add3A_685 = vector.broadcast %add3A_684 : i32 to vector<16xi32>
        %add3A_686 = arith.addi %mul3A_3, %add3A_685 : vector<16xi32>
        tpu.vector_store_idx %arg8[%add3A_686], %get3A_680 : memref<24576xf32, #tpu.memory_space<vmem>>[vector<16xi32>], vector<16xf32>,
        %mul3A_687 = arith.constant 16 : i32
        %mul3A_688 = arith.muli %scan3A_674, %mul3A_687 : i32
        %get3A_689 = arith.constant 1 : i32
        %get3A_690 = arith.index_cast %get3A_689 : i32 to index
        %get3A_691 = arith.index_cast %mul3A_688 : i32 to index
        %get3A_692 = tpu.vector_load %arg6[%get3A_690, %get3A_691] {strides = array<i32>} : memref<16x1536xf32, #tpu.memory_space<vmem>>, vector<16xf32>,
        %mul3A_693 = arith.constant 256 : i32
        %mul3A_694 = arith.muli %scan3A_674, %mul3A_693 : i32
        %add3A_695 = arith.constant 1 : i32
        %add3A_696 = arith.addi %mul3A_694, %add3A_695 : i32
        %add3A_697 = vector.broadcast %add3A_696 : i32 to vector<16xi32>
        %add3A_698 = arith.addi %mul3A_3, %add3A_697 : vector<16xi32>
        tpu.vector_store_idx %arg8[%add3A_698], %get3A_692 : memref<24576xf32, #tpu.memory_space<vmem>>[vector<16xi32>], vector<16xf32>,
        %mul3A_699 = arith.constant 16 : i32
        %mul3A_700 = arith.muli %scan3A_674, %mul3A_699 : i32
        %get3A_701 = arith.constant 2 : i32
        %get3A_702 = arith.index_cast %get3A_701 : i32 to index
        %get3A_703 = arith.index_cast %mul3A_700 : i32 to index
        %get3A_704 = tpu.vector_load %arg6[%get3A_702, %get3A_703] {strides = array<i32>} : memref<16x1536xf32, #tpu.memory_space<vmem>>, vector<16xf32>,
        %mul3A_705 = arith.constant 256 : i32
        %mul3A_706 = arith.muli %scan3A_674, %mul3A_705 : i32
        %add3A_707 = arith.constant 2 : i32
        %add3A_708 = arith.addi %mul3A_706, %add3A_707 : i32
        %add3A_709 = vector.broadcast %add3A_708 : i32 to vector<16xi32>
        %add3A_710 = arith.addi %mul3A_3, %add3A_709 : vector<16xi32>
        tpu.vector_store_idx %arg8[%add3A_710], %get3A_704 : memref<24576xf32, #tpu.memory_space<vmem>>[vector<16xi32>], vector<16xf32>,
        %mul3A_711 = arith.constant 16 : i32
        %mul3A_712 = arith.muli %scan3A_674, %mul3A_711 : i32
        %get3A_713 = arith.constant 3 : i32
        %get3A_714 = arith.index_cast %get3A_713 : i32 to index
        %get3A_715 = arith.index_cast %mul3A_712 : i32 to index
        %get3A_716 = tpu.vector_load %arg6[%get3A_714, %get3A_715] {strides = array<i32>} : memref<16x1536xf32, #tpu.memory_space<vmem>>, vector<16xf32>,
        %mul3A_717 = arith.constant 256 : i32
        %mul3A_718 = arith.muli %scan3A_674, %mul3A_717 : i32
        %add3A_719 = arith.constant 3 : i32
        %add3A_720 = arith.addi %mul3A_718, %add3A_719 : i32
        %add3A_721 = vector.broadcast %add3A_720 : i32 to vector<16xi32>
        %add3A_722 = arith.addi %mul3A_3, %add3A_721 : vector<16xi32>
        tpu.vector_store_idx %arg8[%add3A_722], %get3A_716 : memref<24576xf32, #tpu.memory_space<vmem>>[vector<16xi32>], vector<16xf32>,
        %mul3A_723 = arith.constant 16 : i32
        %mul3A_724 = arith.muli %scan3A_674, %mul3A_723 : i32
        %get3A_725 = arith.constant 4 : i32
        %get3A_726 = arith.index_cast %get3A_725 : i32 to index
        %get3A_727 = arith.index_cast %mul3A_724 : i32 to index
        %get3A_728 = tpu.vector_load %arg6[%get3A_726, %get3A_727] {strides = array<i32>} : memref<16x1536xf32, #tpu.memory_space<vmem>>, vector<16xf32>,
        %mul3A_729 = arith.constant 256 : i32
        %mul3A_730 = arith.muli %scan3A_674, %mul3A_729 : i32
        %add3A_731 = arith.constant 4 : i32
        %add3A_732 = arith.addi %mul3A_730, %add3A_731 : i32
        %add3A_733 = vector.broadcast %add3A_732 : i32 to vector<16xi32>
        %add3A_734 = arith.addi %mul3A_3, %add3A_733 : vector<16xi32>
        tpu.vector_store_idx %arg8[%add3A_734], %get3A_728 : memref<24576xf32, #tpu.memory_space<vmem>>[vector<16xi32>], vector<16xf32>,
        %mul3A_735 = arith.constant 16 : i32
        %mul3A_736 = arith.muli %scan3A_674, %mul3A_735 : i32
        %get3A_737 = arith.constant 5 : i32
        %get3A_738 = arith.index_cast %get3A_737 : i32 to index
        %get3A_739 = arith.index_cast %mul3A_736 : i32 to index
        %get3A_740 = tpu.vector_load %arg6[%get3A_738, %get3A_739] {strides = array<i32>} : memref<16x1536xf32, #tpu.memory_space<vmem>>, vector<16xf32>,
        %mul3A_741 = arith.constant 256 : i32
        %mul3A_742 = arith.muli %scan3A_674, %mul3A_741 : i32
        %add3A_743 = arith.constant 5 : i32
        %add3A_744 = arith.addi %mul3A_742, %add3A_743 : i32
        %add3A_745 = vector.broadcast %add3A_744 : i32 to vector<16xi32>
        %add3A_746 = arith.addi %mul3A_3, %add3A_745 : vector<16xi32>
        tpu.vector_store_idx %arg8[%add3A_746], %get3A_740 : memref<24576xf32, #tpu.memory_space<vmem>>[vector<16xi32>], vector<16xf32>,
        %mul3A_747 = arith.constant 16 : i32
        %mul3A_748 = arith.muli %scan3A_674, %mul3A_747 : i32
        %get3A_749 = arith.constant 6 : i32
        %get3A_750 = arith.index_cast %get3A_749 : i32 to index
        %get3A_751 = arith.index_cast %mul3A_748 : i32 to index
        %get3A_752 = tpu.vector_load %arg6[%get3A_750, %get3A_751] {strides = array<i32>} : memref<16x1536xf32, #tpu.memory_space<vmem>>, vector<16xf32>,
        %mul3A_753 = arith.constant 256 : i32
        %mul3A_754 = arith.muli %scan3A_674, %mul3A_753 : i32
        %add3A_755 = arith.constant 6 : i32
        %add3A_756 = arith.addi %mul3A_754, %add3A_755 : i32
        %add3A_757 = vector.broadcast %add3A_756 : i32 to vector<16xi32>
        %add3A_758 = arith.addi %mul3A_3, %add3A_757 : vector<16xi32>
        tpu.vector_store_idx %arg8[%add3A_758], %get3A_752 : memref<24576xf32, #tpu.memory_space<vmem>>[vector<16xi32>], vector<16xf32>,
        %mul3A_759 = arith.constant 16 : i32
        %mul3A_760 = arith.muli %scan3A_674, %mul3A_759 : i32
        %get3A_761 = arith.constant 7 : i32
        %get3A_762 = arith.index_cast %get3A_761 : i32 to index
        %get3A_763 = arith.index_cast %mul3A_760 : i32 to index
        %get3A_764 = tpu.vector_load %arg6[%get3A_762, %get3A_763] {strides = array<i32>} : memref<16x1536xf32, #tpu.memory_space<vmem>>, vector<16xf32>,
        %mul3A_765 = arith.constant 256 : i32
        %mul3A_766 = arith.muli %scan3A_674, %mul3A_765 : i32
        %add3A_767 = arith.constant 7 : i32
        %add3A_768 = arith.addi %mul3A_766, %add3A_767 : i32
        %add3A_769 = vector.broadcast %add3A_768 : i32 to vector<16xi32>
        %add3A_770 = arith.addi %mul3A_3, %add3A_769 : vector<16xi32>
        tpu.vector_store_idx %arg8[%add3A_770], %get3A_764 : memref<24576xf32, #tpu.memory_space<vmem>>[vector<16xi32>], vector<16xf32>,
        %mul3A_771 = arith.constant 16 : i32
        %mul3A_772 = arith.muli %scan3A_674, %mul3A_771 : i32
        %get3A_773 = arith.constant 8 : i32
        %get3A_774 = arith.index_cast %get3A_773 : i32 to index
        %get3A_775 = arith.index_cast %mul3A_772 : i32 to index
        %get3A_776 = tpu.vector_load %arg6[%get3A_774, %get3A_775] {strides = array<i32>} : memref<16x1536xf32, #tpu.memory_space<vmem>>, vector<16xf32>,
        %mul3A_777 = arith.constant 256 : i32
        %mul3A_778 = arith.muli %scan3A_674, %mul3A_777 : i32
        %add3A_779 = arith.constant 8 : i32
        %add3A_780 = arith.addi %mul3A_778, %add3A_779 : i32
        %add3A_781 = vector.broadcast %add3A_780 : i32 to vector<16xi32>
        %add3A_782 = arith.addi %mul3A_3, %add3A_781 : vector<16xi32>
        tpu.vector_store_idx %arg8[%add3A_782], %get3A_776 : memref<24576xf32, #tpu.memory_space<vmem>>[vector<16xi32>], vector<16xf32>,
        %mul3A_783 = arith.constant 16 : i32
        %mul3A_784 = arith.muli %scan3A_674, %mul3A_783 : i32
        %get3A_785 = arith.constant 9 : i32
        %get3A_786 = arith.index_cast %get3A_785 : i32 to index
        %get3A_787 = arith.index_cast %mul3A_784 : i32 to index
        %get3A_788 = tpu.vector_load %arg6[%get3A_786, %get3A_787] {strides = array<i32>} : memref<16x1536xf32, #tpu.memory_space<vmem>>, vector<16xf32>,
        %mul3A_789 = arith.constant 256 : i32
        %mul3A_790 = arith.muli %scan3A_674, %mul3A_789 : i32
        %add3A_791 = arith.constant 9 : i32
        %add3A_792 = arith.addi %mul3A_790, %add3A_791 : i32
        %add3A_793 = vector.broadcast %add3A_792 : i32 to vector<16xi32>
        %add3A_794 = arith.addi %mul3A_3, %add3A_793 : vector<16xi32>
        tpu.vector_store_idx %arg8[%add3A_794], %get3A_788 : memref<24576xf32, #tpu.memory_space<vmem>>[vector<16xi32>], vector<16xf32>,
        %mul3A_795 = arith.constant 16 : i32
        %mul3A_796 = arith.muli %scan3A_674, %mul3A_795 : i32
        %get3A_797 = arith.constant 10 : i32
        %get3A_798 = arith.index_cast %get3A_797 : i32 to index
        %get3A_799 = arith.index_cast %mul3A_796 : i32 to index
        %get3A_800 = tpu.vector_load %arg6[%get3A_798, %get3A_799] {strides = array<i32>} : memref<16x1536xf32, #tpu.memory_space<vmem>>, vector<16xf32>,
        %mul3A_801 = arith.constant 256 : i32
        %mul3A_802 = arith.muli %scan3A_674, %mul3A_801 : i32
        %add3A_803 = arith.constant 10 : i32
        %add3A_804 = arith.addi %mul3A_802, %add3A_803 : i32
        %add3A_805 = vector.broadcast %add3A_804 : i32 to vector<16xi32>
        %add3A_806 = arith.addi %mul3A_3, %add3A_805 : vector<16xi32>
        tpu.vector_store_idx %arg8[%add3A_806], %get3A_800 : memref<24576xf32, #tpu.memory_space<vmem>>[vector<16xi32>], vector<16xf32>,
        %mul3A_807 = arith.constant 16 : i32
        %mul3A_808 = arith.muli %scan3A_674, %mul3A_807 : i32
        %get3A_809 = arith.constant 11 : i32
        %get3A_810 = arith.index_cast %get3A_809 : i32 to index
        %get3A_811 = arith.index_cast %mul3A_808 : i32 to index
        %get3A_812 = tpu.vector_load %arg6[%get3A_810, %get3A_811] {strides = array<i32>} : memref<16x1536xf32, #tpu.memory_space<vmem>>, vector<16xf32>,
        %mul3A_813 = arith.constant 256 : i32
        %mul3A_814 = arith.muli %scan3A_674, %mul3A_813 : i32
        %add3A_815 = arith.constant 11 : i32
        %add3A_816 = arith.addi %mul3A_814, %add3A_815 : i32
        %add3A_817 = vector.broadcast %add3A_816 : i32 to vector<16xi32>
        %add3A_818 = arith.addi %mul3A_3, %add3A_817 : vector<16xi32>
        tpu.vector_store_idx %arg8[%add3A_818], %get3A_812 : memref<24576xf32, #tpu.memory_space<vmem>>[vector<16xi32>], vector<16xf32>,
        %mul3A_819 = arith.constant 16 : i32
        %mul3A_820 = arith.muli %scan3A_674, %mul3A_819 : i32
        %get3A_821 = arith.constant 12 : i32
        %get3A_822 = arith.index_cast %get3A_821 : i32 to index
        %get3A_823 = arith.index_cast %mul3A_820 : i32 to index
        %get3A_824 = tpu.vector_load %arg6[%get3A_822, %get3A_823] {strides = array<i32>} : memref<16x1536xf32, #tpu.memory_space<vmem>>, vector<16xf32>,
        %mul3A_825 = arith.constant 256 : i32
        %mul3A_826 = arith.muli %scan3A_674, %mul3A_825 : i32
        %add3A_827 = arith.constant 12 : i32
        %add3A_828 = arith.addi %mul3A_826, %add3A_827 : i32
        %add3A_829 = vector.broadcast %add3A_828 : i32 to vector<16xi32>
        %add3A_830 = arith.addi %mul3A_3, %add3A_829 : vector<16xi32>
        tpu.vector_store_idx %arg8[%add3A_830], %get3A_824 : memref<24576xf32, #tpu.memory_space<vmem>>[vector<16xi32>], vector<16xf32>,
        %mul3A_831 = arith.constant 16 : i32
        %mul3A_832 = arith.muli %scan3A_674, %mul3A_831 : i32
        %get3A_833 = arith.constant 13 : i32
        %get3A_834 = arith.index_cast %get3A_833 : i32 to index
        %get3A_835 = arith.index_cast %mul3A_832 : i32 to index
        %get3A_836 = tpu.vector_load %arg6[%get3A_834, %get3A_835] {strides = array<i32>} : memref<16x1536xf32, #tpu.memory_space<vmem>>, vector<16xf32>,
        %mul3A_837 = arith.constant 256 : i32
        %mul3A_838 = arith.muli %scan3A_674, %mul3A_837 : i32
        %add3A_839 = arith.constant 13 : i32
        %add3A_840 = arith.addi %mul3A_838, %add3A_839 : i32
        %add3A_841 = vector.broadcast %add3A_840 : i32 to vector<16xi32>
        %add3A_842 = arith.addi %mul3A_3, %add3A_841 : vector<16xi32>
        tpu.vector_store_idx %arg8[%add3A_842], %get3A_836 : memref<24576xf32, #tpu.memory_space<vmem>>[vector<16xi32>], vector<16xf32>,
        %mul3A_843 = arith.constant 16 : i32
        %mul3A_844 = arith.muli %scan3A_674, %mul3A_843 : i32
        %get3A_845 = arith.constant 14 : i32
        %get3A_846 = arith.index_cast %get3A_845 : i32 to index
        %get3A_847 = arith.index_cast %mul3A_844 : i32 to index
        %get3A_848 = tpu.vector_load %arg6[%get3A_846, %get3A_847] {strides = array<i32>} : memref<16x1536xf32, #tpu.memory_space<vmem>>, vector<16xf32>,
        %mul3A_849 = arith.constant 256 : i32
        %mul3A_850 = arith.muli %scan3A_674, %mul3A_849 : i32
        %add3A_851 = arith.constant 14 : i32
        %add3A_852 = arith.addi %mul3A_850, %add3A_851 : i32
        %add3A_853 = vector.broadcast %add3A_852 : i32 to vector<16xi32>
        %add3A_854 = arith.addi %mul3A_3, %add3A_853 : vector<16xi32>
        tpu.vector_store_idx %arg8[%add3A_854], %get3A_848 : memref<24576xf32, #tpu.memory_space<vmem>>[vector<16xi32>], vector<16xf32>,
        %mul3A_855 = arith.constant 16 : i32
        %mul3A_856 = arith.muli %scan3A_674, %mul3A_855 : i32
        %get3A_857 = arith.constant 15 : i32
        %get3A_858 = arith.index_cast %get3A_857 : i32 to index
        %get3A_859 = arith.index_cast %mul3A_856 : i32 to index
        %get3A_860 = tpu.vector_load %arg6[%get3A_858, %get3A_859] {strides = array<i32>} : memref<16x1536xf32, #tpu.memory_space<vmem>>, vector<16xf32>,
        %mul3A_861 = arith.constant 256 : i32
        %mul3A_862 = arith.muli %scan3A_674, %mul3A_861 : i32
        %add3A_863 = arith.constant 15 : i32
        %add3A_864 = arith.addi %mul3A_862, %add3A_863 : i32
        %add3A_865 = vector.broadcast %add3A_864 : i32 to vector<16xi32>
        %add3A_866 = arith.addi %mul3A_3, %add3A_865 : vector<16xi32>
        tpu.vector_store_idx %arg8[%add3A_866], %get3A_860 : memref<24576xf32, #tpu.memory_space<vmem>>[vector<16xi32>], vector<16xf32>,
        %scan3A_867 = arith.constant 0 : i32
        scf.yield %scan3A_867 : i32
      }
      %scan3A_80 = arith.constant 96 : i32
      %mul3A_81 = arith.constant 1600000 : i32
      %mul3A_82 = arith.muli %scan3A_28, %mul3A_81 : i32
      %mul3A_83 = arith.constant 16 : i32
      %mul3A_84 = arith.muli %mul3A_9, %mul3A_83 : i32
      %add3A_85 = arith.addi %mul3A_82, %mul3A_84 : i32
      %dma_start3A_86 = tpu.memref_slice %arg4[%add3A_85] : memref<41600000xf32, #tpu.memory_space<hbm>> -> memref<24576xf32, #tpu.memory_space<hbm>>
      %dma_start3A_87 = tpu.memref_slice %arg4[%add3A_85] : memref<41600000xf32, #tpu.memory_space<hbm>> -> memref<24576xf32, #tpu.memory_space<hbm>>
      tpu.enqueue_dma source(%arg8 : memref<24576xf32, #tpu.memory_space<vmem>>) target(%dma_start3A_87 : memref<24576xf32, #tpu.memory_space<hbm>>) target_semaphore(%arg12 : memref<!tpu.dma_semaphore, #tpu.memory_space<semaphore_mem>>)
      %scan3A_88 = arith.constant 0 : i32
      scf.yield %scan3A_88 : i32
    }
    %scan3A_18 = arith.constant 26 : i32
    %dma_wait3A = arith.constant 0 : i32
    %dma_wait3A_19 = tpu.memref_slice %arg4[%dma_wait3A] : memref<41600000xf32, #tpu.memory_space<hbm>> -> memref<24576xf32, #tpu.memory_space<hbm>>
    %dma_wait3A_20 = arith.constant 0 : i32
    %dma_wait3A_21 = tpu.memref_slice %arg4[%dma_wait3A_20] : memref<41600000xf32, #tpu.memory_space<hbm>> -> memref<24576xf32, #tpu.memory_space<hbm>>
    tpu.wait_dma2 semaphore(%arg11 : memref<!tpu.dma_semaphore, #tpu.memory_space<semaphore_mem>>) src(%arg7 : memref<24576xf32, #tpu.memory_space<vmem>>) dst(%dma_wait3A_21 : memref<24576xf32, #tpu.memory_space<hbm>>)
    %dma_wait3A_22 = arith.constant 0 : i32
    %dma_wait3A_23 = tpu.memref_slice %arg4[%dma_wait3A_22] : memref<41600000xf32, #tpu.memory_space<hbm>> -> memref<24576xf32, #tpu.memory_space<hbm>>
    %dma_wait3A_24 = arith.constant 0 : i32
    %dma_wait3A_25 = tpu.memref_slice %arg4[%dma_wait3A_24] : memref<41600000xf32, #tpu.memory_space<hbm>> -> memref<24576xf32, #tpu.memory_space<hbm>>
    tpu.wait_dma2 semaphore(%arg12 : memref<!tpu.dma_semaphore, #tpu.memory_space<semaphore_mem>>) src(%arg8 : memref<24576xf32, #tpu.memory_space<vmem>>) dst(%dma_wait3A_25 : memref<24576xf32, #tpu.memory_space<hbm>>)
    %lt3A = arith.constant 26 : i32
    %lt3A_26 = arith.cmpi slt, %add3A, %lt3A : i32
    %convert_element_type3A = arith.extui %lt3A_26 : i1 to i32
    %cond3A = arith.constant 0 : i32
    %cond3A_27 = arith.cmpi ne, %convert_element_type3A, %cond3A : i32
    scf.if %cond3A_27 {
      %mul3A_28 = arith.constant 1600000 : i32
      %mul3A_29 = arith.muli %add3A, %mul3A_28 : i32
      %mul3A_30 = arith.constant 16 : i32
      %mul3A_31 = arith.muli %add3A, %mul3A_30 : i32
      "tpu.region"() ({
        %run_scoped3A = tpu.sem_alloc : memref<!tpu.dma_semaphore, #tpu.memory_space<semaphore_mem>>
        %dma_start3A_54 = arith.constant 98304 : i32
        %dma_start3A_55 = tpu.memref_slice %arg2[%mul3A_31, %dma_start3A_54] : memref<416x100000xf32, #tpu.memory_space<hbm>> -> memref<16x1536xf32, #tpu.memory_space<hbm>>
        %dma_start3A_56 = arith.constant 98304 : i32
        %dma_start3A_57 = tpu.memref_slice %arg2[%mul3A_31, %dma_start3A_56] : memref<416x100000xf32, #tpu.memory_space<hbm>> -> memref<16x1536xf32, #tpu.memory_space<hbm>>
        tpu.enqueue_dma source(%dma_start3A_57 : memref<16x1536xf32, #tpu.memory_space<hbm>>) target(%arg5 : memref<16x1536xf32, #tpu.memory_space<vmem>>) target_semaphore(%run_scoped3A : memref<!tpu.dma_semaphore, #tpu.memory_space<semaphore_mem>>)
        %dma_wait3A_58 = arith.constant 98304 : i32
        %dma_wait3A_59 = tpu.memref_slice %arg2[%mul3A_31, %dma_wait3A_58] : memref<416x100000xf32, #tpu.memory_space<hbm>> -> memref<16x1536xf32, #tpu.memory_space<hbm>>
        %dma_wait3A_60 = arith.constant 98304 : i32
        %dma_wait3A_61 = tpu.memref_slice %arg2[%mul3A_31, %dma_wait3A_60] : memref<416x100000xf32, #tpu.memory_space<hbm>> -> memref<16x1536xf32, #tpu.memory_space<hbm>>
        tpu.wait_dma2 semaphore(%run_scoped3A : memref<!tpu.dma_semaphore, #tpu.memory_space<semaphore_mem>>) src(%dma_wait3A_61 : memref<16x1536xf32, #tpu.memory_space<hbm>>) dst(%arg5 : memref<16x1536xf32, #tpu.memory_space<vmem>>)
        tpu.yield
      }) : () -> ()
      %scan3A_32 = arith.constant 0 : i32
      %scan3A_33 = arith.constant 0 : i32
      %scan3A_34 = arith.constant 96 : i32
      %scan3A_35 = arith.addi %scan3A_33, %scan3A_34 : i32
      %scan3A_36 = arith.constant 4 : i32
      %scan3A_37 = scf.for %scan3A_54 = %scan3A_33 to %scan3A_35 step %scan3A_36 iter_args(%scan3A_55 = %scan3A_32) -> (i32)  : i32 {
        %mul3A_56 = arith.constant 16 : i32
        %mul3A_57 = arith.muli %scan3A_54, %mul3A_56 : i32
        %get3A = arith.constant 0 : i32
        %get3A_58 = arith.index_cast %get3A : i32 to index
        %get3A_59 = arith.index_cast %mul3A_57 : i32 to index
        %get3A_60 = tpu.vector_load %arg5[%get3A_58, %get3A_59] {strides = array<i32>} : memref<16x1536xf32, #tpu.memory_space<vmem>>, vector<16xf32>,
        %mul3A_61 = arith.constant 256 : i32
        %mul3A_62 = arith.muli %scan3A_54, %mul3A_61 : i32
        %add3A_63 = arith.constant 0 : i32
        %add3A_64 = arith.addi %mul3A_62, %add3A_63 : i32
        %add3A_65 = vector.broadcast %add3A_64 : i32 to vector<16xi32>
        %add3A_66 = arith.addi %mul3A_3, %add3A_65 : vector<16xi32>
        tpu.vector_store_idx %arg7[%add3A_66], %get3A_60 : memref<24576xf32, #tpu.memory_space<vmem>>[vector<16xi32>], vector<16xf32>,
        %mul3A_67 = arith.constant 16 : i32
        %mul3A_68 = arith.muli %scan3A_54, %mul3A_67 : i32
        %get3A_69 = arith.constant 1 : i32
        %get3A_70 = arith.index_cast %get3A_69 : i32 to index
        %get3A_71 = arith.index_cast %mul3A_68 : i32 to index
        %get3A_72 = tpu.vector_load %arg5[%get3A_70, %get3A_71] {strides = array<i32>} : memref<16x1536xf32, #tpu.memory_space<vmem>>, vector<16xf32>,
        %mul3A_73 = arith.constant 256 : i32
        %mul3A_74 = arith.muli %scan3A_54, %mul3A_73 : i32
        %add3A_75 = arith.constant 1 : i32
        %add3A_76 = arith.addi %mul3A_74, %add3A_75 : i32
        %add3A_77 = vector.broadcast %add3A_76 : i32 to vector<16xi32>
        %add3A_78 = arith.addi %mul3A_3, %add3A_77 : vector<16xi32>
        tpu.vector_store_idx %arg7[%add3A_78], %get3A_72 : memref<24576xf32, #tpu.memory_space<vmem>>[vector<16xi32>], vector<16xf32>,
        %mul3A_79 = arith.constant 16 : i32
        %mul3A_80 = arith.muli %scan3A_54, %mul3A_79 : i32
        %get3A_81 = arith.constant 2 : i32
        %get3A_82 = arith.index_cast %get3A_81 : i32 to index
        %get3A_83 = arith.index_cast %mul3A_80 : i32 to index
        %get3A_84 = tpu.vector_load %arg5[%get3A_82, %get3A_83] {strides = array<i32>} : memref<16x1536xf32, #tpu.memory_space<vmem>>, vector<16xf32>,
        %mul3A_85 = arith.constant 256 : i32
        %mul3A_86 = arith.muli %scan3A_54, %mul3A_85 : i32
        %add3A_87 = arith.constant 2 : i32
        %add3A_88 = arith.addi %mul3A_86, %add3A_87 : i32
        %add3A_89 = vector.broadcast %add3A_88 : i32 to vector<16xi32>
        %add3A_90 = arith.addi %mul3A_3, %add3A_89 : vector<16xi32>
        tpu.vector_store_idx %arg7[%add3A_90], %get3A_84 : memref<24576xf32, #tpu.memory_space<vmem>>[vector<16xi32>], vector<16xf32>,
        %mul3A_91 = arith.constant 16 : i32
        %mul3A_92 = arith.muli %scan3A_54, %mul3A_91 : i32
        %get3A_93 = arith.constant 3 : i32
        %get3A_94 = arith.index_cast %get3A_93 : i32 to index
        %get3A_95 = arith.index_cast %mul3A_92 : i32 to index
        %get3A_96 = tpu.vector_load %arg5[%get3A_94, %get3A_95] {strides = array<i32>} : memref<16x1536xf32, #tpu.memory_space<vmem>>, vector<16xf32>,
        %mul3A_97 = arith.constant 256 : i32
        %mul3A_98 = arith.muli %scan3A_54, %mul3A_97 : i32
        %add3A_99 = arith.constant 3 : i32
        %add3A_100 = arith.addi %mul3A_98, %add3A_99 : i32
        %add3A_101 = vector.broadcast %add3A_100 : i32 to vector<16xi32>
        %add3A_102 = arith.addi %mul3A_3, %add3A_101 : vector<16xi32>
        tpu.vector_store_idx %arg7[%add3A_102], %get3A_96 : memref<24576xf32, #tpu.memory_space<vmem>>[vector<16xi32>], vector<16xf32>,
        %mul3A_103 = arith.constant 16 : i32
        %mul3A_104 = arith.muli %scan3A_54, %mul3A_103 : i32
        %get3A_105 = arith.constant 4 : i32
        %get3A_106 = arith.index_cast %get3A_105 : i32 to index
        %get3A_107 = arith.index_cast %mul3A_104 : i32 to index
        %get3A_108 = tpu.vector_load %arg5[%get3A_106, %get3A_107] {strides = array<i32>} : memref<16x1536xf32, #tpu.memory_space<vmem>>, vector<16xf32>,
        %mul3A_109 = arith.constant 256 : i32
        %mul3A_110 = arith.muli %scan3A_54, %mul3A_109 : i32
        %add3A_111 = arith.constant 4 : i32
        %add3A_112 = arith.addi %mul3A_110, %add3A_111 : i32
        %add3A_113 = vector.broadcast %add3A_112 : i32 to vector<16xi32>
        %add3A_114 = arith.addi %mul3A_3, %add3A_113 : vector<16xi32>
        tpu.vector_store_idx %arg7[%add3A_114], %get3A_108 : memref<24576xf32, #tpu.memory_space<vmem>>[vector<16xi32>], vector<16xf32>,
        %mul3A_115 = arith.constant 16 : i32
        %mul3A_116 = arith.muli %scan3A_54, %mul3A_115 : i32
        %get3A_117 = arith.constant 5 : i32
        %get3A_118 = arith.index_cast %get3A_117 : i32 to index
        %get3A_119 = arith.index_cast %mul3A_116 : i32 to index
        %get3A_120 = tpu.vector_load %arg5[%get3A_118, %get3A_119] {strides = array<i32>} : memref<16x1536xf32, #tpu.memory_space<vmem>>, vector<16xf32>,
        %mul3A_121 = arith.constant 256 : i32
        %mul3A_122 = arith.muli %scan3A_54, %mul3A_121 : i32
        %add3A_123 = arith.constant 5 : i32
        %add3A_124 = arith.addi %mul3A_122, %add3A_123 : i32
        %add3A_125 = vector.broadcast %add3A_124 : i32 to vector<16xi32>
        %add3A_126 = arith.addi %mul3A_3, %add3A_125 : vector<16xi32>
        tpu.vector_store_idx %arg7[%add3A_126], %get3A_120 : memref<24576xf32, #tpu.memory_space<vmem>>[vector<16xi32>], vector<16xf32>,
        %mul3A_127 = arith.constant 16 : i32
        %mul3A_128 = arith.muli %scan3A_54, %mul3A_127 : i32
        %get3A_129 = arith.constant 6 : i32
        %get3A_130 = arith.index_cast %get3A_129 : i32 to index
        %get3A_131 = arith.index_cast %mul3A_128 : i32 to index
        %get3A_132 = tpu.vector_load %arg5[%get3A_130, %get3A_131] {strides = array<i32>} : memref<16x1536xf32, #tpu.memory_space<vmem>>, vector<16xf32>,
        %mul3A_133 = arith.constant 256 : i32
        %mul3A_134 = arith.muli %scan3A_54, %mul3A_133 : i32
        %add3A_135 = arith.constant 6 : i32
        %add3A_136 = arith.addi %mul3A_134, %add3A_135 : i32
        %add3A_137 = vector.broadcast %add3A_136 : i32 to vector<16xi32>
        %add3A_138 = arith.addi %mul3A_3, %add3A_137 : vector<16xi32>
        tpu.vector_store_idx %arg7[%add3A_138], %get3A_132 : memref<24576xf32, #tpu.memory_space<vmem>>[vector<16xi32>], vector<16xf32>,
        %mul3A_139 = arith.constant 16 : i32
        %mul3A_140 = arith.muli %scan3A_54, %mul3A_139 : i32
        %get3A_141 = arith.constant 7 : i32
        %get3A_142 = arith.index_cast %get3A_141 : i32 to index
        %get3A_143 = arith.index_cast %mul3A_140 : i32 to index
        %get3A_144 = tpu.vector_load %arg5[%get3A_142, %get3A_143] {strides = array<i32>} : memref<16x1536xf32, #tpu.memory_space<vmem>>, vector<16xf32>,
        %mul3A_145 = arith.constant 256 : i32
        %mul3A_146 = arith.muli %scan3A_54, %mul3A_145 : i32
        %add3A_147 = arith.constant 7 : i32
        %add3A_148 = arith.addi %mul3A_146, %add3A_147 : i32
        %add3A_149 = vector.broadcast %add3A_148 : i32 to vector<16xi32>
        %add3A_150 = arith.addi %mul3A_3, %add3A_149 : vector<16xi32>
        tpu.vector_store_idx %arg7[%add3A_150], %get3A_144 : memref<24576xf32, #tpu.memory_space<vmem>>[vector<16xi32>], vector<16xf32>,
        %mul3A_151 = arith.constant 16 : i32
        %mul3A_152 = arith.muli %scan3A_54, %mul3A_151 : i32
        %get3A_153 = arith.constant 8 : i32
        %get3A_154 = arith.index_cast %get3A_153 : i32 to index
        %get3A_155 = arith.index_cast %mul3A_152 : i32 to index
        %get3A_156 = tpu.vector_load %arg5[%get3A_154, %get3A_155] {strides = array<i32>} : memref<16x1536xf32, #tpu.memory_space<vmem>>, vector<16xf32>,
        %mul3A_157 = arith.constant 256 : i32
        %mul3A_158 = arith.muli %scan3A_54, %mul3A_157 : i32
        %add3A_159 = arith.constant 8 : i32
        %add3A_160 = arith.addi %mul3A_158, %add3A_159 : i32
        %add3A_161 = vector.broadcast %add3A_160 : i32 to vector<16xi32>
        %add3A_162 = arith.addi %mul3A_3, %add3A_161 : vector<16xi32>
        tpu.vector_store_idx %arg7[%add3A_162], %get3A_156 : memref<24576xf32, #tpu.memory_space<vmem>>[vector<16xi32>], vector<16xf32>,
        %mul3A_163 = arith.constant 16 : i32
        %mul3A_164 = arith.muli %scan3A_54, %mul3A_163 : i32
        %get3A_165 = arith.constant 9 : i32
        %get3A_166 = arith.index_cast %get3A_165 : i32 to index
        %get3A_167 = arith.index_cast %mul3A_164 : i32 to index
        %get3A_168 = tpu.vector_load %arg5[%get3A_166, %get3A_167] {strides = array<i32>} : memref<16x1536xf32, #tpu.memory_space<vmem>>, vector<16xf32>,
        %mul3A_169 = arith.constant 256 : i32
        %mul3A_170 = arith.muli %scan3A_54, %mul3A_169 : i32
        %add3A_171 = arith.constant 9 : i32
        %add3A_172 = arith.addi %mul3A_170, %add3A_171 : i32
        %add3A_173 = vector.broadcast %add3A_172 : i32 to vector<16xi32>
        %add3A_174 = arith.addi %mul3A_3, %add3A_173 : vector<16xi32>
        tpu.vector_store_idx %arg7[%add3A_174], %get3A_168 : memref<24576xf32, #tpu.memory_space<vmem>>[vector<16xi32>], vector<16xf32>,
        %mul3A_175 = arith.constant 16 : i32
        %mul3A_176 = arith.muli %scan3A_54, %mul3A_175 : i32
        %get3A_177 = arith.constant 10 : i32
        %get3A_178 = arith.index_cast %get3A_177 : i32 to index
        %get3A_179 = arith.index_cast %mul3A_176 : i32 to index
        %get3A_180 = tpu.vector_load %arg5[%get3A_178, %get3A_179] {strides = array<i32>} : memref<16x1536xf32, #tpu.memory_space<vmem>>, vector<16xf32>,
        %mul3A_181 = arith.constant 256 : i32
        %mul3A_182 = arith.muli %scan3A_54, %mul3A_181 : i32
        %add3A_183 = arith.constant 10 : i32
        %add3A_184 = arith.addi %mul3A_182, %add3A_183 : i32
        %add3A_185 = vector.broadcast %add3A_184 : i32 to vector<16xi32>
        %add3A_186 = arith.addi %mul3A_3, %add3A_185 : vector<16xi32>
        tpu.vector_store_idx %arg7[%add3A_186], %get3A_180 : memref<24576xf32, #tpu.memory_space<vmem>>[vector<16xi32>], vector<16xf32>,
        %mul3A_187 = arith.constant 16 : i32
        %mul3A_188 = arith.muli %scan3A_54, %mul3A_187 : i32
        %get3A_189 = arith.constant 11 : i32
        %get3A_190 = arith.index_cast %get3A_189 : i32 to index
        %get3A_191 = arith.index_cast %mul3A_188 : i32 to index
        %get3A_192 = tpu.vector_load %arg5[%get3A_190, %get3A_191] {strides = array<i32>} : memref<16x1536xf32, #tpu.memory_space<vmem>>, vector<16xf32>,
        %mul3A_193 = arith.constant 256 : i32
        %mul3A_194 = arith.muli %scan3A_54, %mul3A_193 : i32
        %add3A_195 = arith.constant 11 : i32
        %add3A_196 = arith.addi %mul3A_194, %add3A_195 : i32
        %add3A_197 = vector.broadcast %add3A_196 : i32 to vector<16xi32>
        %add3A_198 = arith.addi %mul3A_3, %add3A_197 : vector<16xi32>
        tpu.vector_store_idx %arg7[%add3A_198], %get3A_192 : memref<24576xf32, #tpu.memory_space<vmem>>[vector<16xi32>], vector<16xf32>,
        %mul3A_199 = arith.constant 16 : i32
        %mul3A_200 = arith.muli %scan3A_54, %mul3A_199 : i32
        %get3A_201 = arith.constant 12 : i32
        %get3A_202 = arith.index_cast %get3A_201 : i32 to index
        %get3A_203 = arith.index_cast %mul3A_200 : i32 to index
        %get3A_204 = tpu.vector_load %arg5[%get3A_202, %get3A_203] {strides = array<i32>} : memref<16x1536xf32, #tpu.memory_space<vmem>>, vector<16xf32>,
        %mul3A_205 = arith.constant 256 : i32
        %mul3A_206 = arith.muli %scan3A_54, %mul3A_205 : i32
        %add3A_207 = arith.constant 12 : i32
        %add3A_208 = arith.addi %mul3A_206, %add3A_207 : i32
        %add3A_209 = vector.broadcast %add3A_208 : i32 to vector<16xi32>
        %add3A_210 = arith.addi %mul3A_3, %add3A_209 : vector<16xi32>
        tpu.vector_store_idx %arg7[%add3A_210], %get3A_204 : memref<24576xf32, #tpu.memory_space<vmem>>[vector<16xi32>], vector<16xf32>,
        %mul3A_211 = arith.constant 16 : i32
        %mul3A_212 = arith.muli %scan3A_54, %mul3A_211 : i32
        %get3A_213 = arith.constant 13 : i32
        %get3A_214 = arith.index_cast %get3A_213 : i32 to index
        %get3A_215 = arith.index_cast %mul3A_212 : i32 to index
        %get3A_216 = tpu.vector_load %arg5[%get3A_214, %get3A_215] {strides = array<i32>} : memref<16x1536xf32, #tpu.memory_space<vmem>>, vector<16xf32>,
        %mul3A_217 = arith.constant 256 : i32
        %mul3A_218 = arith.muli %scan3A_54, %mul3A_217 : i32
        %add3A_219 = arith.constant 13 : i32
        %add3A_220 = arith.addi %mul3A_218, %add3A_219 : i32
        %add3A_221 = vector.broadcast %add3A_220 : i32 to vector<16xi32>
        %add3A_222 = arith.addi %mul3A_3, %add3A_221 : vector<16xi32>
        tpu.vector_store_idx %arg7[%add3A_222], %get3A_216 : memref<24576xf32, #tpu.memory_space<vmem>>[vector<16xi32>], vector<16xf32>,
        %mul3A_223 = arith.constant 16 : i32
        %mul3A_224 = arith.muli %scan3A_54, %mul3A_223 : i32
        %get3A_225 = arith.constant 14 : i32
        %get3A_226 = arith.index_cast %get3A_225 : i32 to index
        %get3A_227 = arith.index_cast %mul3A_224 : i32 to index
        %get3A_228 = tpu.vector_load %arg5[%get3A_226, %get3A_227] {strides = array<i32>} : memref<16x1536xf32, #tpu.memory_space<vmem>>, vector<16xf32>,
        %mul3A_229 = arith.constant 256 : i32
        %mul3A_230 = arith.muli %scan3A_54, %mul3A_229 : i32
        %add3A_231 = arith.constant 14 : i32
        %add3A_232 = arith.addi %mul3A_230, %add3A_231 : i32
        %add3A_233 = vector.broadcast %add3A_232 : i32 to vector<16xi32>
        %add3A_234 = arith.addi %mul3A_3, %add3A_233 : vector<16xi32>
        tpu.vector_store_idx %arg7[%add3A_234], %get3A_228 : memref<24576xf32, #tpu.memory_space<vmem>>[vector<16xi32>], vector<16xf32>,
        %mul3A_235 = arith.constant 16 : i32
        %mul3A_236 = arith.muli %scan3A_54, %mul3A_235 : i32
        %get3A_237 = arith.constant 15 : i32
        %get3A_238 = arith.index_cast %get3A_237 : i32 to index
        %get3A_239 = arith.index_cast %mul3A_236 : i32 to index
        %get3A_240 = tpu.vector_load %arg5[%get3A_238, %get3A_239] {strides = array<i32>} : memref<16x1536xf32, #tpu.memory_space<vmem>>, vector<16xf32>,
        %mul3A_241 = arith.constant 256 : i32
        %mul3A_242 = arith.muli %scan3A_54, %mul3A_241 : i32
        %add3A_243 = arith.constant 15 : i32
        %add3A_244 = arith.addi %mul3A_242, %add3A_243 : i32
        %add3A_245 = vector.broadcast %add3A_244 : i32 to vector<16xi32>
        %add3A_246 = arith.addi %mul3A_3, %add3A_245 : vector<16xi32>
        tpu.vector_store_idx %arg7[%add3A_246], %get3A_240 : memref<24576xf32, #tpu.memory_space<vmem>>[vector<16xi32>], vector<16xf32>,
        %scan3A_247 = arith.constant 0 : i32
        %scan3A_248 = arith.constant 1 : i32
        %scan3A_249 = arith.addi %scan3A_54, %scan3A_248 : i32
        %mul3A_250 = arith.constant 16 : i32
        %mul3A_251 = arith.muli %scan3A_249, %mul3A_250 : i32
        %get3A_252 = arith.constant 0 : i32
        %get3A_253 = arith.index_cast %get3A_252 : i32 to index
        %get3A_254 = arith.index_cast %mul3A_251 : i32 to index
        %get3A_255 = tpu.vector_load %arg5[%get3A_253, %get3A_254] {strides = array<i32>} : memref<16x1536xf32, #tpu.memory_space<vmem>>, vector<16xf32>,
        %mul3A_256 = arith.constant 256 : i32
        %mul3A_257 = arith.muli %scan3A_249, %mul3A_256 : i32
        %add3A_258 = arith.constant 0 : i32
        %add3A_259 = arith.addi %mul3A_257, %add3A_258 : i32
        %add3A_260 = vector.broadcast %add3A_259 : i32 to vector<16xi32>
        %add3A_261 = arith.addi %mul3A_3, %add3A_260 : vector<16xi32>
        tpu.vector_store_idx %arg7[%add3A_261], %get3A_255 : memref<24576xf32, #tpu.memory_space<vmem>>[vector<16xi32>], vector<16xf32>,
        %mul3A_262 = arith.constant 16 : i32
        %mul3A_263 = arith.muli %scan3A_249, %mul3A_262 : i32
        %get3A_264 = arith.constant 1 : i32
        %get3A_265 = arith.index_cast %get3A_264 : i32 to index
        %get3A_266 = arith.index_cast %mul3A_263 : i32 to index
        %get3A_267 = tpu.vector_load %arg5[%get3A_265, %get3A_266] {strides = array<i32>} : memref<16x1536xf32, #tpu.memory_space<vmem>>, vector<16xf32>,
        %mul3A_268 = arith.constant 256 : i32
        %mul3A_269 = arith.muli %scan3A_249, %mul3A_268 : i32
        %add3A_270 = arith.constant 1 : i32
        %add3A_271 = arith.addi %mul3A_269, %add3A_270 : i32
        %add3A_272 = vector.broadcast %add3A_271 : i32 to vector<16xi32>
        %add3A_273 = arith.addi %mul3A_3, %add3A_272 : vector<16xi32>
        tpu.vector_store_idx %arg7[%add3A_273], %get3A_267 : memref<24576xf32, #tpu.memory_space<vmem>>[vector<16xi32>], vector<16xf32>,
        %mul3A_274 = arith.constant 16 : i32
        %mul3A_275 = arith.muli %scan3A_249, %mul3A_274 : i32
        %get3A_276 = arith.constant 2 : i32
        %get3A_277 = arith.index_cast %get3A_276 : i32 to index
        %get3A_278 = arith.index_cast %mul3A_275 : i32 to index
        %get3A_279 = tpu.vector_load %arg5[%get3A_277, %get3A_278] {strides = array<i32>} : memref<16x1536xf32, #tpu.memory_space<vmem>>, vector<16xf32>,
        %mul3A_280 = arith.constant 256 : i32
        %mul3A_281 = arith.muli %scan3A_249, %mul3A_280 : i32
        %add3A_282 = arith.constant 2 : i32
        %add3A_283 = arith.addi %mul3A_281, %add3A_282 : i32
        %add3A_284 = vector.broadcast %add3A_283 : i32 to vector<16xi32>
        %add3A_285 = arith.addi %mul3A_3, %add3A_284 : vector<16xi32>
        tpu.vector_store_idx %arg7[%add3A_285], %get3A_279 : memref<24576xf32, #tpu.memory_space<vmem>>[vector<16xi32>], vector<16xf32>,
        %mul3A_286 = arith.constant 16 : i32
        %mul3A_287 = arith.muli %scan3A_249, %mul3A_286 : i32
        %get3A_288 = arith.constant 3 : i32
        %get3A_289 = arith.index_cast %get3A_288 : i32 to index
        %get3A_290 = arith.index_cast %mul3A_287 : i32 to index
        %get3A_291 = tpu.vector_load %arg5[%get3A_289, %get3A_290] {strides = array<i32>} : memref<16x1536xf32, #tpu.memory_space<vmem>>, vector<16xf32>,
        %mul3A_292 = arith.constant 256 : i32
        %mul3A_293 = arith.muli %scan3A_249, %mul3A_292 : i32
        %add3A_294 = arith.constant 3 : i32
        %add3A_295 = arith.addi %mul3A_293, %add3A_294 : i32
        %add3A_296 = vector.broadcast %add3A_295 : i32 to vector<16xi32>
        %add3A_297 = arith.addi %mul3A_3, %add3A_296 : vector<16xi32>
        tpu.vector_store_idx %arg7[%add3A_297], %get3A_291 : memref<24576xf32, #tpu.memory_space<vmem>>[vector<16xi32>], vector<16xf32>,
        %mul3A_298 = arith.constant 16 : i32
        %mul3A_299 = arith.muli %scan3A_249, %mul3A_298 : i32
        %get3A_300 = arith.constant 4 : i32
        %get3A_301 = arith.index_cast %get3A_300 : i32 to index
        %get3A_302 = arith.index_cast %mul3A_299 : i32 to index
        %get3A_303 = tpu.vector_load %arg5[%get3A_301, %get3A_302] {strides = array<i32>} : memref<16x1536xf32, #tpu.memory_space<vmem>>, vector<16xf32>,
        %mul3A_304 = arith.constant 256 : i32
        %mul3A_305 = arith.muli %scan3A_249, %mul3A_304 : i32
        %add3A_306 = arith.constant 4 : i32
        %add3A_307 = arith.addi %mul3A_305, %add3A_306 : i32
        %add3A_308 = vector.broadcast %add3A_307 : i32 to vector<16xi32>
        %add3A_309 = arith.addi %mul3A_3, %add3A_308 : vector<16xi32>
        tpu.vector_store_idx %arg7[%add3A_309], %get3A_303 : memref<24576xf32, #tpu.memory_space<vmem>>[vector<16xi32>], vector<16xf32>,
        %mul3A_310 = arith.constant 16 : i32
        %mul3A_311 = arith.muli %scan3A_249, %mul3A_310 : i32
        %get3A_312 = arith.constant 5 : i32
        %get3A_313 = arith.index_cast %get3A_312 : i32 to index
        %get3A_314 = arith.index_cast %mul3A_311 : i32 to index
        %get3A_315 = tpu.vector_load %arg5[%get3A_313, %get3A_314] {strides = array<i32>} : memref<16x1536xf32, #tpu.memory_space<vmem>>, vector<16xf32>,
        %mul3A_316 = arith.constant 256 : i32
        %mul3A_317 = arith.muli %scan3A_249, %mul3A_316 : i32
        %add3A_318 = arith.constant 5 : i32
        %add3A_319 = arith.addi %mul3A_317, %add3A_318 : i32
        %add3A_320 = vector.broadcast %add3A_319 : i32 to vector<16xi32>
        %add3A_321 = arith.addi %mul3A_3, %add3A_320 : vector<16xi32>
        tpu.vector_store_idx %arg7[%add3A_321], %get3A_315 : memref<24576xf32, #tpu.memory_space<vmem>>[vector<16xi32>], vector<16xf32>,
        %mul3A_322 = arith.constant 16 : i32
        %mul3A_323 = arith.muli %scan3A_249, %mul3A_322 : i32
        %get3A_324 = arith.constant 6 : i32
        %get3A_325 = arith.index_cast %get3A_324 : i32 to index
        %get3A_326 = arith.index_cast %mul3A_323 : i32 to index
        %get3A_327 = tpu.vector_load %arg5[%get3A_325, %get3A_326] {strides = array<i32>} : memref<16x1536xf32, #tpu.memory_space<vmem>>, vector<16xf32>,
        %mul3A_328 = arith.constant 256 : i32
        %mul3A_329 = arith.muli %scan3A_249, %mul3A_328 : i32
        %add3A_330 = arith.constant 6 : i32
        %add3A_331 = arith.addi %mul3A_329, %add3A_330 : i32
        %add3A_332 = vector.broadcast %add3A_331 : i32 to vector<16xi32>
        %add3A_333 = arith.addi %mul3A_3, %add3A_332 : vector<16xi32>
        tpu.vector_store_idx %arg7[%add3A_333], %get3A_327 : memref<24576xf32, #tpu.memory_space<vmem>>[vector<16xi32>], vector<16xf32>,
        %mul3A_334 = arith.constant 16 : i32
        %mul3A_335 = arith.muli %scan3A_249, %mul3A_334 : i32
        %get3A_336 = arith.constant 7 : i32
        %get3A_337 = arith.index_cast %get3A_336 : i32 to index
        %get3A_338 = arith.index_cast %mul3A_335 : i32 to index
        %get3A_339 = tpu.vector_load %arg5[%get3A_337, %get3A_338] {strides = array<i32>} : memref<16x1536xf32, #tpu.memory_space<vmem>>, vector<16xf32>,
        %mul3A_340 = arith.constant 256 : i32
        %mul3A_341 = arith.muli %scan3A_249, %mul3A_340 : i32
        %add3A_342 = arith.constant 7 : i32
        %add3A_343 = arith.addi %mul3A_341, %add3A_342 : i32
        %add3A_344 = vector.broadcast %add3A_343 : i32 to vector<16xi32>
        %add3A_345 = arith.addi %mul3A_3, %add3A_344 : vector<16xi32>
        tpu.vector_store_idx %arg7[%add3A_345], %get3A_339 : memref<24576xf32, #tpu.memory_space<vmem>>[vector<16xi32>], vector<16xf32>,
        %mul3A_346 = arith.constant 16 : i32
        %mul3A_347 = arith.muli %scan3A_249, %mul3A_346 : i32
        %get3A_348 = arith.constant 8 : i32
        %get3A_349 = arith.index_cast %get3A_348 : i32 to index
        %get3A_350 = arith.index_cast %mul3A_347 : i32 to index
        %get3A_351 = tpu.vector_load %arg5[%get3A_349, %get3A_350] {strides = array<i32>} : memref<16x1536xf32, #tpu.memory_space<vmem>>, vector<16xf32>,
        %mul3A_352 = arith.constant 256 : i32
        %mul3A_353 = arith.muli %scan3A_249, %mul3A_352 : i32
        %add3A_354 = arith.constant 8 : i32
        %add3A_355 = arith.addi %mul3A_353, %add3A_354 : i32
        %add3A_356 = vector.broadcast %add3A_355 : i32 to vector<16xi32>
        %add3A_357 = arith.addi %mul3A_3, %add3A_356 : vector<16xi32>
        tpu.vector_store_idx %arg7[%add3A_357], %get3A_351 : memref<24576xf32, #tpu.memory_space<vmem>>[vector<16xi32>], vector<16xf32>,
        %mul3A_358 = arith.constant 16 : i32
        %mul3A_359 = arith.muli %scan3A_249, %mul3A_358 : i32
        %get3A_360 = arith.constant 9 : i32
        %get3A_361 = arith.index_cast %get3A_360 : i32 to index
        %get3A_362 = arith.index_cast %mul3A_359 : i32 to index
        %get3A_363 = tpu.vector_load %arg5[%get3A_361, %get3A_362] {strides = array<i32>} : memref<16x1536xf32, #tpu.memory_space<vmem>>, vector<16xf32>,
        %mul3A_364 = arith.constant 256 : i32
        %mul3A_365 = arith.muli %scan3A_249, %mul3A_364 : i32
        %add3A_366 = arith.constant 9 : i32
        %add3A_367 = arith.addi %mul3A_365, %add3A_366 : i32
        %add3A_368 = vector.broadcast %add3A_367 : i32 to vector<16xi32>
        %add3A_369 = arith.addi %mul3A_3, %add3A_368 : vector<16xi32>
        tpu.vector_store_idx %arg7[%add3A_369], %get3A_363 : memref<24576xf32, #tpu.memory_space<vmem>>[vector<16xi32>], vector<16xf32>,
        %mul3A_370 = arith.constant 16 : i32
        %mul3A_371 = arith.muli %scan3A_249, %mul3A_370 : i32
        %get3A_372 = arith.constant 10 : i32
        %get3A_373 = arith.index_cast %get3A_372 : i32 to index
        %get3A_374 = arith.index_cast %mul3A_371 : i32 to index
        %get3A_375 = tpu.vector_load %arg5[%get3A_373, %get3A_374] {strides = array<i32>} : memref<16x1536xf32, #tpu.memory_space<vmem>>, vector<16xf32>,
        %mul3A_376 = arith.constant 256 : i32
        %mul3A_377 = arith.muli %scan3A_249, %mul3A_376 : i32
        %add3A_378 = arith.constant 10 : i32
        %add3A_379 = arith.addi %mul3A_377, %add3A_378 : i32
        %add3A_380 = vector.broadcast %add3A_379 : i32 to vector<16xi32>
        %add3A_381 = arith.addi %mul3A_3, %add3A_380 : vector<16xi32>
        tpu.vector_store_idx %arg7[%add3A_381], %get3A_375 : memref<24576xf32, #tpu.memory_space<vmem>>[vector<16xi32>], vector<16xf32>,
        %mul3A_382 = arith.constant 16 : i32
        %mul3A_383 = arith.muli %scan3A_249, %mul3A_382 : i32
        %get3A_384 = arith.constant 11 : i32
        %get3A_385 = arith.index_cast %get3A_384 : i32 to index
        %get3A_386 = arith.index_cast %mul3A_383 : i32 to index
        %get3A_387 = tpu.vector_load %arg5[%get3A_385, %get3A_386] {strides = array<i32>} : memref<16x1536xf32, #tpu.memory_space<vmem>>, vector<16xf32>,
        %mul3A_388 = arith.constant 256 : i32
        %mul3A_389 = arith.muli %scan3A_249, %mul3A_388 : i32
        %add3A_390 = arith.constant 11 : i32
        %add3A_391 = arith.addi %mul3A_389, %add3A_390 : i32
        %add3A_392 = vector.broadcast %add3A_391 : i32 to vector<16xi32>
        %add3A_393 = arith.addi %mul3A_3, %add3A_392 : vector<16xi32>
        tpu.vector_store_idx %arg7[%add3A_393], %get3A_387 : memref<24576xf32, #tpu.memory_space<vmem>>[vector<16xi32>], vector<16xf32>,
        %mul3A_394 = arith.constant 16 : i32
        %mul3A_395 = arith.muli %scan3A_249, %mul3A_394 : i32
        %get3A_396 = arith.constant 12 : i32
        %get3A_397 = arith.index_cast %get3A_396 : i32 to index
        %get3A_398 = arith.index_cast %mul3A_395 : i32 to index
        %get3A_399 = tpu.vector_load %arg5[%get3A_397, %get3A_398] {strides = array<i32>} : memref<16x1536xf32, #tpu.memory_space<vmem>>, vector<16xf32>,
        %mul3A_400 = arith.constant 256 : i32
        %mul3A_401 = arith.muli %scan3A_249, %mul3A_400 : i32
        %add3A_402 = arith.constant 12 : i32
        %add3A_403 = arith.addi %mul3A_401, %add3A_402 : i32
        %add3A_404 = vector.broadcast %add3A_403 : i32 to vector<16xi32>
        %add3A_405 = arith.addi %mul3A_3, %add3A_404 : vector<16xi32>
        tpu.vector_store_idx %arg7[%add3A_405], %get3A_399 : memref<24576xf32, #tpu.memory_space<vmem>>[vector<16xi32>], vector<16xf32>,
        %mul3A_406 = arith.constant 16 : i32
        %mul3A_407 = arith.muli %scan3A_249, %mul3A_406 : i32
        %get3A_408 = arith.constant 13 : i32
        %get3A_409 = arith.index_cast %get3A_408 : i32 to index
        %get3A_410 = arith.index_cast %mul3A_407 : i32 to index
        %get3A_411 = tpu.vector_load %arg5[%get3A_409, %get3A_410] {strides = array<i32>} : memref<16x1536xf32, #tpu.memory_space<vmem>>, vector<16xf32>,
        %mul3A_412 = arith.constant 256 : i32
        %mul3A_413 = arith.muli %scan3A_249, %mul3A_412 : i32
        %add3A_414 = arith.constant 13 : i32
        %add3A_415 = arith.addi %mul3A_413, %add3A_414 : i32
        %add3A_416 = vector.broadcast %add3A_415 : i32 to vector<16xi32>
        %add3A_417 = arith.addi %mul3A_3, %add3A_416 : vector<16xi32>
        tpu.vector_store_idx %arg7[%add3A_417], %get3A_411 : memref<24576xf32, #tpu.memory_space<vmem>>[vector<16xi32>], vector<16xf32>,
        %mul3A_418 = arith.constant 16 : i32
        %mul3A_419 = arith.muli %scan3A_249, %mul3A_418 : i32
        %get3A_420 = arith.constant 14 : i32
        %get3A_421 = arith.index_cast %get3A_420 : i32 to index
        %get3A_422 = arith.index_cast %mul3A_419 : i32 to index
        %get3A_423 = tpu.vector_load %arg5[%get3A_421, %get3A_422] {strides = array<i32>} : memref<16x1536xf32, #tpu.memory_space<vmem>>, vector<16xf32>,
        %mul3A_424 = arith.constant 256 : i32
        %mul3A_425 = arith.muli %scan3A_249, %mul3A_424 : i32
        %add3A_426 = arith.constant 14 : i32
        %add3A_427 = arith.addi %mul3A_425, %add3A_426 : i32
        %add3A_428 = vector.broadcast %add3A_427 : i32 to vector<16xi32>
        %add3A_429 = arith.addi %mul3A_3, %add3A_428 : vector<16xi32>
        tpu.vector_store_idx %arg7[%add3A_429], %get3A_423 : memref<24576xf32, #tpu.memory_space<vmem>>[vector<16xi32>], vector<16xf32>,
        %mul3A_430 = arith.constant 16 : i32
        %mul3A_431 = arith.muli %scan3A_249, %mul3A_430 : i32
        %get3A_432 = arith.constant 15 : i32
        %get3A_433 = arith.index_cast %get3A_432 : i32 to index
        %get3A_434 = arith.index_cast %mul3A_431 : i32 to index
        %get3A_435 = tpu.vector_load %arg5[%get3A_433, %get3A_434] {strides = array<i32>} : memref<16x1536xf32, #tpu.memory_space<vmem>>, vector<16xf32>,
        %mul3A_436 = arith.constant 256 : i32
        %mul3A_437 = arith.muli %scan3A_249, %mul3A_436 : i32
        %add3A_438 = arith.constant 15 : i32
        %add3A_439 = arith.addi %mul3A_437, %add3A_438 : i32
        %add3A_440 = vector.broadcast %add3A_439 : i32 to vector<16xi32>
        %add3A_441 = arith.addi %mul3A_3, %add3A_440 : vector<16xi32>
        tpu.vector_store_idx %arg7[%add3A_441], %get3A_435 : memref<24576xf32, #tpu.memory_space<vmem>>[vector<16xi32>], vector<16xf32>,
        %scan3A_442 = arith.constant 0 : i32
        %scan3A_443 = arith.constant 2 : i32
        %scan3A_444 = arith.addi %scan3A_54, %scan3A_443 : i32
        %mul3A_445 = arith.constant 16 : i32
        %mul3A_446 = arith.muli %scan3A_444, %mul3A_445 : i32
        %get3A_447 = arith.constant 0 : i32
        %get3A_448 = arith.index_cast %get3A_447 : i32 to index
        %get3A_449 = arith.index_cast %mul3A_446 : i32 to index
        %get3A_450 = tpu.vector_load %arg5[%get3A_448, %get3A_449] {strides = array<i32>} : memref<16x1536xf32, #tpu.memory_space<vmem>>, vector<16xf32>,
        %mul3A_451 = arith.constant 256 : i32
        %mul3A_452 = arith.muli %scan3A_444, %mul3A_451 : i32
        %add3A_453 = arith.constant 0 : i32
        %add3A_454 = arith.addi %mul3A_452, %add3A_453 : i32
        %add3A_455 = vector.broadcast %add3A_454 : i32 to vector<16xi32>
        %add3A_456 = arith.addi %mul3A_3, %add3A_455 : vector<16xi32>
        tpu.vector_store_idx %arg7[%add3A_456], %get3A_450 : memref<24576xf32, #tpu.memory_space<vmem>>[vector<16xi32>], vector<16xf32>,
        %mul3A_457 = arith.constant 16 : i32
        %mul3A_458 = arith.muli %scan3A_444, %mul3A_457 : i32
        %get3A_459 = arith.constant 1 : i32
        %get3A_460 = arith.index_cast %get3A_459 : i32 to index
        %get3A_461 = arith.index_cast %mul3A_458 : i32 to index
        %get3A_462 = tpu.vector_load %arg5[%get3A_460, %get3A_461] {strides = array<i32>} : memref<16x1536xf32, #tpu.memory_space<vmem>>, vector<16xf32>,
        %mul3A_463 = arith.constant 256 : i32
        %mul3A_464 = arith.muli %scan3A_444, %mul3A_463 : i32
        %add3A_465 = arith.constant 1 : i32
        %add3A_466 = arith.addi %mul3A_464, %add3A_465 : i32
        %add3A_467 = vector.broadcast %add3A_466 : i32 to vector<16xi32>
        %add3A_468 = arith.addi %mul3A_3, %add3A_467 : vector<16xi32>
        tpu.vector_store_idx %arg7[%add3A_468], %get3A_462 : memref<24576xf32, #tpu.memory_space<vmem>>[vector<16xi32>], vector<16xf32>,
        %mul3A_469 = arith.constant 16 : i32
        %mul3A_470 = arith.muli %scan3A_444, %mul3A_469 : i32
        %get3A_471 = arith.constant 2 : i32
        %get3A_472 = arith.index_cast %get3A_471 : i32 to index
        %get3A_473 = arith.index_cast %mul3A_470 : i32 to index
        %get3A_474 = tpu.vector_load %arg5[%get3A_472, %get3A_473] {strides = array<i32>} : memref<16x1536xf32, #tpu.memory_space<vmem>>, vector<16xf32>,
        %mul3A_475 = arith.constant 256 : i32
        %mul3A_476 = arith.muli %scan3A_444, %mul3A_475 : i32
        %add3A_477 = arith.constant 2 : i32
        %add3A_478 = arith.addi %mul3A_476, %add3A_477 : i32
        %add3A_479 = vector.broadcast %add3A_478 : i32 to vector<16xi32>
        %add3A_480 = arith.addi %mul3A_3, %add3A_479 : vector<16xi32>
        tpu.vector_store_idx %arg7[%add3A_480], %get3A_474 : memref<24576xf32, #tpu.memory_space<vmem>>[vector<16xi32>], vector<16xf32>,
        %mul3A_481 = arith.constant 16 : i32
        %mul3A_482 = arith.muli %scan3A_444, %mul3A_481 : i32
        %get3A_483 = arith.constant 3 : i32
        %get3A_484 = arith.index_cast %get3A_483 : i32 to index
        %get3A_485 = arith.index_cast %mul3A_482 : i32 to index
        %get3A_486 = tpu.vector_load %arg5[%get3A_484, %get3A_485] {strides = array<i32>} : memref<16x1536xf32, #tpu.memory_space<vmem>>, vector<16xf32>,
        %mul3A_487 = arith.constant 256 : i32
        %mul3A_488 = arith.muli %scan3A_444, %mul3A_487 : i32
        %add3A_489 = arith.constant 3 : i32
        %add3A_490 = arith.addi %mul3A_488, %add3A_489 : i32
        %add3A_491 = vector.broadcast %add3A_490 : i32 to vector<16xi32>
        %add3A_492 = arith.addi %mul3A_3, %add3A_491 : vector<16xi32>
        tpu.vector_store_idx %arg7[%add3A_492], %get3A_486 : memref<24576xf32, #tpu.memory_space<vmem>>[vector<16xi32>], vector<16xf32>,
        %mul3A_493 = arith.constant 16 : i32
        %mul3A_494 = arith.muli %scan3A_444, %mul3A_493 : i32
        %get3A_495 = arith.constant 4 : i32
        %get3A_496 = arith.index_cast %get3A_495 : i32 to index
        %get3A_497 = arith.index_cast %mul3A_494 : i32 to index
        %get3A_498 = tpu.vector_load %arg5[%get3A_496, %get3A_497] {strides = array<i32>} : memref<16x1536xf32, #tpu.memory_space<vmem>>, vector<16xf32>,
        %mul3A_499 = arith.constant 256 : i32
        %mul3A_500 = arith.muli %scan3A_444, %mul3A_499 : i32
        %add3A_501 = arith.constant 4 : i32
        %add3A_502 = arith.addi %mul3A_500, %add3A_501 : i32
        %add3A_503 = vector.broadcast %add3A_502 : i32 to vector<16xi32>
        %add3A_504 = arith.addi %mul3A_3, %add3A_503 : vector<16xi32>
        tpu.vector_store_idx %arg7[%add3A_504], %get3A_498 : memref<24576xf32, #tpu.memory_space<vmem>>[vector<16xi32>], vector<16xf32>,
        %mul3A_505 = arith.constant 16 : i32
        %mul3A_506 = arith.muli %scan3A_444, %mul3A_505 : i32
        %get3A_507 = arith.constant 5 : i32
        %get3A_508 = arith.index_cast %get3A_507 : i32 to index
        %get3A_509 = arith.index_cast %mul3A_506 : i32 to index
        %get3A_510 = tpu.vector_load %arg5[%get3A_508, %get3A_509] {strides = array<i32>} : memref<16x1536xf32, #tpu.memory_space<vmem>>, vector<16xf32>,
        %mul3A_511 = arith.constant 256 : i32
        %mul3A_512 = arith.muli %scan3A_444, %mul3A_511 : i32
        %add3A_513 = arith.constant 5 : i32
        %add3A_514 = arith.addi %mul3A_512, %add3A_513 : i32
        %add3A_515 = vector.broadcast %add3A_514 : i32 to vector<16xi32>
        %add3A_516 = arith.addi %mul3A_3, %add3A_515 : vector<16xi32>
        tpu.vector_store_idx %arg7[%add3A_516], %get3A_510 : memref<24576xf32, #tpu.memory_space<vmem>>[vector<16xi32>], vector<16xf32>,
        %mul3A_517 = arith.constant 16 : i32
        %mul3A_518 = arith.muli %scan3A_444, %mul3A_517 : i32
        %get3A_519 = arith.constant 6 : i32
        %get3A_520 = arith.index_cast %get3A_519 : i32 to index
        %get3A_521 = arith.index_cast %mul3A_518 : i32 to index
        %get3A_522 = tpu.vector_load %arg5[%get3A_520, %get3A_521] {strides = array<i32>} : memref<16x1536xf32, #tpu.memory_space<vmem>>, vector<16xf32>,
        %mul3A_523 = arith.constant 256 : i32
        %mul3A_524 = arith.muli %scan3A_444, %mul3A_523 : i32
        %add3A_525 = arith.constant 6 : i32
        %add3A_526 = arith.addi %mul3A_524, %add3A_525 : i32
        %add3A_527 = vector.broadcast %add3A_526 : i32 to vector<16xi32>
        %add3A_528 = arith.addi %mul3A_3, %add3A_527 : vector<16xi32>
        tpu.vector_store_idx %arg7[%add3A_528], %get3A_522 : memref<24576xf32, #tpu.memory_space<vmem>>[vector<16xi32>], vector<16xf32>,
        %mul3A_529 = arith.constant 16 : i32
        %mul3A_530 = arith.muli %scan3A_444, %mul3A_529 : i32
        %get3A_531 = arith.constant 7 : i32
        %get3A_532 = arith.index_cast %get3A_531 : i32 to index
        %get3A_533 = arith.index_cast %mul3A_530 : i32 to index
        %get3A_534 = tpu.vector_load %arg5[%get3A_532, %get3A_533] {strides = array<i32>} : memref<16x1536xf32, #tpu.memory_space<vmem>>, vector<16xf32>,
        %mul3A_535 = arith.constant 256 : i32
        %mul3A_536 = arith.muli %scan3A_444, %mul3A_535 : i32
        %add3A_537 = arith.constant 7 : i32
        %add3A_538 = arith.addi %mul3A_536, %add3A_537 : i32
        %add3A_539 = vector.broadcast %add3A_538 : i32 to vector<16xi32>
        %add3A_540 = arith.addi %mul3A_3, %add3A_539 : vector<16xi32>
        tpu.vector_store_idx %arg7[%add3A_540], %get3A_534 : memref<24576xf32, #tpu.memory_space<vmem>>[vector<16xi32>], vector<16xf32>,
        %mul3A_541 = arith.constant 16 : i32
        %mul3A_542 = arith.muli %scan3A_444, %mul3A_541 : i32
        %get3A_543 = arith.constant 8 : i32
        %get3A_544 = arith.index_cast %get3A_543 : i32 to index
        %get3A_545 = arith.index_cast %mul3A_542 : i32 to index
        %get3A_546 = tpu.vector_load %arg5[%get3A_544, %get3A_545] {strides = array<i32>} : memref<16x1536xf32, #tpu.memory_space<vmem>>, vector<16xf32>,
        %mul3A_547 = arith.constant 256 : i32
        %mul3A_548 = arith.muli %scan3A_444, %mul3A_547 : i32
        %add3A_549 = arith.constant 8 : i32
        %add3A_550 = arith.addi %mul3A_548, %add3A_549 : i32
        %add3A_551 = vector.broadcast %add3A_550 : i32 to vector<16xi32>
        %add3A_552 = arith.addi %mul3A_3, %add3A_551 : vector<16xi32>
        tpu.vector_store_idx %arg7[%add3A_552], %get3A_546 : memref<24576xf32, #tpu.memory_space<vmem>>[vector<16xi32>], vector<16xf32>,
        %mul3A_553 = arith.constant 16 : i32
        %mul3A_554 = arith.muli %scan3A_444, %mul3A_553 : i32
        %get3A_555 = arith.constant 9 : i32
        %get3A_556 = arith.index_cast %get3A_555 : i32 to index
        %get3A_557 = arith.index_cast %mul3A_554 : i32 to index
        %get3A_558 = tpu.vector_load %arg5[%get3A_556, %get3A_557] {strides = array<i32>} : memref<16x1536xf32, #tpu.memory_space<vmem>>, vector<16xf32>,
        %mul3A_559 = arith.constant 256 : i32
        %mul3A_560 = arith.muli %scan3A_444, %mul3A_559 : i32
        %add3A_561 = arith.constant 9 : i32
        %add3A_562 = arith.addi %mul3A_560, %add3A_561 : i32
        %add3A_563 = vector.broadcast %add3A_562 : i32 to vector<16xi32>
        %add3A_564 = arith.addi %mul3A_3, %add3A_563 : vector<16xi32>
        tpu.vector_store_idx %arg7[%add3A_564], %get3A_558 : memref<24576xf32, #tpu.memory_space<vmem>>[vector<16xi32>], vector<16xf32>,
        %mul3A_565 = arith.constant 16 : i32
        %mul3A_566 = arith.muli %scan3A_444, %mul3A_565 : i32
        %get3A_567 = arith.constant 10 : i32
        %get3A_568 = arith.index_cast %get3A_567 : i32 to index
        %get3A_569 = arith.index_cast %mul3A_566 : i32 to index
        %get3A_570 = tpu.vector_load %arg5[%get3A_568, %get3A_569] {strides = array<i32>} : memref<16x1536xf32, #tpu.memory_space<vmem>>, vector<16xf32>,
        %mul3A_571 = arith.constant 256 : i32
        %mul3A_572 = arith.muli %scan3A_444, %mul3A_571 : i32
        %add3A_573 = arith.constant 10 : i32
        %add3A_574 = arith.addi %mul3A_572, %add3A_573 : i32
        %add3A_575 = vector.broadcast %add3A_574 : i32 to vector<16xi32>
        %add3A_576 = arith.addi %mul3A_3, %add3A_575 : vector<16xi32>
        tpu.vector_store_idx %arg7[%add3A_576], %get3A_570 : memref<24576xf32, #tpu.memory_space<vmem>>[vector<16xi32>], vector<16xf32>,
        %mul3A_577 = arith.constant 16 : i32
        %mul3A_578 = arith.muli %scan3A_444, %mul3A_577 : i32
        %get3A_579 = arith.constant 11 : i32
        %get3A_580 = arith.index_cast %get3A_579 : i32 to index
        %get3A_581 = arith.index_cast %mul3A_578 : i32 to index
        %get3A_582 = tpu.vector_load %arg5[%get3A_580, %get3A_581] {strides = array<i32>} : memref<16x1536xf32, #tpu.memory_space<vmem>>, vector<16xf32>,
        %mul3A_583 = arith.constant 256 : i32
        %mul3A_584 = arith.muli %scan3A_444, %mul3A_583 : i32
        %add3A_585 = arith.constant 11 : i32
        %add3A_586 = arith.addi %mul3A_584, %add3A_585 : i32
        %add3A_587 = vector.broadcast %add3A_586 : i32 to vector<16xi32>
        %add3A_588 = arith.addi %mul3A_3, %add3A_587 : vector<16xi32>
        tpu.vector_store_idx %arg7[%add3A_588], %get3A_582 : memref<24576xf32, #tpu.memory_space<vmem>>[vector<16xi32>], vector<16xf32>,
        %mul3A_589 = arith.constant 16 : i32
        %mul3A_590 = arith.muli %scan3A_444, %mul3A_589 : i32
        %get3A_591 = arith.constant 12 : i32
        %get3A_592 = arith.index_cast %get3A_591 : i32 to index
        %get3A_593 = arith.index_cast %mul3A_590 : i32 to index
        %get3A_594 = tpu.vector_load %arg5[%get3A_592, %get3A_593] {strides = array<i32>} : memref<16x1536xf32, #tpu.memory_space<vmem>>, vector<16xf32>,
        %mul3A_595 = arith.constant 256 : i32
        %mul3A_596 = arith.muli %scan3A_444, %mul3A_595 : i32
        %add3A_597 = arith.constant 12 : i32
        %add3A_598 = arith.addi %mul3A_596, %add3A_597 : i32
        %add3A_599 = vector.broadcast %add3A_598 : i32 to vector<16xi32>
        %add3A_600 = arith.addi %mul3A_3, %add3A_599 : vector<16xi32>
        tpu.vector_store_idx %arg7[%add3A_600], %get3A_594 : memref<24576xf32, #tpu.memory_space<vmem>>[vector<16xi32>], vector<16xf32>,
        %mul3A_601 = arith.constant 16 : i32
        %mul3A_602 = arith.muli %scan3A_444, %mul3A_601 : i32
        %get3A_603 = arith.constant 13 : i32
        %get3A_604 = arith.index_cast %get3A_603 : i32 to index
        %get3A_605 = arith.index_cast %mul3A_602 : i32 to index
        %get3A_606 = tpu.vector_load %arg5[%get3A_604, %get3A_605] {strides = array<i32>} : memref<16x1536xf32, #tpu.memory_space<vmem>>, vector<16xf32>,
        %mul3A_607 = arith.constant 256 : i32
        %mul3A_608 = arith.muli %scan3A_444, %mul3A_607 : i32
        %add3A_609 = arith.constant 13 : i32
        %add3A_610 = arith.addi %mul3A_608, %add3A_609 : i32
        %add3A_611 = vector.broadcast %add3A_610 : i32 to vector<16xi32>
        %add3A_612 = arith.addi %mul3A_3, %add3A_611 : vector<16xi32>
        tpu.vector_store_idx %arg7[%add3A_612], %get3A_606 : memref<24576xf32, #tpu.memory_space<vmem>>[vector<16xi32>], vector<16xf32>,
        %mul3A_613 = arith.constant 16 : i32
        %mul3A_614 = arith.muli %scan3A_444, %mul3A_613 : i32
        %get3A_615 = arith.constant 14 : i32
        %get3A_616 = arith.index_cast %get3A_615 : i32 to index
        %get3A_617 = arith.index_cast %mul3A_614 : i32 to index
        %get3A_618 = tpu.vector_load %arg5[%get3A_616, %get3A_617] {strides = array<i32>} : memref<16x1536xf32, #tpu.memory_space<vmem>>, vector<16xf32>,
        %mul3A_619 = arith.constant 256 : i32
        %mul3A_620 = arith.muli %scan3A_444, %mul3A_619 : i32
        %add3A_621 = arith.constant 14 : i32
        %add3A_622 = arith.addi %mul3A_620, %add3A_621 : i32
        %add3A_623 = vector.broadcast %add3A_622 : i32 to vector<16xi32>
        %add3A_624 = arith.addi %mul3A_3, %add3A_623 : vector<16xi32>
        tpu.vector_store_idx %arg7[%add3A_624], %get3A_618 : memref<24576xf32, #tpu.memory_space<vmem>>[vector<16xi32>], vector<16xf32>,
        %mul3A_625 = arith.constant 16 : i32
        %mul3A_626 = arith.muli %scan3A_444, %mul3A_625 : i32
        %get3A_627 = arith.constant 15 : i32
        %get3A_628 = arith.index_cast %get3A_627 : i32 to index
        %get3A_629 = arith.index_cast %mul3A_626 : i32 to index
        %get3A_630 = tpu.vector_load %arg5[%get3A_628, %get3A_629] {strides = array<i32>} : memref<16x1536xf32, #tpu.memory_space<vmem>>, vector<16xf32>,
        %mul3A_631 = arith.constant 256 : i32
        %mul3A_632 = arith.muli %scan3A_444, %mul3A_631 : i32
        %add3A_633 = arith.constant 15 : i32
        %add3A_634 = arith.addi %mul3A_632, %add3A_633 : i32
        %add3A_635 = vector.broadcast %add3A_634 : i32 to vector<16xi32>
        %add3A_636 = arith.addi %mul3A_3, %add3A_635 : vector<16xi32>
        tpu.vector_store_idx %arg7[%add3A_636], %get3A_630 : memref<24576xf32, #tpu.memory_space<vmem>>[vector<16xi32>], vector<16xf32>,
        %scan3A_637 = arith.constant 0 : i32
        %scan3A_638 = arith.constant 3 : i32
        %scan3A_639 = arith.addi %scan3A_54, %scan3A_638 : i32
        %mul3A_640 = arith.constant 16 : i32
        %mul3A_641 = arith.muli %scan3A_639, %mul3A_640 : i32
        %get3A_642 = arith.constant 0 : i32
        %get3A_643 = arith.index_cast %get3A_642 : i32 to index
        %get3A_644 = arith.index_cast %mul3A_641 : i32 to index
        %get3A_645 = tpu.vector_load %arg5[%get3A_643, %get3A_644] {strides = array<i32>} : memref<16x1536xf32, #tpu.memory_space<vmem>>, vector<16xf32>,
        %mul3A_646 = arith.constant 256 : i32
        %mul3A_647 = arith.muli %scan3A_639, %mul3A_646 : i32
        %add3A_648 = arith.constant 0 : i32
        %add3A_649 = arith.addi %mul3A_647, %add3A_648 : i32
        %add3A_650 = vector.broadcast %add3A_649 : i32 to vector<16xi32>
        %add3A_651 = arith.addi %mul3A_3, %add3A_650 : vector<16xi32>
        tpu.vector_store_idx %arg7[%add3A_651], %get3A_645 : memref<24576xf32, #tpu.memory_space<vmem>>[vector<16xi32>], vector<16xf32>,
        %mul3A_652 = arith.constant 16 : i32
        %mul3A_653 = arith.muli %scan3A_639, %mul3A_652 : i32
        %get3A_654 = arith.constant 1 : i32
        %get3A_655 = arith.index_cast %get3A_654 : i32 to index
        %get3A_656 = arith.index_cast %mul3A_653 : i32 to index
        %get3A_657 = tpu.vector_load %arg5[%get3A_655, %get3A_656] {strides = array<i32>} : memref<16x1536xf32, #tpu.memory_space<vmem>>, vector<16xf32>,
        %mul3A_658 = arith.constant 256 : i32
        %mul3A_659 = arith.muli %scan3A_639, %mul3A_658 : i32
        %add3A_660 = arith.constant 1 : i32
        %add3A_661 = arith.addi %mul3A_659, %add3A_660 : i32
        %add3A_662 = vector.broadcast %add3A_661 : i32 to vector<16xi32>
        %add3A_663 = arith.addi %mul3A_3, %add3A_662 : vector<16xi32>
        tpu.vector_store_idx %arg7[%add3A_663], %get3A_657 : memref<24576xf32, #tpu.memory_space<vmem>>[vector<16xi32>], vector<16xf32>,
        %mul3A_664 = arith.constant 16 : i32
        %mul3A_665 = arith.muli %scan3A_639, %mul3A_664 : i32
        %get3A_666 = arith.constant 2 : i32
        %get3A_667 = arith.index_cast %get3A_666 : i32 to index
        %get3A_668 = arith.index_cast %mul3A_665 : i32 to index
        %get3A_669 = tpu.vector_load %arg5[%get3A_667, %get3A_668] {strides = array<i32>} : memref<16x1536xf32, #tpu.memory_space<vmem>>, vector<16xf32>,
        %mul3A_670 = arith.constant 256 : i32
        %mul3A_671 = arith.muli %scan3A_639, %mul3A_670 : i32
        %add3A_672 = arith.constant 2 : i32
        %add3A_673 = arith.addi %mul3A_671, %add3A_672 : i32
        %add3A_674 = vector.broadcast %add3A_673 : i32 to vector<16xi32>
        %add3A_675 = arith.addi %mul3A_3, %add3A_674 : vector<16xi32>
        tpu.vector_store_idx %arg7[%add3A_675], %get3A_669 : memref<24576xf32, #tpu.memory_space<vmem>>[vector<16xi32>], vector<16xf32>,
        %mul3A_676 = arith.constant 16 : i32
        %mul3A_677 = arith.muli %scan3A_639, %mul3A_676 : i32
        %get3A_678 = arith.constant 3 : i32
        %get3A_679 = arith.index_cast %get3A_678 : i32 to index
        %get3A_680 = arith.index_cast %mul3A_677 : i32 to index
        %get3A_681 = tpu.vector_load %arg5[%get3A_679, %get3A_680] {strides = array<i32>} : memref<16x1536xf32, #tpu.memory_space<vmem>>, vector<16xf32>,
        %mul3A_682 = arith.constant 256 : i32
        %mul3A_683 = arith.muli %scan3A_639, %mul3A_682 : i32
        %add3A_684 = arith.constant 3 : i32
        %add3A_685 = arith.addi %mul3A_683, %add3A_684 : i32
        %add3A_686 = vector.broadcast %add3A_685 : i32 to vector<16xi32>
        %add3A_687 = arith.addi %mul3A_3, %add3A_686 : vector<16xi32>
        tpu.vector_store_idx %arg7[%add3A_687], %get3A_681 : memref<24576xf32, #tpu.memory_space<vmem>>[vector<16xi32>], vector<16xf32>,
        %mul3A_688 = arith.constant 16 : i32
        %mul3A_689 = arith.muli %scan3A_639, %mul3A_688 : i32
        %get3A_690 = arith.constant 4 : i32
        %get3A_691 = arith.index_cast %get3A_690 : i32 to index
        %get3A_692 = arith.index_cast %mul3A_689 : i32 to index
        %get3A_693 = tpu.vector_load %arg5[%get3A_691, %get3A_692] {strides = array<i32>} : memref<16x1536xf32, #tpu.memory_space<vmem>>, vector<16xf32>,
        %mul3A_694 = arith.constant 256 : i32
        %mul3A_695 = arith.muli %scan3A_639, %mul3A_694 : i32
        %add3A_696 = arith.constant 4 : i32
        %add3A_697 = arith.addi %mul3A_695, %add3A_696 : i32
        %add3A_698 = vector.broadcast %add3A_697 : i32 to vector<16xi32>
        %add3A_699 = arith.addi %mul3A_3, %add3A_698 : vector<16xi32>
        tpu.vector_store_idx %arg7[%add3A_699], %get3A_693 : memref<24576xf32, #tpu.memory_space<vmem>>[vector<16xi32>], vector<16xf32>,
        %mul3A_700 = arith.constant 16 : i32
        %mul3A_701 = arith.muli %scan3A_639, %mul3A_700 : i32
        %get3A_702 = arith.constant 5 : i32
        %get3A_703 = arith.index_cast %get3A_702 : i32 to index
        %get3A_704 = arith.index_cast %mul3A_701 : i32 to index
        %get3A_705 = tpu.vector_load %arg5[%get3A_703, %get3A_704] {strides = array<i32>} : memref<16x1536xf32, #tpu.memory_space<vmem>>, vector<16xf32>,
        %mul3A_706 = arith.constant 256 : i32
        %mul3A_707 = arith.muli %scan3A_639, %mul3A_706 : i32
        %add3A_708 = arith.constant 5 : i32
        %add3A_709 = arith.addi %mul3A_707, %add3A_708 : i32
        %add3A_710 = vector.broadcast %add3A_709 : i32 to vector<16xi32>
        %add3A_711 = arith.addi %mul3A_3, %add3A_710 : vector<16xi32>
        tpu.vector_store_idx %arg7[%add3A_711], %get3A_705 : memref<24576xf32, #tpu.memory_space<vmem>>[vector<16xi32>], vector<16xf32>,
        %mul3A_712 = arith.constant 16 : i32
        %mul3A_713 = arith.muli %scan3A_639, %mul3A_712 : i32
        %get3A_714 = arith.constant 6 : i32
        %get3A_715 = arith.index_cast %get3A_714 : i32 to index
        %get3A_716 = arith.index_cast %mul3A_713 : i32 to index
        %get3A_717 = tpu.vector_load %arg5[%get3A_715, %get3A_716] {strides = array<i32>} : memref<16x1536xf32, #tpu.memory_space<vmem>>, vector<16xf32>,
        %mul3A_718 = arith.constant 256 : i32
        %mul3A_719 = arith.muli %scan3A_639, %mul3A_718 : i32
        %add3A_720 = arith.constant 6 : i32
        %add3A_721 = arith.addi %mul3A_719, %add3A_720 : i32
        %add3A_722 = vector.broadcast %add3A_721 : i32 to vector<16xi32>
        %add3A_723 = arith.addi %mul3A_3, %add3A_722 : vector<16xi32>
        tpu.vector_store_idx %arg7[%add3A_723], %get3A_717 : memref<24576xf32, #tpu.memory_space<vmem>>[vector<16xi32>], vector<16xf32>,
        %mul3A_724 = arith.constant 16 : i32
        %mul3A_725 = arith.muli %scan3A_639, %mul3A_724 : i32
        %get3A_726 = arith.constant 7 : i32
        %get3A_727 = arith.index_cast %get3A_726 : i32 to index
        %get3A_728 = arith.index_cast %mul3A_725 : i32 to index
        %get3A_729 = tpu.vector_load %arg5[%get3A_727, %get3A_728] {strides = array<i32>} : memref<16x1536xf32, #tpu.memory_space<vmem>>, vector<16xf32>,
        %mul3A_730 = arith.constant 256 : i32
        %mul3A_731 = arith.muli %scan3A_639, %mul3A_730 : i32
        %add3A_732 = arith.constant 7 : i32
        %add3A_733 = arith.addi %mul3A_731, %add3A_732 : i32
        %add3A_734 = vector.broadcast %add3A_733 : i32 to vector<16xi32>
        %add3A_735 = arith.addi %mul3A_3, %add3A_734 : vector<16xi32>
        tpu.vector_store_idx %arg7[%add3A_735], %get3A_729 : memref<24576xf32, #tpu.memory_space<vmem>>[vector<16xi32>], vector<16xf32>,
        %mul3A_736 = arith.constant 16 : i32
        %mul3A_737 = arith.muli %scan3A_639, %mul3A_736 : i32
        %get3A_738 = arith.constant 8 : i32
        %get3A_739 = arith.index_cast %get3A_738 : i32 to index
        %get3A_740 = arith.index_cast %mul3A_737 : i32 to index
        %get3A_741 = tpu.vector_load %arg5[%get3A_739, %get3A_740] {strides = array<i32>} : memref<16x1536xf32, #tpu.memory_space<vmem>>, vector<16xf32>,
        %mul3A_742 = arith.constant 256 : i32
        %mul3A_743 = arith.muli %scan3A_639, %mul3A_742 : i32
        %add3A_744 = arith.constant 8 : i32
        %add3A_745 = arith.addi %mul3A_743, %add3A_744 : i32
        %add3A_746 = vector.broadcast %add3A_745 : i32 to vector<16xi32>
        %add3A_747 = arith.addi %mul3A_3, %add3A_746 : vector<16xi32>
        tpu.vector_store_idx %arg7[%add3A_747], %get3A_741 : memref<24576xf32, #tpu.memory_space<vmem>>[vector<16xi32>], vector<16xf32>,
        %mul3A_748 = arith.constant 16 : i32
        %mul3A_749 = arith.muli %scan3A_639, %mul3A_748 : i32
        %get3A_750 = arith.constant 9 : i32
        %get3A_751 = arith.index_cast %get3A_750 : i32 to index
        %get3A_752 = arith.index_cast %mul3A_749 : i32 to index
        %get3A_753 = tpu.vector_load %arg5[%get3A_751, %get3A_752] {strides = array<i32>} : memref<16x1536xf32, #tpu.memory_space<vmem>>, vector<16xf32>,
        %mul3A_754 = arith.constant 256 : i32
        %mul3A_755 = arith.muli %scan3A_639, %mul3A_754 : i32
        %add3A_756 = arith.constant 9 : i32
        %add3A_757 = arith.addi %mul3A_755, %add3A_756 : i32
        %add3A_758 = vector.broadcast %add3A_757 : i32 to vector<16xi32>
        %add3A_759 = arith.addi %mul3A_3, %add3A_758 : vector<16xi32>
        tpu.vector_store_idx %arg7[%add3A_759], %get3A_753 : memref<24576xf32, #tpu.memory_space<vmem>>[vector<16xi32>], vector<16xf32>,
        %mul3A_760 = arith.constant 16 : i32
        %mul3A_761 = arith.muli %scan3A_639, %mul3A_760 : i32
        %get3A_762 = arith.constant 10 : i32
        %get3A_763 = arith.index_cast %get3A_762 : i32 to index
        %get3A_764 = arith.index_cast %mul3A_761 : i32 to index
        %get3A_765 = tpu.vector_load %arg5[%get3A_763, %get3A_764] {strides = array<i32>} : memref<16x1536xf32, #tpu.memory_space<vmem>>, vector<16xf32>,
        %mul3A_766 = arith.constant 256 : i32
        %mul3A_767 = arith.muli %scan3A_639, %mul3A_766 : i32
        %add3A_768 = arith.constant 10 : i32
        %add3A_769 = arith.addi %mul3A_767, %add3A_768 : i32
        %add3A_770 = vector.broadcast %add3A_769 : i32 to vector<16xi32>
        %add3A_771 = arith.addi %mul3A_3, %add3A_770 : vector<16xi32>
        tpu.vector_store_idx %arg7[%add3A_771], %get3A_765 : memref<24576xf32, #tpu.memory_space<vmem>>[vector<16xi32>], vector<16xf32>,
        %mul3A_772 = arith.constant 16 : i32
        %mul3A_773 = arith.muli %scan3A_639, %mul3A_772 : i32
        %get3A_774 = arith.constant 11 : i32
        %get3A_775 = arith.index_cast %get3A_774 : i32 to index
        %get3A_776 = arith.index_cast %mul3A_773 : i32 to index
        %get3A_777 = tpu.vector_load %arg5[%get3A_775, %get3A_776] {strides = array<i32>} : memref<16x1536xf32, #tpu.memory_space<vmem>>, vector<16xf32>,
        %mul3A_778 = arith.constant 256 : i32
        %mul3A_779 = arith.muli %scan3A_639, %mul3A_778 : i32
        %add3A_780 = arith.constant 11 : i32
        %add3A_781 = arith.addi %mul3A_779, %add3A_780 : i32
        %add3A_782 = vector.broadcast %add3A_781 : i32 to vector<16xi32>
        %add3A_783 = arith.addi %mul3A_3, %add3A_782 : vector<16xi32>
        tpu.vector_store_idx %arg7[%add3A_783], %get3A_777 : memref<24576xf32, #tpu.memory_space<vmem>>[vector<16xi32>], vector<16xf32>,
        %mul3A_784 = arith.constant 16 : i32
        %mul3A_785 = arith.muli %scan3A_639, %mul3A_784 : i32
        %get3A_786 = arith.constant 12 : i32
        %get3A_787 = arith.index_cast %get3A_786 : i32 to index
        %get3A_788 = arith.index_cast %mul3A_785 : i32 to index
        %get3A_789 = tpu.vector_load %arg5[%get3A_787, %get3A_788] {strides = array<i32>} : memref<16x1536xf32, #tpu.memory_space<vmem>>, vector<16xf32>,
        %mul3A_790 = arith.constant 256 : i32
        %mul3A_791 = arith.muli %scan3A_639, %mul3A_790 : i32
        %add3A_792 = arith.constant 12 : i32
        %add3A_793 = arith.addi %mul3A_791, %add3A_792 : i32
        %add3A_794 = vector.broadcast %add3A_793 : i32 to vector<16xi32>
        %add3A_795 = arith.addi %mul3A_3, %add3A_794 : vector<16xi32>
        tpu.vector_store_idx %arg7[%add3A_795], %get3A_789 : memref<24576xf32, #tpu.memory_space<vmem>>[vector<16xi32>], vector<16xf32>,
        %mul3A_796 = arith.constant 16 : i32
        %mul3A_797 = arith.muli %scan3A_639, %mul3A_796 : i32
        %get3A_798 = arith.constant 13 : i32
        %get3A_799 = arith.index_cast %get3A_798 : i32 to index
        %get3A_800 = arith.index_cast %mul3A_797 : i32 to index
        %get3A_801 = tpu.vector_load %arg5[%get3A_799, %get3A_800] {strides = array<i32>} : memref<16x1536xf32, #tpu.memory_space<vmem>>, vector<16xf32>,
        %mul3A_802 = arith.constant 256 : i32
        %mul3A_803 = arith.muli %scan3A_639, %mul3A_802 : i32
        %add3A_804 = arith.constant 13 : i32
        %add3A_805 = arith.addi %mul3A_803, %add3A_804 : i32
        %add3A_806 = vector.broadcast %add3A_805 : i32 to vector<16xi32>
        %add3A_807 = arith.addi %mul3A_3, %add3A_806 : vector<16xi32>
        tpu.vector_store_idx %arg7[%add3A_807], %get3A_801 : memref<24576xf32, #tpu.memory_space<vmem>>[vector<16xi32>], vector<16xf32>,
        %mul3A_808 = arith.constant 16 : i32
        %mul3A_809 = arith.muli %scan3A_639, %mul3A_808 : i32
        %get3A_810 = arith.constant 14 : i32
        %get3A_811 = arith.index_cast %get3A_810 : i32 to index
        %get3A_812 = arith.index_cast %mul3A_809 : i32 to index
        %get3A_813 = tpu.vector_load %arg5[%get3A_811, %get3A_812] {strides = array<i32>} : memref<16x1536xf32, #tpu.memory_space<vmem>>, vector<16xf32>,
        %mul3A_814 = arith.constant 256 : i32
        %mul3A_815 = arith.muli %scan3A_639, %mul3A_814 : i32
        %add3A_816 = arith.constant 14 : i32
        %add3A_817 = arith.addi %mul3A_815, %add3A_816 : i32
        %add3A_818 = vector.broadcast %add3A_817 : i32 to vector<16xi32>
        %add3A_819 = arith.addi %mul3A_3, %add3A_818 : vector<16xi32>
        tpu.vector_store_idx %arg7[%add3A_819], %get3A_813 : memref<24576xf32, #tpu.memory_space<vmem>>[vector<16xi32>], vector<16xf32>,
        %mul3A_820 = arith.constant 16 : i32
        %mul3A_821 = arith.muli %scan3A_639, %mul3A_820 : i32
        %get3A_822 = arith.constant 15 : i32
        %get3A_823 = arith.index_cast %get3A_822 : i32 to index
        %get3A_824 = arith.index_cast %mul3A_821 : i32 to index
        %get3A_825 = tpu.vector_load %arg5[%get3A_823, %get3A_824] {strides = array<i32>} : memref<16x1536xf32, #tpu.memory_space<vmem>>, vector<16xf32>,
        %mul3A_826 = arith.constant 256 : i32
        %mul3A_827 = arith.muli %scan3A_639, %mul3A_826 : i32
        %add3A_828 = arith.constant 15 : i32
        %add3A_829 = arith.addi %mul3A_827, %add3A_828 : i32
        %add3A_830 = vector.broadcast %add3A_829 : i32 to vector<16xi32>
        %add3A_831 = arith.addi %mul3A_3, %add3A_830 : vector<16xi32>
        tpu.vector_store_idx %arg7[%add3A_831], %get3A_825 : memref<24576xf32, #tpu.memory_space<vmem>>[vector<16xi32>], vector<16xf32>,
        %scan3A_832 = arith.constant 0 : i32
        scf.yield %scan3A_832 : i32
      }
      %scan3A_38 = arith.constant 96 : i32
      %add3A_39 = arith.constant 1572864 : i32
      %add3A_40 = arith.addi %mul3A_29, %add3A_39 : i32
      "tpu.region"() ({
        %run_scoped3A = tpu.sem_alloc : memref<!tpu.dma_semaphore, #tpu.memory_space<semaphore_mem>>
        %dma_start3A_54 = tpu.memref_slice %arg4[%add3A_40] : memref<41600000xf32, #tpu.memory_space<hbm>> -> memref<24576xf32, #tpu.memory_space<hbm>>
        %dma_start3A_55 = tpu.memref_slice %arg4[%add3A_40] : memref<41600000xf32, #tpu.memory_space<hbm>> -> memref<24576xf32, #tpu.memory_space<hbm>>
        tpu.enqueue_dma source(%arg7 : memref<24576xf32, #tpu.memory_space<vmem>>) target(%dma_start3A_55 : memref<24576xf32, #tpu.memory_space<hbm>>) target_semaphore(%run_scoped3A : memref<!tpu.dma_semaphore, #tpu.memory_space<semaphore_mem>>)
        %dma_wait3A_56 = tpu.memref_slice %arg4[%add3A_40] : memref<41600000xf32, #tpu.memory_space<hbm>> -> memref<24576xf32, #tpu.memory_space<hbm>>
        %dma_wait3A_57 = tpu.memref_slice %arg4[%add3A_40] : memref<41600000xf32, #tpu.memory_space<hbm>> -> memref<24576xf32, #tpu.memory_space<hbm>>
        tpu.wait_dma2 semaphore(%run_scoped3A : memref<!tpu.dma_semaphore, #tpu.memory_space<semaphore_mem>>) src(%arg7 : memref<24576xf32, #tpu.memory_space<vmem>>) dst(%dma_wait3A_57 : memref<24576xf32, #tpu.memory_space<hbm>>)
        tpu.yield
      }) : () -> ()
      "tpu.region"() ({
        %run_scoped3A = tpu.sem_alloc : memref<!tpu.dma_semaphore, #tpu.memory_space<semaphore_mem>>
        %dma_start3A_54 = arith.constant 0 : i32
        %dma_start3A_55 = arith.constant 0 : i32
        %dma_start3A_56 = tpu.memref_slice %arg6[%dma_start3A_54, %dma_start3A_55] : memref<16x1536xf32, #tpu.memory_space<vmem>> -> memref<16x128xf32, #tpu.memory_space<vmem>>
        %dma_start3A_57 = arith.constant 99840 : i32
        %dma_start3A_58 = tpu.memref_slice %arg2[%mul3A_31, %dma_start3A_57] : memref<416x100000xf32, #tpu.memory_space<hbm>> -> memref<16x128xf32, #tpu.memory_space<hbm>>
        %dma_start3A_59 = arith.constant 0 : i32
        %dma_start3A_60 = arith.constant 0 : i32
        %dma_start3A_61 = tpu.memref_slice %arg6[%dma_start3A_59, %dma_start3A_60] : memref<16x1536xf32, #tpu.memory_space<vmem>> -> memref<16x128xf32, #tpu.memory_space<vmem>>
        %dma_start3A_62 = arith.constant 99840 : i32
        %dma_start3A_63 = tpu.memref_slice %arg2[%mul3A_31, %dma_start3A_62] : memref<416x100000xf32, #tpu.memory_space<hbm>> -> memref<16x128xf32, #tpu.memory_space<hbm>>
        tpu.enqueue_dma source(%dma_start3A_63 : memref<16x128xf32, #tpu.memory_space<hbm>>) target(%dma_start3A_61 : memref<16x128xf32, #tpu.memory_space<vmem>>) target_semaphore(%run_scoped3A : memref<!tpu.dma_semaphore, #tpu.memory_space<semaphore_mem>>)
        %dma_wait3A_64 = arith.constant 0 : i32
        %dma_wait3A_65 = arith.constant 0 : i32
        %dma_wait3A_66 = tpu.memref_slice %arg6[%dma_wait3A_64, %dma_wait3A_65] : memref<16x1536xf32, #tpu.memory_space<vmem>> -> memref<16x128xf32, #tpu.memory_space<vmem>>
        %dma_wait3A_67 = arith.constant 99840 : i32
        %dma_wait3A_68 = tpu.memref_slice %arg2[%mul3A_31, %dma_wait3A_67] : memref<416x100000xf32, #tpu.memory_space<hbm>> -> memref<16x128xf32, #tpu.memory_space<hbm>>
        %dma_wait3A_69 = arith.constant 0 : i32
        %dma_wait3A_70 = arith.constant 0 : i32
        %dma_wait3A_71 = tpu.memref_slice %arg6[%dma_wait3A_69, %dma_wait3A_70] : memref<16x1536xf32, #tpu.memory_space<vmem>> -> memref<16x128xf32, #tpu.memory_space<vmem>>
        %dma_wait3A_72 = arith.constant 99840 : i32
        %dma_wait3A_73 = tpu.memref_slice %arg2[%mul3A_31, %dma_wait3A_72] : memref<416x100000xf32, #tpu.memory_space<hbm>> -> memref<16x128xf32, #tpu.memory_space<hbm>>
        tpu.wait_dma2 semaphore(%run_scoped3A : memref<!tpu.dma_semaphore, #tpu.memory_space<semaphore_mem>>) src(%dma_wait3A_73 : memref<16x128xf32, #tpu.memory_space<hbm>>) dst(%dma_wait3A_71 : memref<16x128xf32, #tpu.memory_space<vmem>>)
        tpu.yield
      }) : () -> ()
      %scan3A_41 = arith.constant 0 : i32
      %scan3A_42 = arith.constant 0 : i32
      %scan3A_43 = arith.constant 8 : i32
      %scan3A_44 = arith.addi %scan3A_42, %scan3A_43 : i32
      %scan3A_45 = arith.constant 4 : i32
      %scan3A_46 = scf.for %scan3A_54 = %scan3A_42 to %scan3A_44 step %scan3A_45 iter_args(%scan3A_55 = %scan3A_41) -> (i32)  : i32 {
        %mul3A_56 = arith.constant 16 : i32
        %mul3A_57 = arith.muli %scan3A_54, %mul3A_56 : i32
        %get3A = arith.constant 0 : i32
        %get3A_58 = arith.index_cast %get3A : i32 to index
        %get3A_59 = arith.index_cast %mul3A_57 : i32 to index
        %get3A_60 = tpu.vector_load %arg6[%get3A_58, %get3A_59] {strides = array<i32>} : memref<16x1536xf32, #tpu.memory_space<vmem>>, vector<16xf32>,
        %mul3A_61 = arith.constant 256 : i32
        %mul3A_62 = arith.muli %scan3A_54, %mul3A_61 : i32
        %add3A_63 = arith.constant 0 : i32
        %add3A_64 = arith.addi %mul3A_62, %add3A_63 : i32
        %add3A_65 = vector.broadcast %add3A_64 : i32 to vector<16xi32>
        %add3A_66 = arith.addi %mul3A_3, %add3A_65 : vector<16xi32>
        tpu.vector_store_idx %arg8[%add3A_66], %get3A_60 : memref<24576xf32, #tpu.memory_space<vmem>>[vector<16xi32>], vector<16xf32>,
        %mul3A_67 = arith.constant 16 : i32
        %mul3A_68 = arith.muli %scan3A_54, %mul3A_67 : i32
        %get3A_69 = arith.constant 1 : i32
        %get3A_70 = arith.index_cast %get3A_69 : i32 to index
        %get3A_71 = arith.index_cast %mul3A_68 : i32 to index
        %get3A_72 = tpu.vector_load %arg6[%get3A_70, %get3A_71] {strides = array<i32>} : memref<16x1536xf32, #tpu.memory_space<vmem>>, vector<16xf32>,
        %mul3A_73 = arith.constant 256 : i32
        %mul3A_74 = arith.muli %scan3A_54, %mul3A_73 : i32
        %add3A_75 = arith.constant 1 : i32
        %add3A_76 = arith.addi %mul3A_74, %add3A_75 : i32
        %add3A_77 = vector.broadcast %add3A_76 : i32 to vector<16xi32>
        %add3A_78 = arith.addi %mul3A_3, %add3A_77 : vector<16xi32>
        tpu.vector_store_idx %arg8[%add3A_78], %get3A_72 : memref<24576xf32, #tpu.memory_space<vmem>>[vector<16xi32>], vector<16xf32>,
        %mul3A_79 = arith.constant 16 : i32
        %mul3A_80 = arith.muli %scan3A_54, %mul3A_79 : i32
        %get3A_81 = arith.constant 2 : i32
        %get3A_82 = arith.index_cast %get3A_81 : i32 to index
        %get3A_83 = arith.index_cast %mul3A_80 : i32 to index
        %get3A_84 = tpu.vector_load %arg6[%get3A_82, %get3A_83] {strides = array<i32>} : memref<16x1536xf32, #tpu.memory_space<vmem>>, vector<16xf32>,
        %mul3A_85 = arith.constant 256 : i32
        %mul3A_86 = arith.muli %scan3A_54, %mul3A_85 : i32
        %add3A_87 = arith.constant 2 : i32
        %add3A_88 = arith.addi %mul3A_86, %add3A_87 : i32
        %add3A_89 = vector.broadcast %add3A_88 : i32 to vector<16xi32>
        %add3A_90 = arith.addi %mul3A_3, %add3A_89 : vector<16xi32>
        tpu.vector_store_idx %arg8[%add3A_90], %get3A_84 : memref<24576xf32, #tpu.memory_space<vmem>>[vector<16xi32>], vector<16xf32>,
        %mul3A_91 = arith.constant 16 : i32
        %mul3A_92 = arith.muli %scan3A_54, %mul3A_91 : i32
        %get3A_93 = arith.constant 3 : i32
        %get3A_94 = arith.index_cast %get3A_93 : i32 to index
        %get3A_95 = arith.index_cast %mul3A_92 : i32 to index
        %get3A_96 = tpu.vector_load %arg6[%get3A_94, %get3A_95] {strides = array<i32>} : memref<16x1536xf32, #tpu.memory_space<vmem>>, vector<16xf32>,
        %mul3A_97 = arith.constant 256 : i32
        %mul3A_98 = arith.muli %scan3A_54, %mul3A_97 : i32
        %add3A_99 = arith.constant 3 : i32
        %add3A_100 = arith.addi %mul3A_98, %add3A_99 : i32
        %add3A_101 = vector.broadcast %add3A_100 : i32 to vector<16xi32>
        %add3A_102 = arith.addi %mul3A_3, %add3A_101 : vector<16xi32>
        tpu.vector_store_idx %arg8[%add3A_102], %get3A_96 : memref<24576xf32, #tpu.memory_space<vmem>>[vector<16xi32>], vector<16xf32>,
        %mul3A_103 = arith.constant 16 : i32
        %mul3A_104 = arith.muli %scan3A_54, %mul3A_103 : i32
        %get3A_105 = arith.constant 4 : i32
        %get3A_106 = arith.index_cast %get3A_105 : i32 to index
        %get3A_107 = arith.index_cast %mul3A_104 : i32 to index
        %get3A_108 = tpu.vector_load %arg6[%get3A_106, %get3A_107] {strides = array<i32>} : memref<16x1536xf32, #tpu.memory_space<vmem>>, vector<16xf32>,
        %mul3A_109 = arith.constant 256 : i32
        %mul3A_110 = arith.muli %scan3A_54, %mul3A_109 : i32
        %add3A_111 = arith.constant 4 : i32
        %add3A_112 = arith.addi %mul3A_110, %add3A_111 : i32
        %add3A_113 = vector.broadcast %add3A_112 : i32 to vector<16xi32>
        %add3A_114 = arith.addi %mul3A_3, %add3A_113 : vector<16xi32>
        tpu.vector_store_idx %arg8[%add3A_114], %get3A_108 : memref<24576xf32, #tpu.memory_space<vmem>>[vector<16xi32>], vector<16xf32>,
        %mul3A_115 = arith.constant 16 : i32
        %mul3A_116 = arith.muli %scan3A_54, %mul3A_115 : i32
        %get3A_117 = arith.constant 5 : i32
        %get3A_118 = arith.index_cast %get3A_117 : i32 to index
        %get3A_119 = arith.index_cast %mul3A_116 : i32 to index
        %get3A_120 = tpu.vector_load %arg6[%get3A_118, %get3A_119] {strides = array<i32>} : memref<16x1536xf32, #tpu.memory_space<vmem>>, vector<16xf32>,
        %mul3A_121 = arith.constant 256 : i32
        %mul3A_122 = arith.muli %scan3A_54, %mul3A_121 : i32
        %add3A_123 = arith.constant 5 : i32
        %add3A_124 = arith.addi %mul3A_122, %add3A_123 : i32
        %add3A_125 = vector.broadcast %add3A_124 : i32 to vector<16xi32>
        %add3A_126 = arith.addi %mul3A_3, %add3A_125 : vector<16xi32>
        tpu.vector_store_idx %arg8[%add3A_126], %get3A_120 : memref<24576xf32, #tpu.memory_space<vmem>>[vector<16xi32>], vector<16xf32>,
        %mul3A_127 = arith.constant 16 : i32
        %mul3A_128 = arith.muli %scan3A_54, %mul3A_127 : i32
        %get3A_129 = arith.constant 6 : i32
        %get3A_130 = arith.index_cast %get3A_129 : i32 to index
        %get3A_131 = arith.index_cast %mul3A_128 : i32 to index
        %get3A_132 = tpu.vector_load %arg6[%get3A_130, %get3A_131] {strides = array<i32>} : memref<16x1536xf32, #tpu.memory_space<vmem>>, vector<16xf32>,
        %mul3A_133 = arith.constant 256 : i32
        %mul3A_134 = arith.muli %scan3A_54, %mul3A_133 : i32
        %add3A_135 = arith.constant 6 : i32
        %add3A_136 = arith.addi %mul3A_134, %add3A_135 : i32
        %add3A_137 = vector.broadcast %add3A_136 : i32 to vector<16xi32>
        %add3A_138 = arith.addi %mul3A_3, %add3A_137 : vector<16xi32>
        tpu.vector_store_idx %arg8[%add3A_138], %get3A_132 : memref<24576xf32, #tpu.memory_space<vmem>>[vector<16xi32>], vector<16xf32>,
        %mul3A_139 = arith.constant 16 : i32
        %mul3A_140 = arith.muli %scan3A_54, %mul3A_139 : i32
        %get3A_141 = arith.constant 7 : i32
        %get3A_142 = arith.index_cast %get3A_141 : i32 to index
        %get3A_143 = arith.index_cast %mul3A_140 : i32 to index
        %get3A_144 = tpu.vector_load %arg6[%get3A_142, %get3A_143] {strides = array<i32>} : memref<16x1536xf32, #tpu.memory_space<vmem>>, vector<16xf32>,
        %mul3A_145 = arith.constant 256 : i32
        %mul3A_146 = arith.muli %scan3A_54, %mul3A_145 : i32
        %add3A_147 = arith.constant 7 : i32
        %add3A_148 = arith.addi %mul3A_146, %add3A_147 : i32
        %add3A_149 = vector.broadcast %add3A_148 : i32 to vector<16xi32>
        %add3A_150 = arith.addi %mul3A_3, %add3A_149 : vector<16xi32>
        tpu.vector_store_idx %arg8[%add3A_150], %get3A_144 : memref<24576xf32, #tpu.memory_space<vmem>>[vector<16xi32>], vector<16xf32>,
        %mul3A_151 = arith.constant 16 : i32
        %mul3A_152 = arith.muli %scan3A_54, %mul3A_151 : i32
        %get3A_153 = arith.constant 8 : i32
        %get3A_154 = arith.index_cast %get3A_153 : i32 to index
        %get3A_155 = arith.index_cast %mul3A_152 : i32 to index
        %get3A_156 = tpu.vector_load %arg6[%get3A_154, %get3A_155] {strides = array<i32>} : memref<16x1536xf32, #tpu.memory_space<vmem>>, vector<16xf32>,
        %mul3A_157 = arith.constant 256 : i32
        %mul3A_158 = arith.muli %scan3A_54, %mul3A_157 : i32
        %add3A_159 = arith.constant 8 : i32
        %add3A_160 = arith.addi %mul3A_158, %add3A_159 : i32
        %add3A_161 = vector.broadcast %add3A_160 : i32 to vector<16xi32>
        %add3A_162 = arith.addi %mul3A_3, %add3A_161 : vector<16xi32>
        tpu.vector_store_idx %arg8[%add3A_162], %get3A_156 : memref<24576xf32, #tpu.memory_space<vmem>>[vector<16xi32>], vector<16xf32>,
        %mul3A_163 = arith.constant 16 : i32
        %mul3A_164 = arith.muli %scan3A_54, %mul3A_163 : i32
        %get3A_165 = arith.constant 9 : i32
        %get3A_166 = arith.index_cast %get3A_165 : i32 to index
        %get3A_167 = arith.index_cast %mul3A_164 : i32 to index
        %get3A_168 = tpu.vector_load %arg6[%get3A_166, %get3A_167] {strides = array<i32>} : memref<16x1536xf32, #tpu.memory_space<vmem>>, vector<16xf32>,
        %mul3A_169 = arith.constant 256 : i32
        %mul3A_170 = arith.muli %scan3A_54, %mul3A_169 : i32
        %add3A_171 = arith.constant 9 : i32
        %add3A_172 = arith.addi %mul3A_170, %add3A_171 : i32
        %add3A_173 = vector.broadcast %add3A_172 : i32 to vector<16xi32>
        %add3A_174 = arith.addi %mul3A_3, %add3A_173 : vector<16xi32>
        tpu.vector_store_idx %arg8[%add3A_174], %get3A_168 : memref<24576xf32, #tpu.memory_space<vmem>>[vector<16xi32>], vector<16xf32>,
        %mul3A_175 = arith.constant 16 : i32
        %mul3A_176 = arith.muli %scan3A_54, %mul3A_175 : i32
        %get3A_177 = arith.constant 10 : i32
        %get3A_178 = arith.index_cast %get3A_177 : i32 to index
        %get3A_179 = arith.index_cast %mul3A_176 : i32 to index
        %get3A_180 = tpu.vector_load %arg6[%get3A_178, %get3A_179] {strides = array<i32>} : memref<16x1536xf32, #tpu.memory_space<vmem>>, vector<16xf32>,
        %mul3A_181 = arith.constant 256 : i32
        %mul3A_182 = arith.muli %scan3A_54, %mul3A_181 : i32
        %add3A_183 = arith.constant 10 : i32
        %add3A_184 = arith.addi %mul3A_182, %add3A_183 : i32
        %add3A_185 = vector.broadcast %add3A_184 : i32 to vector<16xi32>
        %add3A_186 = arith.addi %mul3A_3, %add3A_185 : vector<16xi32>
        tpu.vector_store_idx %arg8[%add3A_186], %get3A_180 : memref<24576xf32, #tpu.memory_space<vmem>>[vector<16xi32>], vector<16xf32>,
        %mul3A_187 = arith.constant 16 : i32
        %mul3A_188 = arith.muli %scan3A_54, %mul3A_187 : i32
        %get3A_189 = arith.constant 11 : i32
        %get3A_190 = arith.index_cast %get3A_189 : i32 to index
        %get3A_191 = arith.index_cast %mul3A_188 : i32 to index
        %get3A_192 = tpu.vector_load %arg6[%get3A_190, %get3A_191] {strides = array<i32>} : memref<16x1536xf32, #tpu.memory_space<vmem>>, vector<16xf32>,
        %mul3A_193 = arith.constant 256 : i32
        %mul3A_194 = arith.muli %scan3A_54, %mul3A_193 : i32
        %add3A_195 = arith.constant 11 : i32
        %add3A_196 = arith.addi %mul3A_194, %add3A_195 : i32
        %add3A_197 = vector.broadcast %add3A_196 : i32 to vector<16xi32>
        %add3A_198 = arith.addi %mul3A_3, %add3A_197 : vector<16xi32>
        tpu.vector_store_idx %arg8[%add3A_198], %get3A_192 : memref<24576xf32, #tpu.memory_space<vmem>>[vector<16xi32>], vector<16xf32>,
        %mul3A_199 = arith.constant 16 : i32
        %mul3A_200 = arith.muli %scan3A_54, %mul3A_199 : i32
        %get3A_201 = arith.constant 12 : i32
        %get3A_202 = arith.index_cast %get3A_201 : i32 to index
        %get3A_203 = arith.index_cast %mul3A_200 : i32 to index
        %get3A_204 = tpu.vector_load %arg6[%get3A_202, %get3A_203] {strides = array<i32>} : memref<16x1536xf32, #tpu.memory_space<vmem>>, vector<16xf32>,
        %mul3A_205 = arith.constant 256 : i32
        %mul3A_206 = arith.muli %scan3A_54, %mul3A_205 : i32
        %add3A_207 = arith.constant 12 : i32
        %add3A_208 = arith.addi %mul3A_206, %add3A_207 : i32
        %add3A_209 = vector.broadcast %add3A_208 : i32 to vector<16xi32>
        %add3A_210 = arith.addi %mul3A_3, %add3A_209 : vector<16xi32>
        tpu.vector_store_idx %arg8[%add3A_210], %get3A_204 : memref<24576xf32, #tpu.memory_space<vmem>>[vector<16xi32>], vector<16xf32>,
        %mul3A_211 = arith.constant 16 : i32
        %mul3A_212 = arith.muli %scan3A_54, %mul3A_211 : i32
        %get3A_213 = arith.constant 13 : i32
        %get3A_214 = arith.index_cast %get3A_213 : i32 to index
        %get3A_215 = arith.index_cast %mul3A_212 : i32 to index
        %get3A_216 = tpu.vector_load %arg6[%get3A_214, %get3A_215] {strides = array<i32>} : memref<16x1536xf32, #tpu.memory_space<vmem>>, vector<16xf32>,
        %mul3A_217 = arith.constant 256 : i32
        %mul3A_218 = arith.muli %scan3A_54, %mul3A_217 : i32
        %add3A_219 = arith.constant 13 : i32
        %add3A_220 = arith.addi %mul3A_218, %add3A_219 : i32
        %add3A_221 = vector.broadcast %add3A_220 : i32 to vector<16xi32>
        %add3A_222 = arith.addi %mul3A_3, %add3A_221 : vector<16xi32>
        tpu.vector_store_idx %arg8[%add3A_222], %get3A_216 : memref<24576xf32, #tpu.memory_space<vmem>>[vector<16xi32>], vector<16xf32>,
        %mul3A_223 = arith.constant 16 : i32
        %mul3A_224 = arith.muli %scan3A_54, %mul3A_223 : i32
        %get3A_225 = arith.constant 14 : i32
        %get3A_226 = arith.index_cast %get3A_225 : i32 to index
        %get3A_227 = arith.index_cast %mul3A_224 : i32 to index
        %get3A_228 = tpu.vector_load %arg6[%get3A_226, %get3A_227] {strides = array<i32>} : memref<16x1536xf32, #tpu.memory_space<vmem>>, vector<16xf32>,
        %mul3A_229 = arith.constant 256 : i32
        %mul3A_230 = arith.muli %scan3A_54, %mul3A_229 : i32
        %add3A_231 = arith.constant 14 : i32
        %add3A_232 = arith.addi %mul3A_230, %add3A_231 : i32
        %add3A_233 = vector.broadcast %add3A_232 : i32 to vector<16xi32>
        %add3A_234 = arith.addi %mul3A_3, %add3A_233 : vector<16xi32>
        tpu.vector_store_idx %arg8[%add3A_234], %get3A_228 : memref<24576xf32, #tpu.memory_space<vmem>>[vector<16xi32>], vector<16xf32>,
        %mul3A_235 = arith.constant 16 : i32
        %mul3A_236 = arith.muli %scan3A_54, %mul3A_235 : i32
        %get3A_237 = arith.constant 15 : i32
        %get3A_238 = arith.index_cast %get3A_237 : i32 to index
        %get3A_239 = arith.index_cast %mul3A_236 : i32 to index
        %get3A_240 = tpu.vector_load %arg6[%get3A_238, %get3A_239] {strides = array<i32>} : memref<16x1536xf32, #tpu.memory_space<vmem>>, vector<16xf32>,
        %mul3A_241 = arith.constant 256 : i32
        %mul3A_242 = arith.muli %scan3A_54, %mul3A_241 : i32
        %add3A_243 = arith.constant 15 : i32
        %add3A_244 = arith.addi %mul3A_242, %add3A_243 : i32
        %add3A_245 = vector.broadcast %add3A_244 : i32 to vector<16xi32>
        %add3A_246 = arith.addi %mul3A_3, %add3A_245 : vector<16xi32>
        tpu.vector_store_idx %arg8[%add3A_246], %get3A_240 : memref<24576xf32, #tpu.memory_space<vmem>>[vector<16xi32>], vector<16xf32>,
        %scan3A_247 = arith.constant 0 : i32
        %scan3A_248 = arith.constant 1 : i32
        %scan3A_249 = arith.addi %scan3A_54, %scan3A_248 : i32
        %mul3A_250 = arith.constant 16 : i32
        %mul3A_251 = arith.muli %scan3A_249, %mul3A_250 : i32
        %get3A_252 = arith.constant 0 : i32
        %get3A_253 = arith.index_cast %get3A_252 : i32 to index
        %get3A_254 = arith.index_cast %mul3A_251 : i32 to index
        %get3A_255 = tpu.vector_load %arg6[%get3A_253, %get3A_254] {strides = array<i32>} : memref<16x1536xf32, #tpu.memory_space<vmem>>, vector<16xf32>,
        %mul3A_256 = arith.constant 256 : i32
        %mul3A_257 = arith.muli %scan3A_249, %mul3A_256 : i32
        %add3A_258 = arith.constant 0 : i32
        %add3A_259 = arith.addi %mul3A_257, %add3A_258 : i32
        %add3A_260 = vector.broadcast %add3A_259 : i32 to vector<16xi32>
        %add3A_261 = arith.addi %mul3A_3, %add3A_260 : vector<16xi32>
        tpu.vector_store_idx %arg8[%add3A_261], %get3A_255 : memref<24576xf32, #tpu.memory_space<vmem>>[vector<16xi32>], vector<16xf32>,
        %mul3A_262 = arith.constant 16 : i32
        %mul3A_263 = arith.muli %scan3A_249, %mul3A_262 : i32
        %get3A_264 = arith.constant 1 : i32
        %get3A_265 = arith.index_cast %get3A_264 : i32 to index
        %get3A_266 = arith.index_cast %mul3A_263 : i32 to index
        %get3A_267 = tpu.vector_load %arg6[%get3A_265, %get3A_266] {strides = array<i32>} : memref<16x1536xf32, #tpu.memory_space<vmem>>, vector<16xf32>,
        %mul3A_268 = arith.constant 256 : i32
        %mul3A_269 = arith.muli %scan3A_249, %mul3A_268 : i32
        %add3A_270 = arith.constant 1 : i32
        %add3A_271 = arith.addi %mul3A_269, %add3A_270 : i32
        %add3A_272 = vector.broadcast %add3A_271 : i32 to vector<16xi32>
        %add3A_273 = arith.addi %mul3A_3, %add3A_272 : vector<16xi32>
        tpu.vector_store_idx %arg8[%add3A_273], %get3A_267 : memref<24576xf32, #tpu.memory_space<vmem>>[vector<16xi32>], vector<16xf32>,
        %mul3A_274 = arith.constant 16 : i32
        %mul3A_275 = arith.muli %scan3A_249, %mul3A_274 : i32
        %get3A_276 = arith.constant 2 : i32
        %get3A_277 = arith.index_cast %get3A_276 : i32 to index
        %get3A_278 = arith.index_cast %mul3A_275 : i32 to index
        %get3A_279 = tpu.vector_load %arg6[%get3A_277, %get3A_278] {strides = array<i32>} : memref<16x1536xf32, #tpu.memory_space<vmem>>, vector<16xf32>,
        %mul3A_280 = arith.constant 256 : i32
        %mul3A_281 = arith.muli %scan3A_249, %mul3A_280 : i32
        %add3A_282 = arith.constant 2 : i32
        %add3A_283 = arith.addi %mul3A_281, %add3A_282 : i32
        %add3A_284 = vector.broadcast %add3A_283 : i32 to vector<16xi32>
        %add3A_285 = arith.addi %mul3A_3, %add3A_284 : vector<16xi32>
        tpu.vector_store_idx %arg8[%add3A_285], %get3A_279 : memref<24576xf32, #tpu.memory_space<vmem>>[vector<16xi32>], vector<16xf32>,
        %mul3A_286 = arith.constant 16 : i32
        %mul3A_287 = arith.muli %scan3A_249, %mul3A_286 : i32
        %get3A_288 = arith.constant 3 : i32
        %get3A_289 = arith.index_cast %get3A_288 : i32 to index
        %get3A_290 = arith.index_cast %mul3A_287 : i32 to index
        %get3A_291 = tpu.vector_load %arg6[%get3A_289, %get3A_290] {strides = array<i32>} : memref<16x1536xf32, #tpu.memory_space<vmem>>, vector<16xf32>,
        %mul3A_292 = arith.constant 256 : i32
        %mul3A_293 = arith.muli %scan3A_249, %mul3A_292 : i32
        %add3A_294 = arith.constant 3 : i32
        %add3A_295 = arith.addi %mul3A_293, %add3A_294 : i32
        %add3A_296 = vector.broadcast %add3A_295 : i32 to vector<16xi32>
        %add3A_297 = arith.addi %mul3A_3, %add3A_296 : vector<16xi32>
        tpu.vector_store_idx %arg8[%add3A_297], %get3A_291 : memref<24576xf32, #tpu.memory_space<vmem>>[vector<16xi32>], vector<16xf32>,
        %mul3A_298 = arith.constant 16 : i32
        %mul3A_299 = arith.muli %scan3A_249, %mul3A_298 : i32
        %get3A_300 = arith.constant 4 : i32
        %get3A_301 = arith.index_cast %get3A_300 : i32 to index
        %get3A_302 = arith.index_cast %mul3A_299 : i32 to index
        %get3A_303 = tpu.vector_load %arg6[%get3A_301, %get3A_302] {strides = array<i32>} : memref<16x1536xf32, #tpu.memory_space<vmem>>, vector<16xf32>,
        %mul3A_304 = arith.constant 256 : i32
        %mul3A_305 = arith.muli %scan3A_249, %mul3A_304 : i32
        %add3A_306 = arith.constant 4 : i32
        %add3A_307 = arith.addi %mul3A_305, %add3A_306 : i32
        %add3A_308 = vector.broadcast %add3A_307 : i32 to vector<16xi32>
        %add3A_309 = arith.addi %mul3A_3, %add3A_308 : vector<16xi32>
        tpu.vector_store_idx %arg8[%add3A_309], %get3A_303 : memref<24576xf32, #tpu.memory_space<vmem>>[vector<16xi32>], vector<16xf32>,
        %mul3A_310 = arith.constant 16 : i32
        %mul3A_311 = arith.muli %scan3A_249, %mul3A_310 : i32
        %get3A_312 = arith.constant 5 : i32
        %get3A_313 = arith.index_cast %get3A_312 : i32 to index
        %get3A_314 = arith.index_cast %mul3A_311 : i32 to index
        %get3A_315 = tpu.vector_load %arg6[%get3A_313, %get3A_314] {strides = array<i32>} : memref<16x1536xf32, #tpu.memory_space<vmem>>, vector<16xf32>,
        %mul3A_316 = arith.constant 256 : i32
        %mul3A_317 = arith.muli %scan3A_249, %mul3A_316 : i32
        %add3A_318 = arith.constant 5 : i32
        %add3A_319 = arith.addi %mul3A_317, %add3A_318 : i32
        %add3A_320 = vector.broadcast %add3A_319 : i32 to vector<16xi32>
        %add3A_321 = arith.addi %mul3A_3, %add3A_320 : vector<16xi32>
        tpu.vector_store_idx %arg8[%add3A_321], %get3A_315 : memref<24576xf32, #tpu.memory_space<vmem>>[vector<16xi32>], vector<16xf32>,
        %mul3A_322 = arith.constant 16 : i32
        %mul3A_323 = arith.muli %scan3A_249, %mul3A_322 : i32
        %get3A_324 = arith.constant 6 : i32
        %get3A_325 = arith.index_cast %get3A_324 : i32 to index
        %get3A_326 = arith.index_cast %mul3A_323 : i32 to index
        %get3A_327 = tpu.vector_load %arg6[%get3A_325, %get3A_326] {strides = array<i32>} : memref<16x1536xf32, #tpu.memory_space<vmem>>, vector<16xf32>,
        %mul3A_328 = arith.constant 256 : i32
        %mul3A_329 = arith.muli %scan3A_249, %mul3A_328 : i32
        %add3A_330 = arith.constant 6 : i32
        %add3A_331 = arith.addi %mul3A_329, %add3A_330 : i32
        %add3A_332 = vector.broadcast %add3A_331 : i32 to vector<16xi32>
        %add3A_333 = arith.addi %mul3A_3, %add3A_332 : vector<16xi32>
        tpu.vector_store_idx %arg8[%add3A_333], %get3A_327 : memref<24576xf32, #tpu.memory_space<vmem>>[vector<16xi32>], vector<16xf32>,
        %mul3A_334 = arith.constant 16 : i32
        %mul3A_335 = arith.muli %scan3A_249, %mul3A_334 : i32
        %get3A_336 = arith.constant 7 : i32
        %get3A_337 = arith.index_cast %get3A_336 : i32 to index
        %get3A_338 = arith.index_cast %mul3A_335 : i32 to index
        %get3A_339 = tpu.vector_load %arg6[%get3A_337, %get3A_338] {strides = array<i32>} : memref<16x1536xf32, #tpu.memory_space<vmem>>, vector<16xf32>,
        %mul3A_340 = arith.constant 256 : i32
        %mul3A_341 = arith.muli %scan3A_249, %mul3A_340 : i32
        %add3A_342 = arith.constant 7 : i32
        %add3A_343 = arith.addi %mul3A_341, %add3A_342 : i32
        %add3A_344 = vector.broadcast %add3A_343 : i32 to vector<16xi32>
        %add3A_345 = arith.addi %mul3A_3, %add3A_344 : vector<16xi32>
        tpu.vector_store_idx %arg8[%add3A_345], %get3A_339 : memref<24576xf32, #tpu.memory_space<vmem>>[vector<16xi32>], vector<16xf32>,
        %mul3A_346 = arith.constant 16 : i32
        %mul3A_347 = arith.muli %scan3A_249, %mul3A_346 : i32
        %get3A_348 = arith.constant 8 : i32
        %get3A_349 = arith.index_cast %get3A_348 : i32 to index
        %get3A_350 = arith.index_cast %mul3A_347 : i32 to index
        %get3A_351 = tpu.vector_load %arg6[%get3A_349, %get3A_350] {strides = array<i32>} : memref<16x1536xf32, #tpu.memory_space<vmem>>, vector<16xf32>,
        %mul3A_352 = arith.constant 256 : i32
        %mul3A_353 = arith.muli %scan3A_249, %mul3A_352 : i32
        %add3A_354 = arith.constant 8 : i32
        %add3A_355 = arith.addi %mul3A_353, %add3A_354 : i32
        %add3A_356 = vector.broadcast %add3A_355 : i32 to vector<16xi32>
        %add3A_357 = arith.addi %mul3A_3, %add3A_356 : vector<16xi32>
        tpu.vector_store_idx %arg8[%add3A_357], %get3A_351 : memref<24576xf32, #tpu.memory_space<vmem>>[vector<16xi32>], vector<16xf32>,
        %mul3A_358 = arith.constant 16 : i32
        %mul3A_359 = arith.muli %scan3A_249, %mul3A_358 : i32
        %get3A_360 = arith.constant 9 : i32
        %get3A_361 = arith.index_cast %get3A_360 : i32 to index
        %get3A_362 = arith.index_cast %mul3A_359 : i32 to index
        %get3A_363 = tpu.vector_load %arg6[%get3A_361, %get3A_362] {strides = array<i32>} : memref<16x1536xf32, #tpu.memory_space<vmem>>, vector<16xf32>,
        %mul3A_364 = arith.constant 256 : i32
        %mul3A_365 = arith.muli %scan3A_249, %mul3A_364 : i32
        %add3A_366 = arith.constant 9 : i32
        %add3A_367 = arith.addi %mul3A_365, %add3A_366 : i32
        %add3A_368 = vector.broadcast %add3A_367 : i32 to vector<16xi32>
        %add3A_369 = arith.addi %mul3A_3, %add3A_368 : vector<16xi32>
        tpu.vector_store_idx %arg8[%add3A_369], %get3A_363 : memref<24576xf32, #tpu.memory_space<vmem>>[vector<16xi32>], vector<16xf32>,
        %mul3A_370 = arith.constant 16 : i32
        %mul3A_371 = arith.muli %scan3A_249, %mul3A_370 : i32
        %get3A_372 = arith.constant 10 : i32
        %get3A_373 = arith.index_cast %get3A_372 : i32 to index
        %get3A_374 = arith.index_cast %mul3A_371 : i32 to index
        %get3A_375 = tpu.vector_load %arg6[%get3A_373, %get3A_374] {strides = array<i32>} : memref<16x1536xf32, #tpu.memory_space<vmem>>, vector<16xf32>,
        %mul3A_376 = arith.constant 256 : i32
        %mul3A_377 = arith.muli %scan3A_249, %mul3A_376 : i32
        %add3A_378 = arith.constant 10 : i32
        %add3A_379 = arith.addi %mul3A_377, %add3A_378 : i32
        %add3A_380 = vector.broadcast %add3A_379 : i32 to vector<16xi32>
        %add3A_381 = arith.addi %mul3A_3, %add3A_380 : vector<16xi32>
        tpu.vector_store_idx %arg8[%add3A_381], %get3A_375 : memref<24576xf32, #tpu.memory_space<vmem>>[vector<16xi32>], vector<16xf32>,
        %mul3A_382 = arith.constant 16 : i32
        %mul3A_383 = arith.muli %scan3A_249, %mul3A_382 : i32
        %get3A_384 = arith.constant 11 : i32
        %get3A_385 = arith.index_cast %get3A_384 : i32 to index
        %get3A_386 = arith.index_cast %mul3A_383 : i32 to index
        %get3A_387 = tpu.vector_load %arg6[%get3A_385, %get3A_386] {strides = array<i32>} : memref<16x1536xf32, #tpu.memory_space<vmem>>, vector<16xf32>,
        %mul3A_388 = arith.constant 256 : i32
        %mul3A_389 = arith.muli %scan3A_249, %mul3A_388 : i32
        %add3A_390 = arith.constant 11 : i32
        %add3A_391 = arith.addi %mul3A_389, %add3A_390 : i32
        %add3A_392 = vector.broadcast %add3A_391 : i32 to vector<16xi32>
        %add3A_393 = arith.addi %mul3A_3, %add3A_392 : vector<16xi32>
        tpu.vector_store_idx %arg8[%add3A_393], %get3A_387 : memref<24576xf32, #tpu.memory_space<vmem>>[vector<16xi32>], vector<16xf32>,
        %mul3A_394 = arith.constant 16 : i32
        %mul3A_395 = arith.muli %scan3A_249, %mul3A_394 : i32
        %get3A_396 = arith.constant 12 : i32
        %get3A_397 = arith.index_cast %get3A_396 : i32 to index
        %get3A_398 = arith.index_cast %mul3A_395 : i32 to index
        %get3A_399 = tpu.vector_load %arg6[%get3A_397, %get3A_398] {strides = array<i32>} : memref<16x1536xf32, #tpu.memory_space<vmem>>, vector<16xf32>,
        %mul3A_400 = arith.constant 256 : i32
        %mul3A_401 = arith.muli %scan3A_249, %mul3A_400 : i32
        %add3A_402 = arith.constant 12 : i32
        %add3A_403 = arith.addi %mul3A_401, %add3A_402 : i32
        %add3A_404 = vector.broadcast %add3A_403 : i32 to vector<16xi32>
        %add3A_405 = arith.addi %mul3A_3, %add3A_404 : vector<16xi32>
        tpu.vector_store_idx %arg8[%add3A_405], %get3A_399 : memref<24576xf32, #tpu.memory_space<vmem>>[vector<16xi32>], vector<16xf32>,
        %mul3A_406 = arith.constant 16 : i32
        %mul3A_407 = arith.muli %scan3A_249, %mul3A_406 : i32
        %get3A_408 = arith.constant 13 : i32
        %get3A_409 = arith.index_cast %get3A_408 : i32 to index
        %get3A_410 = arith.index_cast %mul3A_407 : i32 to index
        %get3A_411 = tpu.vector_load %arg6[%get3A_409, %get3A_410] {strides = array<i32>} : memref<16x1536xf32, #tpu.memory_space<vmem>>, vector<16xf32>,
        %mul3A_412 = arith.constant 256 : i32
        %mul3A_413 = arith.muli %scan3A_249, %mul3A_412 : i32
        %add3A_414 = arith.constant 13 : i32
        %add3A_415 = arith.addi %mul3A_413, %add3A_414 : i32
        %add3A_416 = vector.broadcast %add3A_415 : i32 to vector<16xi32>
        %add3A_417 = arith.addi %mul3A_3, %add3A_416 : vector<16xi32>
        tpu.vector_store_idx %arg8[%add3A_417], %get3A_411 : memref<24576xf32, #tpu.memory_space<vmem>>[vector<16xi32>], vector<16xf32>,
        %mul3A_418 = arith.constant 16 : i32
        %mul3A_419 = arith.muli %scan3A_249, %mul3A_418 : i32
        %get3A_420 = arith.constant 14 : i32
        %get3A_421 = arith.index_cast %get3A_420 : i32 to index
        %get3A_422 = arith.index_cast %mul3A_419 : i32 to index
        %get3A_423 = tpu.vector_load %arg6[%get3A_421, %get3A_422] {strides = array<i32>} : memref<16x1536xf32, #tpu.memory_space<vmem>>, vector<16xf32>,
        %mul3A_424 = arith.constant 256 : i32
        %mul3A_425 = arith.muli %scan3A_249, %mul3A_424 : i32
        %add3A_426 = arith.constant 14 : i32
        %add3A_427 = arith.addi %mul3A_425, %add3A_426 : i32
        %add3A_428 = vector.broadcast %add3A_427 : i32 to vector<16xi32>
        %add3A_429 = arith.addi %mul3A_3, %add3A_428 : vector<16xi32>
        tpu.vector_store_idx %arg8[%add3A_429], %get3A_423 : memref<24576xf32, #tpu.memory_space<vmem>>[vector<16xi32>], vector<16xf32>,
        %mul3A_430 = arith.constant 16 : i32
        %mul3A_431 = arith.muli %scan3A_249, %mul3A_430 : i32
        %get3A_432 = arith.constant 15 : i32
        %get3A_433 = arith.index_cast %get3A_432 : i32 to index
        %get3A_434 = arith.index_cast %mul3A_431 : i32 to index
        %get3A_435 = tpu.vector_load %arg6[%get3A_433, %get3A_434] {strides = array<i32>} : memref<16x1536xf32, #tpu.memory_space<vmem>>, vector<16xf32>,
        %mul3A_436 = arith.constant 256 : i32
        %mul3A_437 = arith.muli %scan3A_249, %mul3A_436 : i32
        %add3A_438 = arith.constant 15 : i32
        %add3A_439 = arith.addi %mul3A_437, %add3A_438 : i32
        %add3A_440 = vector.broadcast %add3A_439 : i32 to vector<16xi32>
        %add3A_441 = arith.addi %mul3A_3, %add3A_440 : vector<16xi32>
        tpu.vector_store_idx %arg8[%add3A_441], %get3A_435 : memref<24576xf32, #tpu.memory_space<vmem>>[vector<16xi32>], vector<16xf32>,
        %scan3A_442 = arith.constant 0 : i32
        %scan3A_443 = arith.constant 2 : i32
        %scan3A_444 = arith.addi %scan3A_54, %scan3A_443 : i32
        %mul3A_445 = arith.constant 16 : i32
        %mul3A_446 = arith.muli %scan3A_444, %mul3A_445 : i32
        %get3A_447 = arith.constant 0 : i32
        %get3A_448 = arith.index_cast %get3A_447 : i32 to index
        %get3A_449 = arith.index_cast %mul3A_446 : i32 to index
        %get3A_450 = tpu.vector_load %arg6[%get3A_448, %get3A_449] {strides = array<i32>} : memref<16x1536xf32, #tpu.memory_space<vmem>>, vector<16xf32>,
        %mul3A_451 = arith.constant 256 : i32
        %mul3A_452 = arith.muli %scan3A_444, %mul3A_451 : i32
        %add3A_453 = arith.constant 0 : i32
        %add3A_454 = arith.addi %mul3A_452, %add3A_453 : i32
        %add3A_455 = vector.broadcast %add3A_454 : i32 to vector<16xi32>
        %add3A_456 = arith.addi %mul3A_3, %add3A_455 : vector<16xi32>
        tpu.vector_store_idx %arg8[%add3A_456], %get3A_450 : memref<24576xf32, #tpu.memory_space<vmem>>[vector<16xi32>], vector<16xf32>,
        %mul3A_457 = arith.constant 16 : i32
        %mul3A_458 = arith.muli %scan3A_444, %mul3A_457 : i32
        %get3A_459 = arith.constant 1 : i32
        %get3A_460 = arith.index_cast %get3A_459 : i32 to index
        %get3A_461 = arith.index_cast %mul3A_458 : i32 to index
        %get3A_462 = tpu.vector_load %arg6[%get3A_460, %get3A_461] {strides = array<i32>} : memref<16x1536xf32, #tpu.memory_space<vmem>>, vector<16xf32>,
        %mul3A_463 = arith.constant 256 : i32
        %mul3A_464 = arith.muli %scan3A_444, %mul3A_463 : i32
        %add3A_465 = arith.constant 1 : i32
        %add3A_466 = arith.addi %mul3A_464, %add3A_465 : i32
        %add3A_467 = vector.broadcast %add3A_466 : i32 to vector<16xi32>
        %add3A_468 = arith.addi %mul3A_3, %add3A_467 : vector<16xi32>
        tpu.vector_store_idx %arg8[%add3A_468], %get3A_462 : memref<24576xf32, #tpu.memory_space<vmem>>[vector<16xi32>], vector<16xf32>,
        %mul3A_469 = arith.constant 16 : i32
        %mul3A_470 = arith.muli %scan3A_444, %mul3A_469 : i32
        %get3A_471 = arith.constant 2 : i32
        %get3A_472 = arith.index_cast %get3A_471 : i32 to index
        %get3A_473 = arith.index_cast %mul3A_470 : i32 to index
        %get3A_474 = tpu.vector_load %arg6[%get3A_472, %get3A_473] {strides = array<i32>} : memref<16x1536xf32, #tpu.memory_space<vmem>>, vector<16xf32>,
        %mul3A_475 = arith.constant 256 : i32
        %mul3A_476 = arith.muli %scan3A_444, %mul3A_475 : i32
        %add3A_477 = arith.constant 2 : i32
        %add3A_478 = arith.addi %mul3A_476, %add3A_477 : i32
        %add3A_479 = vector.broadcast %add3A_478 : i32 to vector<16xi32>
        %add3A_480 = arith.addi %mul3A_3, %add3A_479 : vector<16xi32>
        tpu.vector_store_idx %arg8[%add3A_480], %get3A_474 : memref<24576xf32, #tpu.memory_space<vmem>>[vector<16xi32>], vector<16xf32>,
        %mul3A_481 = arith.constant 16 : i32
        %mul3A_482 = arith.muli %scan3A_444, %mul3A_481 : i32
        %get3A_483 = arith.constant 3 : i32
        %get3A_484 = arith.index_cast %get3A_483 : i32 to index
        %get3A_485 = arith.index_cast %mul3A_482 : i32 to index
        %get3A_486 = tpu.vector_load %arg6[%get3A_484, %get3A_485] {strides = array<i32>} : memref<16x1536xf32, #tpu.memory_space<vmem>>, vector<16xf32>,
        %mul3A_487 = arith.constant 256 : i32
        %mul3A_488 = arith.muli %scan3A_444, %mul3A_487 : i32
        %add3A_489 = arith.constant 3 : i32
        %add3A_490 = arith.addi %mul3A_488, %add3A_489 : i32
        %add3A_491 = vector.broadcast %add3A_490 : i32 to vector<16xi32>
        %add3A_492 = arith.addi %mul3A_3, %add3A_491 : vector<16xi32>
        tpu.vector_store_idx %arg8[%add3A_492], %get3A_486 : memref<24576xf32, #tpu.memory_space<vmem>>[vector<16xi32>], vector<16xf32>,
        %mul3A_493 = arith.constant 16 : i32
        %mul3A_494 = arith.muli %scan3A_444, %mul3A_493 : i32
        %get3A_495 = arith.constant 4 : i32
        %get3A_496 = arith.index_cast %get3A_495 : i32 to index
        %get3A_497 = arith.index_cast %mul3A_494 : i32 to index
        %get3A_498 = tpu.vector_load %arg6[%get3A_496, %get3A_497] {strides = array<i32>} : memref<16x1536xf32, #tpu.memory_space<vmem>>, vector<16xf32>,
        %mul3A_499 = arith.constant 256 : i32
        %mul3A_500 = arith.muli %scan3A_444, %mul3A_499 : i32
        %add3A_501 = arith.constant 4 : i32
        %add3A_502 = arith.addi %mul3A_500, %add3A_501 : i32
        %add3A_503 = vector.broadcast %add3A_502 : i32 to vector<16xi32>
        %add3A_504 = arith.addi %mul3A_3, %add3A_503 : vector<16xi32>
        tpu.vector_store_idx %arg8[%add3A_504], %get3A_498 : memref<24576xf32, #tpu.memory_space<vmem>>[vector<16xi32>], vector<16xf32>,
        %mul3A_505 = arith.constant 16 : i32
        %mul3A_506 = arith.muli %scan3A_444, %mul3A_505 : i32
        %get3A_507 = arith.constant 5 : i32
        %get3A_508 = arith.index_cast %get3A_507 : i32 to index
        %get3A_509 = arith.index_cast %mul3A_506 : i32 to index
        %get3A_510 = tpu.vector_load %arg6[%get3A_508, %get3A_509] {strides = array<i32>} : memref<16x1536xf32, #tpu.memory_space<vmem>>, vector<16xf32>,
        %mul3A_511 = arith.constant 256 : i32
        %mul3A_512 = arith.muli %scan3A_444, %mul3A_511 : i32
        %add3A_513 = arith.constant 5 : i32
        %add3A_514 = arith.addi %mul3A_512, %add3A_513 : i32
        %add3A_515 = vector.broadcast %add3A_514 : i32 to vector<16xi32>
        %add3A_516 = arith.addi %mul3A_3, %add3A_515 : vector<16xi32>
        tpu.vector_store_idx %arg8[%add3A_516], %get3A_510 : memref<24576xf32, #tpu.memory_space<vmem>>[vector<16xi32>], vector<16xf32>,
        %mul3A_517 = arith.constant 16 : i32
        %mul3A_518 = arith.muli %scan3A_444, %mul3A_517 : i32
        %get3A_519 = arith.constant 6 : i32
        %get3A_520 = arith.index_cast %get3A_519 : i32 to index
        %get3A_521 = arith.index_cast %mul3A_518 : i32 to index
        %get3A_522 = tpu.vector_load %arg6[%get3A_520, %get3A_521] {strides = array<i32>} : memref<16x1536xf32, #tpu.memory_space<vmem>>, vector<16xf32>,
        %mul3A_523 = arith.constant 256 : i32
        %mul3A_524 = arith.muli %scan3A_444, %mul3A_523 : i32
        %add3A_525 = arith.constant 6 : i32
        %add3A_526 = arith.addi %mul3A_524, %add3A_525 : i32
        %add3A_527 = vector.broadcast %add3A_526 : i32 to vector<16xi32>
        %add3A_528 = arith.addi %mul3A_3, %add3A_527 : vector<16xi32>
        tpu.vector_store_idx %arg8[%add3A_528], %get3A_522 : memref<24576xf32, #tpu.memory_space<vmem>>[vector<16xi32>], vector<16xf32>,
        %mul3A_529 = arith.constant 16 : i32
        %mul3A_530 = arith.muli %scan3A_444, %mul3A_529 : i32
        %get3A_531 = arith.constant 7 : i32
        %get3A_532 = arith.index_cast %get3A_531 : i32 to index
        %get3A_533 = arith.index_cast %mul3A_530 : i32 to index
        %get3A_534 = tpu.vector_load %arg6[%get3A_532, %get3A_533] {strides = array<i32>} : memref<16x1536xf32, #tpu.memory_space<vmem>>, vector<16xf32>,
        %mul3A_535 = arith.constant 256 : i32
        %mul3A_536 = arith.muli %scan3A_444, %mul3A_535 : i32
        %add3A_537 = arith.constant 7 : i32
        %add3A_538 = arith.addi %mul3A_536, %add3A_537 : i32
        %add3A_539 = vector.broadcast %add3A_538 : i32 to vector<16xi32>
        %add3A_540 = arith.addi %mul3A_3, %add3A_539 : vector<16xi32>
        tpu.vector_store_idx %arg8[%add3A_540], %get3A_534 : memref<24576xf32, #tpu.memory_space<vmem>>[vector<16xi32>], vector<16xf32>,
        %mul3A_541 = arith.constant 16 : i32
        %mul3A_542 = arith.muli %scan3A_444, %mul3A_541 : i32
        %get3A_543 = arith.constant 8 : i32
        %get3A_544 = arith.index_cast %get3A_543 : i32 to index
        %get3A_545 = arith.index_cast %mul3A_542 : i32 to index
        %get3A_546 = tpu.vector_load %arg6[%get3A_544, %get3A_545] {strides = array<i32>} : memref<16x1536xf32, #tpu.memory_space<vmem>>, vector<16xf32>,
        %mul3A_547 = arith.constant 256 : i32
        %mul3A_548 = arith.muli %scan3A_444, %mul3A_547 : i32
        %add3A_549 = arith.constant 8 : i32
        %add3A_550 = arith.addi %mul3A_548, %add3A_549 : i32
        %add3A_551 = vector.broadcast %add3A_550 : i32 to vector<16xi32>
        %add3A_552 = arith.addi %mul3A_3, %add3A_551 : vector<16xi32>
        tpu.vector_store_idx %arg8[%add3A_552], %get3A_546 : memref<24576xf32, #tpu.memory_space<vmem>>[vector<16xi32>], vector<16xf32>,
        %mul3A_553 = arith.constant 16 : i32
        %mul3A_554 = arith.muli %scan3A_444, %mul3A_553 : i32
        %get3A_555 = arith.constant 9 : i32
        %get3A_556 = arith.index_cast %get3A_555 : i32 to index
        %get3A_557 = arith.index_cast %mul3A_554 : i32 to index
        %get3A_558 = tpu.vector_load %arg6[%get3A_556, %get3A_557] {strides = array<i32>} : memref<16x1536xf32, #tpu.memory_space<vmem>>, vector<16xf32>,
        %mul3A_559 = arith.constant 256 : i32
        %mul3A_560 = arith.muli %scan3A_444, %mul3A_559 : i32
        %add3A_561 = arith.constant 9 : i32
        %add3A_562 = arith.addi %mul3A_560, %add3A_561 : i32
        %add3A_563 = vector.broadcast %add3A_562 : i32 to vector<16xi32>
        %add3A_564 = arith.addi %mul3A_3, %add3A_563 : vector<16xi32>
        tpu.vector_store_idx %arg8[%add3A_564], %get3A_558 : memref<24576xf32, #tpu.memory_space<vmem>>[vector<16xi32>], vector<16xf32>,
        %mul3A_565 = arith.constant 16 : i32
        %mul3A_566 = arith.muli %scan3A_444, %mul3A_565 : i32
        %get3A_567 = arith.constant 10 : i32
        %get3A_568 = arith.index_cast %get3A_567 : i32 to index
        %get3A_569 = arith.index_cast %mul3A_566 : i32 to index
        %get3A_570 = tpu.vector_load %arg6[%get3A_568, %get3A_569] {strides = array<i32>} : memref<16x1536xf32, #tpu.memory_space<vmem>>, vector<16xf32>,
        %mul3A_571 = arith.constant 256 : i32
        %mul3A_572 = arith.muli %scan3A_444, %mul3A_571 : i32
        %add3A_573 = arith.constant 10 : i32
        %add3A_574 = arith.addi %mul3A_572, %add3A_573 : i32
        %add3A_575 = vector.broadcast %add3A_574 : i32 to vector<16xi32>
        %add3A_576 = arith.addi %mul3A_3, %add3A_575 : vector<16xi32>
        tpu.vector_store_idx %arg8[%add3A_576], %get3A_570 : memref<24576xf32, #tpu.memory_space<vmem>>[vector<16xi32>], vector<16xf32>,
        %mul3A_577 = arith.constant 16 : i32
        %mul3A_578 = arith.muli %scan3A_444, %mul3A_577 : i32
        %get3A_579 = arith.constant 11 : i32
        %get3A_580 = arith.index_cast %get3A_579 : i32 to index
        %get3A_581 = arith.index_cast %mul3A_578 : i32 to index
        %get3A_582 = tpu.vector_load %arg6[%get3A_580, %get3A_581] {strides = array<i32>} : memref<16x1536xf32, #tpu.memory_space<vmem>>, vector<16xf32>,
        %mul3A_583 = arith.constant 256 : i32
        %mul3A_584 = arith.muli %scan3A_444, %mul3A_583 : i32
        %add3A_585 = arith.constant 11 : i32
        %add3A_586 = arith.addi %mul3A_584, %add3A_585 : i32
        %add3A_587 = vector.broadcast %add3A_586 : i32 to vector<16xi32>
        %add3A_588 = arith.addi %mul3A_3, %add3A_587 : vector<16xi32>
        tpu.vector_store_idx %arg8[%add3A_588], %get3A_582 : memref<24576xf32, #tpu.memory_space<vmem>>[vector<16xi32>], vector<16xf32>,
        %mul3A_589 = arith.constant 16 : i32
        %mul3A_590 = arith.muli %scan3A_444, %mul3A_589 : i32
        %get3A_591 = arith.constant 12 : i32
        %get3A_592 = arith.index_cast %get3A_591 : i32 to index
        %get3A_593 = arith.index_cast %mul3A_590 : i32 to index
        %get3A_594 = tpu.vector_load %arg6[%get3A_592, %get3A_593] {strides = array<i32>} : memref<16x1536xf32, #tpu.memory_space<vmem>>, vector<16xf32>,
        %mul3A_595 = arith.constant 256 : i32
        %mul3A_596 = arith.muli %scan3A_444, %mul3A_595 : i32
        %add3A_597 = arith.constant 12 : i32
        %add3A_598 = arith.addi %mul3A_596, %add3A_597 : i32
        %add3A_599 = vector.broadcast %add3A_598 : i32 to vector<16xi32>
        %add3A_600 = arith.addi %mul3A_3, %add3A_599 : vector<16xi32>
        tpu.vector_store_idx %arg8[%add3A_600], %get3A_594 : memref<24576xf32, #tpu.memory_space<vmem>>[vector<16xi32>], vector<16xf32>,
        %mul3A_601 = arith.constant 16 : i32
        %mul3A_602 = arith.muli %scan3A_444, %mul3A_601 : i32
        %get3A_603 = arith.constant 13 : i32
        %get3A_604 = arith.index_cast %get3A_603 : i32 to index
        %get3A_605 = arith.index_cast %mul3A_602 : i32 to index
        %get3A_606 = tpu.vector_load %arg6[%get3A_604, %get3A_605] {strides = array<i32>} : memref<16x1536xf32, #tpu.memory_space<vmem>>, vector<16xf32>,
        %mul3A_607 = arith.constant 256 : i32
        %mul3A_608 = arith.muli %scan3A_444, %mul3A_607 : i32
        %add3A_609 = arith.constant 13 : i32
        %add3A_610 = arith.addi %mul3A_608, %add3A_609 : i32
        %add3A_611 = vector.broadcast %add3A_610 : i32 to vector<16xi32>
        %add3A_612 = arith.addi %mul3A_3, %add3A_611 : vector<16xi32>
        tpu.vector_store_idx %arg8[%add3A_612], %get3A_606 : memref<24576xf32, #tpu.memory_space<vmem>>[vector<16xi32>], vector<16xf32>,
        %mul3A_613 = arith.constant 16 : i32
        %mul3A_614 = arith.muli %scan3A_444, %mul3A_613 : i32
        %get3A_615 = arith.constant 14 : i32
        %get3A_616 = arith.index_cast %get3A_615 : i32 to index
        %get3A_617 = arith.index_cast %mul3A_614 : i32 to index
        %get3A_618 = tpu.vector_load %arg6[%get3A_616, %get3A_617] {strides = array<i32>} : memref<16x1536xf32, #tpu.memory_space<vmem>>, vector<16xf32>,
        %mul3A_619 = arith.constant 256 : i32
        %mul3A_620 = arith.muli %scan3A_444, %mul3A_619 : i32
        %add3A_621 = arith.constant 14 : i32
        %add3A_622 = arith.addi %mul3A_620, %add3A_621 : i32
        %add3A_623 = vector.broadcast %add3A_622 : i32 to vector<16xi32>
        %add3A_624 = arith.addi %mul3A_3, %add3A_623 : vector<16xi32>
        tpu.vector_store_idx %arg8[%add3A_624], %get3A_618 : memref<24576xf32, #tpu.memory_space<vmem>>[vector<16xi32>], vector<16xf32>,
        %mul3A_625 = arith.constant 16 : i32
        %mul3A_626 = arith.muli %scan3A_444, %mul3A_625 : i32
        %get3A_627 = arith.constant 15 : i32
        %get3A_628 = arith.index_cast %get3A_627 : i32 to index
        %get3A_629 = arith.index_cast %mul3A_626 : i32 to index
        %get3A_630 = tpu.vector_load %arg6[%get3A_628, %get3A_629] {strides = array<i32>} : memref<16x1536xf32, #tpu.memory_space<vmem>>, vector<16xf32>,
        %mul3A_631 = arith.constant 256 : i32
        %mul3A_632 = arith.muli %scan3A_444, %mul3A_631 : i32
        %add3A_633 = arith.constant 15 : i32
        %add3A_634 = arith.addi %mul3A_632, %add3A_633 : i32
        %add3A_635 = vector.broadcast %add3A_634 : i32 to vector<16xi32>
        %add3A_636 = arith.addi %mul3A_3, %add3A_635 : vector<16xi32>
        tpu.vector_store_idx %arg8[%add3A_636], %get3A_630 : memref<24576xf32, #tpu.memory_space<vmem>>[vector<16xi32>], vector<16xf32>,
        %scan3A_637 = arith.constant 0 : i32
        %scan3A_638 = arith.constant 3 : i32
        %scan3A_639 = arith.addi %scan3A_54, %scan3A_638 : i32
        %mul3A_640 = arith.constant 16 : i32
        %mul3A_641 = arith.muli %scan3A_639, %mul3A_640 : i32
        %get3A_642 = arith.constant 0 : i32
        %get3A_643 = arith.index_cast %get3A_642 : i32 to index
        %get3A_644 = arith.index_cast %mul3A_641 : i32 to index
        %get3A_645 = tpu.vector_load %arg6[%get3A_643, %get3A_644] {strides = array<i32>} : memref<16x1536xf32, #tpu.memory_space<vmem>>, vector<16xf32>,
        %mul3A_646 = arith.constant 256 : i32
        %mul3A_647 = arith.muli %scan3A_639, %mul3A_646 : i32
        %add3A_648 = arith.constant 0 : i32
        %add3A_649 = arith.addi %mul3A_647, %add3A_648 : i32
        %add3A_650 = vector.broadcast %add3A_649 : i32 to vector<16xi32>
        %add3A_651 = arith.addi %mul3A_3, %add3A_650 : vector<16xi32>
        tpu.vector_store_idx %arg8[%add3A_651], %get3A_645 : memref<24576xf32, #tpu.memory_space<vmem>>[vector<16xi32>], vector<16xf32>,
        %mul3A_652 = arith.constant 16 : i32
        %mul3A_653 = arith.muli %scan3A_639, %mul3A_652 : i32
        %get3A_654 = arith.constant 1 : i32
        %get3A_655 = arith.index_cast %get3A_654 : i32 to index
        %get3A_656 = arith.index_cast %mul3A_653 : i32 to index
        %get3A_657 = tpu.vector_load %arg6[%get3A_655, %get3A_656] {strides = array<i32>} : memref<16x1536xf32, #tpu.memory_space<vmem>>, vector<16xf32>,
        %mul3A_658 = arith.constant 256 : i32
        %mul3A_659 = arith.muli %scan3A_639, %mul3A_658 : i32
        %add3A_660 = arith.constant 1 : i32
        %add3A_661 = arith.addi %mul3A_659, %add3A_660 : i32
        %add3A_662 = vector.broadcast %add3A_661 : i32 to vector<16xi32>
        %add3A_663 = arith.addi %mul3A_3, %add3A_662 : vector<16xi32>
        tpu.vector_store_idx %arg8[%add3A_663], %get3A_657 : memref<24576xf32, #tpu.memory_space<vmem>>[vector<16xi32>], vector<16xf32>,
        %mul3A_664 = arith.constant 16 : i32
        %mul3A_665 = arith.muli %scan3A_639, %mul3A_664 : i32
        %get3A_666 = arith.constant 2 : i32
        %get3A_667 = arith.index_cast %get3A_666 : i32 to index
        %get3A_668 = arith.index_cast %mul3A_665 : i32 to index
        %get3A_669 = tpu.vector_load %arg6[%get3A_667, %get3A_668] {strides = array<i32>} : memref<16x1536xf32, #tpu.memory_space<vmem>>, vector<16xf32>,
        %mul3A_670 = arith.constant 256 : i32
        %mul3A_671 = arith.muli %scan3A_639, %mul3A_670 : i32
        %add3A_672 = arith.constant 2 : i32
        %add3A_673 = arith.addi %mul3A_671, %add3A_672 : i32
        %add3A_674 = vector.broadcast %add3A_673 : i32 to vector<16xi32>
        %add3A_675 = arith.addi %mul3A_3, %add3A_674 : vector<16xi32>
        tpu.vector_store_idx %arg8[%add3A_675], %get3A_669 : memref<24576xf32, #tpu.memory_space<vmem>>[vector<16xi32>], vector<16xf32>,
        %mul3A_676 = arith.constant 16 : i32
        %mul3A_677 = arith.muli %scan3A_639, %mul3A_676 : i32
        %get3A_678 = arith.constant 3 : i32
        %get3A_679 = arith.index_cast %get3A_678 : i32 to index
        %get3A_680 = arith.index_cast %mul3A_677 : i32 to index
        %get3A_681 = tpu.vector_load %arg6[%get3A_679, %get3A_680] {strides = array<i32>} : memref<16x1536xf32, #tpu.memory_space<vmem>>, vector<16xf32>,
        %mul3A_682 = arith.constant 256 : i32
        %mul3A_683 = arith.muli %scan3A_639, %mul3A_682 : i32
        %add3A_684 = arith.constant 3 : i32
        %add3A_685 = arith.addi %mul3A_683, %add3A_684 : i32
        %add3A_686 = vector.broadcast %add3A_685 : i32 to vector<16xi32>
        %add3A_687 = arith.addi %mul3A_3, %add3A_686 : vector<16xi32>
        tpu.vector_store_idx %arg8[%add3A_687], %get3A_681 : memref<24576xf32, #tpu.memory_space<vmem>>[vector<16xi32>], vector<16xf32>,
        %mul3A_688 = arith.constant 16 : i32
        %mul3A_689 = arith.muli %scan3A_639, %mul3A_688 : i32
        %get3A_690 = arith.constant 4 : i32
        %get3A_691 = arith.index_cast %get3A_690 : i32 to index
        %get3A_692 = arith.index_cast %mul3A_689 : i32 to index
        %get3A_693 = tpu.vector_load %arg6[%get3A_691, %get3A_692] {strides = array<i32>} : memref<16x1536xf32, #tpu.memory_space<vmem>>, vector<16xf32>,
        %mul3A_694 = arith.constant 256 : i32
        %mul3A_695 = arith.muli %scan3A_639, %mul3A_694 : i32
        %add3A_696 = arith.constant 4 : i32
        %add3A_697 = arith.addi %mul3A_695, %add3A_696 : i32
        %add3A_698 = vector.broadcast %add3A_697 : i32 to vector<16xi32>
        %add3A_699 = arith.addi %mul3A_3, %add3A_698 : vector<16xi32>
        tpu.vector_store_idx %arg8[%add3A_699], %get3A_693 : memref<24576xf32, #tpu.memory_space<vmem>>[vector<16xi32>], vector<16xf32>,
        %mul3A_700 = arith.constant 16 : i32
        %mul3A_701 = arith.muli %scan3A_639, %mul3A_700 : i32
        %get3A_702 = arith.constant 5 : i32
        %get3A_703 = arith.index_cast %get3A_702 : i32 to index
        %get3A_704 = arith.index_cast %mul3A_701 : i32 to index
        %get3A_705 = tpu.vector_load %arg6[%get3A_703, %get3A_704] {strides = array<i32>} : memref<16x1536xf32, #tpu.memory_space<vmem>>, vector<16xf32>,
        %mul3A_706 = arith.constant 256 : i32
        %mul3A_707 = arith.muli %scan3A_639, %mul3A_706 : i32
        %add3A_708 = arith.constant 5 : i32
        %add3A_709 = arith.addi %mul3A_707, %add3A_708 : i32
        %add3A_710 = vector.broadcast %add3A_709 : i32 to vector<16xi32>
        %add3A_711 = arith.addi %mul3A_3, %add3A_710 : vector<16xi32>
        tpu.vector_store_idx %arg8[%add3A_711], %get3A_705 : memref<24576xf32, #tpu.memory_space<vmem>>[vector<16xi32>], vector<16xf32>,
        %mul3A_712 = arith.constant 16 : i32
        %mul3A_713 = arith.muli %scan3A_639, %mul3A_712 : i32
        %get3A_714 = arith.constant 6 : i32
        %get3A_715 = arith.index_cast %get3A_714 : i32 to index
        %get3A_716 = arith.index_cast %mul3A_713 : i32 to index
        %get3A_717 = tpu.vector_load %arg6[%get3A_715, %get3A_716] {strides = array<i32>} : memref<16x1536xf32, #tpu.memory_space<vmem>>, vector<16xf32>,
        %mul3A_718 = arith.constant 256 : i32
        %mul3A_719 = arith.muli %scan3A_639, %mul3A_718 : i32
        %add3A_720 = arith.constant 6 : i32
        %add3A_721 = arith.addi %mul3A_719, %add3A_720 : i32
        %add3A_722 = vector.broadcast %add3A_721 : i32 to vector<16xi32>
        %add3A_723 = arith.addi %mul3A_3, %add3A_722 : vector<16xi32>
        tpu.vector_store_idx %arg8[%add3A_723], %get3A_717 : memref<24576xf32, #tpu.memory_space<vmem>>[vector<16xi32>], vector<16xf32>,
        %mul3A_724 = arith.constant 16 : i32
        %mul3A_725 = arith.muli %scan3A_639, %mul3A_724 : i32
        %get3A_726 = arith.constant 7 : i32
        %get3A_727 = arith.index_cast %get3A_726 : i32 to index
        %get3A_728 = arith.index_cast %mul3A_725 : i32 to index
        %get3A_729 = tpu.vector_load %arg6[%get3A_727, %get3A_728] {strides = array<i32>} : memref<16x1536xf32, #tpu.memory_space<vmem>>, vector<16xf32>,
        %mul3A_730 = arith.constant 256 : i32
        %mul3A_731 = arith.muli %scan3A_639, %mul3A_730 : i32
        %add3A_732 = arith.constant 7 : i32
        %add3A_733 = arith.addi %mul3A_731, %add3A_732 : i32
        %add3A_734 = vector.broadcast %add3A_733 : i32 to vector<16xi32>
        %add3A_735 = arith.addi %mul3A_3, %add3A_734 : vector<16xi32>
        tpu.vector_store_idx %arg8[%add3A_735], %get3A_729 : memref<24576xf32, #tpu.memory_space<vmem>>[vector<16xi32>], vector<16xf32>,
        %mul3A_736 = arith.constant 16 : i32
        %mul3A_737 = arith.muli %scan3A_639, %mul3A_736 : i32
        %get3A_738 = arith.constant 8 : i32
        %get3A_739 = arith.index_cast %get3A_738 : i32 to index
        %get3A_740 = arith.index_cast %mul3A_737 : i32 to index
        %get3A_741 = tpu.vector_load %arg6[%get3A_739, %get3A_740] {strides = array<i32>} : memref<16x1536xf32, #tpu.memory_space<vmem>>, vector<16xf32>,
        %mul3A_742 = arith.constant 256 : i32
        %mul3A_743 = arith.muli %scan3A_639, %mul3A_742 : i32
        %add3A_744 = arith.constant 8 : i32
        %add3A_745 = arith.addi %mul3A_743, %add3A_744 : i32
        %add3A_746 = vector.broadcast %add3A_745 : i32 to vector<16xi32>
        %add3A_747 = arith.addi %mul3A_3, %add3A_746 : vector<16xi32>
        tpu.vector_store_idx %arg8[%add3A_747], %get3A_741 : memref<24576xf32, #tpu.memory_space<vmem>>[vector<16xi32>], vector<16xf32>,
        %mul3A_748 = arith.constant 16 : i32
        %mul3A_749 = arith.muli %scan3A_639, %mul3A_748 : i32
        %get3A_750 = arith.constant 9 : i32
        %get3A_751 = arith.index_cast %get3A_750 : i32 to index
        %get3A_752 = arith.index_cast %mul3A_749 : i32 to index
        %get3A_753 = tpu.vector_load %arg6[%get3A_751, %get3A_752] {strides = array<i32>} : memref<16x1536xf32, #tpu.memory_space<vmem>>, vector<16xf32>,
        %mul3A_754 = arith.constant 256 : i32
        %mul3A_755 = arith.muli %scan3A_639, %mul3A_754 : i32
        %add3A_756 = arith.constant 9 : i32
        %add3A_757 = arith.addi %mul3A_755, %add3A_756 : i32
        %add3A_758 = vector.broadcast %add3A_757 : i32 to vector<16xi32>
        %add3A_759 = arith.addi %mul3A_3, %add3A_758 : vector<16xi32>
        tpu.vector_store_idx %arg8[%add3A_759], %get3A_753 : memref<24576xf32, #tpu.memory_space<vmem>>[vector<16xi32>], vector<16xf32>,
        %mul3A_760 = arith.constant 16 : i32
        %mul3A_761 = arith.muli %scan3A_639, %mul3A_760 : i32
        %get3A_762 = arith.constant 10 : i32
        %get3A_763 = arith.index_cast %get3A_762 : i32 to index
        %get3A_764 = arith.index_cast %mul3A_761 : i32 to index
        %get3A_765 = tpu.vector_load %arg6[%get3A_763, %get3A_764] {strides = array<i32>} : memref<16x1536xf32, #tpu.memory_space<vmem>>, vector<16xf32>,
        %mul3A_766 = arith.constant 256 : i32
        %mul3A_767 = arith.muli %scan3A_639, %mul3A_766 : i32
        %add3A_768 = arith.constant 10 : i32
        %add3A_769 = arith.addi %mul3A_767, %add3A_768 : i32
        %add3A_770 = vector.broadcast %add3A_769 : i32 to vector<16xi32>
        %add3A_771 = arith.addi %mul3A_3, %add3A_770 : vector<16xi32>
        tpu.vector_store_idx %arg8[%add3A_771], %get3A_765 : memref<24576xf32, #tpu.memory_space<vmem>>[vector<16xi32>], vector<16xf32>,
        %mul3A_772 = arith.constant 16 : i32
        %mul3A_773 = arith.muli %scan3A_639, %mul3A_772 : i32
        %get3A_774 = arith.constant 11 : i32
        %get3A_775 = arith.index_cast %get3A_774 : i32 to index
        %get3A_776 = arith.index_cast %mul3A_773 : i32 to index
        %get3A_777 = tpu.vector_load %arg6[%get3A_775, %get3A_776] {strides = array<i32>} : memref<16x1536xf32, #tpu.memory_space<vmem>>, vector<16xf32>,
        %mul3A_778 = arith.constant 256 : i32
        %mul3A_779 = arith.muli %scan3A_639, %mul3A_778 : i32
        %add3A_780 = arith.constant 11 : i32
        %add3A_781 = arith.addi %mul3A_779, %add3A_780 : i32
        %add3A_782 = vector.broadcast %add3A_781 : i32 to vector<16xi32>
        %add3A_783 = arith.addi %mul3A_3, %add3A_782 : vector<16xi32>
        tpu.vector_store_idx %arg8[%add3A_783], %get3A_777 : memref<24576xf32, #tpu.memory_space<vmem>>[vector<16xi32>], vector<16xf32>,
        %mul3A_784 = arith.constant 16 : i32
        %mul3A_785 = arith.muli %scan3A_639, %mul3A_784 : i32
        %get3A_786 = arith.constant 12 : i32
        %get3A_787 = arith.index_cast %get3A_786 : i32 to index
        %get3A_788 = arith.index_cast %mul3A_785 : i32 to index
        %get3A_789 = tpu.vector_load %arg6[%get3A_787, %get3A_788] {strides = array<i32>} : memref<16x1536xf32, #tpu.memory_space<vmem>>, vector<16xf32>,
        %mul3A_790 = arith.constant 256 : i32
        %mul3A_791 = arith.muli %scan3A_639, %mul3A_790 : i32
        %add3A_792 = arith.constant 12 : i32
        %add3A_793 = arith.addi %mul3A_791, %add3A_792 : i32
        %add3A_794 = vector.broadcast %add3A_793 : i32 to vector<16xi32>
        %add3A_795 = arith.addi %mul3A_3, %add3A_794 : vector<16xi32>
        tpu.vector_store_idx %arg8[%add3A_795], %get3A_789 : memref<24576xf32, #tpu.memory_space<vmem>>[vector<16xi32>], vector<16xf32>,
        %mul3A_796 = arith.constant 16 : i32
        %mul3A_797 = arith.muli %scan3A_639, %mul3A_796 : i32
        %get3A_798 = arith.constant 13 : i32
        %get3A_799 = arith.index_cast %get3A_798 : i32 to index
        %get3A_800 = arith.index_cast %mul3A_797 : i32 to index
        %get3A_801 = tpu.vector_load %arg6[%get3A_799, %get3A_800] {strides = array<i32>} : memref<16x1536xf32, #tpu.memory_space<vmem>>, vector<16xf32>,
        %mul3A_802 = arith.constant 256 : i32
        %mul3A_803 = arith.muli %scan3A_639, %mul3A_802 : i32
        %add3A_804 = arith.constant 13 : i32
        %add3A_805 = arith.addi %mul3A_803, %add3A_804 : i32
        %add3A_806 = vector.broadcast %add3A_805 : i32 to vector<16xi32>
        %add3A_807 = arith.addi %mul3A_3, %add3A_806 : vector<16xi32>
        tpu.vector_store_idx %arg8[%add3A_807], %get3A_801 : memref<24576xf32, #tpu.memory_space<vmem>>[vector<16xi32>], vector<16xf32>,
        %mul3A_808 = arith.constant 16 : i32
        %mul3A_809 = arith.muli %scan3A_639, %mul3A_808 : i32
        %get3A_810 = arith.constant 14 : i32
        %get3A_811 = arith.index_cast %get3A_810 : i32 to index
        %get3A_812 = arith.index_cast %mul3A_809 : i32 to index
        %get3A_813 = tpu.vector_load %arg6[%get3A_811, %get3A_812] {strides = array<i32>} : memref<16x1536xf32, #tpu.memory_space<vmem>>, vector<16xf32>,
        %mul3A_814 = arith.constant 256 : i32
        %mul3A_815 = arith.muli %scan3A_639, %mul3A_814 : i32
        %add3A_816 = arith.constant 14 : i32
        %add3A_817 = arith.addi %mul3A_815, %add3A_816 : i32
        %add3A_818 = vector.broadcast %add3A_817 : i32 to vector<16xi32>
        %add3A_819 = arith.addi %mul3A_3, %add3A_818 : vector<16xi32>
        tpu.vector_store_idx %arg8[%add3A_819], %get3A_813 : memref<24576xf32, #tpu.memory_space<vmem>>[vector<16xi32>], vector<16xf32>,
        %mul3A_820 = arith.constant 16 : i32
        %mul3A_821 = arith.muli %scan3A_639, %mul3A_820 : i32
        %get3A_822 = arith.constant 15 : i32
        %get3A_823 = arith.index_cast %get3A_822 : i32 to index
        %get3A_824 = arith.index_cast %mul3A_821 : i32 to index
        %get3A_825 = tpu.vector_load %arg6[%get3A_823, %get3A_824] {strides = array<i32>} : memref<16x1536xf32, #tpu.memory_space<vmem>>, vector<16xf32>,
        %mul3A_826 = arith.constant 256 : i32
        %mul3A_827 = arith.muli %scan3A_639, %mul3A_826 : i32
        %add3A_828 = arith.constant 15 : i32
        %add3A_829 = arith.addi %mul3A_827, %add3A_828 : i32
        %add3A_830 = vector.broadcast %add3A_829 : i32 to vector<16xi32>
        %add3A_831 = arith.addi %mul3A_3, %add3A_830 : vector<16xi32>
        tpu.vector_store_idx %arg8[%add3A_831], %get3A_825 : memref<24576xf32, #tpu.memory_space<vmem>>[vector<16xi32>], vector<16xf32>,
        %scan3A_832 = arith.constant 0 : i32
        scf.yield %scan3A_832 : i32
      }
      %scan3A_47 = arith.constant 8 : i32
      %add3A_48 = arith.constant 1597440 : i32
      %add3A_49 = arith.addi %mul3A_29, %add3A_48 : i32
      "tpu.region"() ({
        %run_scoped3A = tpu.sem_alloc : memref<!tpu.dma_semaphore, #tpu.memory_space<semaphore_mem>>
        %dma_start3A_54 = arith.constant 0 : i32
        %dma_start3A_55 = tpu.memref_slice %arg8[%dma_start3A_54] : memref<24576xf32, #tpu.memory_space<vmem>> -> memref<2048xf32, #tpu.memory_space<vmem>>
        %dma_start3A_56 = tpu.memref_slice %arg4[%add3A_49] : memref<41600000xf32, #tpu.memory_space<hbm>> -> memref<2048xf32, #tpu.memory_space<hbm>>
        %dma_start3A_57 = tpu.memref_slice %arg4[%add3A_49] : memref<41600000xf32, #tpu.memory_space<hbm>> -> memref<2048xf32, #tpu.memory_space<hbm>>
        %dma_start3A_58 = arith.constant 0 : i32
        %dma_start3A_59 = tpu.memref_slice %arg8[%dma_start3A_58] : memref<24576xf32, #tpu.memory_space<vmem>> -> memref<2048xf32, #tpu.memory_space<vmem>>
        tpu.enqueue_dma source(%dma_start3A_59 : memref<2048xf32, #tpu.memory_space<vmem>>) target(%dma_start3A_57 : memref<2048xf32, #tpu.memory_space<hbm>>) target_semaphore(%run_scoped3A : memref<!tpu.dma_semaphore, #tpu.memory_space<semaphore_mem>>)
        %dma_wait3A_60 = arith.constant 0 : i32
        %dma_wait3A_61 = tpu.memref_slice %arg8[%dma_wait3A_60] : memref<24576xf32, #tpu.memory_space<vmem>> -> memref<2048xf32, #tpu.memory_space<vmem>>
        %dma_wait3A_62 = tpu.memref_slice %arg4[%add3A_49] : memref<41600000xf32, #tpu.memory_space<hbm>> -> memref<2048xf32, #tpu.memory_space<hbm>>
        %dma_wait3A_63 = tpu.memref_slice %arg4[%add3A_49] : memref<41600000xf32, #tpu.memory_space<hbm>> -> memref<2048xf32, #tpu.memory_space<hbm>>
        %dma_wait3A_64 = arith.constant 0 : i32
        %dma_wait3A_65 = tpu.memref_slice %arg8[%dma_wait3A_64] : memref<24576xf32, #tpu.memory_space<vmem>> -> memref<2048xf32, #tpu.memory_space<vmem>>
        tpu.wait_dma2 semaphore(%run_scoped3A : memref<!tpu.dma_semaphore, #tpu.memory_space<semaphore_mem>>) src(%dma_wait3A_65 : memref<2048xf32, #tpu.memory_space<vmem>>) dst(%dma_wait3A_63 : memref<2048xf32, #tpu.memory_space<hbm>>)
        tpu.yield
      }) : () -> ()
      %mul3A_50 = arith.constant 512 : i32
      %mul3A_51 = arith.muli %add3A, %mul3A_50 : i32
      "tpu.region"() ({
        %run_scoped3A = tpu.sem_alloc : memref<!tpu.dma_semaphore, #tpu.memory_space<semaphore_mem>>
        %dma_start3A_54 = arith.constant 0 : i32
        %dma_start3A_55 = tpu.memref_slice %arg7[%dma_start3A_54] : memref<24576xf32, #tpu.memory_space<vmem>> -> memref<512xf32, #tpu.memory_space<vmem>>
        %dma_start3A_56 = tpu.memref_slice %arg3[%mul3A_51] : memref<13312xf32, #tpu.memory_space<hbm>> -> memref<512xf32, #tpu.memory_space<hbm>>
        %dma_start3A_57 = arith.constant 0 : i32
        %dma_start3A_58 = tpu.memref_slice %arg7[%dma_start3A_57] : memref<24576xf32, #tpu.memory_space<vmem>> -> memref<512xf32, #tpu.memory_space<vmem>>
        %dma_start3A_59 = tpu.memref_slice %arg3[%mul3A_51] : memref<13312xf32, #tpu.memory_space<hbm>> -> memref<512xf32, #tpu.memory_space<hbm>>
        tpu.enqueue_dma source(%dma_start3A_59 : memref<512xf32, #tpu.memory_space<hbm>>) target(%dma_start3A_58 : memref<512xf32, #tpu.memory_space<vmem>>) target_semaphore(%run_scoped3A : memref<!tpu.dma_semaphore, #tpu.memory_space<semaphore_mem>>)
        %dma_wait3A_60 = arith.constant 0 : i32
        %dma_wait3A_61 = tpu.memref_slice %arg7[%dma_wait3A_60] : memref<24576xf32, #tpu.memory_space<vmem>> -> memref<512xf32, #tpu.memory_space<vmem>>
        %dma_wait3A_62 = tpu.memref_slice %arg3[%mul3A_51] : memref<13312xf32, #tpu.memory_space<hbm>> -> memref<512xf32, #tpu.memory_space<hbm>>
        %dma_wait3A_63 = arith.constant 0 : i32
        %dma_wait3A_64 = tpu.memref_slice %arg7[%dma_wait3A_63] : memref<24576xf32, #tpu.memory_space<vmem>> -> memref<512xf32, #tpu.memory_space<vmem>>
        %dma_wait3A_65 = tpu.memref_slice %arg3[%mul3A_51] : memref<13312xf32, #tpu.memory_space<hbm>> -> memref<512xf32, #tpu.memory_space<hbm>>
        tpu.wait_dma2 semaphore(%run_scoped3A : memref<!tpu.dma_semaphore, #tpu.memory_space<semaphore_mem>>) src(%dma_wait3A_65 : memref<512xf32, #tpu.memory_space<hbm>>) dst(%dma_wait3A_64 : memref<512xf32, #tpu.memory_space<vmem>>)
        tpu.yield
      }) : () -> ()
      %add3A_52 = arith.constant 1599488 : i32
      %add3A_53 = arith.addi %mul3A_29, %add3A_52 : i32
      "tpu.region"() ({
        %run_scoped3A = tpu.sem_alloc : memref<!tpu.dma_semaphore, #tpu.memory_space<semaphore_mem>>
        %dma_start3A_54 = arith.constant 0 : i32
        %dma_start3A_55 = tpu.memref_slice %arg7[%dma_start3A_54] : memref<24576xf32, #tpu.memory_space<vmem>> -> memref<512xf32, #tpu.memory_space<vmem>>
        %dma_start3A_56 = tpu.memref_slice %arg4[%add3A_53] : memref<41600000xf32, #tpu.memory_space<hbm>> -> memref<512xf32, #tpu.memory_space<hbm>>
        %dma_start3A_57 = tpu.memref_slice %arg4[%add3A_53] : memref<41600000xf32, #tpu.memory_space<hbm>> -> memref<512xf32, #tpu.memory_space<hbm>>
        %dma_start3A_58 = arith.constant 0 : i32
        %dma_start3A_59 = tpu.memref_slice %arg7[%dma_start3A_58] : memref<24576xf32, #tpu.memory_space<vmem>> -> memref<512xf32, #tpu.memory_space<vmem>>
        tpu.enqueue_dma source(%dma_start3A_59 : memref<512xf32, #tpu.memory_space<vmem>>) target(%dma_start3A_57 : memref<512xf32, #tpu.memory_space<hbm>>) target_semaphore(%run_scoped3A : memref<!tpu.dma_semaphore, #tpu.memory_space<semaphore_mem>>)
        %dma_wait3A_60 = arith.constant 0 : i32
        %dma_wait3A_61 = tpu.memref_slice %arg7[%dma_wait3A_60] : memref<24576xf32, #tpu.memory_space<vmem>> -> memref<512xf32, #tpu.memory_space<vmem>>
        %dma_wait3A_62 = tpu.memref_slice %arg4[%add3A_53] : memref<41600000xf32, #tpu.memory_space<hbm>> -> memref<512xf32, #tpu.memory_space<hbm>>
        %dma_wait3A_63 = tpu.memref_slice %arg4[%add3A_53] : memref<41600000xf32, #tpu.memory_space<hbm>> -> memref<512xf32, #tpu.memory_space<hbm>>
        %dma_wait3A_64 = arith.constant 0 : i32
        %dma_wait3A_65 = tpu.memref_slice %arg7[%dma_wait3A_64] : memref<24576xf32, #tpu.memory_space<vmem>> -> memref<512xf32, #tpu.memory_space<vmem>>
        tpu.wait_dma2 semaphore(%run_scoped3A : memref<!tpu.dma_semaphore, #tpu.memory_space<semaphore_mem>>) src(%dma_wait3A_65 : memref<512xf32, #tpu.memory_space<vmem>>) dst(%dma_wait3A_63 : memref<512xf32, #tpu.memory_space<hbm>>)
        tpu.yield
      }) : () -> ()
    } else {
    }
    return
  }
}

module attributes {stable_mosaic.version = 14 : i64} {
  func.func @_mlp_body(%arg0: i32, %arg1: memref<1024x416xf32, #tpu.memory_space<vmem>>, %arg2: memref<1024x13xf32, #tpu.memory_space<vmem>>, %arg3: memref<416x512xf32, #tpu.memory_space<vmem>>, %arg4: memref<13x512xf32, #tpu.memory_space<vmem>>, %arg5: memref<1x512xf32, #tpu.memory_space<vmem>>, %arg6: memref<512x256xf32, #tpu.memory_space<vmem>>, %arg7: memref<1x256xf32, #tpu.memory_space<vmem>>, %arg8: memref<256x128xf32, #tpu.memory_space<vmem>>, %arg9: memref<1x128xf32, #tpu.memory_space<vmem>>, %arg10: memref<128x1xf32, #tpu.memory_space<vmem>>, %arg11: memref<1x1xf32, #tpu.memory_space<vmem>>, %arg12: memref<1024x1xf32, #tpu.memory_space<vmem>>) attributes {dimension_semantics = [#tpu.dimension_semantics<arbitrary>], iteration_bounds = array<i64: 8>, scalar_prefetch = 0 : i64, scratch_operands = 0 : i64, tpu.core_type = #tpu.core_type<tc>, window_params = [{transform_indices = @transform_0, window_bounds = array<i64: 1024, 416>}, {transform_indices = @transform_1, window_bounds = array<i64: 1024, 13>}, {pipeline_mode = #tpu.pipeline_mode<synchronous>, transform_indices = @transform_2, window_bounds = array<i64: 416, 512>}, {pipeline_mode = #tpu.pipeline_mode<synchronous>, transform_indices = @transform_3, window_bounds = array<i64: 13, 512>}, {pipeline_mode = #tpu.pipeline_mode<synchronous>, transform_indices = @transform_4, window_bounds = array<i64: 1, 512>}, {pipeline_mode = #tpu.pipeline_mode<synchronous>, transform_indices = @transform_5, window_bounds = array<i64: 512, 256>}, {pipeline_mode = #tpu.pipeline_mode<synchronous>, transform_indices = @transform_6, window_bounds = array<i64: 1, 256>}, {pipeline_mode = #tpu.pipeline_mode<synchronous>, transform_indices = @transform_7, window_bounds = array<i64: 256, 128>}, {pipeline_mode = #tpu.pipeline_mode<synchronous>, transform_indices = @transform_8, window_bounds = array<i64: 1, 128>}, {pipeline_mode = #tpu.pipeline_mode<synchronous>, transform_indices = @transform_9, window_bounds = array<i64: 128, 1>}, {pipeline_mode = #tpu.pipeline_mode<synchronous>, transform_indices = @transform_10, window_bounds = array<i64: 1, 1>}, {transform_indices = @transform_11, window_bounds = array<i64: 1024, 1>}]} {
    %get3A = arith.constant 0 : index
    %get3A_0 = arith.constant 0 : index
    %get3A_1 = vector.load %arg1[%get3A, %get3A_0] : memref<1024x416xf32, #tpu.memory_space<vmem>>, vector<1024x416xf32>
    %get3A_2 = arith.constant 0 : index
    %get3A_3 = arith.constant 0 : index
    %get3A_4 = vector.load %arg3[%get3A_2, %get3A_3] : memref<416x512xf32, #tpu.memory_space<vmem>>, vector<416x512xf32>
    %dot_general3A = arith.constant dense<0.000000e+00> : vector<1024x512xf32>
    %dot_general3A_5 = tpu.matmul %get3A_1, %get3A_4, %dot_general3A {dimension_numbers = #tpu.dot_dimension_numbers<[1], [0], [0], [1], [0, 0, 1, 1], [], []>, transpose_lhs_hint = false} : vector<1024x416xf32>, vector<416x512xf32>, vector<1024x512xf32> -> vector<1024x512xf32>
    %get3A_6 = arith.constant 0 : index
    %get3A_7 = arith.constant 0 : index
    %get3A_8 = vector.load %arg2[%get3A_6, %get3A_7] : memref<1024x13xf32, #tpu.memory_space<vmem>>, vector<1024x13xf32>
    %get3A_9 = arith.constant 0 : index
    %get3A_10 = arith.constant 0 : index
    %get3A_11 = vector.load %arg4[%get3A_9, %get3A_10] : memref<13x512xf32, #tpu.memory_space<vmem>>, vector<13x512xf32>
    %dot_general3A_12 = arith.constant dense<0.000000e+00> : vector<1024x512xf32>
    %dot_general3A_13 = tpu.matmul %get3A_8, %get3A_11, %dot_general3A_12 {dimension_numbers = #tpu.dot_dimension_numbers<[1], [0], [0], [1], [0, 0, 1, 1], [], []>, transpose_lhs_hint = false} : vector<1024x13xf32>, vector<13x512xf32>, vector<1024x512xf32> -> vector<1024x512xf32>
    %add3A = arith.addf %dot_general3A_5, %dot_general3A_13 : vector<1024x512xf32>
    %get3A_14 = arith.constant 0 : index
    %get3A_15 = arith.constant 0 : index
    %get3A_16 = vector.load %arg5[%get3A_14, %get3A_15] : memref<1x512xf32, #tpu.memory_space<vmem>>, vector<1x512xf32>
    %add3A_17 = vector.broadcast %get3A_16 : vector<1x512xf32> to vector<1024x512xf32>
    %add3A_18 = arith.addf %add3A, %add3A_17 : vector<1024x512xf32>
    %max3A = arith.constant 0.000000e+00 : f32
    %max3A_19 = vector.broadcast %max3A : f32 to vector<1024x512xf32>
    %max3A_20 = arith.maximumf %add3A_18, %max3A_19 : vector<1024x512xf32>
    %get3A_21 = arith.constant 0 : index
    %get3A_22 = arith.constant 0 : index
    %get3A_23 = vector.load %arg6[%get3A_21, %get3A_22] : memref<512x256xf32, #tpu.memory_space<vmem>>, vector<512x256xf32>
    %dot_general3A_24 = arith.constant dense<0.000000e+00> : vector<1024x256xf32>
    %dot_general3A_25 = tpu.matmul %max3A_20, %get3A_23, %dot_general3A_24 {dimension_numbers = #tpu.dot_dimension_numbers<[1], [0], [0], [1], [0, 0, 1, 1], [], []>, transpose_lhs_hint = false} : vector<1024x512xf32>, vector<512x256xf32>, vector<1024x256xf32> -> vector<1024x256xf32>
    %get3A_26 = arith.constant 0 : index
    %get3A_27 = arith.constant 0 : index
    %get3A_28 = vector.load %arg7[%get3A_26, %get3A_27] : memref<1x256xf32, #tpu.memory_space<vmem>>, vector<1x256xf32>
    %add3A_29 = vector.broadcast %get3A_28 : vector<1x256xf32> to vector<1024x256xf32>
    %add3A_30 = arith.addf %dot_general3A_25, %add3A_29 : vector<1024x256xf32>
    %max3A_31 = arith.constant 0.000000e+00 : f32
    %max3A_32 = vector.broadcast %max3A_31 : f32 to vector<1024x256xf32>
    %max3A_33 = arith.maximumf %add3A_30, %max3A_32 : vector<1024x256xf32>
    %get3A_34 = arith.constant 0 : index
    %get3A_35 = arith.constant 0 : index
    %get3A_36 = vector.load %arg8[%get3A_34, %get3A_35] : memref<256x128xf32, #tpu.memory_space<vmem>>, vector<256x128xf32>
    %dot_general3A_37 = arith.constant dense<0.000000e+00> : vector<1024x128xf32>
    %dot_general3A_38 = tpu.matmul %max3A_33, %get3A_36, %dot_general3A_37 {dimension_numbers = #tpu.dot_dimension_numbers<[1], [0], [0], [1], [0, 0, 1, 1], [], []>, transpose_lhs_hint = false} : vector<1024x256xf32>, vector<256x128xf32>, vector<1024x128xf32> -> vector<1024x128xf32>
    %get3A_39 = arith.constant 0 : index
    %get3A_40 = arith.constant 0 : index
    %get3A_41 = vector.load %arg9[%get3A_39, %get3A_40] : memref<1x128xf32, #tpu.memory_space<vmem>>, vector<1x128xf32>
    %add3A_42 = vector.broadcast %get3A_41 : vector<1x128xf32> to vector<1024x128xf32>
    %add3A_43 = arith.addf %dot_general3A_38, %add3A_42 : vector<1024x128xf32>
    %max3A_44 = arith.constant 0.000000e+00 : f32
    %max3A_45 = vector.broadcast %max3A_44 : f32 to vector<1024x128xf32>
    %max3A_46 = arith.maximumf %add3A_43, %max3A_45 : vector<1024x128xf32>
    %get3A_47 = arith.constant 0 : index
    %get3A_48 = arith.constant 0 : index
    %get3A_49 = vector.load %arg10[%get3A_47, %get3A_48] : memref<128x1xf32, #tpu.memory_space<vmem>>, vector<128x1xf32>
    %dot_general3A_50 = arith.constant dense<0.000000e+00> : vector<1024x1xf32>
    %dot_general3A_51 = tpu.matmul %max3A_46, %get3A_49, %dot_general3A_50 {dimension_numbers = #tpu.dot_dimension_numbers<[1], [0], [0], [1], [0, 0, 1, 1], [], []>, transpose_lhs_hint = false} : vector<1024x128xf32>, vector<128x1xf32>, vector<1024x1xf32> -> vector<1024x1xf32>
    %get3A_52 = arith.constant 0 : index
    %get3A_53 = arith.constant 0 : index
    %get3A_54 = vector.load %arg11[%get3A_52, %get3A_53] : memref<1x1xf32, #tpu.memory_space<vmem>>, vector<1x1xf32>
    %add3A_55 = vector.broadcast %get3A_54 : vector<1x1xf32> to vector<1024x1xf32>
    %add3A_56 = arith.addf %dot_general3A_51, %add3A_55 : vector<1024x1xf32>
    %swap3A = arith.constant 0 : index
    %swap3A_57 = arith.constant 0 : index
    %swap3A_58 = vector.load %arg12[%swap3A, %swap3A_57] : memref<1024x1xf32, #tpu.memory_space<vmem>>, vector<1024x1xf32>
    tpu.vector_store %arg12[%swap3A, %swap3A_57], %add3A_56 {strides = array<i32>} : memref<1024x1xf32, #tpu.memory_space<vmem>>, vector<1024x1xf32>,
    return
  }
  func.func @transform_0(%arg0: i32) -> (i32, i32) {
    %c0_i32 = arith.constant 0 : i32
    %c0_i32_0 = arith.constant 0 : i32
    return %arg0, %c0_i32 : i32, i32
  }
  func.func @transform_1(%arg0: i32) -> (i32, i32) {
    %c0_i32 = arith.constant 0 : i32
    %c0_i32_0 = arith.constant 0 : i32
    return %arg0, %c0_i32 : i32, i32
  }
  func.func @transform_2(%arg0: i32) -> (i32, i32) {
    %c0_i32 = arith.constant 0 : i32
    %c0_i32_0 = arith.constant 0 : i32
    %c0_i32_1 = arith.constant 0 : i32
    return %c0_i32, %c0_i32_0 : i32, i32
  }
  func.func @transform_3(%arg0: i32) -> (i32, i32) {
    %c0_i32 = arith.constant 0 : i32
    %c0_i32_0 = arith.constant 0 : i32
    %c0_i32_1 = arith.constant 0 : i32
    return %c0_i32, %c0_i32_0 : i32, i32
  }
  func.func @transform_4(%arg0: i32) -> (i32, i32) {
    %c0_i32 = arith.constant 0 : i32
    %c0_i32_0 = arith.constant 0 : i32
    %c0_i32_1 = arith.constant 0 : i32
    return %c0_i32, %c0_i32_0 : i32, i32
  }
  func.func @transform_5(%arg0: i32) -> (i32, i32) {
    %c0_i32 = arith.constant 0 : i32
    %c0_i32_0 = arith.constant 0 : i32
    %c0_i32_1 = arith.constant 0 : i32
    return %c0_i32, %c0_i32_0 : i32, i32
  }
  func.func @transform_6(%arg0: i32) -> (i32, i32) {
    %c0_i32 = arith.constant 0 : i32
    %c0_i32_0 = arith.constant 0 : i32
    %c0_i32_1 = arith.constant 0 : i32
    return %c0_i32, %c0_i32_0 : i32, i32
  }
  func.func @transform_7(%arg0: i32) -> (i32, i32) {
    %c0_i32 = arith.constant 0 : i32
    %c0_i32_0 = arith.constant 0 : i32
    %c0_i32_1 = arith.constant 0 : i32
    return %c0_i32, %c0_i32_0 : i32, i32
  }
  func.func @transform_8(%arg0: i32) -> (i32, i32) {
    %c0_i32 = arith.constant 0 : i32
    %c0_i32_0 = arith.constant 0 : i32
    %c0_i32_1 = arith.constant 0 : i32
    return %c0_i32, %c0_i32_0 : i32, i32
  }
  func.func @transform_9(%arg0: i32) -> (i32, i32) {
    %c0_i32 = arith.constant 0 : i32
    %c0_i32_0 = arith.constant 0 : i32
    %c0_i32_1 = arith.constant 0 : i32
    return %c0_i32, %c0_i32_0 : i32, i32
  }
  func.func @transform_10(%arg0: i32) -> (i32, i32) {
    %c0_i32 = arith.constant 0 : i32
    %c0_i32_0 = arith.constant 0 : i32
    %c0_i32_1 = arith.constant 0 : i32
    return %c0_i32, %c0_i32_0 : i32, i32
  }
  func.func @transform_11(%arg0: i32) -> (i32, i32) {
    %c0_i32 = arith.constant 0 : i32
    %c0_i32_0 = arith.constant 0 : i32
    return %arg0, %c0_i32 : i32, i32
  }
}

</mosaic_0001>

<sc_bundles>
// kernel: kernel.10.cloned.1.call-start
scs
__scs_entry_jumppad:
0x0: {  	(pc) =	sbr.rel $0x88, $3  }
0x1: {  	(tag) =	ssettag $0x0;
	lr =	simm.s32 $0x1  }
0x2: {  	[smem:$0x3F96] =	sst lr;
	_ =	strace $0xD0000000  }
0x3: {  	_ = 	snop  }
0x4: {  	_ = 	snop  }
0x5: {  	_ = 	snop  }
0x6: {  	_ = 	snop  }
0x7: {  	_ = 	snop  }
__scs_overlays_trampoline_lowered:
0x8: {  	[smem:$0x3FA5] =	sst s0  }
0x9: {  	[smem:$0x3FA6] =	sst s1  }
0xa: {  	[smem:$0x3FA7] =	sst s2  }
0xb: {  	[smem:$0x3FA8] =	sst s3  }
0xc: {  	[smem:$0x3FA9] =	sst s4  }
0xd: {  	[smem:$0x3FAA] =	sst s5  }
0xe: {  	[smem:$0x3FAB] =	sst s6  }
0xf: {  	[smem:$0x3FAC] =	sst s7  }
0x10: {  	[smem:$0x3FAD] =	sst s8  }
0x11: {  	[smem:$0x3FAE] =	sst s9;
	s0 =	simm.s32 @!p0 $0x0  }
0x12: {  	s1 =	sld [smem:$0x3F94];
	s0 =	simm.s32 @p0 $0x1  }
0x13: {  	[smem:$0x3FAF] =	sst s0;
	s0 =	simm.s32 @!p1 $0x0  }
0x14: {  	s2 =	sld [smem:$0x3F93];
	s0 =	simm.s32 @p1 $0x1  }
0x15: {  	[smem:$0x3FB0] =	sst s0;
	s0 =	simm.s32 @!p2 $0x0  }
0x16: {  	s3 =	sld [smem:$0x3FDB];
	s0 =	simm.s32 @p2 $0x1  }
0x17: {  	s4 =	simm.s32 $0x1BF5;
	[smem:$0x3FB2] =	sst s0  }
0x18: {  	s0 =	sld [smem:$0x3F95];
	_ =	swait.ge [sflag:s4], $0x0  }
0x19: {  	s7 =	sld [smem:$0x3F96]  }
0x1a: {  	s8 =	sadd.s32 $0xFFFFE003, lr  }
0x1b: {  	s9 =	sadd.s32 $0xFFFFFEF7, lr;
	s5 =	simm.s32 $0xFFFFFFFF;
	p2 =	slt.u32 s8, $0xFFFFF086  }
0x1c: {  	p1 =	slt.u32 s9, $0xF7A;
	s5 =	simm.s32 @!p2 $0x0  }
0x1d: {  	s5 =	simm.s32 @p1 $0x1;
	p0 =	seq.s32 s7, s2  }
0x1e: {  	s7 =	smul.u32 @!p0 $0xF7A, s2;
	p2 =	seq.s32 @!p0 s5, $0x0  }
0x1f: {  	s9 =	smul.u32 $0xF7A, s1;
	s8 =	simm.s32 @!p0 $0x1BF5;
	p2 =	por !p2, p0  }
0x20: {  	[sflag:s8] =	ssyncset.s32 @!p0 $0xFFFFF086;
	s6 =	sadd.s32 @!p0 s3, s7;
	s7 =	simm.s32 @!p0 $0x108  }
0x21: {  	s3 =	sadd.s32 s3, s9;
	s6 =	sadd.s32 @!p0 $0x88, s6;
	s7 =	simm.s32 @p2 $0x1082  }
0x22: {  	[simem:s7], [sflag:s8] =	dma.local @!p0 [hbm:s6], $0xF7A  }
0x23: {  	s9 =	sor.u32 $0xD0000000, s2;
	s6 =	simm.s32 $0x108;
	_ =	swait.ge @!p0 [sflag:s8], $0x0  }
0x24: {  	s3 =	sadd.s32 $0x88, s3;
	s6 =	simm.s32 @!p1 $0x1082;
	[sflag:s4] =	ssyncset.s32 $0xFFFFF086  }
0x25: {  	[simem:s6], [sflag:s4] =	dma.local [hbm:s3], $0xF7A  }
0x26: {  	[smem:$0x3F96] =	sst s1;
	(tag) =	ssettag s2;
	_ =	strace s9  }
0x27: {  	s1 =	sld [smem:$0x3FA6]  }
0x28: {  	s2 =	sld [smem:$0x3FA7]  }
0x29: {  	s4 =	sld [smem:$0x3FA9]  }
0x2a: {  	p0 =	seq.s32 s5, $0x0;
	s5 =	sld [smem:$0x3FAA]  }
0x2b: {  	s6 =	sld [smem:$0x3FAB]  }
0x2c: {  	s7 =	sld [smem:$0x3FAC]  }
0x2d: {  	s3 =	simm.s32 $0x108;
	s8 =	sld [smem:$0x3FAD]  }
0x2e: {  	s3 =	simm.s32 @!p0 $0x1082;
	s9 =	sld [smem:$0x3FAE]  }
0x2f: {  	lr =	sadd.s32 s0, s3;
	s0 =	sld [smem:$0x3FA5]  }
0x30: {  	s3 =	sld [smem:$0x3FA8]  }
0x31: {  	[smem:$0x3FB1] =	sst s10  }
0x32: {  	s10 =	sld [smem:$0x3FAF];
	_ =	sdelay $0x3  }
0x33: {  	p0 =	seq.s32 s10, $0x1;
	s10 =	sld [smem:$0x3FB1];
	_ =	sdelay $0x3  }
0x34: {  	[smem:$0x3FB1] =	sst s10  }
0x35: {  	s10 =	sld [smem:$0x3FB0];
	_ =	sdelay $0x3  }
0x36: {  	p1 =	seq.s32 s10, $0x1;
	s10 =	sld [smem:$0x3FB1];
	_ =	sdelay $0x3  }
0x37: {  	[smem:$0x3FB1] =	sst s10  }
0x38: {  	s10 =	sld [smem:$0x3FB2]  }
0x39: {  	_ = 	snop;
	(pc) =	sbr.ind lr, $3  }
0x3a: {  	_ = 	snop  }
0x3b: {  	_ = 	snop  }
0x3c: {  	p2 =	seq.s32 s10, $0x1;
	s10 =	sld [smem:$0x3FB1]  }
0x3d: {  	_ =	shalt  }
0x3e: {  	_ =	shalt  }
0x3f: {  	_ =	shalt  }
0x40: {  	_ =	shalt  }
0x41: {  	_ =	shalt  }
0x42: {  	_ =	shalt  }
0x43: {  	_ =	shalt  }
0x44: {  	_ =	shalt  }
0x45: {  	_ =	shalt  }
0x46: {  	_ =	shalt  }
0x47: {  	_ =	shalt  }
0x48: {  	_ =	shalt  }
0x49: {  	_ =	shalt  }
0x4a: {  	_ =	shalt  }
0x4b: {  	_ =	shalt  }
0x4c: {  	_ =	shalt  }
0x4d: {  	_ =	shalt  }
0x4e: {  	_ =	shalt  }
0x4f: {  	_ =	shalt  }
0x50: {  	_ =	shalt  }
0x51: {  	_ =	shalt  }
0x52: {  	_ =	shalt  }
0x53: {  	_ =	shalt  }
0x54: {  	_ =	shalt  }
0x55: {  	_ =	shalt  }
0x56: {  	_ =	shalt  }
0x57: {  	_ =	shalt  }
0x58: {  	_ =	shalt  }
0x59: {  	_ =	shalt  }
0x5a: {  	_ =	shalt  }
0x5b: {  	_ =	shalt  }
0x5c: {  	_ =	shalt  }
0x5d: {  	_ =	shalt  }
0x5e: {  	_ =	shalt  }
0x5f: {  	_ =	shalt  }
0x60: {  	_ =	shalt  }
0x61: {  	_ =	shalt  }
0x62: {  	_ =	shalt  }
0x63: {  	_ =	shalt  }
0x64: {  	_ =	shalt  }
0x65: {  	_ =	shalt  }
0x66: {  	_ =	shalt  }
0x67: {  	_ =	shalt  }
0x68: {  	_ =	shalt  }
0x69: {  	_ =	shalt  }
0x6a: {  	_ =	shalt  }
0x6b: {  	_ =	shalt  }
0x6c: {  	_ =	shalt  }
0x6d: {  	_ =	shalt  }
0x6e: {  	_ =	shalt  }
0x6f: {  	_ =	shalt  }
0x70: {  	_ =	shalt  }
0x71: {  	_ =	shalt  }
0x72: {  	_ =	shalt  }
0x73: {  	_ =	shalt  }
0x74: {  	_ =	shalt  }
0x75: {  	_ =	shalt  }
0x76: {  	_ =	shalt  }
0x77: {  	_ =	shalt  }
0x78: {  	_ =	shalt  }
0x79: {  	_ =	shalt  }
0x7a: {  	_ =	shalt  }
0x7b: {  	_ =	shalt  }
0x7c: {  	_ =	shalt  }
0x7d: {  	_ =	shalt  }
0x7e: {  	_ =	shalt  }
0x7f: {  	_ =	shalt  }
0x80: {  	_ =	shalt  }
0x81: {  	_ =	shalt  }
0x82: {  	_ =	shalt  }
0x83: {  	_ =	shalt  }
0x84: {  	_ =	shalt  }
0x85: {  	_ =	shalt  }
0x86: {  	_ =	shalt  }
0x87: {  	_ =	shalt  }
.Lfunc_end0:
.L_simem_size_0:
called_computation.1_lowered:
.L_overlay_start_0:
0x88: {  	s2 =	sld [smem:$0x3FD9]  }
0x89: {  	s3 =	sld [smem:$0x3FFE];
	_ =	sdelay $0x1  }
0x8a: {  	s1 =	srdreg.scid  }
0x8b: {  	s0 =	sand.u32 $0x1, s1  }
0x8c: {  	s17 =	sshll.u32 s0, $0xA;
	s2 =	sadd.s32 s3, s2  }
0x8d: {  	s2 =	sadd.s32 s2, s17  }
0x8e: {  	[smem:$0x3FBD] =	sst s2  }
0x8f: {  	_ = 	snop  }
0x90: {  	(tm) =	ssettm $0x1  }
0x91: {  	s18 =	sld [smem:$0x3FFB];
	_ =	sdelay $0x3  }
0x92: {  	_ =	strace s18  }
0x93: {  	s2 =	sld [smem:$0x3FFC];
	_ =	sdelay $0x3  }
0x94: {  	_ =	strace s2  }
0x95: {  	s2 =	sld [smem:$0x3FFD];
	_ =	sdelay $0x3  }
0x96: {  	_ =	strace s2  }
0x97: {  	_ =	strace $0x8FFFFFFF  }
0x98: {  	s19 =	sld [smem:$0x3FDB];
	_ =	sdelay $0x1  }
0x99: {  	s20 =	simm.s32 $_scs_section_size  }
0x9a: {  	s4 =	simm.s32 $_size__tile_overlayer_lowered;
	s5 =	simm.s32 $_tile_overlayer_lowered  }
0x9b: {  	s6 =	simm.s32 $0x1BFF;
	s21 =	sshll.u32 s5, $0x1;
	s3 =	sadd.s32 s20, s19  }
0x9c: {  	s22 =	simm.s32 $0x0;
	s4 =	sshll.u32 s4, $0x1;
	s5 =	sadd.s32 s21, s3  }
0x9d: {  	[timem:s22], [sflag:s6] =	dma.local [hbm:s5], s4  }
0x9e: {  	_ =	swait.ge [sflag:s6], s4  }
0x9f: {  	s4 =	ssub.s32 $0x0, s4;
	[sflag:s6] =	ssyncset.done $0x0  }
0xa0: {  	[sflag:s6] =	ssyncadd.s32 s4;
	_ =	sdelay $0x1  }
0xa1: {  	s23 =	simm.s32 $0x1B8B  }
0xa2: {  	_ =	swait.ge [sflag:s23], $0x1  }
0xa3: {  	[sflag:s23] =	ssyncset.done $0x0  }
0xa4: {  	[sflag:s23] =	ssyncadd.s32 $0xFFFFFFFF  }
0xa5: {  	s4 =	sld [smem:$0x0]  }
0xa6: {  	s5 =	sand.u32 $0xFFFFFFFE, s1  }
0xa7: {  	p0 =	sne.s32 s1, s5  }
0xa8: {  	s5 =	sshll.u32 @p0 s5, $0xE  }
0xa9: {  	s5 =	sadd.s32 @p0 $0x11B8D, s5;
	s6 =	sshll.u32 @p0 s4, $0x11  }
0xaa: {  	s5 =	sor.u32 @p0 s6, s5  }
0xab: {  	[sflag:s5] =	ssyncadd.remote.s32 @p0 $0x1;
	_ =	sdelay $0x1  }
0xac: {  	s5 =	simm.s32 @p0 $0x1B8D  }
0xad: {  	_ =	swait.eq @p0 [sflag:s5], $0x1  }
0xae: {  	[sflag:s5] =	ssyncadd.s32 @p0 $0xFFFFFFFF  }
0xaf: {  	s6 =	sshll.u32 @!p0 s1, $0xE  }
0xb0: {  	s6 =	sor.u32 @!p0 $0x4000, s6;
	s5 =	simm.s32 @!p0 $0x1B8D  }
0xb1: {  	s4 =	sshll.u32 @!p0 s4, $0x11;
	s6 =	sadd.s32 @!p0 $0x11B8D, s6;
	_ =	swait.eq @!p0 [sflag:s5], $0x1  }
0xb2: {  	s4 =	sor.u32 @!p0 s4, s6;
	[sflag:s5] =	ssyncadd.s32 @!p0 $0xFFFFFFFF  }
0xb3: {  	s25 =	simm.s32 $0x1B8E;
	s24 =	sld [smem:$0x3FFE];
	[sflag:s4] =	ssyncadd.remote.s32 @!p0 $0x1  }
0xb4: {  	s26 =	simm.s32 $execute0_lowered;
	[smem:$0x3FD2] =	sst s25  }
0xb5: {  	s5 =	sshll.u32 s26, $0x1;
	_ =	strace $0x8000004C;
	[dreg:$0x1] =	wrdreg $0xFFFFFFFF  }
0xb6: {  	s28 =	simm.s32 $_size_execute0_lowered;
	s3 =	sadd.s32 s3, s5;
	[dreg:$0x0] =	wrdreg $0x0  }
0xb7: {  	s5 =	sshll.u32 s28, $0x1;
	[dreg:$0x2] =	wrdreg s3  }
0xb8: {  	[dreg:$0x3] =	wrdreg s5  }
0xb9: {  	[dreg:$0x4] =	wrdreg $0xC0  }
0xba: {  	_ =	task [dreg:s22], $0x5FFFF  }
0xbb: {  	[dreg:$0x1] =	wrdreg $0xFFFFFFFF  }
0xbc: {  	[dreg:$0x0] =	wrdreg $0x60  }
0xbd: {  	[dreg:$0x2] =	wrdreg s24  }
0xbe: {  	[dreg:$0x3] =	wrdreg $0x9  }
0xbf: {  	_ =	task.clear_ibuf [dreg:s22], $0x4FFFF;
	_ =	strace $0x9000004C  }
0xc0: {  	s29 =	simm.s32 $0x9;
	_ =	strace $0x8000004E  }
0xc1: {  	_ =	swait.ge [sflag:s29], $0x1  }
0xc2: {  	[sflag:s29] =	ssyncadd.s32 $0xFFFFFFFF  }
0xc3: {  	_ =	strace $0x9000004E  }
0xc4: {  	_ =	sfence  }
0xc5: {  	s30 =	sld [smem:$0x0];
	_ =	sdelay $0x2  }
0xc6: {  	s31 =	sshll.u32 s1, $0xD;
	s1 =	sshrl.u32 s1, $0x2  }
0xc7: {  	s4 =	sand.u32 $0x4000, s31;
	s1 =	sadd.s32 s1, s30  }
0xc8: {  	s0 =	sor.u32 s4, s0;
	s1 =	sshll.u32 s1, $0x11  }
0xc9: {  	s0 =	sor.u32 s1, s0  }
0xca: {  	s0 =	sadd.s32 $0x8F2B, s0  }
0xcb: {  	[sflag:s0] =	ssyncadd.remote.s32 $0x1  }
0xcc: {  	_ =	sfence.sel $0xFFFF  }
0xcd: {  	[dreg:$0x0] =	wrdreg $0xFFFFFFFF;
	(pc) =	sbr.abs _section_cstart, $3  }
0xce: {  	[dreg:$0x1] =	wrdreg $0xFFFFFFFF  }
0xcf: {  	_ =	task.clear_ibuf [dreg:s22], $0x2FFFF;
	_ =	strace $0x9FFFFFFF  }
0xd0: {  	(tm) =	ssettm $0x7FFFFFFF  }
0xd1: {  	_ =	shalt  }
tec
execute0_lowered:
.L_overlay_start_1:
0x0: {  	(tag) =	ssettag $0x1  }
0x1: {  	s1 =	srdreg.scid;
	s0 =	stileid.u32  }
0x2: {  	s10 =	sand.u32 $0x1, s1;
	s26 =	sshll.u32 s0, $0x1  }
0x3: {  	s8 =	sor.u32 s10, s26  }
0x4: {  	s9 =	rddreg [dreg:$0x0];
	s11 =	smul.u32 $0x1A00, s8  }
0x5: {  	s2 =	simm.s32 $0x0;
	s1 =	rddreg [dreg:$0x1]  }
0x6: {  	[smem:$0x7FF] =	sst s2;
	s12 =	sadd.s32 $0x4F8000, s9;
	s3 =	sshrl.u32 s11, $0x3  }
0x7: {  	_ =	strace $0x8000004D;
	s4 =	sadd.s32 s12, s3;
	s3 =	simm.s32 $0x2  }
0x8: {  	[tilespmem:s2], [sflag:$0x2] =	stream.linear.gather [hbm4b:s4+s2], $0xD00, $0x38;
	[tilespmem:$0xDD00] =	vst v63  }
0x9: {  	_ =	swait.ge [sflag:s3], $0xD00  }
0xa: {  	s6 =	simm.s32 $0xD00;
	[sflag:s3] =	ssyncset.done $0x0  }
0xb: {  	s7 =	simm.s32 $0x1;
	s5 =	sadd.s32 $0x2600, s9;
	[sflag:s3] =	ssyncadd.s32 $0xFFFFF300  }
0xc: {  	[tilespmem:s6], [sflag:$0x1] =	stream.indirect.gather [hbm4b:s5+s6], $0x10, s2, s6, $0xb8;
	[tilespmem:$0xDD00] =	vst v63  }
0xd: {  	s8 =	smul.u32 $0x3400, s8;
	_ =	swait.ge [sflag:s7], $0xD000  }
0xe: {  	s13 =	sadd.s32 $0x576800, s9;
	[sflag:s7] =	ssyncset.done $0x0  }
0xf: {  	s8 =	sadd.s32 s13, s8;
	[sflag:s7] =	ssyncadd.s32 $0xFFFF3000  }
0x10: {  	[hbm4b:s8+s2] =	stream.linear.scatter [tilespmem:s6], [sflag:$0x2], $0xD000, $0x38;
	[tilespmem:$0xDD00] =	vst v63  }
0x11: {  	s11 =	sadd.s32 $0xD00, s11;
	_ =	swait.ge [sflag:s3], $0xD000  }
0x12: {  	s28 =	sshrl.u32 s11, $0x3;
	[sflag:s3] =	ssyncset.done $0x0  }
0x13: {  	s10 =	ssub.s32 $0x2, s10;
	s9 =	sadd.s32 s12, s28;
	[sflag:s3] =	ssyncadd.s32 $0xFFFF3000  }
0x14: {  	[tilespmem:s2], [sflag:$0x2] =	stream.linear.gather [hbm4b:s9+s2], $0xD00, $0x38;
	[tilespmem:$0xDD00] =	vst v63  }
0x15: {  	s29 =	sshrl.u32 s10, $0x1;
	_ =	swait.ge [sflag:s3], $0xD00  }
0x16: {  	s12 =	ssub.s32 s10, s29;
	[sflag:s3] =	ssyncset.done $0x0  }
0x17: {  	s31 =	smax.u32 s12, $0x1;
	[sflag:s3] =	ssyncadd.s32 $0xFFFFF300  }
0x18: {  	[tilespmem:s6], [sflag:$0x1] =	stream.indirect.gather [hbm4b:s5+s6], $0x10, s2, s6, $0xb8;
	[tilespmem:$0xDD00] =	vst v63  }
0x19: {  	p0 =	sne.s32 s31, $0x1;
	_ =	swait.ge [sflag:s7], $0xD000  }
.Ltmp0:
0x1a: {  	s30 =	sshll.u32 s11, $0x1;
	[sflag:s7] =	ssyncset.done $0x0;
	(pc) =	sbr.rel @!p0 .LBB2_2-.Ltmp0, $4  }
0x1b: {  	s10 =	sadd.s32 s13, s30;
	[sflag:s7] =	ssyncadd.s32 $0xFFFF3000  }
0x1c: {  	[hbm4b:s10+s2] =	stream.linear.scatter [tilespmem:s6], [sflag:$0x2], $0xD000, $0x38;
	[tilespmem:$0xDD00] =	vst v63  }
0x1d: {  	_ =	swait.ge [sflag:s3], $0xD000  }
0x1e: {  	s11 =	sadd.s32 $0xFFFFFFFF, s31;
	[sflag:s3] =	ssyncset.done $0x0  }
.LBB2_1:
0x1f: {  	p0 =	sne.s32 s11, $0x1;
	s11 =	sadd.s32 $0xFFFFFFFF, s11;
	[sflag:s3] =	ssyncadd.s32 $0xFFFF3000  }
0x20: {  	[tilespmem:s2], [sflag:$0x2] =	stream.linear.gather [hbm4b:s4+s2], $0xD00, $0x38;
	[tilespmem:$0xDD00] =	vst v63  }
0x21: {  	_ =	swait.ge [sflag:s3], $0xD00  }
0x22: {  	[sflag:s3] =	ssyncset.done $0x0  }
0x23: {  	[sflag:s3] =	ssyncadd.s32 $0xFFFFF300  }
0x24: {  	[tilespmem:s6], [sflag:$0x1] =	stream.indirect.gather [hbm4b:s5+s6], $0x10, s2, s6, $0xb8;
	[tilespmem:$0xDD00] =	vst v63  }
0x25: {  	_ =	swait.ge [sflag:s7], $0xD000  }
0x26: {  	[sflag:s7] =	ssyncset.done $0x0  }
0x27: {  	[sflag:s7] =	ssyncadd.s32 $0xFFFF3000  }
0x28: {  	[hbm4b:s8+s2] =	stream.linear.scatter [tilespmem:s6], [sflag:$0x2], $0xD000, $0x38;
	[tilespmem:$0xDD00] =	vst v63  }
0x29: {  	_ =	swait.ge [sflag:s3], $0xD000  }
0x2a: {  	[sflag:s3] =	ssyncset.done $0x0  }
0x2b: {  	[sflag:s3] =	ssyncadd.s32 $0xFFFF3000  }
0x2c: {  	[tilespmem:s2], [sflag:$0x2] =	stream.linear.gather [hbm4b:s9+s2], $0xD00, $0x38;
	[tilespmem:$0xDD00] =	vst v63  }
0x2d: {  	_ =	swait.ge [sflag:s3], $0xD00  }
0x2e: {  	[sflag:s3] =	ssyncset.done $0x0  }
0x2f: {  	[sflag:s3] =	ssyncadd.s32 $0xFFFFF300  }
0x30: {  	[tilespmem:s6], [sflag:$0x1] =	stream.indirect.gather [hbm4b:s5+s6], $0x10, s2, s6, $0xb8;
	[tilespmem:$0xDD00] =	vst v63  }
0x31: {  	_ =	swait.ge [sflag:s7], $0xD000  }
.Ltmp1:
0x32: {  	[sflag:s7] =	ssyncset.done $0x0;
	(pc) =	sbr.rel @p0 .LBB2_1-.Ltmp1, $4  }
0x33: {  	[sflag:s7] =	ssyncadd.s32 $0xFFFF3000  }
0x34: {  	[hbm4b:s10+s2] =	stream.linear.scatter [tilespmem:s6], [sflag:$0x2], $0xD000, $0x38;
	[tilespmem:$0xDD00] =	vst v63  }
0x35: {  	_ =	swait.ge [sflag:s3], $0xD000  }
0x36: {  	[sflag:s3] =	ssyncset.done $0x0  }
.LBB2_2:
0x37: {  	[sflag:s3] =	ssyncadd.s32 $0xFFFF3000  }
0x38: {  	_ =	sfence.sel $0x180000  }
0x39: {  	[bflag:$0x0] =	sbarrier.arrive $0xFFFF  }
0x3a: {  	p0 =	sne.s32 s0, $0x0;
	_ =	strace $0x9000004D  }
0x3b: {  	s0 =	sadd.s32 @!p0 $0x100000, s1;
	[bflag:$0x2] =	sbarrier.arrive $0xFFFF  }
0x3c: {  	[sflag:s0] =	ssyncadd.tile.s32 @!p0 $0x1;
	_ =	shalt  }
.Lfunc_end2:
_tile_overlayer_lowered:
.L_overlay_start_2:
0x3d: {  	(tag) =	ssettag $0x2  }
0x3e: {  	s0 =	rddreg [dreg:$0x0];
	s2 =	stileid.u32  }
0x3f: {  	s1 =	rddreg [dreg:$0x1];
	p0 =	sne.s32 s2, $0x0  }
0x40: {  	s3 =	rddreg [dreg:$0x2];
	[bflag:$0x3] =	sbarrier.arrive $0xFFFF;
	s2 =	simm.s32 @!p0 $0x1C02  }
0x41: {  	[timem:s3], [sflag:s2] =	dma.local @!p0 [hbm:s0], s1  }
0x42: {  	s0 =	simm.s32 @!p0 $0x2  }
0x43: {  	_ =	swait.ge @!p0 [sflag:s0], s1  }
0x44: {  	s1 =	ssub.s32 @!p0 $0x0, s1;
	[sflag:s0] =	ssyncset.done @!p0 $0x0  }
0x45: {  	[sflag:s0] =	ssyncadd.s32 @!p0 s1  }
0x46: {  	[bflag:$0x3] =	sbarrier.arrive $0xFFFF  }
0x47: {  	_ =	shalt  }

// kernel: kernel.13.cloned.1.call-start
scs
__scs_entry_jumppad:
0x0: {  	(pc) =	sbr.rel $0x88, $3  }
0x1: {  	(tag) =	ssettag $0x0;
	lr =	simm.s32 $0x1  }
0x2: {  	[smem:$0x3F96] =	sst lr;
	_ =	strace $0xD0000000  }
0x3: {  	_ = 	snop  }
0x4: {  	_ = 	snop  }
0x5: {  	_ = 	snop  }
0x6: {  	_ = 	snop  }
0x7: {  	_ = 	snop  }
__scs_overlays_trampoline_lowered:
0x8: {  	[smem:$0x3FA5] =	sst s0  }
0x9: {  	[smem:$0x3FA6] =	sst s1  }
0xa: {  	[smem:$0x3FA7] =	sst s2  }
0xb: {  	[smem:$0x3FA8] =	sst s3  }
0xc: {  	[smem:$0x3FA9] =	sst s4  }
0xd: {  	[smem:$0x3FAA] =	sst s5  }
0xe: {  	[smem:$0x3FAB] =	sst s6  }
0xf: {  	[smem:$0x3FAC] =	sst s7  }
0x10: {  	[smem:$0x3FAD] =	sst s8  }
0x11: {  	[smem:$0x3FAE] =	sst s9;
	s0 =	simm.s32 @!p0 $0x0  }
0x12: {  	s1 =	sld [smem:$0x3F94];
	s0 =	simm.s32 @p0 $0x1  }
0x13: {  	[smem:$0x3FAF] =	sst s0;
	s0 =	simm.s32 @!p1 $0x0  }
0x14: {  	s2 =	sld [smem:$0x3F93];
	s0 =	simm.s32 @p1 $0x1  }
0x15: {  	[smem:$0x3FB0] =	sst s0;
	s0 =	simm.s32 @!p2 $0x0  }
0x16: {  	s3 =	sld [smem:$0x3FDB];
	s0 =	simm.s32 @p2 $0x1  }
0x17: {  	s4 =	simm.s32 $0x1BF5;
	[smem:$0x3FB2] =	sst s0  }
0x18: {  	s0 =	sld [smem:$0x3F95];
	_ =	swait.ge [sflag:s4], $0x0  }
0x19: {  	s7 =	sld [smem:$0x3F96]  }
0x1a: {  	s8 =	sadd.s32 $0xFFFFE003, lr  }
0x1b: {  	s9 =	sadd.s32 $0xFFFFFEF7, lr;
	s5 =	simm.s32 $0xFFFFFFFF;
	p2 =	slt.u32 s8, $0xFFFFF086  }
0x1c: {  	p1 =	slt.u32 s9, $0xF7A;
	s5 =	simm.s32 @!p2 $0x0  }
0x1d: {  	s5 =	simm.s32 @p1 $0x1;
	p0 =	seq.s32 s7, s2  }
0x1e: {  	s7 =	smul.u32 @!p0 $0xF7A, s2;
	p2 =	seq.s32 @!p0 s5, $0x0  }
0x1f: {  	s9 =	smul.u32 $0xF7A, s1;
	s8 =	simm.s32 @!p0 $0x1BF5;
	p2 =	por !p2, p0  }
0x20: {  	[sflag:s8] =	ssyncset.s32 @!p0 $0xFFFFF086;
	s6 =	sadd.s32 @!p0 s3, s7;
	s7 =	simm.s32 @!p0 $0x108  }
0x21: {  	s3 =	sadd.s32 s3, s9;
	s6 =	sadd.s32 @!p0 $0x88, s6;
	s7 =	simm.s32 @p2 $0x1082  }
0x22: {  	[simem:s7], [sflag:s8] =	dma.local @!p0 [hbm:s6], $0xF7A  }
0x23: {  	s9 =	sor.u32 $0xD0000000, s2;
	s6 =	simm.s32 $0x108;
	_ =	swait.ge @!p0 [sflag:s8], $0x0  }
0x24: {  	s3 =	sadd.s32 $0x88, s3;
	s6 =	simm.s32 @!p1 $0x1082;
	[sflag:s4] =	ssyncset.s32 $0xFFFFF086  }
0x25: {  	[simem:s6], [sflag:s4] =	dma.local [hbm:s3], $0xF7A  }
0x26: {  	[smem:$0x3F96] =	sst s1;
	(tag) =	ssettag s2;
	_ =	strace s9  }
0x27: {  	s1 =	sld [smem:$0x3FA6]  }
0x28: {  	s2 =	sld [smem:$0x3FA7]  }
0x29: {  	s4 =	sld [smem:$0x3FA9]  }
0x2a: {  	p0 =	seq.s32 s5, $0x0;
	s5 =	sld [smem:$0x3FAA]  }
0x2b: {  	s6 =	sld [smem:$0x3FAB]  }
0x2c: {  	s7 =	sld [smem:$0x3FAC]  }
0x2d: {  	s3 =	simm.s32 $0x108;
	s8 =	sld [smem:$0x3FAD]  }
0x2e: {  	s3 =	simm.s32 @!p0 $0x1082;
	s9 =	sld [smem:$0x3FAE]  }
0x2f: {  	lr =	sadd.s32 s0, s3;
	s0 =	sld [smem:$0x3FA5]  }
0x30: {  	s3 =	sld [smem:$0x3FA8]  }
0x31: {  	[smem:$0x3FB1] =	sst s10  }
0x32: {  	s10 =	sld [smem:$0x3FAF];
	_ =	sdelay $0x3  }
0x33: {  	p0 =	seq.s32 s10, $0x1;
	s10 =	sld [smem:$0x3FB1];
	_ =	sdelay $0x3  }
0x34: {  	[smem:$0x3FB1] =	sst s10  }
0x35: {  	s10 =	sld [smem:$0x3FB0];
	_ =	sdelay $0x3  }
0x36: {  	p1 =	seq.s32 s10, $0x1;
	s10 =	sld [smem:$0x3FB1];
	_ =	sdelay $0x3  }
0x37: {  	[smem:$0x3FB1] =	sst s10  }
0x38: {  	s10 =	sld [smem:$0x3FB2]  }
0x39: {  	_ = 	snop;
	(pc) =	sbr.ind lr, $3  }
0x3a: {  	_ = 	snop  }
0x3b: {  	_ = 	snop  }
0x3c: {  	p2 =	seq.s32 s10, $0x1;
	s10 =	sld [smem:$0x3FB1]  }
0x3d: {  	_ =	shalt  }
0x3e: {  	_ =	shalt  }
0x3f: {  	_ =	shalt  }
0x40: {  	_ =	shalt  }
0x41: {  	_ =	shalt  }
0x42: {  	_ =	shalt  }
0x43: {  	_ =	shalt  }
0x44: {  	_ =	shalt  }
0x45: {  	_ =	shalt  }
0x46: {  	_ =	shalt  }
0x47: {  	_ =	shalt  }
0x48: {  	_ =	shalt  }
0x49: {  	_ =	shalt  }
0x4a: {  	_ =	shalt  }
0x4b: {  	_ =	shalt  }
0x4c: {  	_ =	shalt  }
0x4d: {  	_ =	shalt  }
0x4e: {  	_ =	shalt  }
0x4f: {  	_ =	shalt  }
0x50: {  	_ =	shalt  }
0x51: {  	_ =	shalt  }
0x52: {  	_ =	shalt  }
0x53: {  	_ =	shalt  }
0x54: {  	_ =	shalt  }
0x55: {  	_ =	shalt  }
0x56: {  	_ =	shalt  }
0x57: {  	_ =	shalt  }
0x58: {  	_ =	shalt  }
0x59: {  	_ =	shalt  }
0x5a: {  	_ =	shalt  }
0x5b: {  	_ =	shalt  }
0x5c: {  	_ =	shalt  }
0x5d: {  	_ =	shalt  }
0x5e: {  	_ =	shalt  }
0x5f: {  	_ =	shalt  }
0x60: {  	_ =	shalt  }
0x61: {  	_ =	shalt  }
0x62: {  	_ =	shalt  }
0x63: {  	_ =	shalt  }
0x64: {  	_ =	shalt  }
0x65: {  	_ =	shalt  }
0x66: {  	_ =	shalt  }
0x67: {  	_ =	shalt  }
0x68: {  	_ =	shalt  }
0x69: {  	_ =	shalt  }
0x6a: {  	_ =	shalt  }
0x6b: {  	_ =	shalt  }
0x6c: {  	_ =	shalt  }
0x6d: {  	_ =	shalt  }
0x6e: {  	_ =	shalt  }
0x6f: {  	_ =	shalt  }
0x70: {  	_ =	shalt  }
0x71: {  	_ =	shalt  }
0x72: {  	_ =	shalt  }
0x73: {  	_ =	shalt  }
0x74: {  	_ =	shalt  }
0x75: {  	_ =	shalt  }
0x76: {  	_ =	shalt  }
0x77: {  	_ =	shalt  }
0x78: {  	_ =	shalt  }
0x79: {  	_ =	shalt  }
0x7a: {  	_ =	shalt  }
0x7b: {  	_ =	shalt  }
0x7c: {  	_ =	shalt  }
0x7d: {  	_ =	shalt  }
0x7e: {  	_ =	shalt  }
0x7f: {  	_ =	shalt  }
0x80: {  	_ =	shalt  }
0x81: {  	_ =	shalt  }
0x82: {  	_ =	shalt  }
0x83: {  	_ =	shalt  }
0x84: {  	_ =	shalt  }
0x85: {  	_ =	shalt  }
0x86: {  	_ =	shalt  }
0x87: {  	_ =	shalt  }
.Lfunc_end0:
.L_simem_size_0:
called_computation.2_lowered:
.L_overlay_start_0:
0x88: {  	s2 =	sld [smem:$0x3FD9]  }
0x89: {  	s3 =	sld [smem:$0x3FFE];
	_ =	sdelay $0x1  }
0x8a: {  	s1 =	srdreg.scid  }
0x8b: {  	s0 =	sand.u32 $0x1, s1  }
0x8c: {  	s16 =	sshll.u32 s0, $0xA;
	s2 =	sadd.s32 s3, s2  }
0x8d: {  	s2 =	sadd.s32 s2, s16  }
0x8e: {  	[smem:$0x3FBD] =	sst s2  }
0x8f: {  	_ = 	snop  }
0x90: {  	(tm) =	ssettm $0x1  }
0x91: {  	s17 =	sld [smem:$0x3FFB];
	_ =	sdelay $0x3  }
0x92: {  	_ =	strace s17  }
0x93: {  	s2 =	sld [smem:$0x3FFC];
	_ =	sdelay $0x3  }
0x94: {  	_ =	strace s2  }
0x95: {  	s2 =	sld [smem:$0x3FFD];
	_ =	sdelay $0x3  }
0x96: {  	_ =	strace s2  }
0x97: {  	_ =	strace $0x8FFFFFFF  }
0x98: {  	s18 =	sld [smem:$0x3FDB];
	_ =	sdelay $0x1  }
0x99: {  	s19 =	simm.s32 $_scs_section_size  }
0x9a: {  	s4 =	simm.s32 $_size__tile_overlayer_lowered;
	s5 =	simm.s32 $_tile_overlayer_lowered  }
0x9b: {  	s22 =	simm.s32 $0x1BFF;
	s21 =	sshll.u32 s5, $0x1;
	s2 =	sadd.s32 s19, s18  }
0x9c: {  	s6 =	simm.s32 $0x0;
	s20 =	sshll.u32 s4, $0x1;
	s4 =	sadd.s32 s21, s2  }
0x9d: {  	[timem:s6], [sflag:s22] =	dma.local [hbm:s4], s20  }
0x9e: {  	_ =	swait.ge [sflag:s22], s20  }
0x9f: {  	s3 =	ssub.s32 $0x0, s20;
	[sflag:s22] =	ssyncset.done $0x0  }
0xa0: {  	[sflag:s22] =	ssyncadd.s32 s3;
	_ =	sdelay $0x1  }
0xa1: {  	s23 =	simm.s32 $0x1B8B  }
0xa2: {  	_ =	swait.ge [sflag:s23], $0x1  }
0xa3: {  	[sflag:s23] =	ssyncset.done $0x0  }
0xa4: {  	s25 =	simm.s32 $0x1B8E;
	s24 =	sld [smem:$0x3FFE];
	[sflag:s23] =	ssyncadd.s32 $0xFFFFFFFF  }
0xa5: {  	s26 =	simm.s32 $execute0_lowered;
	[smem:$0x3FD2] =	sst s25  }
0xa6: {  	s4 =	sshll.u32 s26, $0x1;
	_ =	strace $0x80000049;
	[dreg:$0x1] =	wrdreg $0xFFFFFFFF  }
0xa7: {  	s28 =	simm.s32 $_size_execute0_lowered;
	s2 =	sadd.s32 s2, s4;
	[dreg:$0x0] =	wrdreg $0x0  }
0xa8: {  	s4 =	sshll.u32 s28, $0x1;
	[dreg:$0x2] =	wrdreg s2  }
0xa9: {  	[dreg:$0x3] =	wrdreg s4  }
0xaa: {  	[dreg:$0x4] =	wrdreg $0xC0  }
0xab: {  	_ =	task [dreg:s6], $0x5FFFF  }
0xac: {  	[dreg:$0x1] =	wrdreg $0xFFFFFFFF  }
0xad: {  	[dreg:$0x0] =	wrdreg $0x60  }
0xae: {  	[dreg:$0x2] =	wrdreg s24  }
0xaf: {  	[dreg:$0x3] =	wrdreg $0xA  }
0xb0: {  	_ =	task.clear_ibuf [dreg:s6], $0x4FFFF;
	_ =	strace $0x90000049  }
0xb1: {  	s29 =	simm.s32 $0xA;
	_ =	strace $0x8000004B  }
0xb2: {  	_ =	swait.ge [sflag:s29], $0x1  }
0xb3: {  	[sflag:s29] =	ssyncadd.s32 $0xFFFFFFFF  }
0xb4: {  	_ =	strace $0x9000004B  }
0xb5: {  	_ =	sfence  }
0xb6: {  	s30 =	sld [smem:$0x0];
	_ =	sdelay $0x2  }
0xb7: {  	s31 =	sshll.u32 s1, $0xD;
	s1 =	sshrl.u32 s1, $0x2  }
0xb8: {  	s3 =	sand.u32 $0x4000, s31;
	s1 =	sadd.s32 s1, s30  }
0xb9: {  	s0 =	sor.u32 s3, s0;
	s1 =	sshll.u32 s1, $0x11  }
0xba: {  	s0 =	sor.u32 s1, s0  }
0xbb: {  	s0 =	sadd.s32 $0x8F2B, s0  }
0xbc: {  	[sflag:s0] =	ssyncadd.remote.s32 $0x1  }
0xbd: {  	_ =	sfence.sel $0xFFFF  }
0xbe: {  	[dreg:$0x0] =	wrdreg $0xFFFFFFFF;
	(pc) =	sbr.abs _section_cstart, $3  }
0xbf: {  	[dreg:$0x1] =	wrdreg $0xFFFFFFFF  }
0xc0: {  	_ =	task.clear_ibuf [dreg:s6], $0x2FFFF;
	_ =	strace $0x9FFFFFFF  }
0xc1: {  	(tm) =	ssettm $0x7FFFFFFF  }
tec
execute0_lowered:
.L_overlay_start_1:
0x0: {  	(tag) =	ssettag $0x1  }
0x1: {  	s1 =	srdreg.scid;
	s0 =	stileid.u32  }
0x2: {  	s10 =	sand.u32 $0x1, s1;
	s26 =	sshll.u32 s0, $0x1  }
0x3: {  	s8 =	sor.u32 s10, s26  }
0x4: {  	s9 =	rddreg [dreg:$0x0];
	s11 =	smul.u32 $0x1A00, s8  }
0x5: {  	s2 =	simm.s32 $0x0;
	s1 =	rddreg [dreg:$0x1]  }
0x6: {  	[smem:$0x7FF] =	sst s2;
	s12 =	sadd.s32 $0x508000, s9;
	s3 =	sshrl.u32 s11, $0x3  }
0x7: {  	_ =	strace $0x8000004A;
	s4 =	sadd.s32 s12, s3;
	s3 =	simm.s32 $0x2  }
0x8: {  	[tilespmem:s2], [sflag:$0x2] =	stream.linear.gather [hbm4b:s4+s2], $0xD00, $0x38;
	[tilespmem:$0xDD00] =	vst v63  }
0x9: {  	_ =	swait.ge [sflag:s3], $0xD00  }
0xa: {  	s6 =	simm.s32 $0xD00;
	[sflag:s3] =	ssyncset.done $0x0  }
0xb: {  	s7 =	simm.s32 $0x1;
	s5 =	sadd.s32 $0x2600, s9;
	[sflag:s3] =	ssyncadd.s32 $0xFFFFF300  }
0xc: {  	[tilespmem:s6], [sflag:$0x1] =	stream.indirect.gather [hbm4b:s5+s6], $0x10, s2, s6, $0xb8;
	[tilespmem:$0xDD00] =	vst v63  }
0xd: {  	s8 =	smul.u32 $0x3400, s8;
	_ =	swait.ge [sflag:s7], $0xD000  }
0xe: {  	s13 =	sadd.s32 $0x50E800, s9;
	[sflag:s7] =	ssyncset.done $0x0  }
0xf: {  	s8 =	sadd.s32 s13, s8;
	[sflag:s7] =	ssyncadd.s32 $0xFFFF3000  }
0x10: {  	[hbm4b:s8+s2] =	stream.linear.scatter [tilespmem:s6], [sflag:$0x2], $0xD000, $0x38;
	[tilespmem:$0xDD00] =	vst v63  }
0x11: {  	s11 =	sadd.s32 $0xD00, s11;
	_ =	swait.ge [sflag:s3], $0xD000  }
0x12: {  	s28 =	sshrl.u32 s11, $0x3;
	[sflag:s3] =	ssyncset.done $0x0  }
0x13: {  	s10 =	ssub.s32 $0x2, s10;
	s9 =	sadd.s32 s12, s28;
	[sflag:s3] =	ssyncadd.s32 $0xFFFF3000  }
0x14: {  	[tilespmem:s2], [sflag:$0x2] =	stream.linear.gather [hbm4b:s9+s2], $0xD00, $0x38;
	[tilespmem:$0xDD00] =	vst v63  }
0x15: {  	s29 =	sshrl.u32 s10, $0x1;
	_ =	swait.ge [sflag:s3], $0xD00  }
0x16: {  	s12 =	ssub.s32 s10, s29;
	[sflag:s3] =	ssyncset.done $0x0  }
0x17: {  	s31 =	smax.u32 s12, $0x1;
	[sflag:s3] =	ssyncadd.s32 $0xFFFFF300  }
0x18: {  	[tilespmem:s6], [sflag:$0x1] =	stream.indirect.gather [hbm4b:s5+s6], $0x10, s2, s6, $0xb8;
	[tilespmem:$0xDD00] =	vst v63  }
0x19: {  	p0 =	sne.s32 s31, $0x1;
	_ =	swait.ge [sflag:s7], $0xD000  }
.Ltmp0:
0x1a: {  	s30 =	sshll.u32 s11, $0x1;
	[sflag:s7] =	ssyncset.done $0x0;
	(pc) =	sbr.rel @!p0 .LBB2_2-.Ltmp0, $4  }
0x1b: {  	s10 =	sadd.s32 s13, s30;
	[sflag:s7] =	ssyncadd.s32 $0xFFFF3000  }
0x1c: {  	[hbm4b:s10+s2] =	stream.linear.scatter [tilespmem:s6], [sflag:$0x2], $0xD000, $0x38;
	[tilespmem:$0xDD00] =	vst v63  }
0x1d: {  	_ =	swait.ge [sflag:s3], $0xD000  }
0x1e: {  	s11 =	sadd.s32 $0xFFFFFFFF, s31;
	[sflag:s3] =	ssyncset.done $0x0  }
.LBB2_1:
0x1f: {  	p0 =	sne.s32 s11, $0x1;
	s11 =	sadd.s32 $0xFFFFFFFF, s11;
	[sflag:s3] =	ssyncadd.s32 $0xFFFF3000  }
0x20: {  	[tilespmem:s2], [sflag:$0x2] =	stream.linear.gather [hbm4b:s4+s2], $0xD00, $0x38;
	[tilespmem:$0xDD00] =	vst v63  }
0x21: {  	_ =	swait.ge [sflag:s3], $0xD00  }
0x22: {  	[sflag:s3] =	ssyncset.done $0x0  }
0x23: {  	[sflag:s3] =	ssyncadd.s32 $0xFFFFF300  }
0x24: {  	[tilespmem:s6], [sflag:$0x1] =	stream.indirect.gather [hbm4b:s5+s6], $0x10, s2, s6, $0xb8;
	[tilespmem:$0xDD00] =	vst v63  }
0x25: {  	_ =	swait.ge [sflag:s7], $0xD000  }
0x26: {  	[sflag:s7] =	ssyncset.done $0x0  }
0x27: {  	[sflag:s7] =	ssyncadd.s32 $0xFFFF3000  }
0x28: {  	[hbm4b:s8+s2] =	stream.linear.scatter [tilespmem:s6], [sflag:$0x2], $0xD000, $0x38;
	[tilespmem:$0xDD00] =	vst v63  }
0x29: {  	_ =	swait.ge [sflag:s3], $0xD000  }
0x2a: {  	[sflag:s3] =	ssyncset.done $0x0  }
0x2b: {  	[sflag:s3] =	ssyncadd.s32 $0xFFFF3000  }
0x2c: {  	[tilespmem:s2], [sflag:$0x2] =	stream.linear.gather [hbm4b:s9+s2], $0xD00, $0x38;
	[tilespmem:$0xDD00] =	vst v63  }
0x2d: {  	_ =	swait.ge [sflag:s3], $0xD00  }
0x2e: {  	[sflag:s3] =	ssyncset.done $0x0  }
0x2f: {  	[sflag:s3] =	ssyncadd.s32 $0xFFFFF300  }
0x30: {  	[tilespmem:s6], [sflag:$0x1] =	stream.indirect.gather [hbm4b:s5+s6], $0x10, s2, s6, $0xb8;
	[tilespmem:$0xDD00] =	vst v63  }
0x31: {  	_ =	swait.ge [sflag:s7], $0xD000  }
.Ltmp1:
0x32: {  	[sflag:s7] =	ssyncset.done $0x0;
	(pc) =	sbr.rel @p0 .LBB2_1-.Ltmp1, $4  }
0x33: {  	[sflag:s7] =	ssyncadd.s32 $0xFFFF3000  }
0x34: {  	[hbm4b:s10+s2] =	stream.linear.scatter [tilespmem:s6], [sflag:$0x2], $0xD000, $0x38;
	[tilespmem:$0xDD00] =	vst v63  }
0x35: {  	_ =	swait.ge [sflag:s3], $0xD000  }
0x36: {  	[sflag:s3] =	ssyncset.done $0x0  }
.LBB2_2:
0x37: {  	[sflag:s3] =	ssyncadd.s32 $0xFFFF3000  }
0x38: {  	_ =	sfence.sel $0x180000  }
0x39: {  	[bflag:$0x0] =	sbarrier.arrive $0xFFFF  }
0x3a: {  	p0 =	sne.s32 s0, $0x0;
	_ =	strace $0x9000004A  }
0x3b: {  	s0 =	sadd.s32 @!p0 $0x100000, s1;
	[bflag:$0x2] =	sbarrier.arrive $0xFFFF  }
0x3c: {  	[sflag:s0] =	ssyncadd.tile.s32 @!p0 $0x1;
	_ =	shalt  }
.Lfunc_end2:
_tile_overlayer_lowered:
.L_overlay_start_2:
0x3d: {  	(tag) =	ssettag $0x2  }
0x3e: {  	s0 =	rddreg [dreg:$0x0];
	s2 =	stileid.u32  }
0x3f: {  	s1 =	rddreg [dreg:$0x1];
	p0 =	sne.s32 s2, $0x0  }
0x40: {  	s3 =	rddreg [dreg:$0x2];
	[bflag:$0x3] =	sbarrier.arrive $0xFFFF;
	s2 =	simm.s32 @!p0 $0x1C02  }
0x41: {  	[timem:s3], [sflag:s2] =	dma.local @!p0 [hbm:s0], s1  }
0x42: {  	s0 =	simm.s32 @!p0 $0x2  }
0x43: {  	_ =	swait.ge @!p0 [sflag:s0], s1  }
0x44: {  	s1 =	ssub.s32 @!p0 $0x0, s1;
	[sflag:s0] =	ssyncset.done @!p0 $0x0  }
0x45: {  	[sflag:s0] =	ssyncadd.s32 @!p0 s1  }
0x46: {  	[bflag:$0x3] =	sbarrier.arrive $0xFFFF  }
0x47: {  	_ =	shalt  }

// kernel: kernel.7.cloned.1.call-start
scs
__scs_entry_jumppad:
0x0: {  	(pc) =	sbr.rel $0x88, $3  }
0x1: {  	(tag) =	ssettag $0x0;
	lr =	simm.s32 $0x1  }
0x2: {  	[smem:$0x3F96] =	sst lr;
	_ =	strace $0xD0000000  }
0x3: {  	_ = 	snop  }
0x4: {  	_ = 	snop  }
0x5: {  	_ = 	snop  }
0x6: {  	_ = 	snop  }
0x7: {  	_ = 	snop  }
__scs_overlays_trampoline_lowered:
0x8: {  	[smem:$0x3FA5] =	sst s0  }
0x9: {  	[smem:$0x3FA6] =	sst s1  }
0xa: {  	[smem:$0x3FA7] =	sst s2  }
0xb: {  	[smem:$0x3FA8] =	sst s3  }
0xc: {  	[smem:$0x3FA9] =	sst s4  }
0xd: {  	[smem:$0x3FAA] =	sst s5  }
0xe: {  	[smem:$0x3FAB] =	sst s6  }
0xf: {  	[smem:$0x3FAC] =	sst s7  }
0x10: {  	[smem:$0x3FAD] =	sst s8  }
0x11: {  	[smem:$0x3FAE] =	sst s9;
	s0 =	simm.s32 @!p0 $0x0  }
0x12: {  	s1 =	sld [smem:$0x3F94];
	s0 =	simm.s32 @p0 $0x1  }
0x13: {  	[smem:$0x3FAF] =	sst s0;
	s0 =	simm.s32 @!p1 $0x0  }
0x14: {  	s2 =	sld [smem:$0x3F93];
	s0 =	simm.s32 @p1 $0x1  }
0x15: {  	[smem:$0x3FB0] =	sst s0;
	s0 =	simm.s32 @!p2 $0x0  }
0x16: {  	s3 =	sld [smem:$0x3FDB];
	s0 =	simm.s32 @p2 $0x1  }
0x17: {  	s4 =	simm.s32 $0x1BF5;
	[smem:$0x3FB2] =	sst s0  }
0x18: {  	s0 =	sld [smem:$0x3F95];
	_ =	swait.ge [sflag:s4], $0x0  }
0x19: {  	s7 =	sld [smem:$0x3F96]  }
0x1a: {  	s8 =	sadd.s32 $0xFFFFE003, lr  }
0x1b: {  	s9 =	sadd.s32 $0xFFFFFEF7, lr;
	s5 =	simm.s32 $0xFFFFFFFF;
	p2 =	slt.u32 s8, $0xFFFFF086  }
0x1c: {  	p1 =	slt.u32 s9, $0xF7A;
	s5 =	simm.s32 @!p2 $0x0  }
0x1d: {  	s5 =	simm.s32 @p1 $0x1;
	p0 =	seq.s32 s7, s2  }
0x1e: {  	s7 =	smul.u32 @!p0 $0xF7A, s2;
	p2 =	seq.s32 @!p0 s5, $0x0  }
0x1f: {  	s9 =	smul.u32 $0xF7A, s1;
	s8 =	simm.s32 @!p0 $0x1BF5;
	p2 =	por !p2, p0  }
0x20: {  	[sflag:s8] =	ssyncset.s32 @!p0 $0xFFFFF086;
	s6 =	sadd.s32 @!p0 s3, s7;
	s7 =	simm.s32 @!p0 $0x108  }
0x21: {  	s3 =	sadd.s32 s3, s9;
	s6 =	sadd.s32 @!p0 $0x88, s6;
	s7 =	simm.s32 @p2 $0x1082  }
0x22: {  	[simem:s7], [sflag:s8] =	dma.local @!p0 [hbm:s6], $0xF7A  }
0x23: {  	s9 =	sor.u32 $0xD0000000, s2;
	s6 =	simm.s32 $0x108;
	_ =	swait.ge @!p0 [sflag:s8], $0x0  }
0x24: {  	s3 =	sadd.s32 $0x88, s3;
	s6 =	simm.s32 @!p1 $0x1082;
	[sflag:s4] =	ssyncset.s32 $0xFFFFF086  }
0x25: {  	[simem:s6], [sflag:s4] =	dma.local [hbm:s3], $0xF7A  }
0x26: {  	[smem:$0x3F96] =	sst s1;
	(tag) =	ssettag s2;
	_ =	strace s9  }
0x27: {  	s1 =	sld [smem:$0x3FA6]  }
0x28: {  	s2 =	sld [smem:$0x3FA7]  }
0x29: {  	s4 =	sld [smem:$0x3FA9]  }
0x2a: {  	p0 =	seq.s32 s5, $0x0;
	s5 =	sld [smem:$0x3FAA]  }
0x2b: {  	s6 =	sld [smem:$0x3FAB]  }
0x2c: {  	s7 =	sld [smem:$0x3FAC]  }
0x2d: {  	s3 =	simm.s32 $0x108;
	s8 =	sld [smem:$0x3FAD]  }
0x2e: {  	s3 =	simm.s32 @!p0 $0x1082;
	s9 =	sld [smem:$0x3FAE]  }
0x2f: {  	lr =	sadd.s32 s0, s3;
	s0 =	sld [smem:$0x3FA5]  }
0x30: {  	s3 =	sld [smem:$0x3FA8]  }
0x31: {  	[smem:$0x3FB1] =	sst s10  }
0x32: {  	s10 =	sld [smem:$0x3FAF];
	_ =	sdelay $0x3  }
0x33: {  	p0 =	seq.s32 s10, $0x1;
	s10 =	sld [smem:$0x3FB1];
	_ =	sdelay $0x3  }
0x34: {  	[smem:$0x3FB1] =	sst s10  }
0x35: {  	s10 =	sld [smem:$0x3FB0];
	_ =	sdelay $0x3  }
0x36: {  	p1 =	seq.s32 s10, $0x1;
	s10 =	sld [smem:$0x3FB1];
	_ =	sdelay $0x3  }
0x37: {  	[smem:$0x3FB1] =	sst s10  }
0x38: {  	s10 =	sld [smem:$0x3FB2]  }
0x39: {  	_ = 	snop;
	(pc) =	sbr.ind lr, $3  }
0x3a: {  	_ = 	snop  }
0x3b: {  	_ = 	snop  }
0x3c: {  	p2 =	seq.s32 s10, $0x1;
	s10 =	sld [smem:$0x3FB1]  }
0x3d: {  	_ =	shalt  }
0x3e: {  	_ =	shalt  }
0x3f: {  	_ =	shalt  }
0x40: {  	_ =	shalt  }
0x41: {  	_ =	shalt  }
0x42: {  	_ =	shalt  }
0x43: {  	_ =	shalt  }
0x44: {  	_ =	shalt  }
0x45: {  	_ =	shalt  }
0x46: {  	_ =	shalt  }
0x47: {  	_ =	shalt  }
0x48: {  	_ =	shalt  }
0x49: {  	_ =	shalt  }
0x4a: {  	_ =	shalt  }
0x4b: {  	_ =	shalt  }
0x4c: {  	_ =	shalt  }
0x4d: {  	_ =	shalt  }
0x4e: {  	_ =	shalt  }
0x4f: {  	_ =	shalt  }
0x50: {  	_ =	shalt  }
0x51: {  	_ =	shalt  }
0x52: {  	_ =	shalt  }
0x53: {  	_ =	shalt  }
0x54: {  	_ =	shalt  }
0x55: {  	_ =	shalt  }
0x56: {  	_ =	shalt  }
0x57: {  	_ =	shalt  }
0x58: {  	_ =	shalt  }
0x59: {  	_ =	shalt  }
0x5a: {  	_ =	shalt  }
0x5b: {  	_ =	shalt  }
0x5c: {  	_ =	shalt  }
0x5d: {  	_ =	shalt  }
0x5e: {  	_ =	shalt  }
0x5f: {  	_ =	shalt  }
0x60: {  	_ =	shalt  }
0x61: {  	_ =	shalt  }
0x62: {  	_ =	shalt  }
0x63: {  	_ =	shalt  }
0x64: {  	_ =	shalt  }
0x65: {  	_ =	shalt  }
0x66: {  	_ =	shalt  }
0x67: {  	_ =	shalt  }
0x68: {  	_ =	shalt  }
0x69: {  	_ =	shalt  }
0x6a: {  	_ =	shalt  }
0x6b: {  	_ =	shalt  }
0x6c: {  	_ =	shalt  }
0x6d: {  	_ =	shalt  }
0x6e: {  	_ =	shalt  }
0x6f: {  	_ =	shalt  }
0x70: {  	_ =	shalt  }
0x71: {  	_ =	shalt  }
0x72: {  	_ =	shalt  }
0x73: {  	_ =	shalt  }
0x74: {  	_ =	shalt  }
0x75: {  	_ =	shalt  }
0x76: {  	_ =	shalt  }
0x77: {  	_ =	shalt  }
0x78: {  	_ =	shalt  }
0x79: {  	_ =	shalt  }
0x7a: {  	_ =	shalt  }
0x7b: {  	_ =	shalt  }
0x7c: {  	_ =	shalt  }
0x7d: {  	_ =	shalt  }
0x7e: {  	_ =	shalt  }
0x7f: {  	_ =	shalt  }
0x80: {  	_ =	shalt  }
0x81: {  	_ =	shalt  }
0x82: {  	_ =	shalt  }
0x83: {  	_ =	shalt  }
0x84: {  	_ =	shalt  }
0x85: {  	_ =	shalt  }
0x86: {  	_ =	shalt  }
0x87: {  	_ =	shalt  }
.Lfunc_end0:
.L_simem_size_0:
called_computation_lowered:
.L_overlay_start_0:
0x88: {  	s2 =	sld [smem:$0x3FD9]  }
0x89: {  	s3 =	sld [smem:$0x3FFE];
	_ =	sdelay $0x1  }
0x8a: {  	s1 =	srdreg.scid  }
0x8b: {  	s0 =	sand.u32 $0x1, s1  }
0x8c: {  	s17 =	sshll.u32 s0, $0xA;
	s2 =	sadd.s32 s3, s2  }
0x8d: {  	s2 =	sadd.s32 s2, s17  }
0x8e: {  	[smem:$0x3FBD] =	sst s2  }
0x8f: {  	_ = 	snop  }
0x90: {  	s2 =	sld [smem:$0x3FC7]  }
0x91: {  	s18 =	sld [smem:$0x3FD0];
	(tm) =	ssettm $0x1  }
0x92: {  	s4 =	sld [smem:$0x3FFB];
	_ =	sdelay $0x3  }
0x93: {  	_ =	strace s4  }
0x94: {  	s4 =	sld [smem:$0x3FFC];
	_ =	sdelay $0x3  }
0x95: {  	_ =	strace s4  }
0x96: {  	s4 =	sld [smem:$0x3FFD];
	_ =	sdelay $0x3  }
0x97: {  	_ =	strace s4  }
0x98: {  	_ =	strace $0x8FFFFFFF  }
0x99: {  	s19 =	sld [smem:$0x3FDB];
	_ =	sdelay $0x1  }
0x9a: {  	s5 =	simm.s32 $_scs_section_size  }
0x9b: {  	s6 =	simm.s32 $_size__tile_overlayer_lowered;
	s7 =	simm.s32 $_tile_overlayer_lowered  }
0x9c: {  	s22 =	simm.s32 $0x1BFF;
	s21 =	sshll.u32 s7, $0x1;
	s4 =	sadd.s32 s5, s19  }
0x9d: {  	s8 =	simm.s32 $0x0;
	s20 =	sshll.u32 s6, $0x1;
	s6 =	sadd.s32 s21, s4  }
0x9e: {  	[timem:s8], [sflag:s22] =	dma.local [hbm:s6], s20  }
0x9f: {  	_ =	swait.ge [sflag:s22], s20  }
0xa0: {  	s5 =	ssub.s32 $0x0, s20;
	[sflag:s22] =	ssyncset.done $0x0  }
0xa1: {  	[sflag:s22] =	ssyncadd.s32 s5;
	_ =	sdelay $0x1  }
0xa2: {  	s23 =	simm.s32 $0x1B8B  }
0xa3: {  	_ =	swait.ge [sflag:s23], $0x1  }
0xa4: {  	[sflag:s23] =	ssyncset.done $0x0  }
0xa5: {  	s25 =	simm.s32 $0x1B8E;
	s24 =	sld [smem:$0x3FFE];
	[sflag:s23] =	ssyncadd.s32 $0xFFFFFFFF  }
0xa6: {  	s26 =	simm.s32 $execute0_lowered;
	[smem:$0x3FD2] =	sst s25  }
0xa7: {  	s6 =	sshll.u32 s26, $0x1;
	_ =	strace $0x80000046;
	[dreg:$0x1] =	wrdreg $0xFFFFFFFF  }
0xa8: {  	s28 =	simm.s32 $_size_execute0_lowered;
	s4 =	sadd.s32 s4, s6;
	[dreg:$0x0] =	wrdreg $0x0  }
0xa9: {  	s6 =	sshll.u32 s28, $0x1;
	[dreg:$0x2] =	wrdreg s4  }
0xaa: {  	[dreg:$0x3] =	wrdreg s6  }
0xab: {  	[dreg:$0x4] =	wrdreg $0xC0  }
0xac: {  	_ =	task [dreg:s8], $0x5FFFF  }
0xad: {  	[dreg:$0x1] =	wrdreg $0xFFFFFFFF  }
0xae: {  	[dreg:$0x0] =	wrdreg $0x60  }
0xaf: {  	[dreg:$0x2] =	wrdreg s2  }
0xb0: {  	[dreg:$0x3] =	wrdreg s18  }
0xb1: {  	[dreg:$0x4] =	wrdreg s24  }
0xb2: {  	[dreg:$0x5] =	wrdreg $0x9  }
0xb3: {  	_ =	task.clear_ibuf [dreg:s8], $0x6FFFF;
	_ =	strace $0x90000046  }
0xb4: {  	s29 =	simm.s32 $0x9;
	_ =	strace $0x80000048  }
0xb5: {  	_ =	swait.ge [sflag:s29], $0x1  }
0xb6: {  	[sflag:s29] =	ssyncadd.s32 $0xFFFFFFFF  }
0xb7: {  	_ =	strace $0x90000048  }
0xb8: {  	_ =	sfence  }
0xb9: {  	s30 =	sld [smem:$0x0];
	_ =	sdelay $0x2  }
0xba: {  	s31 =	sshll.u32 s1, $0xD;
	s1 =	sshrl.u32 s1, $0x2  }
0xbb: {  	s3 =	sand.u32 $0x4000, s31;
	s1 =	sadd.s32 s1, s30  }
0xbc: {  	s0 =	sor.u32 s3, s0;
	s1 =	sshll.u32 s1, $0x11  }
0xbd: {  	s0 =	sor.u32 s1, s0  }
0xbe: {  	s0 =	sadd.s32 $0x8F2B, s0  }
0xbf: {  	[sflag:s0] =	ssyncadd.remote.s32 $0x1  }
0xc0: {  	_ =	sfence.sel $0xFFFF  }
0xc1: {  	[dreg:$0x0] =	wrdreg $0xFFFFFFFF;
	(pc) =	sbr.abs _section_cstart, $3  }
0xc2: {  	[dreg:$0x1] =	wrdreg $0xFFFFFFFF  }
0xc3: {  	_ =	task.clear_ibuf [dreg:s8], $0x2FFFF;
	_ =	strace $0x9FFFFFFF  }
0xc4: {  	(tm) =	ssettm $0x7FFFFFFF  }
0xc5: {  	_ =	shalt  }
tec
execute0_lowered:
.L_overlay_start_1:
0x0: {  	(tag) =	ssettag $0x1  }
0x1: {  	s1 =	srdreg.scid;
	s12 =	stileid.u32  }
0x2: {  	s13 =	rddreg [dreg:$0x0];
	s1 =	sand.u32 $0x1, s1;
	s4 =	sshll.u32 s12, $0x1  }
0x3: {  	s0 =	rddreg [dreg:$0x1];
	s6 =	sor.u32 s1, s4  }
0x4: {  	s2 =	rddreg [dreg:$0x2];
	s3 =	simm.s32 $0x0;
	s9 =	smul.u32 $0x3000, s6  }
0x5: {  	[smem:$0x7FF] =	sst s3;
	s5 =	sadd.s32 $0x2600, s2;
	s20 =	smul.u32 $0x186A00, s6  }
0x6: {  	s1 =	ssub.s32 $0x2, s1;
	s8 =	sor.u32 $0x20, s6;
	s11 =	smul.u32 $0x187000, s6  }
0x7: {  	p0 =	sgt.u32 s12, $0xC;
	s7 =	sshrl.u32 s1, $0x1;
	s19 =	smul.u32 $0x3000, s8  }
0x8: {  	_ =	strace $0x80000047;
	s1 =	ssub.s32 s1, s7;
	s7 =	smul.u32 $0x6000, s6  }
0x9: {  	s6 =	sshll.u32 s6, $0x6;
	s10 =	sshrl.u32 s9, $0x3;
	s22 =	sadd.s32 $0x187000, s9  }
0xa: {  	s23 =	sshrl.u32 s11, $0x3;
	s2 =	sshrl.u32 s20, $0x3;
	[dreg:$0x4] =	wrdreg s19  }
0xb: {  	s9 =	smul.u32 $0x6000, s8;
	s0 =	sadd.s32 s0, s6;
	[dreg:$0x6] =	wrdreg s22  }
0xc: {  	s31 =	smax.u32 s1, $0x1;
	s20 =	simm.s32 $0x1;
	[dreg:$0xb] =	wrdreg s0  }
0xd: {  	s21 =	sadd.s32 s13, s10;
	s24 =	sadd.s32 s13, s23;
	[dreg:$0xd] =	wrdreg s31  }
0xe: {  	s2 =	sadd.s32 s5, s2;
	[dreg:$0x5] =	wrdreg s21;
	s25 =	sadd.s32 $0x18000, s24  }
.Ltmp0:
0xf: {  	s26 =	sadd.s32 $0x30000, s2;
	[dreg:$0x7] =	wrdreg s25;
	(pc) =	sbr.rel .LBB2_1-.Ltmp0, $4  }
0x10: {  	s1 =	simm.s32 $0x0;
	s28 =	sadd.s32 $0x18600, s24;
	[dreg:$0x8] =	wrdreg s26  }
0x11: {  	s22 =	simm.s32 $0x2;
	s29 =	sadd.s32 $0x30C00, s2;
	[dreg:$0x9] =	wrdreg s28  }
0x12: {  	v0 =	vlaneseq.u32;
	s23 =	simm.s32 $0x4;
	s30 =	sadd.s32 $0x30D00, s2;
	[dreg:$0xa] =	wrdreg s29  }
0x13: {  	v0 =	vmul.u32 $0x10, v0;
	s21 =	simm.s32 $0xC000;
	s24 =	simm.s32 $0x12000;
	[dreg:$0xc] =	wrdreg s30  }
.LBB2_17:
0x14: {  	s1 =	sadd.s32 $0x1, s1;
	s0 =	rddreg [dreg:$0xd]  }
0x15: {  	p1 =	sne.s32 s1, s0  }
.Ltmp1:
0x16: {  	_ = 	snop;
	(pc) =	sbr.rel @!p1 .LBB2_18-.Ltmp1, $1  }
0x17: {  	_ =	sdelay $0x3  }
.LBB2_1:
0x18: {  	[dreg:$0xe] =	wrdreg s1  }
0x19: {  	s0 =	rddreg [dreg:$0x5]  }
0x1a: {  	s31 =	simm.s32 $0x3000;
	s2 =	simm.s32 $0xC3800;
	s30 =	simm.s32 $0x0  }
0x1b: {  	[tilespmem:s3], [sflag:$0x1] =	stream.strided.gather [hbm4b:s0+s31], $0x6000, s2, s31, $0x38;
	[tilespmem:$0x18000] =	vst v63  }
.LBB2_2:
0x1c: {  	s2 =	smul.u32 $0x187000, s30  }
0x1d: {  	s0 =	rddreg [dreg:$0x4]  }
0x1e: {  	s0 =	sadd.s32 s0, s2  }
0x1f: {  	s1 =	rddreg [dreg:$0x0];
	s17 =	simm.s32 $0x3000;
	s0 =	sshrl.u32 s0, $0x3  }
0x20: {  	s4 =	simm.s32 $0xC3800;
	s6 =	simm.s32 $0x6000;
	s0 =	sadd.s32 s1, s0  }
0x21: {  	[tilespmem:s6], [sflag:$0x2] =	stream.strided.gather [hbm4b:s0+s17], $0x6000, s4, s17, $0x38;
	[tilespmem:$0x18000] =	vst v63  }
0x22: {  	_ =	swait.ge [sflag:s20], $0x6000  }
0x23: {  	p1 =	seq.s32 s30, $0x0;
	[sflag:s20] =	ssyncset.done $0x0  }
0x24: {  	s6 =	simm.s32 @!p1 $0x3;
	[sflag:s20] =	ssyncadd.s32 $0xFFFFA000  }
0x25: {  	s31 =	simm.s32 $0x0;
	s18 =	simm.s32 $0x0;
	_ =	swait.ge @!p1 [sflag:s6], $0x6000  }
0x26: {  	s1 =	sand.u32 $0x40, s18;
	s0 =	sand.u32 $0x3C00, s31;
	[sflag:s6] =	ssyncset.done @!p1 $0x0  }
0x27: {  	s8 =	simm.s32 $0x0;
	s19 =	sor.u32 s1, s0;
	[sflag:s6] =	ssyncadd.s32 @!p1 $0xFFFFA000  }
0x28: {  	v2 =	vor.u32 s8, v0;
	v1 =	vld [tilespmem:s19+$0x0];
	_ =	sdelay $0x4  }
0x29: {  	s25 =	simm.s32 $0x1;
	[tilespmem:v2+s21+$0x0] =	vst.idx.msk $0xffff, v1  }
0x2a: {  	v2 =	vor.u32 s25, v0;
	v1 =	vld [tilespmem:s19+$0x80];
	_ =	sdelay $0x4  }
0x2b: {  	s26 =	simm.s32 $0x2;
	[tilespmem:v2+s21+$0x0] =	vst.idx.msk $0xffff, v1  }
0x2c: {  	v2 =	vor.u32 s26, v0;
	v1 =	vld [tilespmem:s19+$0x100];
	_ =	sdelay $0x4  }
0x2d: {  	s29 =	simm.s32 $0x3;
	[tilespmem:v2+s21+$0x0] =	vst.idx.msk $0xffff, v1  }
0x2e: {  	v2 =	vor.u32 s29, v0;
	v1 =	vld [tilespmem:s19+$0x180]  }
0x2f: {  	p2 =	por $0x0, $0x0;
	s6 =	simm.s32 $0x1  }
0x30: {  	s6 =	simm.s32 @!p2 $0x0  }
0x31: {  	s6 =	sshll.u32 s6, $0x6  }
0x32: {  	s6 =	sadd.s32 $0x0, s6  }
0x33: {  	s10 =	simm.s32 $0x4;
	s4 =	sor.u32 $0x200, s6;
	[tilespmem:v2+s21+$0x0] =	vst.idx.msk $0xffff, v1  }
0x34: {  	v2 =	vor.u32 s10, v0;
	v1 =	vld [tilespmem:s4+$0x0];
	_ =	sdelay $0x4  }
0x35: {  	s11 =	simm.s32 $0x5;
	s10 =	sor.u32 $0x280, s6;
	[tilespmem:v2+s21+$0x0] =	vst.idx.msk $0xffff, v1  }
0x36: {  	v2 =	vor.u32 s11, v0;
	v1 =	vld [tilespmem:s10+$0x0];
	_ =	sdelay $0x4  }
0x37: {  	s13 =	simm.s32 $0x6;
	s12 =	sor.u32 $0x300, s6;
	[tilespmem:v2+s21+$0x0] =	vst.idx.msk $0xffff, v1  }
0x38: {  	v2 =	vor.u32 s13, v0;
	v1 =	vld [tilespmem:s12+$0x0];
	_ =	sdelay $0x4  }
0x39: {  	s14 =	simm.s32 $0x7;
	s6 =	sor.u32 $0x380, s6;
	[tilespmem:v2+s21+$0x0] =	vst.idx.msk $0xffff, v1  }
0x3a: {  	v2 =	vor.u32 s14, v0;
	v1 =	vld [tilespmem:s6+$0x0];
	_ =	sdelay $0x3  }
0x3b: {  	s6 =	sadd.s32 $0x3000, s0  }
0x3c: {  	s16 =	simm.s32 $0x8;
	s15 =	sor.u32 s1, s6;
	[tilespmem:v2+s21+$0x0] =	vst.idx.msk $0xffff, v1  }
0x3d: {  	v2 =	vor.u32 s16, v0;
	v1 =	vld [tilespmem:s15+$0x0];
	_ =	sdelay $0x3  }
0x3e: {  	s8 =	sadd.s32 $0x3080, s0  }
0x3f: {  	s17 =	sor.u32 s1, s8;
	s11 =	simm.s32 $0x9;
	[tilespmem:v2+s21+$0x0] =	vst.idx.msk $0xffff, v1  }
0x40: {  	v2 =	vor.u32 s11, v0;
	v1 =	vld [tilespmem:s17+$0x0];
	_ =	sdelay $0x3  }
0x41: {  	s10 =	sadd.s32 $0x3100, s0  }
0x42: {  	s18 =	sor.u32 s1, s10;
	s12 =	simm.s32 $0xA;
	[tilespmem:v2+s21+$0x0] =	vst.idx.msk $0xffff, v1  }
0x43: {  	v2 =	vor.u32 s12, v0;
	v1 =	vld [tilespmem:s18+$0x0];
	_ =	sdelay $0x3  }
0x44: {  	s11 =	sadd.s32 $0x3180, s0  }
0x45: {  	s13 =	simm.s32 $0xB;
	s19 =	sor.u32 s1, s11;
	[tilespmem:v2+s21+$0x0] =	vst.idx.msk $0xffff, v1  }
0x46: {  	v2 =	vor.u32 s13, v0;
	v1 =	vld [tilespmem:s19+$0x0];
	_ =	sdelay $0x3  }
0x47: {  	s12 =	sadd.s32 $0x3200, s0  }
0x48: {  	s14 =	simm.s32 $0xC;
	s25 =	sor.u32 s1, s12;
	[tilespmem:v2+s21+$0x0] =	vst.idx.msk $0xffff, v1  }
0x49: {  	v2 =	vor.u32 s14, v0;
	v1 =	vld [tilespmem:s25+$0x0];
	_ =	sdelay $0x3  }
0x4a: {  	s13 =	sadd.s32 $0x3280, s0  }
0x4b: {  	s15 =	simm.s32 $0xD;
	s26 =	sor.u32 s1, s13;
	[tilespmem:v2+s21+$0x0] =	vst.idx.msk $0xffff, v1  }
0x4c: {  	v2 =	vor.u32 s15, v0;
	v1 =	vld [tilespmem:s26+$0x0];
	_ =	sdelay $0x3  }
0x4d: {  	s15 =	sadd.s32 $0x3300, s0  }
0x4e: {  	s16 =	simm.s32 $0xE;
	s29 =	sor.u32 s1, s15;
	[tilespmem:v2+s21+$0x0] =	vst.idx.msk $0xffff, v1  }
0x4f: {  	v2 =	vor.u32 s16, v0;
	v1 =	vld [tilespmem:s29+$0x0];
	_ =	sdelay $0x3  }
0x50: {  	s14 =	sadd.s32 $0x3380, s0  }
0x51: {  	s4 =	simm.s32 $0xF;
	s1 =	sor.u32 s1, s14;
	[tilespmem:v2+s21+$0x0] =	vst.idx.msk $0xffff, v1  }
0x52: {  	v2 =	vor.u32 s4, v0;
	v1 =	vld [tilespmem:s1+$0x0];
	_ =	sdelay $0x2  }
0x53: {  	s16 =	simm.s32 $0x10  }
0x54: {  	s16 =	sand.u32 $0x50, s16  }
0x55: {  	s19 =	simm.s32 $0x100;
	s1 =	sor.u32 s16, s0;
	[tilespmem:v2+s21+$0x0] =	vst.idx.msk $0xffff, v1  }
0x56: {  	v2 =	vor.u32 s19, v0;
	v1 =	vld [tilespmem:s1+$0x0];
	_ =	sdelay $0x4  }
0x57: {  	s17 =	simm.s32 $0x101;
	[tilespmem:v2+s21+$0x0] =	vst.idx.msk $0xffff, v1  }
0x58: {  	v2 =	vor.u32 s17, v0;
	v1 =	vld [tilespmem:s1+$0x80];
	_ =	sdelay $0x4  }
0x59: {  	s18 =	simm.s32 $0x102;
	[tilespmem:v2+s21+$0x0] =	vst.idx.msk $0xffff, v1  }
0x5a: {  	v2 =	vor.u32 s18, v0;
	v1 =	vld [tilespmem:s1+$0x100];
	_ =	sdelay $0x4  }
0x5b: {  	s25 =	simm.s32 $0x103;
	[tilespmem:v2+s21+$0x0] =	vst.idx.msk $0xffff, v1  }
0x5c: {  	v2 =	vor.u32 s25, v0;
	v1 =	vld [tilespmem:s1+$0x180]  }
0x5d: {  	s26 =	sand.u32 $0x7, s31  }
0x5e: {  	s1 =	sshll.u32 s26, $0x4  }
0x5f: {  	s1 =	sadd.s32 $0x0, s1  }
0x60: {  	s19 =	sadd.s32 $0x10, s1  }
0x61: {  	s26 =	simm.s32 $0x104;
	s25 =	sor.u32 $0x200, s19;
	[tilespmem:v2+s21+$0x0] =	vst.idx.msk $0xffff, v1  }
0x62: {  	v2 =	vor.u32 s26, v0;
	v1 =	vld [tilespmem:s25+$0x0];
	_ =	sdelay $0x4  }
0x63: {  	s4 =	simm.s32 $0x105;
	s29 =	sor.u32 $0x280, s19;
	[tilespmem:v2+s21+$0x0] =	vst.idx.msk $0xffff, v1  }
0x64: {  	v2 =	vor.u32 s4, v0;
	v1 =	vld [tilespmem:s29+$0x0];
	_ =	sdelay $0x4  }
0x65: {  	s18 =	simm.s32 $0x106;
	s17 =	sor.u32 $0x300, s19;
	[tilespmem:v2+s21+$0x0] =	vst.idx.msk $0xffff, v1  }
0x66: {  	v2 =	vor.u32 s18, v0;
	v1 =	vld [tilespmem:s17+$0x0];
	_ =	sdelay $0x4  }
0x67: {  	s19 =	sor.u32 $0x380, s19;
	s26 =	simm.s32 $0x107;
	[tilespmem:v2+s21+$0x0] =	vst.idx.msk $0xffff, v1  }
0x68: {  	v2 =	vor.u32 s26, v0;
	v1 =	vld [tilespmem:s19+$0x0];
	_ =	sdelay $0x4  }
0x69: {  	s4 =	simm.s32 $0x108;
	s29 =	sor.u32 s16, s6;
	[tilespmem:v2+s21+$0x0] =	vst.idx.msk $0xffff, v1  }
0x6a: {  	v2 =	vor.u32 s4, v0;
	v1 =	vld [tilespmem:s29+$0x0];
	_ =	sdelay $0x4  }
0x6b: {  	s18 =	simm.s32 $0x109;
	s17 =	sor.u32 s16, s8;
	[tilespmem:v2+s21+$0x0] =	vst.idx.msk $0xffff, v1  }
0x6c: {  	v2 =	vor.u32 s18, v0;
	v1 =	vld [tilespmem:s17+$0x0];
	_ =	sdelay $0x4  }
0x6d: {  	s25 =	sor.u32 s16, s10;
	s26 =	simm.s32 $0x10A;
	[tilespmem:v2+s21+$0x0] =	vst.idx.msk $0xffff, v1  }
0x6e: {  	v2 =	vor.u32 s26, v0;
	v1 =	vld [tilespmem:s25+$0x0];
	_ =	sdelay $0x4  }
0x6f: {  	s4 =	simm.s32 $0x10B;
	s29 =	sor.u32 s16, s11;
	[tilespmem:v2+s21+$0x0] =	vst.idx.msk $0xffff, v1  }
0x70: {  	v2 =	vor.u32 s4, v0;
	v1 =	vld [tilespmem:s29+$0x0];
	_ =	sdelay $0x4  }
0x71: {  	s18 =	simm.s32 $0x10C;
	s17 =	sor.u32 s16, s12;
	[tilespmem:v2+s21+$0x0] =	vst.idx.msk $0xffff, v1  }
0x72: {  	v2 =	vor.u32 s18, v0;
	v1 =	vld [tilespmem:s17+$0x0];
	_ =	sdelay $0x4  }
0x73: {  	s26 =	sor.u32 s16, s13;
	s29 =	simm.s32 $0x10D;
	[tilespmem:v2+s21+$0x0] =	vst.idx.msk $0xffff, v1  }
0x74: {  	v2 =	vor.u32 s29, v0;
	v1 =	vld [tilespmem:s26+$0x0];
	_ =	sdelay $0x4  }
0x75: {  	s4 =	sor.u32 s16, s15;
	s17 =	simm.s32 $0x10E;
	[tilespmem:v2+s21+$0x0] =	vst.idx.msk $0xffff, v1  }
0x76: {  	v2 =	vor.u32 s17, v0;
	v1 =	vld [tilespmem:s4+$0x0];
	_ =	sdelay $0x4  }
0x77: {  	s16 =	sor.u32 s16, s14;
	s18 =	simm.s32 $0x10F;
	[tilespmem:v2+s21+$0x0] =	vst.idx.msk $0xffff, v1  }
0x78: {  	v2 =	vor.u32 s18, v0;
	v1 =	vld [tilespmem:s16+$0x0];
	_ =	sdelay $0x2  }
0x79: {  	s25 =	simm.s32 $0x20  }
0x7a: {  	s16 =	sand.u32 $0x60, s25  }
0x7b: {  	s29 =	simm.s32 $0x200;
	s26 =	sor.u32 s16, s0;
	[tilespmem:v2+s21+$0x0] =	vst.idx.msk $0xffff, v1  }
0x7c: {  	v2 =	vor.u32 s29, v0;
	v1 =	vld [tilespmem:s26+$0x0];
	_ =	sdelay $0x4  }
0x7d: {  	s4 =	simm.s32 $0x201;
	[tilespmem:v2+s21+$0x0] =	vst.idx.msk $0xffff, v1  }
0x7e: {  	v2 =	vor.u32 s4, v0;
	v1 =	vld [tilespmem:s26+$0x80];
	_ =	sdelay $0x4  }
0x7f: {  	s17 =	simm.s32 $0x202;
	[tilespmem:v2+s21+$0x0] =	vst.idx.msk $0xffff, v1  }
0x80: {  	v2 =	vor.u32 s17, v0;
	v1 =	vld [tilespmem:s26+$0x100];
	_ =	sdelay $0x4  }
0x81: {  	s18 =	simm.s32 $0x203;
	[tilespmem:v2+s21+$0x0] =	vst.idx.msk $0xffff, v1  }
0x82: {  	v2 =	vor.u32 s18, v0;
	v1 =	vld [tilespmem:s26+$0x180]  }
0x83: {  	s26 =	sand.u32 $0x3, s31  }
0x84: {  	s19 =	sshll.u32 s26, $0x5  }
0x85: {  	s19 =	sadd.s32 $0x0, s19  }
0x86: {  	s19 =	sadd.s32 $0x20, s19  }
0x87: {  	s4 =	simm.s32 $0x204;
	s29 =	sor.u32 $0x200, s19;
	[tilespmem:v2+s21+$0x0] =	vst.idx.msk $0xffff, v1  }
0x88: {  	v2 =	vor.u32 s4, v0;
	v1 =	vld [tilespmem:s29+$0x0];
	_ =	sdelay $0x4  }
0x89: {  	s18 =	simm.s32 $0x205;
	s17 =	sor.u32 $0x280, s19;
	[tilespmem:v2+s21+$0x0] =	vst.idx.msk $0xffff, v1  }
0x8a: {  	v2 =	vor.u32 s18, v0;
	v1 =	vld [tilespmem:s17+$0x0];
	_ =	sdelay $0x4  }
0x8b: {  	s26 =	sor.u32 $0x300, s19;
	s29 =	simm.s32 $0x206;
	[tilespmem:v2+s21+$0x0] =	vst.idx.msk $0xffff, v1  }
0x8c: {  	v2 =	vor.u32 s29, v0;
	v1 =	vld [tilespmem:s26+$0x0];
	_ =	sdelay $0x4  }
0x8d: {  	s19 =	sor.u32 $0x380, s19;
	s4 =	simm.s32 $0x207;
	[tilespmem:v2+s21+$0x0] =	vst.idx.msk $0xffff, v1  }
0x8e: {  	v2 =	vor.u32 s4, v0;
	v1 =	vld [tilespmem:s19+$0x0];
	_ =	sdelay $0x4  }
0x8f: {  	s18 =	simm.s32 $0x208;
	s17 =	sor.u32 s16, s6;
	[tilespmem:v2+s21+$0x0] =	vst.idx.msk $0xffff, v1  }
0x90: {  	v2 =	vor.u32 s18, v0;
	v1 =	vld [tilespmem:s17+$0x0];
	_ =	sdelay $0x4  }
0x91: {  	s25 =	sor.u32 s16, s8;
	s26 =	simm.s32 $0x209;
	[tilespmem:v2+s21+$0x0] =	vst.idx.msk $0xffff, v1  }
0x92: {  	v2 =	vor.u32 s26, v0;
	v1 =	vld [tilespmem:s25+$0x0];
	_ =	sdelay $0x4  }
0x93: {  	s29 =	sor.u32 s16, s10;
	s4 =	simm.s32 $0x20A;
	[tilespmem:v2+s21+$0x0] =	vst.idx.msk $0xffff, v1  }
0x94: {  	v2 =	vor.u32 s4, v0;
	v1 =	vld [tilespmem:s29+$0x0];
	_ =	sdelay $0x4  }
0x95: {  	s18 =	simm.s32 $0x20B;
	s17 =	sor.u32 s16, s11;
	[tilespmem:v2+s21+$0x0] =	vst.idx.msk $0xffff, v1  }
0x96: {  	v2 =	vor.u32 s18, v0;
	v1 =	vld [tilespmem:s17+$0x0];
	_ =	sdelay $0x4  }
0x97: {  	s26 =	simm.s32 $0x20C;
	s25 =	sor.u32 s16, s12;
	[tilespmem:v2+s21+$0x0] =	vst.idx.msk $0xffff, v1  }
0x98: {  	v2 =	vor.u32 s26, v0;
	v1 =	vld [tilespmem:s25+$0x0];
	_ =	sdelay $0x4  }
0x99: {  	s4 =	simm.s32 $0x20D;
	s29 =	sor.u32 s16, s13;
	[tilespmem:v2+s21+$0x0] =	vst.idx.msk $0xffff, v1  }
0x9a: {  	v2 =	vor.u32 s4, v0;
	v1 =	vld [tilespmem:s29+$0x0];
	_ =	sdelay $0x4  }
0x9b: {  	s18 =	simm.s32 $0x20E;
	s17 =	sor.u32 s16, s15;
	[tilespmem:v2+s21+$0x0] =	vst.idx.msk $0xffff, v1  }
0x9c: {  	v2 =	vor.u32 s18, v0;
	v1 =	vld [tilespmem:s17+$0x0];
	_ =	sdelay $0x4  }
0x9d: {  	s16 =	sor.u32 s16, s14;
	s25 =	simm.s32 $0x20F;
	[tilespmem:v2+s21+$0x0] =	vst.idx.msk $0xffff, v1  }
0x9e: {  	v2 =	vor.u32 s25, v0;
	v1 =	vld [tilespmem:s16+$0x0];
	_ =	sdelay $0x2  }
0x9f: {  	s26 =	simm.s32 $0x30  }
0xa0: {  	s16 =	sand.u32 $0x70, s26  }
0xa1: {  	s29 =	simm.s32 $0x300;
	s0 =	sor.u32 s16, s0;
	[tilespmem:v2+s21+$0x0] =	vst.idx.msk $0xffff, v1  }
0xa2: {  	v2 =	vor.u32 s29, v0;
	v1 =	vld [tilespmem:s0+$0x0];
	_ =	sdelay $0x4  }
0xa3: {  	s4 =	simm.s32 $0x301;
	[tilespmem:v2+s21+$0x0] =	vst.idx.msk $0xffff, v1  }
0xa4: {  	v2 =	vor.u32 s4, v0;
	v1 =	vld [tilespmem:s0+$0x80];
	_ =	sdelay $0x4  }
0xa5: {  	s17 =	simm.s32 $0x302;
	[tilespmem:v2+s21+$0x0] =	vst.idx.msk $0xffff, v1  }
0xa6: {  	v2 =	vor.u32 s17, v0;
	v1 =	vld [tilespmem:s0+$0x100];
	_ =	sdelay $0x4  }
0xa7: {  	s18 =	simm.s32 $0x303;
	[tilespmem:v2+s21+$0x0] =	vst.idx.msk $0xffff, v1  }
0xa8: {  	v2 =	vor.u32 s18, v0;
	v1 =	vld [tilespmem:s0+$0x180];
	_ =	sdelay $0x3  }
0xa9: {  	s25 =	sadd.s32 $0x30, s1  }
0xaa: {  	s1 =	sor.u32 $0x200, s25;
	s26 =	simm.s32 $0x304;
	[tilespmem:v2+s21+$0x0] =	vst.idx.msk $0xffff, v1  }
0xab: {  	v2 =	vor.u32 s26, v0;
	v1 =	vld [tilespmem:s1+$0x0];
	_ =	sdelay $0x4  }
0xac: {  	s29 =	sor.u32 $0x280, s25;
	s4 =	simm.s32 $0x305;
	[tilespmem:v2+s21+$0x0] =	vst.idx.msk $0xffff, v1  }
0xad: {  	v2 =	vor.u32 s4, v0;
	v1 =	vld [tilespmem:s29+$0x0];
	_ =	sdelay $0x4  }
0xae: {  	s17 =	sor.u32 $0x300, s25;
	s18 =	simm.s32 $0x306;
	[tilespmem:v2+s21+$0x0] =	vst.idx.msk $0xffff, v1  }
0xaf: {  	v2 =	vor.u32 s18, v0;
	v1 =	vld [tilespmem:s17+$0x0];
	_ =	sdelay $0x4  }
0xb0: {  	s0 =	sor.u32 $0x380, s25;
	s25 =	simm.s32 $0x307;
	[tilespmem:v2+s21+$0x0] =	vst.idx.msk $0xffff, v1  }
0xb1: {  	v2 =	vor.u32 s25, v0;
	v1 =	vld [tilespmem:s0+$0x0];
	_ =	sdelay $0x4  }
0xb2: {  	s26 =	sor.u32 s16, s6;
	s29 =	simm.s32 $0x308;
	[tilespmem:v2+s21+$0x0] =	vst.idx.msk $0xffff, v1  }
0xb3: {  	v2 =	vor.u32 s29, v0;
	v1 =	vld [tilespmem:s26+$0x0];
	_ =	sdelay $0x4  }
0xb4: {  	s1 =	sor.u32 s16, s8;
	s4 =	simm.s32 $0x309;
	[tilespmem:v2+s21+$0x0] =	vst.idx.msk $0xffff, v1  }
0xb5: {  	v2 =	vor.u32 s4, v0;
	v1 =	vld [tilespmem:s1+$0x0];
	_ =	sdelay $0x4  }
0xb6: {  	s6 =	sor.u32 s16, s10;
	s8 =	simm.s32 $0x30A;
	[tilespmem:v2+s21+$0x0] =	vst.idx.msk $0xffff, v1  }
0xb7: {  	v2 =	vor.u32 s8, v0;
	v1 =	vld [tilespmem:s6+$0x0];
	_ =	sdelay $0x4  }
0xb8: {  	s10 =	sor.u32 s16, s11;
	s11 =	simm.s32 $0x30B;
	[tilespmem:v2+s21+$0x0] =	vst.idx.msk $0xffff, v1  }
0xb9: {  	v2 =	vor.u32 s11, v0;
	v1 =	vld [tilespmem:s10+$0x0];
	_ =	sdelay $0x4  }
0xba: {  	s12 =	sor.u32 s16, s12;
	s17 =	simm.s32 $0x30C;
	[tilespmem:v2+s21+$0x0] =	vst.idx.msk $0xffff, v1  }
0xbb: {  	v2 =	vor.u32 s17, v0;
	v1 =	vld [tilespmem:s12+$0x0];
	_ =	sdelay $0x4  }
0xbc: {  	s19 =	simm.s32 $0x30D;
	s18 =	sor.u32 s16, s13;
	[tilespmem:v2+s21+$0x0] =	vst.idx.msk $0xffff, v1  }
0xbd: {  	v2 =	vor.u32 s19, v0;
	v1 =	vld [tilespmem:s18+$0x0];
	_ =	sdelay $0x4  }
0xbe: {  	s25 =	sor.u32 s16, s15;
	s26 =	simm.s32 $0x30E;
	[tilespmem:v2+s21+$0x0] =	vst.idx.msk $0xffff, v1  }
0xbf: {  	v2 =	vor.u32 s26, v0;
	v1 =	vld [tilespmem:s25+$0x0];
	_ =	sdelay $0x4  }
0xc0: {  	s0 =	simm.s32 $0x30F;
	s29 =	sor.u32 s16, s14;
	[tilespmem:v2+s21+$0x0] =	vst.idx.msk $0xffff, v1  }
0xc1: {  	v2 =	vor.u32 s0, v0;
	v1 =	vld [tilespmem:s29+$0x0]  }
0xc2: {  	s28 =	simm.s32 $0x0  }
0xc3: {  	s13 =	simm.s32 $0x0;
	s11 =	simm.s32 $0x200;
	s10 =	simm.s32 $0x70  }
.LBB2_3:
0xc4: {  	s1 =	sadd.s32 $0xFFFFFFD0, s10;
	s28 =	sadd.s32 $0x4, s28;
	s0 =	sadd.s32 $0x400, s0  }
0xc5: {  	s14 =	sand.u32 $0x3C00, s11;
	s19 =	sand.u32 $0x40, s1;
	p3 =	slt.u32 s28, $0x5C  }
0xc6: {  	s6 =	sadd.s32 $0xFFFFFCF1, s0;
	s1 =	sor.u32 s19, s14;
	[tilespmem:v2+s21+$0x0] =	vst.idx.msk $0xffff, v1  }
0xc7: {  	v2 =	vor.u32 s6, v0;
	v1 =	vld [tilespmem:s1+$0x0];
	_ =	sdelay $0x4  }
0xc8: {  	s6 =	sadd.s32 $0xFFFFFCF2, s0;
	[tilespmem:v2+s21+$0x0] =	vst.idx.msk $0xffff, v1  }
0xc9: {  	v2 =	vor.u32 s6, v0;
	v1 =	vld [tilespmem:s1+$0x80];
	_ =	sdelay $0x4  }
0xca: {  	s6 =	sadd.s32 $0xFFFFFCF3, s0;
	[tilespmem:v2+s21+$0x0] =	vst.idx.msk $0xffff, v1  }
0xcb: {  	v2 =	vor.u32 s6, v0;
	v1 =	vld [tilespmem:s1+$0x100];
	_ =	sdelay $0x4  }
0xcc: {  	s6 =	sadd.s32 $0xFFFFFCF4, s0;
	[tilespmem:v2+s21+$0x0] =	vst.idx.msk $0xffff, v1  }
0xcd: {  	v2 =	vor.u32 s6, v0;
	v1 =	vld [tilespmem:s1+$0x180]  }
0xce: {  	p2 =	por !p2, !p2;
	s1 =	simm.s32 $0x1  }
0xcf: {  	s1 =	simm.s32 @!p2 $0x0  }
0xd0: {  	s1 =	sshll.u32 s1, $0x6  }
0xd1: {  	s1 =	sadd.s32 s1, s11  }
0xd2: {  	s8 =	sadd.s32 $0xFFFFFCF5, s0;
	s6 =	sor.u32 $0x200, s1;
	[tilespmem:v2+s21+$0x0] =	vst.idx.msk $0xffff, v1  }
0xd3: {  	v2 =	vor.u32 s8, v0;
	v1 =	vld [tilespmem:s6+$0x0];
	_ =	sdelay $0x4  }
0xd4: {  	s8 =	sadd.s32 $0xFFFFFCF6, s0;
	s6 =	sor.u32 $0x280, s1;
	[tilespmem:v2+s21+$0x0] =	vst.idx.msk $0xffff, v1  }
0xd5: {  	v2 =	vor.u32 s8, v0;
	v1 =	vld [tilespmem:s6+$0x0];
	_ =	sdelay $0x4  }
0xd6: {  	s8 =	sadd.s32 $0xFFFFFCF7, s0;
	s6 =	sor.u32 $0x300, s1;
	[tilespmem:v2+s21+$0x0] =	vst.idx.msk $0xffff, v1  }
0xd7: {  	v2 =	vor.u32 s8, v0;
	v1 =	vld [tilespmem:s6+$0x0];
	_ =	sdelay $0x4  }
0xd8: {  	s1 =	sor.u32 $0x380, s1;
	s6 =	sadd.s32 $0xFFFFFCF8, s0;
	[tilespmem:v2+s21+$0x0] =	vst.idx.msk $0xffff, v1  }
0xd9: {  	v2 =	vor.u32 s6, v0;
	v1 =	vld [tilespmem:s1+$0x0];
	_ =	sdelay $0x3  }
0xda: {  	s15 =	sadd.s32 $0x3000, s14  }
0xdb: {  	s6 =	sadd.s32 $0xFFFFFCF9, s0;
	s1 =	sor.u32 s19, s15;
	[tilespmem:v2+s21+$0x0] =	vst.idx.msk $0xffff, v1  }
0xdc: {  	v2 =	vor.u32 s6, v0;
	v1 =	vld [tilespmem:s1+$0x0];
	_ =	sdelay $0x3  }
0xdd: {  	s6 =	sadd.s32 $0x3080, s14  }
0xde: {  	s8 =	sadd.s32 $0xFFFFFCFA, s0;
	s1 =	sor.u32 s19, s6;
	[tilespmem:v2+s21+$0x0] =	vst.idx.msk $0xffff, v1  }
0xdf: {  	v2 =	vor.u32 s8, v0;
	v1 =	vld [tilespmem:s1+$0x0];
	_ =	sdelay $0x3  }
0xe0: {  	s12 =	sadd.s32 $0x3100, s14  }
0xe1: {  	s8 =	sadd.s32 $0xFFFFFCFB, s0;
	s1 =	sor.u32 s19, s12;
	[tilespmem:v2+s21+$0x0] =	vst.idx.msk $0xffff, v1  }
0xe2: {  	v2 =	vor.u32 s8, v0;
	v1 =	vld [tilespmem:s1+$0x0];
	_ =	sdelay $0x3  }
0xe3: {  	s16 =	sadd.s32 $0x3180, s14  }
0xe4: {  	s8 =	sadd.s32 $0xFFFFFCFC, s0;
	s1 =	sor.u32 s19, s16;
	[tilespmem:v2+s21+$0x0] =	vst.idx.msk $0xffff, v1  }
0xe5: {  	v2 =	vor.u32 s8, v0;
	v1 =	vld [tilespmem:s1+$0x0];
	_ =	sdelay $0x3  }
0xe6: {  	s25 =	sadd.s32 $0x3200, s14  }
0xe7: {  	s8 =	sadd.s32 $0xFFFFFCFD, s0;
	s1 =	sor.u32 s19, s25;
	[tilespmem:v2+s21+$0x0] =	vst.idx.msk $0xffff, v1  }
0xe8: {  	v2 =	vor.u32 s8, v0;
	v1 =	vld [tilespmem:s1+$0x0];
	_ =	sdelay $0x3  }
0xe9: {  	s26 =	sadd.s32 $0x3280, s14  }
0xea: {  	s8 =	sadd.s32 $0xFFFFFCFE, s0;
	s1 =	sor.u32 s19, s26;
	[tilespmem:v2+s21+$0x0] =	vst.idx.msk $0xffff, v1  }
0xeb: {  	v2 =	vor.u32 s8, v0;
	v1 =	vld [tilespmem:s1+$0x0];
	_ =	sdelay $0x3  }
0xec: {  	s29 =	sadd.s32 $0x3300, s14  }
0xed: {  	s8 =	sadd.s32 $0xFFFFFCFF, s0;
	s1 =	sor.u32 s19, s29;
	[tilespmem:v2+s21+$0x0] =	vst.idx.msk $0xffff, v1  }
0xee: {  	v2 =	vor.u32 s8, v0;
	v1 =	vld [tilespmem:s1+$0x0];
	_ =	sdelay $0x3  }
0xef: {  	s8 =	sadd.s32 $0x3380, s14  }
0xf0: {  	s1 =	sor.u32 s19, s8;
	s19 =	sadd.s32 $0xFFFFFD00, s0;
	[tilespmem:v2+s21+$0x0] =	vst.idx.msk $0xffff, v1  }
0xf1: {  	v2 =	vor.u32 s19, v0;
	v1 =	vld [tilespmem:s1+$0x0];
	_ =	sdelay $0x2  }
0xf2: {  	s1 =	sadd.s32 $0xFFFFFFE0, s10  }
0xf3: {  	s1 =	sand.u32 $0x50, s1  }
0xf4: {  	s17 =	sadd.s32 $0xFFFFFDF1, s0;
	s19 =	sor.u32 s1, s14;
	[tilespmem:v2+s21+$0x0] =	vst.idx.msk $0xffff, v1  }
0xf5: {  	v2 =	vor.u32 s17, v0;
	v1 =	vld [tilespmem:s19+$0x0];
	_ =	sdelay $0x4  }
0xf6: {  	s17 =	sadd.s32 $0xFFFFFDF2, s0;
	[tilespmem:v2+s21+$0x0] =	vst.idx.msk $0xffff, v1  }
0xf7: {  	v2 =	vor.u32 s17, v0;
	v1 =	vld [tilespmem:s19+$0x80];
	_ =	sdelay $0x4  }
0xf8: {  	s17 =	sadd.s32 $0xFFFFFDF3, s0;
	[tilespmem:v2+s21+$0x0] =	vst.idx.msk $0xffff, v1  }
0xf9: {  	v2 =	vor.u32 s17, v0;
	v1 =	vld [tilespmem:s19+$0x100];
	_ =	sdelay $0x4  }
0xfa: {  	s17 =	sadd.s32 $0xFFFFFDF4, s0;
	[tilespmem:v2+s21+$0x0] =	vst.idx.msk $0xffff, v1  }
0xfb: {  	s31 =	sadd.s32 $0x4, s31;
	v2 =	vor.u32 s17, v0;
	v1 =	vld [tilespmem:s19+$0x180]  }
0xfc: {  	s17 =	sand.u32 $0x7, s31  }
0xfd: {  	s17 =	sshll.u32 s17, $0x4  }
0xfe: {  	s19 =	sadd.s32 s11, s17  }
0xff: {  	s17 =	sadd.s32 $0x10, s19  }
0x100: {  	s4 =	sadd.s32 $0xFFFFFDF5, s0;
	s18 =	sor.u32 $0x200, s17;
	[tilespmem:v2+s21+$0x0] =	vst.idx.msk $0xffff, v1  }
0x101: {  	v2 =	vor.u32 s4, v0;
	v1 =	vld [tilespmem:s18+$0x0];
	_ =	sdelay $0x4  }
0x102: {  	s4 =	sor.u32 $0x280, s17;
	s18 =	sadd.s32 $0xFFFFFDF6, s0;
	[tilespmem:v2+s21+$0x0] =	vst.idx.msk $0xffff, v1  }
0x103: {  	v2 =	vor.u32 s18, v0;
	v1 =	vld [tilespmem:s4+$0x0];
	_ =	sdelay $0x4  }
0x104: {  	s18 =	sadd.s32 $0xFFFFFDF7, s0;
	s4 =	sor.u32 $0x300, s17;
	[tilespmem:v2+s21+$0x0] =	vst.idx.msk $0xffff, v1  }
0x105: {  	v2 =	vor.u32 s18, v0;
	v1 =	vld [tilespmem:s4+$0x0];
	_ =	sdelay $0x4  }
0x106: {  	s4 =	sor.u32 $0x380, s17;
	s17 =	sadd.s32 $0xFFFFFDF8, s0;
	[tilespmem:v2+s21+$0x0] =	vst.idx.msk $0xffff, v1  }
0x107: {  	v2 =	vor.u32 s17, v0;
	v1 =	vld [tilespmem:s4+$0x0];
	_ =	sdelay $0x4  }
0x108: {  	s17 =	sadd.s32 $0xFFFFFDF9, s0;
	s4 =	sor.u32 s1, s15;
	[tilespmem:v2+s21+$0x0] =	vst.idx.msk $0xffff, v1  }
0x109: {  	v2 =	vor.u32 s17, v0;
	v1 =	vld [tilespmem:s4+$0x0];
	_ =	sdelay $0x4  }
0x10a: {  	s17 =	sadd.s32 $0xFFFFFDFA, s0;
	s4 =	sor.u32 s1, s6;
	[tilespmem:v2+s21+$0x0] =	vst.idx.msk $0xffff, v1  }
0x10b: {  	v2 =	vor.u32 s17, v0;
	v1 =	vld [tilespmem:s4+$0x0];
	_ =	sdelay $0x4  }
0x10c: {  	s17 =	sadd.s32 $0xFFFFFDFB, s0;
	s4 =	sor.u32 s1, s12;
	[tilespmem:v2+s21+$0x0] =	vst.idx.msk $0xffff, v1  }
0x10d: {  	v2 =	vor.u32 s17, v0;
	v1 =	vld [tilespmem:s4+$0x0];
	_ =	sdelay $0x4  }
0x10e: {  	s17 =	sadd.s32 $0xFFFFFDFC, s0;
	s4 =	sor.u32 s1, s16;
	[tilespmem:v2+s21+$0x0] =	vst.idx.msk $0xffff, v1  }
0x10f: {  	v2 =	vor.u32 s17, v0;
	v1 =	vld [tilespmem:s4+$0x0];
	_ =	sdelay $0x4  }
0x110: {  	s17 =	sadd.s32 $0xFFFFFDFD, s0;
	s4 =	sor.u32 s1, s25;
	[tilespmem:v2+s21+$0x0] =	vst.idx.msk $0xffff, v1  }
0x111: {  	v2 =	vor.u32 s17, v0;
	v1 =	vld [tilespmem:s4+$0x0];
	_ =	sdelay $0x4  }
0x112: {  	s17 =	sadd.s32 $0xFFFFFDFE, s0;
	s4 =	sor.u32 s1, s26;
	[tilespmem:v2+s21+$0x0] =	vst.idx.msk $0xffff, v1  }
0x113: {  	v2 =	vor.u32 s17, v0;
	v1 =	vld [tilespmem:s4+$0x0];
	_ =	sdelay $0x4  }
0x114: {  	s17 =	sadd.s32 $0xFFFFFDFF, s0;
	s4 =	sor.u32 s1, s29;
	[tilespmem:v2+s21+$0x0] =	vst.idx.msk $0xffff, v1  }
0x115: {  	v2 =	vor.u32 s17, v0;
	v1 =	vld [tilespmem:s4+$0x0];
	_ =	sdelay $0x4  }
0x116: {  	s1 =	sor.u32 s1, s8;
	s4 =	sadd.s32 $0xFFFFFE00, s0;
	[tilespmem:v2+s21+$0x0] =	vst.idx.msk $0xffff, v1  }
0x117: {  	v2 =	vor.u32 s4, v0;
	v1 =	vld [tilespmem:s1+$0x0];
	_ =	sdelay $0x2  }
0x118: {  	s1 =	sadd.s32 $0xFFFFFFF0, s10  }
0x119: {  	s1 =	sand.u32 $0x60, s1  }
0x11a: {  	s17 =	sadd.s32 $0xFFFFFEF1, s0;
	s4 =	sor.u32 s1, s14;
	[tilespmem:v2+s21+$0x0] =	vst.idx.msk $0xffff, v1  }
0x11b: {  	v2 =	vor.u32 s17, v0;
	v1 =	vld [tilespmem:s4+$0x0];
	_ =	sdelay $0x4  }
0x11c: {  	s17 =	sadd.s32 $0xFFFFFEF2, s0;
	[tilespmem:v2+s21+$0x0] =	vst.idx.msk $0xffff, v1  }
0x11d: {  	v2 =	vor.u32 s17, v0;
	v1 =	vld [tilespmem:s4+$0x80];
	_ =	sdelay $0x4  }
0x11e: {  	s17 =	sadd.s32 $0xFFFFFEF3, s0;
	[tilespmem:v2+s21+$0x0] =	vst.idx.msk $0xffff, v1  }
0x11f: {  	v2 =	vor.u32 s17, v0;
	v1 =	vld [tilespmem:s4+$0x100];
	_ =	sdelay $0x4  }
0x120: {  	s17 =	sadd.s32 $0xFFFFFEF4, s0;
	[tilespmem:v2+s21+$0x0] =	vst.idx.msk $0xffff, v1  }
0x121: {  	s13 =	sadd.s32 $0x2, s13;
	v2 =	vor.u32 s17, v0;
	v1 =	vld [tilespmem:s4+$0x180]  }
0x122: {  	s4 =	sand.u32 $0x3, s13  }
0x123: {  	s4 =	sshll.u32 s4, $0x5  }
0x124: {  	s4 =	sadd.s32 s11, s4  }
0x125: {  	s4 =	sadd.s32 $0x20, s4  }
0x126: {  	s18 =	sadd.s32 $0xFFFFFEF5, s0;
	s17 =	sor.u32 $0x200, s4;
	[tilespmem:v2+s21+$0x0] =	vst.idx.msk $0xffff, v1  }
0x127: {  	v2 =	vor.u32 s18, v0;
	v1 =	vld [tilespmem:s17+$0x0];
	_ =	sdelay $0x4  }
0x128: {  	s18 =	sadd.s32 $0xFFFFFEF6, s0;
	s17 =	sor.u32 $0x280, s4;
	[tilespmem:v2+s21+$0x0] =	vst.idx.msk $0xffff, v1  }
0x129: {  	v2 =	vor.u32 s18, v0;
	v1 =	vld [tilespmem:s17+$0x0];
	_ =	sdelay $0x4  }
0x12a: {  	s18 =	sadd.s32 $0xFFFFFEF7, s0;
	s17 =	sor.u32 $0x300, s4;
	[tilespmem:v2+s21+$0x0] =	vst.idx.msk $0xffff, v1  }
0x12b: {  	v2 =	vor.u32 s18, v0;
	v1 =	vld [tilespmem:s17+$0x0];
	_ =	sdelay $0x4  }
0x12c: {  	s4 =	sor.u32 $0x380, s4;
	s17 =	sadd.s32 $0xFFFFFEF8, s0;
	[tilespmem:v2+s21+$0x0] =	vst.idx.msk $0xffff, v1  }
0x12d: {  	v2 =	vor.u32 s17, v0;
	v1 =	vld [tilespmem:s4+$0x0];
	_ =	sdelay $0x4  }
0x12e: {  	s17 =	sadd.s32 $0xFFFFFEF9, s0;
	s4 =	sor.u32 s1, s15;
	[tilespmem:v2+s21+$0x0] =	vst.idx.msk $0xffff, v1  }
0x12f: {  	v2 =	vor.u32 s17, v0;
	v1 =	vld [tilespmem:s4+$0x0];
	_ =	sdelay $0x4  }
0x130: {  	s17 =	sadd.s32 $0xFFFFFEFA, s0;
	s4 =	sor.u32 s1, s6;
	[tilespmem:v2+s21+$0x0] =	vst.idx.msk $0xffff, v1  }
0x131: {  	v2 =	vor.u32 s17, v0;
	v1 =	vld [tilespmem:s4+$0x0];
	_ =	sdelay $0x4  }
0x132: {  	s17 =	sadd.s32 $0xFFFFFEFB, s0;
	s4 =	sor.u32 s1, s12;
	[tilespmem:v2+s21+$0x0] =	vst.idx.msk $0xffff, v1  }
0x133: {  	v2 =	vor.u32 s17, v0;
	v1 =	vld [tilespmem:s4+$0x0];
	_ =	sdelay $0x4  }
0x134: {  	s17 =	sadd.s32 $0xFFFFFEFC, s0;
	s4 =	sor.u32 s1, s16;
	[tilespmem:v2+s21+$0x0] =	vst.idx.msk $0xffff, v1  }
0x135: {  	v2 =	vor.u32 s17, v0;
	v1 =	vld [tilespmem:s4+$0x0];
	_ =	sdelay $0x4  }
0x136: {  	s17 =	sadd.s32 $0xFFFFFEFD, s0;
	s4 =	sor.u32 s1, s25;
	[tilespmem:v2+s21+$0x0] =	vst.idx.msk $0xffff, v1  }
0x137: {  	v2 =	vor.u32 s17, v0;
	v1 =	vld [tilespmem:s4+$0x0];
	_ =	sdelay $0x4  }
0x138: {  	s17 =	sadd.s32 $0xFFFFFEFE, s0;
	s4 =	sor.u32 s1, s26;
	[tilespmem:v2+s21+$0x0] =	vst.idx.msk $0xffff, v1  }
0x139: {  	v2 =	vor.u32 s17, v0;
	v1 =	vld [tilespmem:s4+$0x0];
	_ =	sdelay $0x4  }
0x13a: {  	s17 =	sadd.s32 $0xFFFFFEFF, s0;
	s4 =	sor.u32 s1, s29;
	[tilespmem:v2+s21+$0x0] =	vst.idx.msk $0xffff, v1  }
0x13b: {  	v2 =	vor.u32 s17, v0;
	v1 =	vld [tilespmem:s4+$0x0];
	_ =	sdelay $0x4  }
0x13c: {  	s1 =	sor.u32 s1, s8;
	s4 =	sadd.s32 $0xFFFFFF00, s0;
	[tilespmem:v2+s21+$0x0] =	vst.idx.msk $0xffff, v1  }
0x13d: {  	v2 =	vor.u32 s4, v0;
	v1 =	vld [tilespmem:s1+$0x0];
	_ =	sdelay $0x3  }
0x13e: {  	s1 =	sand.u32 $0x70, s10  }
0x13f: {  	s4 =	sor.u32 s1, s14;
	s14 =	sadd.s32 $0xFFFFFFF1, s0;
	[tilespmem:v2+s21+$0x0] =	vst.idx.msk $0xffff, v1  }
0x140: {  	v2 =	vor.u32 s14, v0;
	v1 =	vld [tilespmem:s4+$0x0];
	_ =	sdelay $0x4  }
0x141: {  	s14 =	sadd.s32 $0xFFFFFFF2, s0;
	[tilespmem:v2+s21+$0x0] =	vst.idx.msk $0xffff, v1  }
0x142: {  	v2 =	vor.u32 s14, v0;
	v1 =	vld [tilespmem:s4+$0x80];
	_ =	sdelay $0x4  }
0x143: {  	s14 =	sadd.s32 $0xFFFFFFF3, s0;
	[tilespmem:v2+s21+$0x0] =	vst.idx.msk $0xffff, v1  }
0x144: {  	v2 =	vor.u32 s14, v0;
	v1 =	vld [tilespmem:s4+$0x100];
	_ =	sdelay $0x4  }
0x145: {  	s14 =	sadd.s32 $0xFFFFFFF4, s0;
	[tilespmem:v2+s21+$0x0] =	vst.idx.msk $0xffff, v1  }
0x146: {  	v2 =	vor.u32 s14, v0;
	v1 =	vld [tilespmem:s4+$0x180];
	_ =	sdelay $0x3  }
0x147: {  	s4 =	sadd.s32 $0x30, s19  }
0x148: {  	s17 =	sadd.s32 $0xFFFFFFF5, s0;
	s14 =	sor.u32 $0x200, s4;
	[tilespmem:v2+s21+$0x0] =	vst.idx.msk $0xffff, v1  }
0x149: {  	v2 =	vor.u32 s17, v0;
	v1 =	vld [tilespmem:s14+$0x0];
	_ =	sdelay $0x4  }
0x14a: {  	s17 =	sadd.s32 $0xFFFFFFF6, s0;
	s14 =	sor.u32 $0x280, s4;
	[tilespmem:v2+s21+$0x0] =	vst.idx.msk $0xffff, v1  }
0x14b: {  	v2 =	vor.u32 s17, v0;
	v1 =	vld [tilespmem:s14+$0x0];
	_ =	sdelay $0x4  }
0x14c: {  	s17 =	sadd.s32 $0xFFFFFFF7, s0;
	s14 =	sor.u32 $0x300, s4;
	[tilespmem:v2+s21+$0x0] =	vst.idx.msk $0xffff, v1  }
0x14d: {  	v2 =	vor.u32 s17, v0;
	v1 =	vld [tilespmem:s14+$0x0];
	_ =	sdelay $0x4  }
0x14e: {  	s4 =	sor.u32 $0x380, s4;
	s14 =	sadd.s32 $0xFFFFFFF8, s0;
	[tilespmem:v2+s21+$0x0] =	vst.idx.msk $0xffff, v1  }
0x14f: {  	v2 =	vor.u32 s14, v0;
	v1 =	vld [tilespmem:s4+$0x0];
	_ =	sdelay $0x4  }
0x150: {  	s14 =	sadd.s32 $0xFFFFFFF9, s0;
	s4 =	sor.u32 s1, s15;
	[tilespmem:v2+s21+$0x0] =	vst.idx.msk $0xffff, v1  }
0x151: {  	v2 =	vor.u32 s14, v0;
	v1 =	vld [tilespmem:s4+$0x0];
	_ =	sdelay $0x4  }
0x152: {  	s4 =	sor.u32 s1, s6;
	s6 =	sadd.s32 $0xFFFFFFFA, s0;
	[tilespmem:v2+s21+$0x0] =	vst.idx.msk $0xffff, v1  }
0x153: {  	v2 =	vor.u32 s6, v0;
	v1 =	vld [tilespmem:s4+$0x0];
	_ =	sdelay $0x4  }
0x154: {  	s6 =	sadd.s32 $0xFFFFFFFB, s0;
	s4 =	sor.u32 s1, s12;
	[tilespmem:v2+s21+$0x0] =	vst.idx.msk $0xffff, v1  }
0x155: {  	v2 =	vor.u32 s6, v0;
	v1 =	vld [tilespmem:s4+$0x0];
	_ =	sdelay $0x4  }
0x156: {  	s6 =	sadd.s32 $0xFFFFFFFC, s0;
	s4 =	sor.u32 s1, s16;
	[tilespmem:v2+s21+$0x0] =	vst.idx.msk $0xffff, v1  }
0x157: {  	v2 =	vor.u32 s6, v0;
	v1 =	vld [tilespmem:s4+$0x0];
	_ =	sdelay $0x4  }
0x158: {  	s6 =	sadd.s32 $0xFFFFFFFD, s0;
	s4 =	sor.u32 s1, s25;
	[tilespmem:v2+s21+$0x0] =	vst.idx.msk $0xffff, v1  }
0x159: {  	v2 =	vor.u32 s6, v0;
	v1 =	vld [tilespmem:s4+$0x0];
	_ =	sdelay $0x4  }
0x15a: {  	s6 =	sadd.s32 $0xFFFFFFFE, s0;
	s4 =	sor.u32 s1, s26;
	[tilespmem:v2+s21+$0x0] =	vst.idx.msk $0xffff, v1  }
0x15b: {  	v2 =	vor.u32 s6, v0;
	v1 =	vld [tilespmem:s4+$0x0];
	_ =	sdelay $0x4  }
0x15c: {  	s6 =	sadd.s32 $0xFFFFFFFF, s0;
	s4 =	sor.u32 s1, s29;
	[tilespmem:v2+s21+$0x0] =	vst.idx.msk $0xffff, v1  }
0x15d: {  	v2 =	vor.u32 s6, v0;
	v1 =	vld [tilespmem:s4+$0x0];
	_ =	sdelay $0x3  }
.Ltmp2:
0x15e: {  	(pc) =	sbr.rel @p3 .LBB2_3-.Ltmp2, $3  }
0x15f: {  	s1 =	sor.u32 s1, s8;
	[tilespmem:v2+s21+$0x0] =	vst.idx.msk $0xffff, v1  }
0x160: {  	v2 =	vor.u32 s0, v0;
	v1 =	vld [tilespmem:s1+$0x0];
	_ =	sdelay $0x1  }
0x161: {  	s11 =	sadd.s32 $0x200, s11;
	s10 =	sadd.s32 $0x40, s10  }
0x162: {  	s31 =	smul.u32 $0x186A00, s30;
	p2 =	sne.s32 s30, $0x19  }
.Ltmp3:
0x163: {  	_ = 	snop;
	(pc) =	sbr.rel @p2 .LBB2_6-.Ltmp3, $4  }
0x164: {  	s0 =	sadd.s32 s7, s31  }
0x165: {  	s0 =	sshrl.u32 s0, $0x3  }
0x166: {  	[tilespmem:v2+s21+$0x0] =	vst.idx.msk $0xffff, v1;
	s0 =	sadd.s32 s5, s0  }
0x167: {  	[hbm4b:s0+s3] =	stream.linear.scatter [tilespmem:s21], [sflag:$0x3], $0x6000, $0x38;
	[tilespmem:$0x18000] =	vst v63  }
.Ltmp4:
0x168: {  	(pc) =	sbr.rel .LBB2_7-.Ltmp4, $4  }
0x169: {  	_ = 	snop  }
0x16a: {  	_ =	swait.ge [sflag:s22], $0x6000  }
0x16b: {  	[sflag:s22] =	ssyncset.done $0x0  }
0x16c: {  	[sflag:s22] =	ssyncadd.s32 $0xFFFFA000  }
.LBB2_6:
0x16d: {  	s0 =	rddreg [dreg:$0x6]  }
0x16e: {  	s0 =	sadd.s32 s2, s0  }
0x16f: {  	s1 =	rddreg [dreg:$0x0];
	s28 =	simm.s32 $0x3000;
	s0 =	sshrl.u32 s0, $0x3  }
.Ltmp5:
0x170: {  	s29 =	simm.s32 $0xC3800;
	s0 =	sadd.s32 s1, s0;
	(pc) =	sbr.rel @p1 .LBB2_8-.Ltmp5, $4  }
0x171: {  	[tilespmem:s3], [sflag:$0x1] =	stream.strided.gather [hbm4b:s0+s28], $0x6000, s29, s28, $0x38;
	[tilespmem:$0x18000] =	vst v63  }
0x172: {  	_ =	swait.ge [sflag:s22], $0x6000  }
0x173: {  	[sflag:s22] =	ssyncset.done $0x0  }
0x174: {  	[sflag:s22] =	ssyncadd.s32 $0xFFFFA000  }
.LBB2_7:
0x175: {  	_ =	swait.ge [sflag:s23], $0x6000  }
0x176: {  	[sflag:s23] =	ssyncset.done $0x0  }
0x177: {  	[sflag:s23] =	ssyncadd.s32 $0xFFFFA000  }
.LBB2_8:
0x178: {  	s2 =	simm.s32 $0x0  }
0x179: {  	s0 =	simm.s32 $0x0;
	s14 =	sand.u32 $0x3C00, s2  }
0x17a: {  	s1 =	sand.u32 $0x40, s0;
	s0 =	sadd.s32 $0x6000, s14  }
0x17b: {  	s6 =	simm.s32 $0x0;
	s4 =	sor.u32 s1, s0  }
0x17c: {  	v2 =	vor.u32 s6, v0;
	v1 =	vld [tilespmem:s4+$0x0];
	_ =	sdelay $0x4  }
0x17d: {  	s15 =	simm.s32 $0x1;
	[tilespmem:v2+s24+$0x0] =	vst.idx.msk $0xffff, v1  }
0x17e: {  	v2 =	vor.u32 s15, v0;
	v1 =	vld [tilespmem:s4+$0x80];
	_ =	sdelay $0x4  }
0x17f: {  	s16 =	simm.s32 $0x2;
	[tilespmem:v2+s24+$0x0] =	vst.idx.msk $0xffff, v1  }
0x180: {  	v2 =	vor.u32 s16, v0;
	v1 =	vld [tilespmem:s4+$0x100];
	_ =	sdelay $0x4  }
0x181: {  	s17 =	simm.s32 $0x3;
	[tilespmem:v2+s24+$0x0] =	vst.idx.msk $0xffff, v1  }
0x182: {  	v2 =	vor.u32 s17, v0;
	v1 =	vld [tilespmem:s4+$0x180]  }
0x183: {  	p1 =	por $0x0, $0x0;
	s4 =	simm.s32 $0x1  }
0x184: {  	s4 =	simm.s32 @!p1 $0x0  }
0x185: {  	s4 =	sshll.u32 s4, $0x6  }
0x186: {  	s4 =	sadd.s32 $0x0, s4  }
0x187: {  	s8 =	simm.s32 $0x4;
	s18 =	sor.u32 $0x200, s4;
	[tilespmem:v2+s24+$0x0] =	vst.idx.msk $0xffff, v1  }
0x188: {  	v2 =	vor.u32 s8, v0;
	v1 =	vld [tilespmem:s18+$0x6000];
	_ =	sdelay $0x4  }
0x189: {  	s25 =	simm.s32 $0x5;
	s19 =	sor.u32 $0x280, s4;
	[tilespmem:v2+s24+$0x0] =	vst.idx.msk $0xffff, v1  }
0x18a: {  	v2 =	vor.u32 s25, v0;
	v1 =	vld [tilespmem:s19+$0x6000];
	_ =	sdelay $0x4  }
0x18b: {  	s29 =	simm.s32 $0x6;
	s26 =	sor.u32 $0x300, s4;
	[tilespmem:v2+s24+$0x0] =	vst.idx.msk $0xffff, v1  }
0x18c: {  	v2 =	vor.u32 s29, v0;
	v1 =	vld [tilespmem:s26+$0x6000];
	_ =	sdelay $0x4  }
0x18d: {  	s4 =	sor.u32 $0x380, s4;
	s8 =	simm.s32 $0x7;
	[tilespmem:v2+s24+$0x0] =	vst.idx.msk $0xffff, v1  }
0x18e: {  	v2 =	vor.u32 s8, v0;
	v1 =	vld [tilespmem:s4+$0x6000];
	_ =	sdelay $0x3  }
0x18f: {  	s6 =	sadd.s32 $0x9000, s14  }
0x190: {  	s11 =	simm.s32 $0x8;
	s10 =	sor.u32 s1, s6;
	[tilespmem:v2+s24+$0x0] =	vst.idx.msk $0xffff, v1  }
0x191: {  	v2 =	vor.u32 s11, v0;
	v1 =	vld [tilespmem:s10+$0x0];
	_ =	sdelay $0x3  }
0x192: {  	s8 =	sadd.s32 $0x9080, s14  }
0x193: {  	s12 =	sor.u32 s1, s8;
	s10 =	simm.s32 $0x9;
	[tilespmem:v2+s24+$0x0] =	vst.idx.msk $0xffff, v1  }
0x194: {  	v2 =	vor.u32 s10, v0;
	v1 =	vld [tilespmem:s12+$0x0];
	_ =	sdelay $0x3  }
0x195: {  	s10 =	sadd.s32 $0x9100, s14  }
0x196: {  	s11 =	simm.s32 $0xA;
	s13 =	sor.u32 s1, s10;
	[tilespmem:v2+s24+$0x0] =	vst.idx.msk $0xffff, v1  }
0x197: {  	v2 =	vor.u32 s11, v0;
	v1 =	vld [tilespmem:s13+$0x0];
	_ =	sdelay $0x3  }
0x198: {  	s11 =	sadd.s32 $0x9180, s14  }
0x199: {  	s12 =	simm.s32 $0xB;
	s15 =	sor.u32 s1, s11;
	[tilespmem:v2+s24+$0x0] =	vst.idx.msk $0xffff, v1  }
0x19a: {  	v2 =	vor.u32 s12, v0;
	v1 =	vld [tilespmem:s15+$0x0];
	_ =	sdelay $0x3  }
0x19b: {  	s12 =	sadd.s32 $0x9200, s14  }
0x19c: {  	s13 =	simm.s32 $0xC;
	s16 =	sor.u32 s1, s12;
	[tilespmem:v2+s24+$0x0] =	vst.idx.msk $0xffff, v1  }
0x19d: {  	v2 =	vor.u32 s13, v0;
	v1 =	vld [tilespmem:s16+$0x0];
	_ =	sdelay $0x3  }
0x19e: {  	s13 =	sadd.s32 $0x9280, s14  }
0x19f: {  	s15 =	simm.s32 $0xD;
	s17 =	sor.u32 s1, s13;
	[tilespmem:v2+s24+$0x0] =	vst.idx.msk $0xffff, v1  }
0x1a0: {  	v2 =	vor.u32 s15, v0;
	v1 =	vld [tilespmem:s17+$0x0];
	_ =	sdelay $0x3  }
0x1a1: {  	s15 =	sadd.s32 $0x9300, s14  }
0x1a2: {  	s16 =	simm.s32 $0xE;
	s18 =	sor.u32 s1, s15;
	[tilespmem:v2+s24+$0x0] =	vst.idx.msk $0xffff, v1  }
0x1a3: {  	v2 =	vor.u32 s16, v0;
	v1 =	vld [tilespmem:s18+$0x0];
	_ =	sdelay $0x3  }
0x1a4: {  	s14 =	sadd.s32 $0x9380, s14  }
0x1a5: {  	s19 =	simm.s32 $0xF;
	s1 =	sor.u32 s1, s14;
	[tilespmem:v2+s24+$0x0] =	vst.idx.msk $0xffff, v1  }
0x1a6: {  	v2 =	vor.u32 s19, v0;
	v1 =	vld [tilespmem:s1+$0x0];
	_ =	sdelay $0x2  }
0x1a7: {  	s25 =	simm.s32 $0x10  }
0x1a8: {  	s16 =	sand.u32 $0x50, s25  }
0x1a9: {  	s26 =	simm.s32 $0x100;
	s1 =	sor.u32 s16, s0;
	[tilespmem:v2+s24+$0x0] =	vst.idx.msk $0xffff, v1  }
0x1aa: {  	v2 =	vor.u32 s26, v0;
	v1 =	vld [tilespmem:s1+$0x0];
	_ =	sdelay $0x4  }
0x1ab: {  	s29 =	simm.s32 $0x101;
	[tilespmem:v2+s24+$0x0] =	vst.idx.msk $0xffff, v1  }
0x1ac: {  	v2 =	vor.u32 s29, v0;
	v1 =	vld [tilespmem:s1+$0x80];
	_ =	sdelay $0x4  }
0x1ad: {  	s17 =	simm.s32 $0x102;
	[tilespmem:v2+s24+$0x0] =	vst.idx.msk $0xffff, v1  }
0x1ae: {  	v2 =	vor.u32 s17, v0;
	v1 =	vld [tilespmem:s1+$0x100];
	_ =	sdelay $0x4  }
0x1af: {  	s18 =	simm.s32 $0x103;
	[tilespmem:v2+s24+$0x0] =	vst.idx.msk $0xffff, v1  }
0x1b0: {  	v2 =	vor.u32 s18, v0;
	v1 =	vld [tilespmem:s1+$0x180]  }
0x1b1: {  	s19 =	sand.u32 $0x7, s2  }
0x1b2: {  	s1 =	sshll.u32 s19, $0x4  }
0x1b3: {  	s1 =	sadd.s32 $0x0, s1  }
0x1b4: {  	s25 =	sadd.s32 $0x10, s1  }
0x1b5: {  	s18 =	simm.s32 $0x104;
	s17 =	sor.u32 $0x200, s25;
	[tilespmem:v2+s24+$0x0] =	vst.idx.msk $0xffff, v1  }
0x1b6: {  	v2 =	vor.u32 s18, v0;
	v1 =	vld [tilespmem:s17+$0x6000];
	_ =	sdelay $0x4  }
0x1b7: {  	s29 =	simm.s32 $0x105;
	s26 =	sor.u32 $0x280, s25;
	[tilespmem:v2+s24+$0x0] =	vst.idx.msk $0xffff, v1  }
0x1b8: {  	v2 =	vor.u32 s29, v0;
	v1 =	vld [tilespmem:s26+$0x6000];
	_ =	sdelay $0x4  }
0x1b9: {  	s19 =	simm.s32 $0x106;
	s18 =	sor.u32 $0x300, s25;
	[tilespmem:v2+s24+$0x0] =	vst.idx.msk $0xffff, v1  }
0x1ba: {  	v2 =	vor.u32 s19, v0;
	v1 =	vld [tilespmem:s18+$0x6000];
	_ =	sdelay $0x4  }
0x1bb: {  	s4 =	sor.u32 $0x380, s25;
	s25 =	simm.s32 $0x107;
	[tilespmem:v2+s24+$0x0] =	vst.idx.msk $0xffff, v1  }
0x1bc: {  	v2 =	vor.u32 s25, v0;
	v1 =	vld [tilespmem:s4+$0x6000];
	_ =	sdelay $0x4  }
0x1bd: {  	s29 =	simm.s32 $0x108;
	s26 =	sor.u32 s16, s6;
	[tilespmem:v2+s24+$0x0] =	vst.idx.msk $0xffff, v1  }
0x1be: {  	v2 =	vor.u32 s29, v0;
	v1 =	vld [tilespmem:s26+$0x0];
	_ =	sdelay $0x4  }
0x1bf: {  	s17 =	sor.u32 s16, s8;
	s18 =	simm.s32 $0x109;
	[tilespmem:v2+s24+$0x0] =	vst.idx.msk $0xffff, v1  }
0x1c0: {  	v2 =	vor.u32 s18, v0;
	v1 =	vld [tilespmem:s17+$0x0];
	_ =	sdelay $0x4  }
0x1c1: {  	s19 =	sor.u32 s16, s10;
	s25 =	simm.s32 $0x10A;
	[tilespmem:v2+s24+$0x0] =	vst.idx.msk $0xffff, v1  }
0x1c2: {  	v2 =	vor.u32 s25, v0;
	v1 =	vld [tilespmem:s19+$0x0];
	_ =	sdelay $0x4  }
0x1c3: {  	s29 =	simm.s32 $0x10B;
	s26 =	sor.u32 s16, s11;
	[tilespmem:v2+s24+$0x0] =	vst.idx.msk $0xffff, v1  }
0x1c4: {  	v2 =	vor.u32 s29, v0;
	v1 =	vld [tilespmem:s26+$0x0];
	_ =	sdelay $0x4  }
0x1c5: {  	s18 =	simm.s32 $0x10C;
	s17 =	sor.u32 s16, s12;
	[tilespmem:v2+s24+$0x0] =	vst.idx.msk $0xffff, v1  }
0x1c6: {  	v2 =	vor.u32 s18, v0;
	v1 =	vld [tilespmem:s17+$0x0];
	_ =	sdelay $0x4  }
0x1c7: {  	s25 =	simm.s32 $0x10D;
	s19 =	sor.u32 s16, s13;
	[tilespmem:v2+s24+$0x0] =	vst.idx.msk $0xffff, v1  }
0x1c8: {  	v2 =	vor.u32 s25, v0;
	v1 =	vld [tilespmem:s19+$0x0];
	_ =	sdelay $0x4  }
0x1c9: {  	s29 =	simm.s32 $0x10E;
	s26 =	sor.u32 s16, s15;
	[tilespmem:v2+s24+$0x0] =	vst.idx.msk $0xffff, v1  }
0x1ca: {  	v2 =	vor.u32 s29, v0;
	v1 =	vld [tilespmem:s26+$0x0];
	_ =	sdelay $0x4  }
0x1cb: {  	s16 =	sor.u32 s16, s14;
	s17 =	simm.s32 $0x10F;
	[tilespmem:v2+s24+$0x0] =	vst.idx.msk $0xffff, v1  }
0x1cc: {  	v2 =	vor.u32 s17, v0;
	v1 =	vld [tilespmem:s16+$0x0];
	_ =	sdelay $0x2  }
0x1cd: {  	s18 =	simm.s32 $0x20  }
0x1ce: {  	s16 =	sand.u32 $0x60, s18  }
0x1cf: {  	s19 =	simm.s32 $0x200;
	s4 =	sor.u32 s16, s0;
	[tilespmem:v2+s24+$0x0] =	vst.idx.msk $0xffff, v1  }
0x1d0: {  	v2 =	vor.u32 s19, v0;
	v1 =	vld [tilespmem:s4+$0x0];
	_ =	sdelay $0x4  }
0x1d1: {  	s25 =	simm.s32 $0x201;
	[tilespmem:v2+s24+$0x0] =	vst.idx.msk $0xffff, v1  }
0x1d2: {  	v2 =	vor.u32 s25, v0;
	v1 =	vld [tilespmem:s4+$0x80];
	_ =	sdelay $0x4  }
0x1d3: {  	s26 =	simm.s32 $0x202;
	[tilespmem:v2+s24+$0x0] =	vst.idx.msk $0xffff, v1  }
0x1d4: {  	v2 =	vor.u32 s26, v0;
	v1 =	vld [tilespmem:s4+$0x100];
	_ =	sdelay $0x4  }
0x1d5: {  	s29 =	simm.s32 $0x203;
	[tilespmem:v2+s24+$0x0] =	vst.idx.msk $0xffff, v1  }
0x1d6: {  	v2 =	vor.u32 s29, v0;
	v1 =	vld [tilespmem:s4+$0x180]  }
0x1d7: {  	s18 =	sand.u32 $0x3, s2  }
0x1d8: {  	s4 =	sshll.u32 s18, $0x5  }
0x1d9: {  	s4 =	sadd.s32 $0x0, s4  }
0x1da: {  	s4 =	sadd.s32 $0x20, s4  }
0x1db: {  	s25 =	simm.s32 $0x204;
	s19 =	sor.u32 $0x200, s4;
	[tilespmem:v2+s24+$0x0] =	vst.idx.msk $0xffff, v1  }
0x1dc: {  	v2 =	vor.u32 s25, v0;
	v1 =	vld [tilespmem:s19+$0x6000];
	_ =	sdelay $0x4  }
0x1dd: {  	s29 =	simm.s32 $0x205;
	s26 =	sor.u32 $0x280, s4;
	[tilespmem:v2+s24+$0x0] =	vst.idx.msk $0xffff, v1  }
0x1de: {  	v2 =	vor.u32 s29, v0;
	v1 =	vld [tilespmem:s26+$0x6000];
	_ =	sdelay $0x4  }
0x1df: {  	s18 =	sor.u32 $0x300, s4;
	s19 =	simm.s32 $0x206;
	[tilespmem:v2+s24+$0x0] =	vst.idx.msk $0xffff, v1  }
0x1e0: {  	v2 =	vor.u32 s19, v0;
	v1 =	vld [tilespmem:s18+$0x6000];
	_ =	sdelay $0x4  }
0x1e1: {  	s4 =	sor.u32 $0x380, s4;
	s25 =	simm.s32 $0x207;
	[tilespmem:v2+s24+$0x0] =	vst.idx.msk $0xffff, v1  }
0x1e2: {  	v2 =	vor.u32 s25, v0;
	v1 =	vld [tilespmem:s4+$0x6000];
	_ =	sdelay $0x4  }
0x1e3: {  	s29 =	simm.s32 $0x208;
	s26 =	sor.u32 s16, s6;
	[tilespmem:v2+s24+$0x0] =	vst.idx.msk $0xffff, v1  }
0x1e4: {  	v2 =	vor.u32 s29, v0;
	v1 =	vld [tilespmem:s26+$0x0];
	_ =	sdelay $0x4  }
0x1e5: {  	s17 =	sor.u32 s16, s8;
	s18 =	simm.s32 $0x209;
	[tilespmem:v2+s24+$0x0] =	vst.idx.msk $0xffff, v1  }
0x1e6: {  	v2 =	vor.u32 s18, v0;
	v1 =	vld [tilespmem:s17+$0x0];
	_ =	sdelay $0x4  }
0x1e7: {  	s19 =	sor.u32 s16, s10;
	s25 =	simm.s32 $0x20A;
	[tilespmem:v2+s24+$0x0] =	vst.idx.msk $0xffff, v1  }
0x1e8: {  	v2 =	vor.u32 s25, v0;
	v1 =	vld [tilespmem:s19+$0x0];
	_ =	sdelay $0x4  }
0x1e9: {  	s29 =	simm.s32 $0x20B;
	s26 =	sor.u32 s16, s11;
	[tilespmem:v2+s24+$0x0] =	vst.idx.msk $0xffff, v1  }
0x1ea: {  	v2 =	vor.u32 s29, v0;
	v1 =	vld [tilespmem:s26+$0x0];
	_ =	sdelay $0x4  }
0x1eb: {  	s18 =	simm.s32 $0x20C;
	s17 =	sor.u32 s16, s12;
	[tilespmem:v2+s24+$0x0] =	vst.idx.msk $0xffff, v1  }
0x1ec: {  	v2 =	vor.u32 s18, v0;
	v1 =	vld [tilespmem:s17+$0x0];
	_ =	sdelay $0x4  }
0x1ed: {  	s25 =	simm.s32 $0x20D;
	s19 =	sor.u32 s16, s13;
	[tilespmem:v2+s24+$0x0] =	vst.idx.msk $0xffff, v1  }
0x1ee: {  	v2 =	vor.u32 s25, v0;
	v1 =	vld [tilespmem:s19+$0x0];
	_ =	sdelay $0x4  }
0x1ef: {  	s29 =	simm.s32 $0x20E;
	s26 =	sor.u32 s16, s15;
	[tilespmem:v2+s24+$0x0] =	vst.idx.msk $0xffff, v1  }
0x1f0: {  	v2 =	vor.u32 s29, v0;
	v1 =	vld [tilespmem:s26+$0x0];
	_ =	sdelay $0x4  }
0x1f1: {  	s18 =	sor.u32 s16, s14;
	s19 =	simm.s32 $0x20F;
	[tilespmem:v2+s24+$0x0] =	vst.idx.msk $0xffff, v1  }
0x1f2: {  	v2 =	vor.u32 s19, v0;
	v1 =	vld [tilespmem:s18+$0x0];
	_ =	sdelay $0x2  }
0x1f3: {  	s25 =	simm.s32 $0x30  }
0x1f4: {  	s16 =	sand.u32 $0x70, s25  }
0x1f5: {  	s0 =	sor.u32 s16, s0;
	s26 =	simm.s32 $0x300;
	[tilespmem:v2+s24+$0x0] =	vst.idx.msk $0xffff, v1  }
0x1f6: {  	v2 =	vor.u32 s26, v0;
	v1 =	vld [tilespmem:s0+$0x0];
	_ =	sdelay $0x4  }
0x1f7: {  	s29 =	simm.s32 $0x301;
	[tilespmem:v2+s24+$0x0] =	vst.idx.msk $0xffff, v1  }
0x1f8: {  	v2 =	vor.u32 s29, v0;
	v1 =	vld [tilespmem:s0+$0x80];
	_ =	sdelay $0x4  }
0x1f9: {  	s17 =	simm.s32 $0x302;
	[tilespmem:v2+s24+$0x0] =	vst.idx.msk $0xffff, v1  }
0x1fa: {  	v2 =	vor.u32 s17, v0;
	v1 =	vld [tilespmem:s0+$0x100];
	_ =	sdelay $0x4  }
0x1fb: {  	s18 =	simm.s32 $0x303;
	[tilespmem:v2+s24+$0x0] =	vst.idx.msk $0xffff, v1  }
0x1fc: {  	v2 =	vor.u32 s18, v0;
	v1 =	vld [tilespmem:s0+$0x180];
	_ =	sdelay $0x3  }
0x1fd: {  	s19 =	sadd.s32 $0x30, s1  }
0x1fe: {  	s25 =	simm.s32 $0x304;
	s1 =	sor.u32 $0x200, s19;
	[tilespmem:v2+s24+$0x0] =	vst.idx.msk $0xffff, v1  }
0x1ff: {  	v2 =	vor.u32 s25, v0;
	v1 =	vld [tilespmem:s1+$0x6000];
	_ =	sdelay $0x4  }
0x200: {  	s26 =	sor.u32 $0x280, s19;
	s29 =	simm.s32 $0x305;
	[tilespmem:v2+s24+$0x0] =	vst.idx.msk $0xffff, v1  }
0x201: {  	v2 =	vor.u32 s29, v0;
	v1 =	vld [tilespmem:s26+$0x6000];
	_ =	sdelay $0x4  }
0x202: {  	s4 =	sor.u32 $0x300, s19;
	s17 =	simm.s32 $0x306;
	[tilespmem:v2+s24+$0x0] =	vst.idx.msk $0xffff, v1  }
0x203: {  	v2 =	vor.u32 s17, v0;
	v1 =	vld [tilespmem:s4+$0x6000];
	_ =	sdelay $0x4  }
0x204: {  	s18 =	simm.s32 $0x307;
	s0 =	sor.u32 $0x380, s19;
	[tilespmem:v2+s24+$0x0] =	vst.idx.msk $0xffff, v1  }
0x205: {  	v2 =	vor.u32 s18, v0;
	v1 =	vld [tilespmem:s0+$0x6000];
	_ =	sdelay $0x4  }
0x206: {  	s19 =	sor.u32 s16, s6;
	s25 =	simm.s32 $0x308;
	[tilespmem:v2+s24+$0x0] =	vst.idx.msk $0xffff, v1  }
0x207: {  	v2 =	vor.u32 s25, v0;
	v1 =	vld [tilespmem:s19+$0x0];
	_ =	sdelay $0x4  }
0x208: {  	s29 =	simm.s32 $0x309;
	s26 =	sor.u32 s16, s8;
	[tilespmem:v2+s24+$0x0] =	vst.idx.msk $0xffff, v1  }
0x209: {  	v2 =	vor.u32 s29, v0;
	v1 =	vld [tilespmem:s26+$0x0];
	_ =	sdelay $0x4  }
0x20a: {  	s6 =	simm.s32 $0x30A;
	s4 =	sor.u32 s16, s10;
	[tilespmem:v2+s24+$0x0] =	vst.idx.msk $0xffff, v1  }
0x20b: {  	v2 =	vor.u32 s6, v0;
	v1 =	vld [tilespmem:s4+$0x0];
	_ =	sdelay $0x4  }
0x20c: {  	s8 =	sor.u32 s16, s11;
	s10 =	simm.s32 $0x30B;
	[tilespmem:v2+s24+$0x0] =	vst.idx.msk $0xffff, v1  }
0x20d: {  	v2 =	vor.u32 s10, v0;
	v1 =	vld [tilespmem:s8+$0x0];
	_ =	sdelay $0x4  }
0x20e: {  	s11 =	sor.u32 s16, s12;
	s12 =	simm.s32 $0x30C;
	[tilespmem:v2+s24+$0x0] =	vst.idx.msk $0xffff, v1  }
0x20f: {  	v2 =	vor.u32 s12, v0;
	v1 =	vld [tilespmem:s11+$0x0];
	_ =	sdelay $0x4  }
0x210: {  	s17 =	sor.u32 s16, s13;
	s18 =	simm.s32 $0x30D;
	[tilespmem:v2+s24+$0x0] =	vst.idx.msk $0xffff, v1  }
0x211: {  	v2 =	vor.u32 s18, v0;
	v1 =	vld [tilespmem:s17+$0x0];
	_ =	sdelay $0x4  }
0x212: {  	s25 =	simm.s32 $0x30E;
	s19 =	sor.u32 s16, s15;
	[tilespmem:v2+s24+$0x0] =	vst.idx.msk $0xffff, v1  }
0x213: {  	v2 =	vor.u32 s25, v0;
	v1 =	vld [tilespmem:s19+$0x0];
	_ =	sdelay $0x4  }
0x214: {  	s29 =	sor.u32 s16, s14;
	s26 =	simm.s32 $0x30F;
	[tilespmem:v2+s24+$0x0] =	vst.idx.msk $0xffff, v1  }
0x215: {  	v2 =	vor.u32 s26, v0;
	v1 =	vld [tilespmem:s29+$0x0]  }
0x216: {  	s28 =	simm.s32 $0x70F;
	s13 =	simm.s32 $0x0  }
0x217: {  	s0 =	simm.s32 $0x0;
	s10 =	simm.s32 $0x70;
	s11 =	simm.s32 $0x200  }
.LBB2_9:
0x218: {  	s1 =	sadd.s32 $0xFFFFFFD0, s10;
	s8 =	sand.u32 $0x3C00, s11;
	s0 =	sadd.s32 $0x4, s0  }
0x219: {  	s19 =	sand.u32 $0x40, s1;
	s14 =	sadd.s32 $0x6000, s8;
	p2 =	slt.u32 s0, $0x5C  }
0x21a: {  	s4 =	sadd.s32 $0xFFFFFCF1, s28;
	s1 =	sor.u32 s19, s14;
	[tilespmem:v2+s24+$0x0] =	vst.idx.msk $0xffff, v1  }
0x21b: {  	v2 =	vor.u32 s4, v0;
	v1 =	vld [tilespmem:s1+$0x0];
	_ =	sdelay $0x4  }
0x21c: {  	s4 =	sadd.s32 $0xFFFFFCF2, s28;
	[tilespmem:v2+s24+$0x0] =	vst.idx.msk $0xffff, v1  }
0x21d: {  	v2 =	vor.u32 s4, v0;
	v1 =	vld [tilespmem:s1+$0x80];
	_ =	sdelay $0x4  }
0x21e: {  	s4 =	sadd.s32 $0xFFFFFCF3, s28;
	[tilespmem:v2+s24+$0x0] =	vst.idx.msk $0xffff, v1  }
0x21f: {  	v2 =	vor.u32 s4, v0;
	v1 =	vld [tilespmem:s1+$0x100];
	_ =	sdelay $0x4  }
0x220: {  	s4 =	sadd.s32 $0xFFFFFCF4, s28;
	[tilespmem:v2+s24+$0x0] =	vst.idx.msk $0xffff, v1  }
0x221: {  	v2 =	vor.u32 s4, v0;
	v1 =	vld [tilespmem:s1+$0x180]  }
0x222: {  	p1 =	por !p1, !p1;
	s1 =	simm.s32 $0x1  }
0x223: {  	s1 =	simm.s32 @!p1 $0x0  }
0x224: {  	s1 =	sshll.u32 s1, $0x6  }
0x225: {  	s1 =	sadd.s32 s1, s11  }
0x226: {  	s6 =	sadd.s32 $0xFFFFFCF5, s28;
	s4 =	sor.u32 $0x200, s1;
	[tilespmem:v2+s24+$0x0] =	vst.idx.msk $0xffff, v1  }
0x227: {  	v2 =	vor.u32 s6, v0;
	v1 =	vld [tilespmem:s4+$0x6000];
	_ =	sdelay $0x4  }
0x228: {  	s6 =	sadd.s32 $0xFFFFFCF6, s28;
	s4 =	sor.u32 $0x280, s1;
	[tilespmem:v2+s24+$0x0] =	vst.idx.msk $0xffff, v1  }
0x229: {  	v2 =	vor.u32 s6, v0;
	v1 =	vld [tilespmem:s4+$0x6000];
	_ =	sdelay $0x4  }
0x22a: {  	s6 =	sadd.s32 $0xFFFFFCF7, s28;
	s4 =	sor.u32 $0x300, s1;
	[tilespmem:v2+s24+$0x0] =	vst.idx.msk $0xffff, v1  }
0x22b: {  	v2 =	vor.u32 s6, v0;
	v1 =	vld [tilespmem:s4+$0x6000];
	_ =	sdelay $0x4  }
0x22c: {  	s1 =	sor.u32 $0x380, s1;
	s4 =	sadd.s32 $0xFFFFFCF8, s28;
	[tilespmem:v2+s24+$0x0] =	vst.idx.msk $0xffff, v1  }
0x22d: {  	v2 =	vor.u32 s4, v0;
	v1 =	vld [tilespmem:s1+$0x6000];
	_ =	sdelay $0x3  }
0x22e: {  	s15 =	sadd.s32 $0x9000, s8  }
0x22f: {  	s4 =	sadd.s32 $0xFFFFFCF9, s28;
	s1 =	sor.u32 s19, s15;
	[tilespmem:v2+s24+$0x0] =	vst.idx.msk $0xffff, v1  }
0x230: {  	v2 =	vor.u32 s4, v0;
	v1 =	vld [tilespmem:s1+$0x0];
	_ =	sdelay $0x3  }
0x231: {  	s6 =	sadd.s32 $0x9080, s8  }
0x232: {  	s4 =	sadd.s32 $0xFFFFFCFA, s28;
	s1 =	sor.u32 s19, s6;
	[tilespmem:v2+s24+$0x0] =	vst.idx.msk $0xffff, v1  }
0x233: {  	v2 =	vor.u32 s4, v0;
	v1 =	vld [tilespmem:s1+$0x0];
	_ =	sdelay $0x3  }
0x234: {  	s12 =	sadd.s32 $0x9100, s8  }
0x235: {  	s4 =	sadd.s32 $0xFFFFFCFB, s28;
	s1 =	sor.u32 s19, s12;
	[tilespmem:v2+s24+$0x0] =	vst.idx.msk $0xffff, v1  }
0x236: {  	v2 =	vor.u32 s4, v0;
	v1 =	vld [tilespmem:s1+$0x0];
	_ =	sdelay $0x3  }
0x237: {  	s16 =	sadd.s32 $0x9180, s8  }
0x238: {  	s4 =	sadd.s32 $0xFFFFFCFC, s28;
	s1 =	sor.u32 s19, s16;
	[tilespmem:v2+s24+$0x0] =	vst.idx.msk $0xffff, v1  }
0x239: {  	v2 =	vor.u32 s4, v0;
	v1 =	vld [tilespmem:s1+$0x0];
	_ =	sdelay $0x3  }
0x23a: {  	s25 =	sadd.s32 $0x9200, s8  }
0x23b: {  	s4 =	sadd.s32 $0xFFFFFCFD, s28;
	s1 =	sor.u32 s19, s25;
	[tilespmem:v2+s24+$0x0] =	vst.idx.msk $0xffff, v1  }
0x23c: {  	v2 =	vor.u32 s4, v0;
	v1 =	vld [tilespmem:s1+$0x0];
	_ =	sdelay $0x3  }
0x23d: {  	s26 =	sadd.s32 $0x9280, s8  }
0x23e: {  	s4 =	sadd.s32 $0xFFFFFCFE, s28;
	s1 =	sor.u32 s19, s26;
	[tilespmem:v2+s24+$0x0] =	vst.idx.msk $0xffff, v1  }
0x23f: {  	v2 =	vor.u32 s4, v0;
	v1 =	vld [tilespmem:s1+$0x0];
	_ =	sdelay $0x3  }
0x240: {  	s29 =	sadd.s32 $0x9300, s8  }
0x241: {  	s4 =	sadd.s32 $0xFFFFFCFF, s28;
	s1 =	sor.u32 s19, s29;
	[tilespmem:v2+s24+$0x0] =	vst.idx.msk $0xffff, v1  }
0x242: {  	v2 =	vor.u32 s4, v0;
	v1 =	vld [tilespmem:s1+$0x0];
	_ =	sdelay $0x3  }
0x243: {  	s8 =	sadd.s32 $0x9380, s8  }
0x244: {  	s4 =	sadd.s32 $0xFFFFFD00, s28;
	s1 =	sor.u32 s19, s8;
	[tilespmem:v2+s24+$0x0] =	vst.idx.msk $0xffff, v1  }
0x245: {  	v2 =	vor.u32 s4, v0;
	v1 =	vld [tilespmem:s1+$0x0];
	_ =	sdelay $0x2  }
0x246: {  	s1 =	sadd.s32 $0xFFFFFFE0, s10  }
0x247: {  	s1 =	sand.u32 $0x50, s1  }
0x248: {  	s17 =	sadd.s32 $0xFFFFFDF1, s28;
	s4 =	sor.u32 s1, s14;
	[tilespmem:v2+s24+$0x0] =	vst.idx.msk $0xffff, v1  }
0x249: {  	v2 =	vor.u32 s17, v0;
	v1 =	vld [tilespmem:s4+$0x0];
	_ =	sdelay $0x4  }
0x24a: {  	s17 =	sadd.s32 $0xFFFFFDF2, s28;
	[tilespmem:v2+s24+$0x0] =	vst.idx.msk $0xffff, v1  }
0x24b: {  	v2 =	vor.u32 s17, v0;
	v1 =	vld [tilespmem:s4+$0x80];
	_ =	sdelay $0x4  }
0x24c: {  	s17 =	sadd.s32 $0xFFFFFDF3, s28;
	[tilespmem:v2+s24+$0x0] =	vst.idx.msk $0xffff, v1  }
0x24d: {  	v2 =	vor.u32 s17, v0;
	v1 =	vld [tilespmem:s4+$0x100];
	_ =	sdelay $0x4  }
0x24e: {  	s17 =	sadd.s32 $0xFFFFFDF4, s28;
	[tilespmem:v2+s24+$0x0] =	vst.idx.msk $0xffff, v1  }
0x24f: {  	s2 =	sadd.s32 $0x4, s2;
	v2 =	vor.u32 s17, v0;
	v1 =	vld [tilespmem:s4+$0x180]  }
0x250: {  	s4 =	sand.u32 $0x7, s2  }
0x251: {  	s4 =	sshll.u32 s4, $0x4  }
0x252: {  	s19 =	sadd.s32 s11, s4  }
0x253: {  	s4 =	sadd.s32 $0x10, s19  }
0x254: {  	s18 =	sadd.s32 $0xFFFFFDF5, s28;
	s17 =	sor.u32 $0x200, s4;
	[tilespmem:v2+s24+$0x0] =	vst.idx.msk $0xffff, v1  }
0x255: {  	v2 =	vor.u32 s18, v0;
	v1 =	vld [tilespmem:s17+$0x6000];
	_ =	sdelay $0x4  }
0x256: {  	s18 =	sadd.s32 $0xFFFFFDF6, s28;
	s17 =	sor.u32 $0x280, s4;
	[tilespmem:v2+s24+$0x0] =	vst.idx.msk $0xffff, v1  }
0x257: {  	v2 =	vor.u32 s18, v0;
	v1 =	vld [tilespmem:s17+$0x6000];
	_ =	sdelay $0x4  }
0x258: {  	s18 =	sadd.s32 $0xFFFFFDF7, s28;
	s17 =	sor.u32 $0x300, s4;
	[tilespmem:v2+s24+$0x0] =	vst.idx.msk $0xffff, v1  }
0x259: {  	v2 =	vor.u32 s18, v0;
	v1 =	vld [tilespmem:s17+$0x6000];
	_ =	sdelay $0x4  }
0x25a: {  	s4 =	sor.u32 $0x380, s4;
	s17 =	sadd.s32 $0xFFFFFDF8, s28;
	[tilespmem:v2+s24+$0x0] =	vst.idx.msk $0xffff, v1  }
0x25b: {  	v2 =	vor.u32 s17, v0;
	v1 =	vld [tilespmem:s4+$0x6000];
	_ =	sdelay $0x4  }
0x25c: {  	s17 =	sadd.s32 $0xFFFFFDF9, s28;
	s4 =	sor.u32 s1, s15;
	[tilespmem:v2+s24+$0x0] =	vst.idx.msk $0xffff, v1  }
0x25d: {  	v2 =	vor.u32 s17, v0;
	v1 =	vld [tilespmem:s4+$0x0];
	_ =	sdelay $0x4  }
0x25e: {  	s17 =	sadd.s32 $0xFFFFFDFA, s28;
	s4 =	sor.u32 s1, s6;
	[tilespmem:v2+s24+$0x0] =	vst.idx.msk $0xffff, v1  }
0x25f: {  	v2 =	vor.u32 s17, v0;
	v1 =	vld [tilespmem:s4+$0x0];
	_ =	sdelay $0x4  }
0x260: {  	s17 =	sadd.s32 $0xFFFFFDFB, s28;
	s4 =	sor.u32 s1, s12;
	[tilespmem:v2+s24+$0x0] =	vst.idx.msk $0xffff, v1  }
0x261: {  	v2 =	vor.u32 s17, v0;
	v1 =	vld [tilespmem:s4+$0x0];
	_ =	sdelay $0x4  }
0x262: {  	s17 =	sadd.s32 $0xFFFFFDFC, s28;
	s4 =	sor.u32 s1, s16;
	[tilespmem:v2+s24+$0x0] =	vst.idx.msk $0xffff, v1  }
0x263: {  	v2 =	vor.u32 s17, v0;
	v1 =	vld [tilespmem:s4+$0x0];
	_ =	sdelay $0x4  }
0x264: {  	s17 =	sadd.s32 $0xFFFFFDFD, s28;
	s4 =	sor.u32 s1, s25;
	[tilespmem:v2+s24+$0x0] =	vst.idx.msk $0xffff, v1  }
0x265: {  	v2 =	vor.u32 s17, v0;
	v1 =	vld [tilespmem:s4+$0x0];
	_ =	sdelay $0x4  }
0x266: {  	s17 =	sadd.s32 $0xFFFFFDFE, s28;
	s4 =	sor.u32 s1, s26;
	[tilespmem:v2+s24+$0x0] =	vst.idx.msk $0xffff, v1  }
0x267: {  	v2 =	vor.u32 s17, v0;
	v1 =	vld [tilespmem:s4+$0x0];
	_ =	sdelay $0x4  }
0x268: {  	s17 =	sadd.s32 $0xFFFFFDFF, s28;
	s4 =	sor.u32 s1, s29;
	[tilespmem:v2+s24+$0x0] =	vst.idx.msk $0xffff, v1  }
0x269: {  	v2 =	vor.u32 s17, v0;
	v1 =	vld [tilespmem:s4+$0x0];
	_ =	sdelay $0x4  }
0x26a: {  	s1 =	sor.u32 s1, s8;
	s4 =	sadd.s32 $0xFFFFFE00, s28;
	[tilespmem:v2+s24+$0x0] =	vst.idx.msk $0xffff, v1  }
0x26b: {  	v2 =	vor.u32 s4, v0;
	v1 =	vld [tilespmem:s1+$0x0];
	_ =	sdelay $0x2  }
0x26c: {  	s1 =	sadd.s32 $0xFFFFFFF0, s10  }
0x26d: {  	s1 =	sand.u32 $0x60, s1  }
0x26e: {  	s17 =	sadd.s32 $0xFFFFFEF1, s28;
	s4 =	sor.u32 s1, s14;
	[tilespmem:v2+s24+$0x0] =	vst.idx.msk $0xffff, v1  }
0x26f: {  	v2 =	vor.u32 s17, v0;
	v1 =	vld [tilespmem:s4+$0x0];
	_ =	sdelay $0x4  }
0x270: {  	s17 =	sadd.s32 $0xFFFFFEF2, s28;
	[tilespmem:v2+s24+$0x0] =	vst.idx.msk $0xffff, v1  }
0x271: {  	v2 =	vor.u32 s17, v0;
	v1 =	vld [tilespmem:s4+$0x80];
	_ =	sdelay $0x4  }
0x272: {  	s17 =	sadd.s32 $0xFFFFFEF3, s28;
	[tilespmem:v2+s24+$0x0] =	vst.idx.msk $0xffff, v1  }
0x273: {  	v2 =	vor.u32 s17, v0;
	v1 =	vld [tilespmem:s4+$0x100];
	_ =	sdelay $0x4  }
0x274: {  	s17 =	sadd.s32 $0xFFFFFEF4, s28;
	[tilespmem:v2+s24+$0x0] =	vst.idx.msk $0xffff, v1  }
0x275: {  	s13 =	sadd.s32 $0x2, s13;
	v2 =	vor.u32 s17, v0;
	v1 =	vld [tilespmem:s4+$0x180]  }
0x276: {  	s4 =	sand.u32 $0x3, s13  }
0x277: {  	s4 =	sshll.u32 s4, $0x5  }
0x278: {  	s4 =	sadd.s32 s11, s4  }
0x279: {  	s4 =	sadd.s32 $0x20, s4  }
0x27a: {  	s18 =	sadd.s32 $0xFFFFFEF5, s28;
	s17 =	sor.u32 $0x200, s4;
	[tilespmem:v2+s24+$0x0] =	vst.idx.msk $0xffff, v1  }
0x27b: {  	v2 =	vor.u32 s18, v0;
	v1 =	vld [tilespmem:s17+$0x6000];
	_ =	sdelay $0x4  }
0x27c: {  	s18 =	sadd.s32 $0xFFFFFEF6, s28;
	s17 =	sor.u32 $0x280, s4;
	[tilespmem:v2+s24+$0x0] =	vst.idx.msk $0xffff, v1  }
0x27d: {  	v2 =	vor.u32 s18, v0;
	v1 =	vld [tilespmem:s17+$0x6000];
	_ =	sdelay $0x4  }
0x27e: {  	s18 =	sadd.s32 $0xFFFFFEF7, s28;
	s17 =	sor.u32 $0x300, s4;
	[tilespmem:v2+s24+$0x0] =	vst.idx.msk $0xffff, v1  }
0x27f: {  	v2 =	vor.u32 s18, v0;
	v1 =	vld [tilespmem:s17+$0x6000];
	_ =	sdelay $0x4  }
0x280: {  	s4 =	sor.u32 $0x380, s4;
	s17 =	sadd.s32 $0xFFFFFEF8, s28;
	[tilespmem:v2+s24+$0x0] =	vst.idx.msk $0xffff, v1  }
0x281: {  	v2 =	vor.u32 s17, v0;
	v1 =	vld [tilespmem:s4+$0x6000];
	_ =	sdelay $0x4  }
0x282: {  	s17 =	sadd.s32 $0xFFFFFEF9, s28;
	s4 =	sor.u32 s1, s15;
	[tilespmem:v2+s24+$0x0] =	vst.idx.msk $0xffff, v1  }
0x283: {  	v2 =	vor.u32 s17, v0;
	v1 =	vld [tilespmem:s4+$0x0];
	_ =	sdelay $0x4  }
0x284: {  	s17 =	sadd.s32 $0xFFFFFEFA, s28;
	s4 =	sor.u32 s1, s6;
	[tilespmem:v2+s24+$0x0] =	vst.idx.msk $0xffff, v1  }
0x285: {  	v2 =	vor.u32 s17, v0;
	v1 =	vld [tilespmem:s4+$0x0];
	_ =	sdelay $0x4  }
0x286: {  	s17 =	sadd.s32 $0xFFFFFEFB, s28;
	s4 =	sor.u32 s1, s12;
	[tilespmem:v2+s24+$0x0] =	vst.idx.msk $0xffff, v1  }
0x287: {  	v2 =	vor.u32 s17, v0;
	v1 =	vld [tilespmem:s4+$0x0];
	_ =	sdelay $0x4  }
0x288: {  	s17 =	sadd.s32 $0xFFFFFEFC, s28;
	s4 =	sor.u32 s1, s16;
	[tilespmem:v2+s24+$0x0] =	vst.idx.msk $0xffff, v1  }
0x289: {  	v2 =	vor.u32 s17, v0;
	v1 =	vld [tilespmem:s4+$0x0];
	_ =	sdelay $0x4  }
0x28a: {  	s17 =	sadd.s32 $0xFFFFFEFD, s28;
	s4 =	sor.u32 s1, s25;
	[tilespmem:v2+s24+$0x0] =	vst.idx.msk $0xffff, v1  }
0x28b: {  	v2 =	vor.u32 s17, v0;
	v1 =	vld [tilespmem:s4+$0x0];
	_ =	sdelay $0x4  }
0x28c: {  	s17 =	sadd.s32 $0xFFFFFEFE, s28;
	s4 =	sor.u32 s1, s26;
	[tilespmem:v2+s24+$0x0] =	vst.idx.msk $0xffff, v1  }
0x28d: {  	v2 =	vor.u32 s17, v0;
	v1 =	vld [tilespmem:s4+$0x0];
	_ =	sdelay $0x4  }
0x28e: {  	s17 =	sadd.s32 $0xFFFFFEFF, s28;
	s4 =	sor.u32 s1, s29;
	[tilespmem:v2+s24+$0x0] =	vst.idx.msk $0xffff, v1  }
0x28f: {  	v2 =	vor.u32 s17, v0;
	v1 =	vld [tilespmem:s4+$0x0];
	_ =	sdelay $0x4  }
0x290: {  	s1 =	sor.u32 s1, s8;
	s4 =	sadd.s32 $0xFFFFFF00, s28;
	[tilespmem:v2+s24+$0x0] =	vst.idx.msk $0xffff, v1  }
0x291: {  	v2 =	vor.u32 s4, v0;
	v1 =	vld [tilespmem:s1+$0x0];
	_ =	sdelay $0x3  }
0x292: {  	s1 =	sand.u32 $0x70, s10  }
0x293: {  	s4 =	sor.u32 s1, s14;
	s14 =	sadd.s32 $0xFFFFFFF1, s28;
	[tilespmem:v2+s24+$0x0] =	vst.idx.msk $0xffff, v1  }
0x294: {  	v2 =	vor.u32 s14, v0;
	v1 =	vld [tilespmem:s4+$0x0];
	_ =	sdelay $0x4  }
0x295: {  	s14 =	sadd.s32 $0xFFFFFFF2, s28;
	[tilespmem:v2+s24+$0x0] =	vst.idx.msk $0xffff, v1  }
0x296: {  	v2 =	vor.u32 s14, v0;
	v1 =	vld [tilespmem:s4+$0x80];
	_ =	sdelay $0x4  }
0x297: {  	s14 =	sadd.s32 $0xFFFFFFF3, s28;
	[tilespmem:v2+s24+$0x0] =	vst.idx.msk $0xffff, v1  }
0x298: {  	v2 =	vor.u32 s14, v0;
	v1 =	vld [tilespmem:s4+$0x100];
	_ =	sdelay $0x4  }
0x299: {  	s14 =	sadd.s32 $0xFFFFFFF4, s28;
	[tilespmem:v2+s24+$0x0] =	vst.idx.msk $0xffff, v1  }
0x29a: {  	v2 =	vor.u32 s14, v0;
	v1 =	vld [tilespmem:s4+$0x180];
	_ =	sdelay $0x3  }
0x29b: {  	s4 =	sadd.s32 $0x30, s19  }
0x29c: {  	s17 =	sadd.s32 $0xFFFFFFF5, s28;
	s14 =	sor.u32 $0x200, s4;
	[tilespmem:v2+s24+$0x0] =	vst.idx.msk $0xffff, v1  }
0x29d: {  	v2 =	vor.u32 s17, v0;
	v1 =	vld [tilespmem:s14+$0x6000];
	_ =	sdelay $0x4  }
0x29e: {  	s17 =	sadd.s32 $0xFFFFFFF6, s28;
	s14 =	sor.u32 $0x280, s4;
	[tilespmem:v2+s24+$0x0] =	vst.idx.msk $0xffff, v1  }
0x29f: {  	v2 =	vor.u32 s17, v0;
	v1 =	vld [tilespmem:s14+$0x6000];
	_ =	sdelay $0x4  }
0x2a0: {  	s17 =	sadd.s32 $0xFFFFFFF7, s28;
	s14 =	sor.u32 $0x300, s4;
	[tilespmem:v2+s24+$0x0] =	vst.idx.msk $0xffff, v1  }
0x2a1: {  	v2 =	vor.u32 s17, v0;
	v1 =	vld [tilespmem:s14+$0x6000];
	_ =	sdelay $0x4  }
0x2a2: {  	s4 =	sor.u32 $0x380, s4;
	s14 =	sadd.s32 $0xFFFFFFF8, s28;
	[tilespmem:v2+s24+$0x0] =	vst.idx.msk $0xffff, v1  }
0x2a3: {  	v2 =	vor.u32 s14, v0;
	v1 =	vld [tilespmem:s4+$0x6000];
	_ =	sdelay $0x4  }
0x2a4: {  	s14 =	sadd.s32 $0xFFFFFFF9, s28;
	s4 =	sor.u32 s1, s15;
	[tilespmem:v2+s24+$0x0] =	vst.idx.msk $0xffff, v1  }
0x2a5: {  	v2 =	vor.u32 s14, v0;
	v1 =	vld [tilespmem:s4+$0x0];
	_ =	sdelay $0x4  }
0x2a6: {  	s4 =	sor.u32 s1, s6;
	s6 =	sadd.s32 $0xFFFFFFFA, s28;
	[tilespmem:v2+s24+$0x0] =	vst.idx.msk $0xffff, v1  }
0x2a7: {  	v2 =	vor.u32 s6, v0;
	v1 =	vld [tilespmem:s4+$0x0];
	_ =	sdelay $0x4  }
0x2a8: {  	s6 =	sadd.s32 $0xFFFFFFFB, s28;
	s4 =	sor.u32 s1, s12;
	[tilespmem:v2+s24+$0x0] =	vst.idx.msk $0xffff, v1  }
0x2a9: {  	v2 =	vor.u32 s6, v0;
	v1 =	vld [tilespmem:s4+$0x0];
	_ =	sdelay $0x4  }
0x2aa: {  	s6 =	sadd.s32 $0xFFFFFFFC, s28;
	s4 =	sor.u32 s1, s16;
	[tilespmem:v2+s24+$0x0] =	vst.idx.msk $0xffff, v1  }
0x2ab: {  	v2 =	vor.u32 s6, v0;
	v1 =	vld [tilespmem:s4+$0x0];
	_ =	sdelay $0x4  }
0x2ac: {  	s6 =	sadd.s32 $0xFFFFFFFD, s28;
	s4 =	sor.u32 s1, s25;
	[tilespmem:v2+s24+$0x0] =	vst.idx.msk $0xffff, v1  }
0x2ad: {  	v2 =	vor.u32 s6, v0;
	v1 =	vld [tilespmem:s4+$0x0];
	_ =	sdelay $0x4  }
0x2ae: {  	s6 =	sadd.s32 $0xFFFFFFFE, s28;
	s4 =	sor.u32 s1, s26;
	[tilespmem:v2+s24+$0x0] =	vst.idx.msk $0xffff, v1  }
0x2af: {  	v2 =	vor.u32 s6, v0;
	v1 =	vld [tilespmem:s4+$0x0];
	_ =	sdelay $0x4  }
0x2b0: {  	s6 =	sadd.s32 $0xFFFFFFFF, s28;
	s4 =	sor.u32 s1, s29;
	[tilespmem:v2+s24+$0x0] =	vst.idx.msk $0xffff, v1  }
0x2b1: {  	v2 =	vor.u32 s6, v0;
	v1 =	vld [tilespmem:s4+$0x0];
	_ =	sdelay $0x3  }
.Ltmp6:
0x2b2: {  	(pc) =	sbr.rel @p2 .LBB2_9-.Ltmp6, $3  }
0x2b3: {  	s1 =	sor.u32 s1, s8;
	[tilespmem:v2+s24+$0x0] =	vst.idx.msk $0xffff, v1  }
0x2b4: {  	v2 =	vor.u32 s28, v0;
	v1 =	vld [tilespmem:s1+$0x0];
	_ =	sdelay $0x1  }
0x2b5: {  	s11 =	sadd.s32 $0x200, s11;
	s10 =	sadd.s32 $0x40, s10;
	s28 =	sadd.s32 $0x400, s28  }
0x2b6: {  	s30 =	sadd.s32 $0x1, s30  }
0x2b7: {  	p1 =	sne.s32 s30, $0x1A  }
.Ltmp7:
0x2b8: {  	_ = 	snop;
	(pc) =	sbr.rel @p1 .LBB2_2-.Ltmp7, $4  }
0x2b9: {  	s0 =	sadd.s32 s9, s31  }
0x2ba: {  	s0 =	sshrl.u32 s0, $0x3  }
0x2bb: {  	[tilespmem:v2+s24+$0x0] =	vst.idx.msk $0xffff, v1;
	s0 =	sadd.s32 s5, s0  }
0x2bc: {  	[hbm4b:s0+s3] =	stream.linear.scatter [tilespmem:s24], [sflag:$0x4], $0x6000, $0x38;
	[tilespmem:$0x18000] =	vst v63  }
0x2bd: {  	s0 =	simm.s32 $0x3  }
0x2be: {  	_ =	swait.ge [sflag:s0], $0x6000  }
.Ltmp8:
0x2bf: {  	[sflag:s0] =	ssyncset.done $0x0;
	(pc) =	sbr.rel @p0 .LBB2_17-.Ltmp8, $4  }
0x2c0: {  	[sflag:s0] =	ssyncadd.s32 $0xFFFFA000  }
0x2c1: {  	_ =	swait.ge [sflag:s23], $0x6000  }
0x2c2: {  	[sflag:s23] =	ssyncset.done $0x0  }
0x2c3: {  	s1 =	rddreg [dreg:$0xe];
	[sflag:s23] =	ssyncadd.s32 $0xFFFFA000  }
0x2c4: {  	s2 =	simm.s32 $0x0;
	s0 =	rddreg [dreg:$0x7]  }
0x2c5: {  	s1 =	simm.s32 $0x3000;
	s4 =	simm.s32 $0xC3800;
	s16 =	simm.s32 $0x5  }
0x2c6: {  	[tilespmem:s2], [sflag:$0x5] =	stream.strided.gather [hbm4b:s0+s1], $0x6000, s4, s1, $0x38;
	[tilespmem:$0x18000] =	vst v63  }
0x2c7: {  	s17 =	simm.s32 $0x0;
	_ =	swait.ge [sflag:s16], $0x6000  }
0x2c8: {  	s1 =	sand.u32 $0x40, s17;
	s0 =	sand.u32 $0x3C00, s2;
	[sflag:s16] =	ssyncset.done $0x0  }
0x2c9: {  	s6 =	simm.s32 $0x0;
	s18 =	sor.u32 s1, s0;
	[sflag:s16] =	ssyncadd.s32 $0xFFFFA000  }
0x2ca: {  	v2 =	vor.u32 s6, v0;
	v1 =	vld [tilespmem:s18+$0x0];
	_ =	sdelay $0x4  }
0x2cb: {  	s19 =	simm.s32 $0x1;
	[tilespmem:v2+s21+$0x0] =	vst.idx.msk $0xffff, v1  }
0x2cc: {  	v2 =	vor.u32 s19, v0;
	v1 =	vld [tilespmem:s18+$0x80];
	_ =	sdelay $0x4  }
0x2cd: {  	s25 =	simm.s32 $0x2;
	[tilespmem:v2+s21+$0x0] =	vst.idx.msk $0xffff, v1  }
0x2ce: {  	v2 =	vor.u32 s25, v0;
	v1 =	vld [tilespmem:s18+$0x100];
	_ =	sdelay $0x4  }
0x2cf: {  	s26 =	simm.s32 $0x3;
	[tilespmem:v2+s21+$0x0] =	vst.idx.msk $0xffff, v1  }
0x2d0: {  	v2 =	vor.u32 s26, v0;
	v1 =	vld [tilespmem:s18+$0x180]  }
0x2d1: {  	p1 =	por $0x0, $0x0;
	s4 =	simm.s32 $0x1  }
0x2d2: {  	s4 =	simm.s32 @!p1 $0x0  }
0x2d3: {  	s4 =	sshll.u32 s4, $0x6  }
0x2d4: {  	s4 =	sadd.s32 $0x0, s4  }
0x2d5: {  	s8 =	simm.s32 $0x4;
	s29 =	sor.u32 $0x200, s4;
	[tilespmem:v2+s21+$0x0] =	vst.idx.msk $0xffff, v1  }
0x2d6: {  	v2 =	vor.u32 s8, v0;
	v1 =	vld [tilespmem:s29+$0x0];
	_ =	sdelay $0x4  }
0x2d7: {  	s31 =	simm.s32 $0x5;
	s30 =	sor.u32 $0x280, s4;
	[tilespmem:v2+s21+$0x0] =	vst.idx.msk $0xffff, v1  }
0x2d8: {  	v2 =	vor.u32 s31, v0;
	v1 =	vld [tilespmem:s30+$0x0];
	_ =	sdelay $0x4  }
0x2d9: {  	s10 =	simm.s32 $0x6;
	s8 =	sor.u32 $0x300, s4;
	[tilespmem:v2+s21+$0x0] =	vst.idx.msk $0xffff, v1  }
0x2da: {  	v2 =	vor.u32 s10, v0;
	v1 =	vld [tilespmem:s8+$0x0];
	_ =	sdelay $0x4  }
0x2db: {  	s11 =	simm.s32 $0x7;
	s4 =	sor.u32 $0x380, s4;
	[tilespmem:v2+s21+$0x0] =	vst.idx.msk $0xffff, v1  }
0x2dc: {  	v2 =	vor.u32 s11, v0;
	v1 =	vld [tilespmem:s4+$0x0];
	_ =	sdelay $0x3  }
0x2dd: {  	s6 =	sadd.s32 $0x3000, s0  }
0x2de: {  	s13 =	simm.s32 $0x8;
	s12 =	sor.u32 s1, s6;
	[tilespmem:v2+s21+$0x0] =	vst.idx.msk $0xffff, v1  }
0x2df: {  	v2 =	vor.u32 s13, v0;
	v1 =	vld [tilespmem:s12+$0x0];
	_ =	sdelay $0x3  }
0x2e0: {  	s8 =	sadd.s32 $0x3080, s0  }
0x2e1: {  	s10 =	simm.s32 $0x9;
	s14 =	sor.u32 s1, s8;
	[tilespmem:v2+s21+$0x0] =	vst.idx.msk $0xffff, v1  }
0x2e2: {  	v2 =	vor.u32 s10, v0;
	v1 =	vld [tilespmem:s14+$0x0];
	_ =	sdelay $0x3  }
0x2e3: {  	s10 =	sadd.s32 $0x3100, s0  }
0x2e4: {  	s11 =	simm.s32 $0xA;
	s15 =	sor.u32 s1, s10;
	[tilespmem:v2+s21+$0x0] =	vst.idx.msk $0xffff, v1  }
0x2e5: {  	v2 =	vor.u32 s11, v0;
	v1 =	vld [tilespmem:s15+$0x0];
	_ =	sdelay $0x3  }
0x2e6: {  	s11 =	sadd.s32 $0x3180, s0  }
0x2e7: {  	s12 =	simm.s32 $0xB;
	s16 =	sor.u32 s1, s11;
	[tilespmem:v2+s21+$0x0] =	vst.idx.msk $0xffff, v1  }
0x2e8: {  	v2 =	vor.u32 s12, v0;
	v1 =	vld [tilespmem:s16+$0x0];
	_ =	sdelay $0x3  }
0x2e9: {  	s12 =	sadd.s32 $0x3200, s0  }
0x2ea: {  	s13 =	simm.s32 $0xC;
	s17 =	sor.u32 s1, s12;
	[tilespmem:v2+s21+$0x0] =	vst.idx.msk $0xffff, v1  }
0x2eb: {  	v2 =	vor.u32 s13, v0;
	v1 =	vld [tilespmem:s17+$0x0];
	_ =	sdelay $0x3  }
0x2ec: {  	s13 =	sadd.s32 $0x3280, s0  }
0x2ed: {  	s14 =	simm.s32 $0xD;
	s18 =	sor.u32 s1, s13;
	[tilespmem:v2+s21+$0x0] =	vst.idx.msk $0xffff, v1  }
0x2ee: {  	v2 =	vor.u32 s14, v0;
	v1 =	vld [tilespmem:s18+$0x0];
	_ =	sdelay $0x3  }
0x2ef: {  	s15 =	sadd.s32 $0x3300, s0  }
0x2f0: {  	s25 =	simm.s32 $0xE;
	s19 =	sor.u32 s1, s15;
	[tilespmem:v2+s21+$0x0] =	vst.idx.msk $0xffff, v1  }
0x2f1: {  	v2 =	vor.u32 s25, v0;
	v1 =	vld [tilespmem:s19+$0x0];
	_ =	sdelay $0x3  }
0x2f2: {  	s14 =	sadd.s32 $0x3380, s0  }
0x2f3: {  	s26 =	simm.s32 $0xF;
	s1 =	sor.u32 s1, s14;
	[tilespmem:v2+s21+$0x0] =	vst.idx.msk $0xffff, v1  }
0x2f4: {  	v2 =	vor.u32 s26, v0;
	v1 =	vld [tilespmem:s1+$0x0];
	_ =	sdelay $0x2  }
0x2f5: {  	s29 =	simm.s32 $0x10  }
0x2f6: {  	s16 =	sand.u32 $0x50, s29  }
0x2f7: {  	s30 =	simm.s32 $0x100;
	s1 =	sor.u32 s16, s0;
	[tilespmem:v2+s21+$0x0] =	vst.idx.msk $0xffff, v1  }
0x2f8: {  	v2 =	vor.u32 s30, v0;
	v1 =	vld [tilespmem:s1+$0x0];
	_ =	sdelay $0x4  }
0x2f9: {  	s31 =	simm.s32 $0x101;
	[tilespmem:v2+s21+$0x0] =	vst.idx.msk $0xffff, v1  }
0x2fa: {  	v2 =	vor.u32 s31, v0;
	v1 =	vld [tilespmem:s1+$0x80];
	_ =	sdelay $0x4  }
0x2fb: {  	s17 =	simm.s32 $0x102;
	[tilespmem:v2+s21+$0x0] =	vst.idx.msk $0xffff, v1  }
0x2fc: {  	v2 =	vor.u32 s17, v0;
	v1 =	vld [tilespmem:s1+$0x100];
	_ =	sdelay $0x4  }
0x2fd: {  	s18 =	simm.s32 $0x103;
	[tilespmem:v2+s21+$0x0] =	vst.idx.msk $0xffff, v1  }
0x2fe: {  	v2 =	vor.u32 s18, v0;
	v1 =	vld [tilespmem:s1+$0x180]  }
0x2ff: {  	s19 =	sand.u32 $0x7, s2  }
0x300: {  	s1 =	sshll.u32 s19, $0x4  }
0x301: {  	s1 =	sadd.s32 $0x0, s1  }
0x302: {  	s25 =	sadd.s32 $0x10, s1  }
0x303: {  	s18 =	simm.s32 $0x104;
	s17 =	sor.u32 $0x200, s25;
	[tilespmem:v2+s21+$0x0] =	vst.idx.msk $0xffff, v1  }
0x304: {  	v2 =	vor.u32 s18, v0;
	v1 =	vld [tilespmem:s17+$0x0];
	_ =	sdelay $0x4  }
0x305: {  	s29 =	simm.s32 $0x105;
	s26 =	sor.u32 $0x280, s25;
	[tilespmem:v2+s21+$0x0] =	vst.idx.msk $0xffff, v1  }
0x306: {  	v2 =	vor.u32 s29, v0;
	v1 =	vld [tilespmem:s26+$0x0];
	_ =	sdelay $0x4  }
0x307: {  	s31 =	simm.s32 $0x106;
	s30 =	sor.u32 $0x300, s25;
	[tilespmem:v2+s21+$0x0] =	vst.idx.msk $0xffff, v1  }
0x308: {  	v2 =	vor.u32 s31, v0;
	v1 =	vld [tilespmem:s30+$0x0];
	_ =	sdelay $0x4  }
0x309: {  	s4 =	sor.u32 $0x380, s25;
	s18 =	simm.s32 $0x107;
	[tilespmem:v2+s21+$0x0] =	vst.idx.msk $0xffff, v1  }
0x30a: {  	v2 =	vor.u32 s18, v0;
	v1 =	vld [tilespmem:s4+$0x0];
	_ =	sdelay $0x4  }
0x30b: {  	s19 =	sor.u32 s16, s6;
	s25 =	simm.s32 $0x108;
	[tilespmem:v2+s21+$0x0] =	vst.idx.msk $0xffff, v1  }
0x30c: {  	v2 =	vor.u32 s25, v0;
	v1 =	vld [tilespmem:s19+$0x0];
	_ =	sdelay $0x4  }
0x30d: {  	s29 =	simm.s32 $0x109;
	s26 =	sor.u32 s16, s8;
	[tilespmem:v2+s21+$0x0] =	vst.idx.msk $0xffff, v1  }
0x30e: {  	v2 =	vor.u32 s29, v0;
	v1 =	vld [tilespmem:s26+$0x0];
	_ =	sdelay $0x4  }
0x30f: {  	s31 =	simm.s32 $0x10A;
	s30 =	sor.u32 s16, s10;
	[tilespmem:v2+s21+$0x0] =	vst.idx.msk $0xffff, v1  }
0x310: {  	v2 =	vor.u32 s31, v0;
	v1 =	vld [tilespmem:s30+$0x0];
	_ =	sdelay $0x4  }
0x311: {  	s17 =	sor.u32 s16, s11;
	s18 =	simm.s32 $0x10B;
	[tilespmem:v2+s21+$0x0] =	vst.idx.msk $0xffff, v1  }
0x312: {  	v2 =	vor.u32 s18, v0;
	v1 =	vld [tilespmem:s17+$0x0];
	_ =	sdelay $0x4  }
0x313: {  	s25 =	simm.s32 $0x10C;
	s19 =	sor.u32 s16, s12;
	[tilespmem:v2+s21+$0x0] =	vst.idx.msk $0xffff, v1  }
0x314: {  	v2 =	vor.u32 s25, v0;
	v1 =	vld [tilespmem:s19+$0x0];
	_ =	sdelay $0x4  }
0x315: {  	s29 =	simm.s32 $0x10D;
	s26 =	sor.u32 s16, s13;
	[tilespmem:v2+s21+$0x0] =	vst.idx.msk $0xffff, v1  }
0x316: {  	v2 =	vor.u32 s29, v0;
	v1 =	vld [tilespmem:s26+$0x0];
	_ =	sdelay $0x4  }
0x317: {  	s31 =	simm.s32 $0x10E;
	s30 =	sor.u32 s16, s15;
	[tilespmem:v2+s21+$0x0] =	vst.idx.msk $0xffff, v1  }
0x318: {  	v2 =	vor.u32 s31, v0;
	v1 =	vld [tilespmem:s30+$0x0];
	_ =	sdelay $0x4  }
0x319: {  	s18 =	sor.u32 s16, s14;
	s19 =	simm.s32 $0x10F;
	[tilespmem:v2+s21+$0x0] =	vst.idx.msk $0xffff, v1  }
0x31a: {  	v2 =	vor.u32 s19, v0;
	v1 =	vld [tilespmem:s18+$0x0];
	_ =	sdelay $0x2  }
0x31b: {  	s25 =	simm.s32 $0x20  }
0x31c: {  	s16 =	sand.u32 $0x60, s25  }
0x31d: {  	s4 =	sor.u32 s16, s0;
	s26 =	simm.s32 $0x200;
	[tilespmem:v2+s21+$0x0] =	vst.idx.msk $0xffff, v1  }
0x31e: {  	v2 =	vor.u32 s26, v0;
	v1 =	vld [tilespmem:s4+$0x0];
	_ =	sdelay $0x4  }
0x31f: {  	s29 =	simm.s32 $0x201;
	[tilespmem:v2+s21+$0x0] =	vst.idx.msk $0xffff, v1  }
0x320: {  	v2 =	vor.u32 s29, v0;
	v1 =	vld [tilespmem:s4+$0x80];
	_ =	sdelay $0x4  }
0x321: {  	s30 =	simm.s32 $0x202;
	[tilespmem:v2+s21+$0x0] =	vst.idx.msk $0xffff, v1  }
0x322: {  	v2 =	vor.u32 s30, v0;
	v1 =	vld [tilespmem:s4+$0x100];
	_ =	sdelay $0x4  }
0x323: {  	s31 =	simm.s32 $0x203;
	[tilespmem:v2+s21+$0x0] =	vst.idx.msk $0xffff, v1  }
0x324: {  	v2 =	vor.u32 s31, v0;
	v1 =	vld [tilespmem:s4+$0x180]  }
0x325: {  	s18 =	sand.u32 $0x3, s2  }
0x326: {  	s4 =	sshll.u32 s18, $0x5  }
0x327: {  	s4 =	sadd.s32 $0x0, s4  }
0x328: {  	s4 =	sadd.s32 $0x20, s4  }
0x329: {  	s25 =	simm.s32 $0x204;
	s19 =	sor.u32 $0x200, s4;
	[tilespmem:v2+s21+$0x0] =	vst.idx.msk $0xffff, v1  }
0x32a: {  	v2 =	vor.u32 s25, v0;
	v1 =	vld [tilespmem:s19+$0x0];
	_ =	sdelay $0x4  }
0x32b: {  	s29 =	simm.s32 $0x205;
	s26 =	sor.u32 $0x280, s4;
	[tilespmem:v2+s21+$0x0] =	vst.idx.msk $0xffff, v1  }
0x32c: {  	v2 =	vor.u32 s29, v0;
	v1 =	vld [tilespmem:s26+$0x0];
	_ =	sdelay $0x4  }
0x32d: {  	s31 =	simm.s32 $0x206;
	s30 =	sor.u32 $0x300, s4;
	[tilespmem:v2+s21+$0x0] =	vst.idx.msk $0xffff, v1  }
0x32e: {  	v2 =	vor.u32 s31, v0;
	v1 =	vld [tilespmem:s30+$0x0];
	_ =	sdelay $0x4  }
0x32f: {  	s18 =	simm.s32 $0x207;
	s4 =	sor.u32 $0x380, s4;
	[tilespmem:v2+s21+$0x0] =	vst.idx.msk $0xffff, v1  }
0x330: {  	v2 =	vor.u32 s18, v0;
	v1 =	vld [tilespmem:s4+$0x0];
	_ =	sdelay $0x4  }
0x331: {  	s25 =	simm.s32 $0x208;
	s19 =	sor.u32 s16, s6;
	[tilespmem:v2+s21+$0x0] =	vst.idx.msk $0xffff, v1  }
0x332: {  	v2 =	vor.u32 s25, v0;
	v1 =	vld [tilespmem:s19+$0x0];
	_ =	sdelay $0x4  }
0x333: {  	s29 =	simm.s32 $0x209;
	s26 =	sor.u32 s16, s8;
	[tilespmem:v2+s21+$0x0] =	vst.idx.msk $0xffff, v1  }
0x334: {  	v2 =	vor.u32 s29, v0;
	v1 =	vld [tilespmem:s26+$0x0];
	_ =	sdelay $0x4  }
0x335: {  	s31 =	simm.s32 $0x20A;
	s30 =	sor.u32 s16, s10;
	[tilespmem:v2+s21+$0x0] =	vst.idx.msk $0xffff, v1  }
0x336: {  	v2 =	vor.u32 s31, v0;
	v1 =	vld [tilespmem:s30+$0x0];
	_ =	sdelay $0x4  }
0x337: {  	s17 =	sor.u32 s16, s11;
	s18 =	simm.s32 $0x20B;
	[tilespmem:v2+s21+$0x0] =	vst.idx.msk $0xffff, v1  }
0x338: {  	v2 =	vor.u32 s18, v0;
	v1 =	vld [tilespmem:s17+$0x0];
	_ =	sdelay $0x4  }
0x339: {  	s25 =	simm.s32 $0x20C;
	s19 =	sor.u32 s16, s12;
	[tilespmem:v2+s21+$0x0] =	vst.idx.msk $0xffff, v1  }
0x33a: {  	v2 =	vor.u32 s25, v0;
	v1 =	vld [tilespmem:s19+$0x0];
	_ =	sdelay $0x4  }
0x33b: {  	s29 =	simm.s32 $0x20D;
	s26 =	sor.u32 s16, s13;
	[tilespmem:v2+s21+$0x0] =	vst.idx.msk $0xffff, v1  }
0x33c: {  	v2 =	vor.u32 s29, v0;
	v1 =	vld [tilespmem:s26+$0x0];
	_ =	sdelay $0x4  }
0x33d: {  	s31 =	simm.s32 $0x20E;
	s30 =	sor.u32 s16, s15;
	[tilespmem:v2+s21+$0x0] =	vst.idx.msk $0xffff, v1  }
0x33e: {  	v2 =	vor.u32 s31, v0;
	v1 =	vld [tilespmem:s30+$0x0];
	_ =	sdelay $0x4  }
0x33f: {  	s18 =	simm.s32 $0x20F;
	s17 =	sor.u32 s16, s14;
	[tilespmem:v2+s21+$0x0] =	vst.idx.msk $0xffff, v1  }
0x340: {  	v2 =	vor.u32 s18, v0;
	v1 =	vld [tilespmem:s17+$0x0];
	_ =	sdelay $0x2  }
0x341: {  	s19 =	simm.s32 $0x30  }
0x342: {  	s16 =	sand.u32 $0x70, s19  }
0x343: {  	s25 =	simm.s32 $0x300;
	s0 =	sor.u32 s16, s0;
	[tilespmem:v2+s21+$0x0] =	vst.idx.msk $0xffff, v1  }
0x344: {  	v2 =	vor.u32 s25, v0;
	v1 =	vld [tilespmem:s0+$0x0];
	_ =	sdelay $0x4  }
0x345: {  	s26 =	simm.s32 $0x301;
	[tilespmem:v2+s21+$0x0] =	vst.idx.msk $0xffff, v1  }
0x346: {  	v2 =	vor.u32 s26, v0;
	v1 =	vld [tilespmem:s0+$0x80];
	_ =	sdelay $0x4  }
0x347: {  	s29 =	simm.s32 $0x302;
	[tilespmem:v2+s21+$0x0] =	vst.idx.msk $0xffff, v1  }
0x348: {  	v2 =	vor.u32 s29, v0;
	v1 =	vld [tilespmem:s0+$0x100];
	_ =	sdelay $0x4  }
0x349: {  	s30 =	simm.s32 $0x303;
	[tilespmem:v2+s21+$0x0] =	vst.idx.msk $0xffff, v1  }
0x34a: {  	v2 =	vor.u32 s30, v0;
	v1 =	vld [tilespmem:s0+$0x180];
	_ =	sdelay $0x3  }
0x34b: {  	s31 =	sadd.s32 $0x30, s1  }
0x34c: {  	s1 =	sor.u32 $0x200, s31;
	s17 =	simm.s32 $0x304;
	[tilespmem:v2+s21+$0x0] =	vst.idx.msk $0xffff, v1  }
0x34d: {  	v2 =	vor.u32 s17, v0;
	v1 =	vld [tilespmem:s1+$0x0];
	_ =	sdelay $0x4  }
0x34e: {  	s19 =	simm.s32 $0x305;
	s18 =	sor.u32 $0x280, s31;
	[tilespmem:v2+s21+$0x0] =	vst.idx.msk $0xffff, v1  }
0x34f: {  	v2 =	vor.u32 s19, v0;
	v1 =	vld [tilespmem:s18+$0x0];
	_ =	sdelay $0x4  }
0x350: {  	s25 =	sor.u32 $0x300, s31;
	s26 =	simm.s32 $0x306;
	[tilespmem:v2+s21+$0x0] =	vst.idx.msk $0xffff, v1  }
0x351: {  	v2 =	vor.u32 s26, v0;
	v1 =	vld [tilespmem:s25+$0x0];
	_ =	sdelay $0x4  }
0x352: {  	s29 =	simm.s32 $0x307;
	s0 =	sor.u32 $0x380, s31;
	[tilespmem:v2+s21+$0x0] =	vst.idx.msk $0xffff, v1  }
0x353: {  	v2 =	vor.u32 s29, v0;
	v1 =	vld [tilespmem:s0+$0x0];
	_ =	sdelay $0x4  }
0x354: {  	s30 =	sor.u32 s16, s6;
	s31 =	simm.s32 $0x308;
	[tilespmem:v2+s21+$0x0] =	vst.idx.msk $0xffff, v1  }
0x355: {  	v2 =	vor.u32 s31, v0;
	v1 =	vld [tilespmem:s30+$0x0];
	_ =	sdelay $0x4  }
0x356: {  	s4 =	sor.u32 s16, s8;
	s6 =	simm.s32 $0x309;
	[tilespmem:v2+s21+$0x0] =	vst.idx.msk $0xffff, v1  }
0x357: {  	v2 =	vor.u32 s6, v0;
	v1 =	vld [tilespmem:s4+$0x0];
	_ =	sdelay $0x4  }
0x358: {  	s8 =	sor.u32 s16, s10;
	s10 =	simm.s32 $0x30A;
	[tilespmem:v2+s21+$0x0] =	vst.idx.msk $0xffff, v1  }
0x359: {  	v2 =	vor.u32 s10, v0;
	v1 =	vld [tilespmem:s8+$0x0];
	_ =	sdelay $0x4  }
0x35a: {  	s11 =	sor.u32 s16, s11;
	s17 =	simm.s32 $0x30B;
	[tilespmem:v2+s21+$0x0] =	vst.idx.msk $0xffff, v1  }
0x35b: {  	v2 =	vor.u32 s17, v0;
	v1 =	vld [tilespmem:s11+$0x0];
	_ =	sdelay $0x4  }
0x35c: {  	s19 =	simm.s32 $0x30C;
	s18 =	sor.u32 s16, s12;
	[tilespmem:v2+s21+$0x0] =	vst.idx.msk $0xffff, v1  }
0x35d: {  	v2 =	vor.u32 s19, v0;
	v1 =	vld [tilespmem:s18+$0x0];
	_ =	sdelay $0x4  }
0x35e: {  	s26 =	simm.s32 $0x30D;
	s25 =	sor.u32 s16, s13;
	[tilespmem:v2+s21+$0x0] =	vst.idx.msk $0xffff, v1  }
0x35f: {  	v2 =	vor.u32 s26, v0;
	v1 =	vld [tilespmem:s25+$0x0];
	_ =	sdelay $0x4  }
0x360: {  	s29 =	sor.u32 s16, s15;
	s30 =	simm.s32 $0x30E;
	[tilespmem:v2+s21+$0x0] =	vst.idx.msk $0xffff, v1  }
0x361: {  	v2 =	vor.u32 s30, v0;
	v1 =	vld [tilespmem:s29+$0x0];
	_ =	sdelay $0x4  }
0x362: {  	s0 =	simm.s32 $0x30F;
	s31 =	sor.u32 s16, s14;
	[tilespmem:v2+s21+$0x0] =	vst.idx.msk $0xffff, v1  }
0x363: {  	v2 =	vor.u32 s0, v0;
	v1 =	vld [tilespmem:s31+$0x0]  }
0x364: {  	s28 =	simm.s32 $0x0  }
0x365: {  	s13 =	simm.s32 $0x0;
	s10 =	simm.s32 $0x70;
	s11 =	simm.s32 $0x200  }
.LBB2_13:
0x366: {  	s1 =	sadd.s32 $0xFFFFFFD0, s10;
	s28 =	sadd.s32 $0x4, s28;
	s0 =	sadd.s32 $0x400, s0  }
0x367: {  	s14 =	sand.u32 $0x3C00, s11;
	s19 =	sand.u32 $0x40, s1;
	p2 =	slt.u32 s28, $0x5C  }
0x368: {  	s4 =	sadd.s32 $0xFFFFFCF1, s0;
	s1 =	sor.u32 s19, s14;
	[tilespmem:v2+s21+$0x0] =	vst.idx.msk $0xffff, v1  }
0x369: {  	v2 =	vor.u32 s4, v0;
	v1 =	vld [tilespmem:s1+$0x0];
	_ =	sdelay $0x4  }
0x36a: {  	s4 =	sadd.s32 $0xFFFFFCF2, s0;
	[tilespmem:v2+s21+$0x0] =	vst.idx.msk $0xffff, v1  }
0x36b: {  	v2 =	vor.u32 s4, v0;
	v1 =	vld [tilespmem:s1+$0x80];
	_ =	sdelay $0x4  }
0x36c: {  	s4 =	sadd.s32 $0xFFFFFCF3, s0;
	[tilespmem:v2+s21+$0x0] =	vst.idx.msk $0xffff, v1  }
0x36d: {  	v2 =	vor.u32 s4, v0;
	v1 =	vld [tilespmem:s1+$0x100];
	_ =	sdelay $0x4  }
0x36e: {  	s4 =	sadd.s32 $0xFFFFFCF4, s0;
	[tilespmem:v2+s21+$0x0] =	vst.idx.msk $0xffff, v1  }
0x36f: {  	v2 =	vor.u32 s4, v0;
	v1 =	vld [tilespmem:s1+$0x180]  }
0x370: {  	p1 =	por !p1, !p1;
	s1 =	simm.s32 $0x1  }
0x371: {  	s1 =	simm.s32 @!p1 $0x0  }
0x372: {  	s1 =	sshll.u32 s1, $0x6  }
0x373: {  	s1 =	sadd.s32 s1, s11  }
0x374: {  	s6 =	sadd.s32 $0xFFFFFCF5, s0;
	s4 =	sor.u32 $0x200, s1;
	[tilespmem:v2+s21+$0x0] =	vst.idx.msk $0xffff, v1  }
0x375: {  	v2 =	vor.u32 s6, v0;
	v1 =	vld [tilespmem:s4+$0x0];
	_ =	sdelay $0x4  }
0x376: {  	s6 =	sadd.s32 $0xFFFFFCF6, s0;
	s4 =	sor.u32 $0x280, s1;
	[tilespmem:v2+s21+$0x0] =	vst.idx.msk $0xffff, v1  }
0x377: {  	v2 =	vor.u32 s6, v0;
	v1 =	vld [tilespmem:s4+$0x0];
	_ =	sdelay $0x4  }
0x378: {  	s6 =	sadd.s32 $0xFFFFFCF7, s0;
	s4 =	sor.u32 $0x300, s1;
	[tilespmem:v2+s21+$0x0] =	vst.idx.msk $0xffff, v1  }
0x379: {  	v2 =	vor.u32 s6, v0;
	v1 =	vld [tilespmem:s4+$0x0];
	_ =	sdelay $0x4  }
0x37a: {  	s1 =	sor.u32 $0x380, s1;
	s4 =	sadd.s32 $0xFFFFFCF8, s0;
	[tilespmem:v2+s21+$0x0] =	vst.idx.msk $0xffff, v1  }
0x37b: {  	v2 =	vor.u32 s4, v0;
	v1 =	vld [tilespmem:s1+$0x0];
	_ =	sdelay $0x3  }
0x37c: {  	s15 =	sadd.s32 $0x3000, s14  }
0x37d: {  	s4 =	sadd.s32 $0xFFFFFCF9, s0;
	s1 =	sor.u32 s19, s15;
	[tilespmem:v2+s21+$0x0] =	vst.idx.msk $0xffff, v1  }
0x37e: {  	v2 =	vor.u32 s4, v0;
	v1 =	vld [tilespmem:s1+$0x0];
	_ =	sdelay $0x3  }
0x37f: {  	s6 =	sadd.s32 $0x3080, s14  }
0x380: {  	s4 =	sadd.s32 $0xFFFFFCFA, s0;
	s1 =	sor.u32 s19, s6;
	[tilespmem:v2+s21+$0x0] =	vst.idx.msk $0xffff, v1  }
0x381: {  	v2 =	vor.u32 s4, v0;
	v1 =	vld [tilespmem:s1+$0x0];
	_ =	sdelay $0x3  }
0x382: {  	s12 =	sadd.s32 $0x3100, s14  }
0x383: {  	s4 =	sadd.s32 $0xFFFFFCFB, s0;
	s1 =	sor.u32 s19, s12;
	[tilespmem:v2+s21+$0x0] =	vst.idx.msk $0xffff, v1  }
0x384: {  	v2 =	vor.u32 s4, v0;
	v1 =	vld [tilespmem:s1+$0x0];
	_ =	sdelay $0x3  }
0x385: {  	s16 =	sadd.s32 $0x3180, s14  }
0x386: {  	s4 =	sadd.s32 $0xFFFFFCFC, s0;
	s1 =	sor.u32 s19, s16;
	[tilespmem:v2+s21+$0x0] =	vst.idx.msk $0xffff, v1  }
0x387: {  	v2 =	vor.u32 s4, v0;
	v1 =	vld [tilespmem:s1+$0x0];
	_ =	sdelay $0x3  }
0x388: {  	s25 =	sadd.s32 $0x3200, s14  }
0x389: {  	s4 =	sadd.s32 $0xFFFFFCFD, s0;
	s1 =	sor.u32 s19, s25;
	[tilespmem:v2+s21+$0x0] =	vst.idx.msk $0xffff, v1  }
0x38a: {  	v2 =	vor.u32 s4, v0;
	v1 =	vld [tilespmem:s1+$0x0];
	_ =	sdelay $0x3  }
0x38b: {  	s26 =	sadd.s32 $0x3280, s14  }
0x38c: {  	s4 =	sadd.s32 $0xFFFFFCFE, s0;
	s1 =	sor.u32 s19, s26;
	[tilespmem:v2+s21+$0x0] =	vst.idx.msk $0xffff, v1  }
0x38d: {  	v2 =	vor.u32 s4, v0;
	v1 =	vld [tilespmem:s1+$0x0];
	_ =	sdelay $0x3  }
0x38e: {  	s29 =	sadd.s32 $0x3300, s14  }
0x38f: {  	s4 =	sadd.s32 $0xFFFFFCFF, s0;
	s1 =	sor.u32 s19, s29;
	[tilespmem:v2+s21+$0x0] =	vst.idx.msk $0xffff, v1  }
0x390: {  	v2 =	vor.u32 s4, v0;
	v1 =	vld [tilespmem:s1+$0x0];
	_ =	sdelay $0x3  }
0x391: {  	s8 =	sadd.s32 $0x3380, s14  }
0x392: {  	s4 =	sadd.s32 $0xFFFFFD00, s0;
	s1 =	sor.u32 s19, s8;
	[tilespmem:v2+s21+$0x0] =	vst.idx.msk $0xffff, v1  }
0x393: {  	v2 =	vor.u32 s4, v0;
	v1 =	vld [tilespmem:s1+$0x0];
	_ =	sdelay $0x2  }
0x394: {  	s1 =	sadd.s32 $0xFFFFFFE0, s10  }
0x395: {  	s1 =	sand.u32 $0x50, s1  }
0x396: {  	s17 =	sadd.s32 $0xFFFFFDF1, s0;
	s4 =	sor.u32 s1, s14;
	[tilespmem:v2+s21+$0x0] =	vst.idx.msk $0xffff, v1  }
0x397: {  	v2 =	vor.u32 s17, v0;
	v1 =	vld [tilespmem:s4+$0x0];
	_ =	sdelay $0x4  }
0x398: {  	s17 =	sadd.s32 $0xFFFFFDF2, s0;
	[tilespmem:v2+s21+$0x0] =	vst.idx.msk $0xffff, v1  }
0x399: {  	v2 =	vor.u32 s17, v0;
	v1 =	vld [tilespmem:s4+$0x80];
	_ =	sdelay $0x4  }
0x39a: {  	s17 =	sadd.s32 $0xFFFFFDF3, s0;
	[tilespmem:v2+s21+$0x0] =	vst.idx.msk $0xffff, v1  }
0x39b: {  	v2 =	vor.u32 s17, v0;
	v1 =	vld [tilespmem:s4+$0x100];
	_ =	sdelay $0x4  }
0x39c: {  	s17 =	sadd.s32 $0xFFFFFDF4, s0;
	[tilespmem:v2+s21+$0x0] =	vst.idx.msk $0xffff, v1  }
0x39d: {  	s2 =	sadd.s32 $0x4, s2;
	v2 =	vor.u32 s17, v0;
	v1 =	vld [tilespmem:s4+$0x180]  }
0x39e: {  	s4 =	sand.u32 $0x7, s2  }
0x39f: {  	s4 =	sshll.u32 s4, $0x4  }
0x3a0: {  	s19 =	sadd.s32 s11, s4  }
0x3a1: {  	s4 =	sadd.s32 $0x10, s19  }
0x3a2: {  	s18 =	sadd.s32 $0xFFFFFDF5, s0;
	s17 =	sor.u32 $0x200, s4;
	[tilespmem:v2+s21+$0x0] =	vst.idx.msk $0xffff, v1  }
0x3a3: {  	v2 =	vor.u32 s18, v0;
	v1 =	vld [tilespmem:s17+$0x0];
	_ =	sdelay $0x4  }
0x3a4: {  	s18 =	sadd.s32 $0xFFFFFDF6, s0;
	s17 =	sor.u32 $0x280, s4;
	[tilespmem:v2+s21+$0x0] =	vst.idx.msk $0xffff, v1  }
0x3a5: {  	v2 =	vor.u32 s18, v0;
	v1 =	vld [tilespmem:s17+$0x0];
	_ =	sdelay $0x4  }
0x3a6: {  	s18 =	sadd.s32 $0xFFFFFDF7, s0;
	s17 =	sor.u32 $0x300, s4;
	[tilespmem:v2+s21+$0x0] =	vst.idx.msk $0xffff, v1  }
0x3a7: {  	v2 =	vor.u32 s18, v0;
	v1 =	vld [tilespmem:s17+$0x0];
	_ =	sdelay $0x4  }
0x3a8: {  	s4 =	sor.u32 $0x380, s4;
	s17 =	sadd.s32 $0xFFFFFDF8, s0;
	[tilespmem:v2+s21+$0x0] =	vst.idx.msk $0xffff, v1  }
0x3a9: {  	v2 =	vor.u32 s17, v0;
	v1 =	vld [tilespmem:s4+$0x0];
	_ =	sdelay $0x4  }
0x3aa: {  	s17 =	sadd.s32 $0xFFFFFDF9, s0;
	s4 =	sor.u32 s1, s15;
	[tilespmem:v2+s21+$0x0] =	vst.idx.msk $0xffff, v1  }
0x3ab: {  	v2 =	vor.u32 s17, v0;
	v1 =	vld [tilespmem:s4+$0x0];
	_ =	sdelay $0x4  }
0x3ac: {  	s17 =	sadd.s32 $0xFFFFFDFA, s0;
	s4 =	sor.u32 s1, s6;
	[tilespmem:v2+s21+$0x0] =	vst.idx.msk $0xffff, v1  }
0x3ad: {  	v2 =	vor.u32 s17, v0;
	v1 =	vld [tilespmem:s4+$0x0];
	_ =	sdelay $0x4  }
0x3ae: {  	s17 =	sadd.s32 $0xFFFFFDFB, s0;
	s4 =	sor.u32 s1, s12;
	[tilespmem:v2+s21+$0x0] =	vst.idx.msk $0xffff, v1  }
0x3af: {  	v2 =	vor.u32 s17, v0;
	v1 =	vld [tilespmem:s4+$0x0];
	_ =	sdelay $0x4  }
0x3b0: {  	s17 =	sadd.s32 $0xFFFFFDFC, s0;
	s4 =	sor.u32 s1, s16;
	[tilespmem:v2+s21+$0x0] =	vst.idx.msk $0xffff, v1  }
0x3b1: {  	v2 =	vor.u32 s17, v0;
	v1 =	vld [tilespmem:s4+$0x0];
	_ =	sdelay $0x4  }
0x3b2: {  	s17 =	sadd.s32 $0xFFFFFDFD, s0;
	s4 =	sor.u32 s1, s25;
	[tilespmem:v2+s21+$0x0] =	vst.idx.msk $0xffff, v1  }
0x3b3: {  	v2 =	vor.u32 s17, v0;
	v1 =	vld [tilespmem:s4+$0x0];
	_ =	sdelay $0x4  }
0x3b4: {  	s17 =	sadd.s32 $0xFFFFFDFE, s0;
	s4 =	sor.u32 s1, s26;
	[tilespmem:v2+s21+$0x0] =	vst.idx.msk $0xffff, v1  }
0x3b5: {  	v2 =	vor.u32 s17, v0;
	v1 =	vld [tilespmem:s4+$0x0];
	_ =	sdelay $0x4  }
0x3b6: {  	s17 =	sadd.s32 $0xFFFFFDFF, s0;
	s4 =	sor.u32 s1, s29;
	[tilespmem:v2+s21+$0x0] =	vst.idx.msk $0xffff, v1  }
0x3b7: {  	v2 =	vor.u32 s17, v0;
	v1 =	vld [tilespmem:s4+$0x0];
	_ =	sdelay $0x4  }
0x3b8: {  	s1 =	sor.u32 s1, s8;
	s4 =	sadd.s32 $0xFFFFFE00, s0;
	[tilespmem:v2+s21+$0x0] =	vst.idx.msk $0xffff, v1  }
0x3b9: {  	v2 =	vor.u32 s4, v0;
	v1 =	vld [tilespmem:s1+$0x0];
	_ =	sdelay $0x2  }
0x3ba: {  	s1 =	sadd.s32 $0xFFFFFFF0, s10  }
0x3bb: {  	s1 =	sand.u32 $0x60, s1  }
0x3bc: {  	s17 =	sadd.s32 $0xFFFFFEF1, s0;
	s4 =	sor.u32 s1, s14;
	[tilespmem:v2+s21+$0x0] =	vst.idx.msk $0xffff, v1  }
0x3bd: {  	v2 =	vor.u32 s17, v0;
	v1 =	vld [tilespmem:s4+$0x0];
	_ =	sdelay $0x4  }
0x3be: {  	s17 =	sadd.s32 $0xFFFFFEF2, s0;
	[tilespmem:v2+s21+$0x0] =	vst.idx.msk $0xffff, v1  }
0x3bf: {  	v2 =	vor.u32 s17, v0;
	v1 =	vld [tilespmem:s4+$0x80];
	_ =	sdelay $0x4  }
0x3c0: {  	s17 =	sadd.s32 $0xFFFFFEF3, s0;
	[tilespmem:v2+s21+$0x0] =	vst.idx.msk $0xffff, v1  }
0x3c1: {  	v2 =	vor.u32 s17, v0;
	v1 =	vld [tilespmem:s4+$0x100];
	_ =	sdelay $0x4  }
0x3c2: {  	s17 =	sadd.s32 $0xFFFFFEF4, s0;
	[tilespmem:v2+s21+$0x0] =	vst.idx.msk $0xffff, v1  }
0x3c3: {  	s13 =	sadd.s32 $0x2, s13;
	v2 =	vor.u32 s17, v0;
	v1 =	vld [tilespmem:s4+$0x180]  }
0x3c4: {  	s4 =	sand.u32 $0x3, s13  }
0x3c5: {  	s4 =	sshll.u32 s4, $0x5  }
0x3c6: {  	s4 =	sadd.s32 s11, s4  }
0x3c7: {  	s4 =	sadd.s32 $0x20, s4  }
0x3c8: {  	s18 =	sadd.s32 $0xFFFFFEF5, s0;
	s17 =	sor.u32 $0x200, s4;
	[tilespmem:v2+s21+$0x0] =	vst.idx.msk $0xffff, v1  }
0x3c9: {  	v2 =	vor.u32 s18, v0;
	v1 =	vld [tilespmem:s17+$0x0];
	_ =	sdelay $0x4  }
0x3ca: {  	s18 =	sadd.s32 $0xFFFFFEF6, s0;
	s17 =	sor.u32 $0x280, s4;
	[tilespmem:v2+s21+$0x0] =	vst.idx.msk $0xffff, v1  }
0x3cb: {  	v2 =	vor.u32 s18, v0;
	v1 =	vld [tilespmem:s17+$0x0];
	_ =	sdelay $0x4  }
0x3cc: {  	s18 =	sadd.s32 $0xFFFFFEF7, s0;
	s17 =	sor.u32 $0x300, s4;
	[tilespmem:v2+s21+$0x0] =	vst.idx.msk $0xffff, v1  }
0x3cd: {  	v2 =	vor.u32 s18, v0;
	v1 =	vld [tilespmem:s17+$0x0];
	_ =	sdelay $0x4  }
0x3ce: {  	s4 =	sor.u32 $0x380, s4;
	s17 =	sadd.s32 $0xFFFFFEF8, s0;
	[tilespmem:v2+s21+$0x0] =	vst.idx.msk $0xffff, v1  }
0x3cf: {  	v2 =	vor.u32 s17, v0;
	v1 =	vld [tilespmem:s4+$0x0];
	_ =	sdelay $0x4  }
0x3d0: {  	s17 =	sadd.s32 $0xFFFFFEF9, s0;
	s4 =	sor.u32 s1, s15;
	[tilespmem:v2+s21+$0x0] =	vst.idx.msk $0xffff, v1  }
0x3d1: {  	v2 =	vor.u32 s17, v0;
	v1 =	vld [tilespmem:s4+$0x0];
	_ =	sdelay $0x4  }
0x3d2: {  	s17 =	sadd.s32 $0xFFFFFEFA, s0;
	s4 =	sor.u32 s1, s6;
	[tilespmem:v2+s21+$0x0] =	vst.idx.msk $0xffff, v1  }
0x3d3: {  	v2 =	vor.u32 s17, v0;
	v1 =	vld [tilespmem:s4+$0x0];
	_ =	sdelay $0x4  }
0x3d4: {  	s17 =	sadd.s32 $0xFFFFFEFB, s0;
	s4 =	sor.u32 s1, s12;
	[tilespmem:v2+s21+$0x0] =	vst.idx.msk $0xffff, v1  }
0x3d5: {  	v2 =	vor.u32 s17, v0;
	v1 =	vld [tilespmem:s4+$0x0];
	_ =	sdelay $0x4  }
0x3d6: {  	s17 =	sadd.s32 $0xFFFFFEFC, s0;
	s4 =	sor.u32 s1, s16;
	[tilespmem:v2+s21+$0x0] =	vst.idx.msk $0xffff, v1  }
0x3d7: {  	v2 =	vor.u32 s17, v0;
	v1 =	vld [tilespmem:s4+$0x0];
	_ =	sdelay $0x4  }
0x3d8: {  	s17 =	sadd.s32 $0xFFFFFEFD, s0;
	s4 =	sor.u32 s1, s25;
	[tilespmem:v2+s21+$0x0] =	vst.idx.msk $0xffff, v1  }
0x3d9: {  	v2 =	vor.u32 s17, v0;
	v1 =	vld [tilespmem:s4+$0x0];
	_ =	sdelay $0x4  }
0x3da: {  	s17 =	sadd.s32 $0xFFFFFEFE, s0;
	s4 =	sor.u32 s1, s26;
	[tilespmem:v2+s21+$0x0] =	vst.idx.msk $0xffff, v1  }
0x3db: {  	v2 =	vor.u32 s17, v0;
	v1 =	vld [tilespmem:s4+$0x0];
	_ =	sdelay $0x4  }
0x3dc: {  	s17 =	sadd.s32 $0xFFFFFEFF, s0;
	s4 =	sor.u32 s1, s29;
	[tilespmem:v2+s21+$0x0] =	vst.idx.msk $0xffff, v1  }
0x3dd: {  	v2 =	vor.u32 s17, v0;
	v1 =	vld [tilespmem:s4+$0x0];
	_ =	sdelay $0x4  }
0x3de: {  	s1 =	sor.u32 s1, s8;
	s4 =	sadd.s32 $0xFFFFFF00, s0;
	[tilespmem:v2+s21+$0x0] =	vst.idx.msk $0xffff, v1  }
0x3df: {  	v2 =	vor.u32 s4, v0;
	v1 =	vld [tilespmem:s1+$0x0];
	_ =	sdelay $0x3  }
0x3e0: {  	s1 =	sand.u32 $0x70, s10  }
0x3e1: {  	s4 =	sor.u32 s1, s14;
	s14 =	sadd.s32 $0xFFFFFFF1, s0;
	[tilespmem:v2+s21+$0x0] =	vst.idx.msk $0xffff, v1  }
0x3e2: {  	v2 =	vor.u32 s14, v0;
	v1 =	vld [tilespmem:s4+$0x0];
	_ =	sdelay $0x4  }
0x3e3: {  	s14 =	sadd.s32 $0xFFFFFFF2, s0;
	[tilespmem:v2+s21+$0x0] =	vst.idx.msk $0xffff, v1  }
0x3e4: {  	v2 =	vor.u32 s14, v0;
	v1 =	vld [tilespmem:s4+$0x80];
	_ =	sdelay $0x4  }
0x3e5: {  	s14 =	sadd.s32 $0xFFFFFFF3, s0;
	[tilespmem:v2+s21+$0x0] =	vst.idx.msk $0xffff, v1  }
0x3e6: {  	v2 =	vor.u32 s14, v0;
	v1 =	vld [tilespmem:s4+$0x100];
	_ =	sdelay $0x4  }
0x3e7: {  	s14 =	sadd.s32 $0xFFFFFFF4, s0;
	[tilespmem:v2+s21+$0x0] =	vst.idx.msk $0xffff, v1  }
0x3e8: {  	v2 =	vor.u32 s14, v0;
	v1 =	vld [tilespmem:s4+$0x180];
	_ =	sdelay $0x3  }
0x3e9: {  	s4 =	sadd.s32 $0x30, s19  }
0x3ea: {  	s17 =	sadd.s32 $0xFFFFFFF5, s0;
	s14 =	sor.u32 $0x200, s4;
	[tilespmem:v2+s21+$0x0] =	vst.idx.msk $0xffff, v1  }
0x3eb: {  	v2 =	vor.u32 s17, v0;
	v1 =	vld [tilespmem:s14+$0x0];
	_ =	sdelay $0x4  }
0x3ec: {  	s17 =	sadd.s32 $0xFFFFFFF6, s0;
	s14 =	sor.u32 $0x280, s4;
	[tilespmem:v2+s21+$0x0] =	vst.idx.msk $0xffff, v1  }
0x3ed: {  	v2 =	vor.u32 s17, v0;
	v1 =	vld [tilespmem:s14+$0x0];
	_ =	sdelay $0x4  }
0x3ee: {  	s17 =	sadd.s32 $0xFFFFFFF7, s0;
	s14 =	sor.u32 $0x300, s4;
	[tilespmem:v2+s21+$0x0] =	vst.idx.msk $0xffff, v1  }
0x3ef: {  	v2 =	vor.u32 s17, v0;
	v1 =	vld [tilespmem:s14+$0x0];
	_ =	sdelay $0x4  }
0x3f0: {  	s4 =	sor.u32 $0x380, s4;
	s14 =	sadd.s32 $0xFFFFFFF8, s0;
	[tilespmem:v2+s21+$0x0] =	vst.idx.msk $0xffff, v1  }
0x3f1: {  	v2 =	vor.u32 s14, v0;
	v1 =	vld [tilespmem:s4+$0x0];
	_ =	sdelay $0x4  }
0x3f2: {  	s14 =	sadd.s32 $0xFFFFFFF9, s0;
	s4 =	sor.u32 s1, s15;
	[tilespmem:v2+s21+$0x0] =	vst.idx.msk $0xffff, v1  }
0x3f3: {  	v2 =	vor.u32 s14, v0;
	v1 =	vld [tilespmem:s4+$0x0];
	_ =	sdelay $0x4  }
0x3f4: {  	s4 =	sor.u32 s1, s6;
	s6 =	sadd.s32 $0xFFFFFFFA, s0;
	[tilespmem:v2+s21+$0x0] =	vst.idx.msk $0xffff, v1  }
0x3f5: {  	v2 =	vor.u32 s6, v0;
	v1 =	vld [tilespmem:s4+$0x0];
	_ =	sdelay $0x4  }
0x3f6: {  	s6 =	sadd.s32 $0xFFFFFFFB, s0;
	s4 =	sor.u32 s1, s12;
	[tilespmem:v2+s21+$0x0] =	vst.idx.msk $0xffff, v1  }
0x3f7: {  	v2 =	vor.u32 s6, v0;
	v1 =	vld [tilespmem:s4+$0x0];
	_ =	sdelay $0x4  }
0x3f8: {  	s6 =	sadd.s32 $0xFFFFFFFC, s0;
	s4 =	sor.u32 s1, s16;
	[tilespmem:v2+s21+$0x0] =	vst.idx.msk $0xffff, v1  }
0x3f9: {  	v2 =	vor.u32 s6, v0;
	v1 =	vld [tilespmem:s4+$0x0];
	_ =	sdelay $0x4  }
0x3fa: {  	s6 =	sadd.s32 $0xFFFFFFFD, s0;
	s4 =	sor.u32 s1, s25;
	[tilespmem:v2+s21+$0x0] =	vst.idx.msk $0xffff, v1  }
0x3fb: {  	v2 =	vor.u32 s6, v0;
	v1 =	vld [tilespmem:s4+$0x0];
	_ =	sdelay $0x4  }
0x3fc: {  	s6 =	sadd.s32 $0xFFFFFFFE, s0;
	s4 =	sor.u32 s1, s26;
	[tilespmem:v2+s21+$0x0] =	vst.idx.msk $0xffff, v1  }
0x3fd: {  	v2 =	vor.u32 s6, v0;
	v1 =	vld [tilespmem:s4+$0x0];
	_ =	sdelay $0x4  }
0x3fe: {  	s6 =	sadd.s32 $0xFFFFFFFF, s0;
	s4 =	sor.u32 s1, s29;
	[tilespmem:v2+s21+$0x0] =	vst.idx.msk $0xffff, v1  }
0x3ff: {  	v2 =	vor.u32 s6, v0;
	v1 =	vld [tilespmem:s4+$0x0];
	_ =	sdelay $0x3  }
.Ltmp9:
0x400: {  	(pc) =	sbr.rel @p2 .LBB2_13-.Ltmp9, $3  }
0x401: {  	s1 =	sor.u32 s1, s8;
	[tilespmem:v2+s21+$0x0] =	vst.idx.msk $0xffff, v1  }
0x402: {  	v2 =	vor.u32 s0, v0;
	v1 =	vld [tilespmem:s1+$0x0];
	_ =	sdelay $0x1  }
0x403: {  	s11 =	sadd.s32 $0x200, s11;
	s10 =	sadd.s32 $0x40, s10  }
0x404: {  	_ =	sdelay $0x3  }
0x405: {  	s0 =	simm.s32 $0x0;
	s1 =	rddreg [dreg:$0x8];
	s4 =	simm.s32 $0x5;
	[tilespmem:v2+s21+$0x0] =	vst.idx.msk $0xffff, v1  }
0x406: {  	[hbm4b:s1+s0] =	stream.linear.scatter [tilespmem:s21], [sflag:$0x5], $0x6000, $0x38;
	[tilespmem:$0x18000] =	vst v63  }
0x407: {  	_ =	swait.ge [sflag:s4], $0x6000  }
0x408: {  	[sflag:s4] =	ssyncset.done $0x0  }
0x409: {  	s2 =	simm.s32 $0x6000;
	s30 =	rddreg [dreg:$0x9];
	[sflag:s4] =	ssyncadd.s32 $0xFFFFA000  }
0x40a: {  	[tilespmem:s2], [sflag:$0x5] =	stream.linear.gather [hbm4b:s30+s0], $0x400, $0x38;
	[tilespmem:$0x18000] =	vst v63  }
0x40b: {  	s31 =	simm.s32 $0x9000;
	s1 =	sadd.s32 $0x18700, s30  }
0x40c: {  	[tilespmem:s31], [sflag:$0x5] =	stream.linear.gather [hbm4b:s1+s0], $0x400, $0x38;
	[tilespmem:$0x18000] =	vst v63  }
0x40d: {  	_ =	swait.ge [sflag:s4], $0x800  }
0x40e: {  	[sflag:s4] =	ssyncset.done $0x0  }
0x40f: {  	p1 =	por $0x1, $0x1;
	[sflag:s4] =	ssyncadd.s32 $0xFFFFF800  }
.LBB2_15:
0x410: {  	s1 =	sshll.u32 s0, $0x4;
	s2 =	sshll.u32 s0, $0x8  }
0x411: {  	v1 =	vld [tilespmem:s1+$0x6000];
	v2 =	vor.u32 s2, v0;
	_ =	sdelay $0x4  }
0x412: {  	s4 =	sor.u32 $0x1, s2;
	[tilespmem:v2+s24+$0x0] =	vst.idx.msk $0xffff, v1  }
0x413: {  	v2 =	vor.u32 s4, v0;
	v1 =	vld [tilespmem:s1+$0x6080];
	_ =	sdelay $0x4  }
0x414: {  	s19 =	sor.u32 $0x2, s2;
	[tilespmem:v2+s24+$0x0] =	vst.idx.msk $0xffff, v1  }
0x415: {  	v2 =	vor.u32 s19, v0;
	v1 =	vld [tilespmem:s1+$0x6100];
	_ =	sdelay $0x4  }
0x416: {  	s25 =	sor.u32 $0x3, s2;
	[tilespmem:v2+s24+$0x0] =	vst.idx.msk $0xffff, v1  }
0x417: {  	v2 =	vor.u32 s25, v0;
	v1 =	vld [tilespmem:s1+$0x6180];
	_ =	sdelay $0x4  }
0x418: {  	s26 =	sor.u32 $0x4, s2;
	[tilespmem:v2+s24+$0x0] =	vst.idx.msk $0xffff, v1  }
0x419: {  	v2 =	vor.u32 s26, v0;
	v1 =	vld [tilespmem:s1+$0x6200];
	_ =	sdelay $0x4  }
0x41a: {  	s28 =	sor.u32 $0x5, s2;
	[tilespmem:v2+s24+$0x0] =	vst.idx.msk $0xffff, v1  }
0x41b: {  	v2 =	vor.u32 s28, v0;
	v1 =	vld [tilespmem:s1+$0x6280];
	_ =	sdelay $0x4  }
0x41c: {  	s29 =	sor.u32 $0x6, s2;
	[tilespmem:v2+s24+$0x0] =	vst.idx.msk $0xffff, v1  }
0x41d: {  	v2 =	vor.u32 s29, v0;
	v1 =	vld [tilespmem:s1+$0x6300];
	_ =	sdelay $0x4  }
0x41e: {  	s30 =	sor.u32 $0x7, s2;
	[tilespmem:v2+s24+$0x0] =	vst.idx.msk $0xffff, v1  }
0x41f: {  	v2 =	vor.u32 s30, v0;
	v1 =	vld [tilespmem:s1+$0x6380];
	_ =	sdelay $0x4  }
0x420: {  	s31 =	sor.u32 $0x8, s2;
	[tilespmem:v2+s24+$0x0] =	vst.idx.msk $0xffff, v1  }
0x421: {  	v2 =	vor.u32 s31, v0;
	v1 =	vld [tilespmem:s1+$0x9000];
	_ =	sdelay $0x4  }
0x422: {  	s6 =	sor.u32 $0x9, s2;
	[tilespmem:v2+s24+$0x0] =	vst.idx.msk $0xffff, v1  }
0x423: {  	v2 =	vor.u32 s6, v0;
	v1 =	vld [tilespmem:s1+$0x9080];
	_ =	sdelay $0x4  }
0x424: {  	s8 =	sor.u32 $0xA, s2;
	[tilespmem:v2+s24+$0x0] =	vst.idx.msk $0xffff, v1  }
0x425: {  	v2 =	vor.u32 s8, v0;
	v1 =	vld [tilespmem:s1+$0x9100];
	_ =	sdelay $0x4  }
0x426: {  	s10 =	sor.u32 $0xB, s2;
	[tilespmem:v2+s24+$0x0] =	vst.idx.msk $0xffff, v1  }
0x427: {  	v2 =	vor.u32 s10, v0;
	v1 =	vld [tilespmem:s1+$0x9180];
	_ =	sdelay $0x4  }
0x428: {  	s11 =	sor.u32 $0xC, s2;
	[tilespmem:v2+s24+$0x0] =	vst.idx.msk $0xffff, v1  }
0x429: {  	v2 =	vor.u32 s11, v0;
	v1 =	vld [tilespmem:s1+$0x9200];
	_ =	sdelay $0x4  }
0x42a: {  	s12 =	sor.u32 $0xD, s2;
	[tilespmem:v2+s24+$0x0] =	vst.idx.msk $0xffff, v1  }
0x42b: {  	v2 =	vor.u32 s12, v0;
	v1 =	vld [tilespmem:s1+$0x9280];
	_ =	sdelay $0x4  }
0x42c: {  	s13 =	sor.u32 $0xE, s2;
	[tilespmem:v2+s24+$0x0] =	vst.idx.msk $0xffff, v1  }
0x42d: {  	v2 =	vor.u32 s13, v0;
	v1 =	vld [tilespmem:s1+$0x9300];
	_ =	sdelay $0x4  }
0x42e: {  	s2 =	sor.u32 $0xF, s2;
	[tilespmem:v2+s24+$0x0] =	vst.idx.msk $0xffff, v1  }
0x42f: {  	v2 =	vor.u32 s2, v0;
	v1 =	vld [tilespmem:s1+$0x9380];
	_ =	sdelay $0x3  }
0x430: {  	s14 =	sor.u32 $0x1, s0  }
0x431: {  	s15 =	sshll.u32 s14, $0x4;
	s1 =	sshll.u32 s14, $0x8;
	[tilespmem:v2+s24+$0x0] =	vst.idx.msk $0xffff, v1  }
0x432: {  	v2 =	vor.u32 s1, v0;
	v1 =	vld [tilespmem:s15+$0x6000];
	_ =	sdelay $0x4  }
0x433: {  	s16 =	sor.u32 $0x1, s1;
	[tilespmem:v2+s24+$0x0] =	vst.idx.msk $0xffff, v1  }
0x434: {  	v2 =	vor.u32 s16, v0;
	v1 =	vld [tilespmem:s15+$0x6080];
	_ =	sdelay $0x4  }
0x435: {  	s17 =	sor.u32 $0x2, s1;
	[tilespmem:v2+s24+$0x0] =	vst.idx.msk $0xffff, v1  }
0x436: {  	v2 =	vor.u32 s17, v0;
	v1 =	vld [tilespmem:s15+$0x6100];
	_ =	sdelay $0x4  }
0x437: {  	s18 =	sor.u32 $0x3, s1;
	[tilespmem:v2+s24+$0x0] =	vst.idx.msk $0xffff, v1  }
0x438: {  	v2 =	vor.u32 s18, v0;
	v1 =	vld [tilespmem:s15+$0x6180];
	_ =	sdelay $0x4  }
0x439: {  	s19 =	sor.u32 $0x4, s1;
	[tilespmem:v2+s24+$0x0] =	vst.idx.msk $0xffff, v1  }
0x43a: {  	v2 =	vor.u32 s19, v0;
	v1 =	vld [tilespmem:s15+$0x6200];
	_ =	sdelay $0x4  }
0x43b: {  	s25 =	sor.u32 $0x5, s1;
	[tilespmem:v2+s24+$0x0] =	vst.idx.msk $0xffff, v1  }
0x43c: {  	v2 =	vor.u32 s25, v0;
	v1 =	vld [tilespmem:s15+$0x6280];
	_ =	sdelay $0x4  }
0x43d: {  	s26 =	sor.u32 $0x6, s1;
	[tilespmem:v2+s24+$0x0] =	vst.idx.msk $0xffff, v1  }
0x43e: {  	v2 =	vor.u32 s26, v0;
	v1 =	vld [tilespmem:s15+$0x6300];
	_ =	sdelay $0x4  }
0x43f: {  	s28 =	sor.u32 $0x7, s1;
	[tilespmem:v2+s24+$0x0] =	vst.idx.msk $0xffff, v1  }
0x440: {  	v2 =	vor.u32 s28, v0;
	v1 =	vld [tilespmem:s15+$0x6380];
	_ =	sdelay $0x4  }
0x441: {  	s29 =	sor.u32 $0x8, s1;
	[tilespmem:v2+s24+$0x0] =	vst.idx.msk $0xffff, v1  }
0x442: {  	v2 =	vor.u32 s29, v0;
	v1 =	vld [tilespmem:s15+$0x9000];
	_ =	sdelay $0x4  }
0x443: {  	s30 =	sor.u32 $0x9, s1;
	[tilespmem:v2+s24+$0x0] =	vst.idx.msk $0xffff, v1  }
0x444: {  	v2 =	vor.u32 s30, v0;
	v1 =	vld [tilespmem:s15+$0x9080];
	_ =	sdelay $0x4  }
0x445: {  	s31 =	sor.u32 $0xA, s1;
	[tilespmem:v2+s24+$0x0] =	vst.idx.msk $0xffff, v1  }
0x446: {  	v2 =	vor.u32 s31, v0;
	v1 =	vld [tilespmem:s15+$0x9100];
	_ =	sdelay $0x4  }
0x447: {  	s6 =	sor.u32 $0xB, s1;
	[tilespmem:v2+s24+$0x0] =	vst.idx.msk $0xffff, v1  }
0x448: {  	v2 =	vor.u32 s6, v0;
	v1 =	vld [tilespmem:s15+$0x9180];
	_ =	sdelay $0x4  }
0x449: {  	s8 =	sor.u32 $0xC, s1;
	[tilespmem:v2+s24+$0x0] =	vst.idx.msk $0xffff, v1  }
0x44a: {  	v2 =	vor.u32 s8, v0;
	v1 =	vld [tilespmem:s15+$0x9200];
	_ =	sdelay $0x4  }
0x44b: {  	s10 =	sor.u32 $0xD, s1;
	[tilespmem:v2+s24+$0x0] =	vst.idx.msk $0xffff, v1  }
0x44c: {  	v2 =	vor.u32 s10, v0;
	v1 =	vld [tilespmem:s15+$0x9280];
	_ =	sdelay $0x4  }
0x44d: {  	s11 =	sor.u32 $0xE, s1;
	[tilespmem:v2+s24+$0x0] =	vst.idx.msk $0xffff, v1  }
0x44e: {  	v2 =	vor.u32 s11, v0;
	v1 =	vld [tilespmem:s15+$0x9300];
	_ =	sdelay $0x4  }
0x44f: {  	s1 =	sor.u32 $0xF, s1;
	[tilespmem:v2+s24+$0x0] =	vst.idx.msk $0xffff, v1  }
0x450: {  	v2 =	vor.u32 s1, v0;
	v1 =	vld [tilespmem:s15+$0x9380];
	_ =	sdelay $0x3  }
0x451: {  	s12 =	sor.u32 $0x2, s0  }
0x452: {  	s13 =	sshll.u32 s12, $0x4;
	s1 =	sshll.u32 s12, $0x8;
	[tilespmem:v2+s24+$0x0] =	vst.idx.msk $0xffff, v1  }
0x453: {  	v2 =	vor.u32 s1, v0;
	v1 =	vld [tilespmem:s13+$0x6000];
	_ =	sdelay $0x4  }
0x454: {  	s14 =	sor.u32 $0x1, s1;
	[tilespmem:v2+s24+$0x0] =	vst.idx.msk $0xffff, v1  }
0x455: {  	v2 =	vor.u32 s14, v0;
	v1 =	vld [tilespmem:s13+$0x6080];
	_ =	sdelay $0x4  }
0x456: {  	s15 =	sor.u32 $0x2, s1;
	[tilespmem:v2+s24+$0x0] =	vst.idx.msk $0xffff, v1  }
0x457: {  	v2 =	vor.u32 s15, v0;
	v1 =	vld [tilespmem:s13+$0x6100];
	_ =	sdelay $0x4  }
0x458: {  	s16 =	sor.u32 $0x3, s1;
	[tilespmem:v2+s24+$0x0] =	vst.idx.msk $0xffff, v1  }
0x459: {  	v2 =	vor.u32 s16, v0;
	v1 =	vld [tilespmem:s13+$0x6180];
	_ =	sdelay $0x4  }
0x45a: {  	s17 =	sor.u32 $0x4, s1;
	[tilespmem:v2+s24+$0x0] =	vst.idx.msk $0xffff, v1  }
0x45b: {  	v2 =	vor.u32 s17, v0;
	v1 =	vld [tilespmem:s13+$0x6200];
	_ =	sdelay $0x4  }
0x45c: {  	s18 =	sor.u32 $0x5, s1;
	[tilespmem:v2+s24+$0x0] =	vst.idx.msk $0xffff, v1  }
0x45d: {  	v2 =	vor.u32 s18, v0;
	v1 =	vld [tilespmem:s13+$0x6280];
	_ =	sdelay $0x4  }
0x45e: {  	s19 =	sor.u32 $0x6, s1;
	[tilespmem:v2+s24+$0x0] =	vst.idx.msk $0xffff, v1  }
0x45f: {  	v2 =	vor.u32 s19, v0;
	v1 =	vld [tilespmem:s13+$0x6300];
	_ =	sdelay $0x4  }
0x460: {  	s25 =	sor.u32 $0x7, s1;
	[tilespmem:v2+s24+$0x0] =	vst.idx.msk $0xffff, v1  }
0x461: {  	v2 =	vor.u32 s25, v0;
	v1 =	vld [tilespmem:s13+$0x6380];
	_ =	sdelay $0x4  }
0x462: {  	s26 =	sor.u32 $0x8, s1;
	[tilespmem:v2+s24+$0x0] =	vst.idx.msk $0xffff, v1  }
0x463: {  	v2 =	vor.u32 s26, v0;
	v1 =	vld [tilespmem:s13+$0x9000];
	_ =	sdelay $0x4  }
0x464: {  	s28 =	sor.u32 $0x9, s1;
	[tilespmem:v2+s24+$0x0] =	vst.idx.msk $0xffff, v1  }
0x465: {  	v2 =	vor.u32 s28, v0;
	v1 =	vld [tilespmem:s13+$0x9080];
	_ =	sdelay $0x4  }
0x466: {  	s29 =	sor.u32 $0xA, s1;
	[tilespmem:v2+s24+$0x0] =	vst.idx.msk $0xffff, v1  }
0x467: {  	v2 =	vor.u32 s29, v0;
	v1 =	vld [tilespmem:s13+$0x9100];
	_ =	sdelay $0x4  }
0x468: {  	s30 =	sor.u32 $0xB, s1;
	[tilespmem:v2+s24+$0x0] =	vst.idx.msk $0xffff, v1  }
0x469: {  	v2 =	vor.u32 s30, v0;
	v1 =	vld [tilespmem:s13+$0x9180];
	_ =	sdelay $0x4  }
0x46a: {  	s31 =	sor.u32 $0xC, s1;
	[tilespmem:v2+s24+$0x0] =	vst.idx.msk $0xffff, v1  }
0x46b: {  	v2 =	vor.u32 s31, v0;
	v1 =	vld [tilespmem:s13+$0x9200];
	_ =	sdelay $0x4  }
0x46c: {  	s6 =	sor.u32 $0xD, s1;
	[tilespmem:v2+s24+$0x0] =	vst.idx.msk $0xffff, v1  }
0x46d: {  	v2 =	vor.u32 s6, v0;
	v1 =	vld [tilespmem:s13+$0x9280];
	_ =	sdelay $0x4  }
0x46e: {  	s8 =	sor.u32 $0xE, s1;
	[tilespmem:v2+s24+$0x0] =	vst.idx.msk $0xffff, v1  }
0x46f: {  	v2 =	vor.u32 s8, v0;
	v1 =	vld [tilespmem:s13+$0x9300];
	_ =	sdelay $0x4  }
0x470: {  	s1 =	sor.u32 $0xF, s1;
	[tilespmem:v2+s24+$0x0] =	vst.idx.msk $0xffff, v1  }
0x471: {  	v2 =	vor.u32 s1, v0;
	v1 =	vld [tilespmem:s13+$0x9380];
	_ =	sdelay $0x3  }
0x472: {  	s10 =	sor.u32 $0x3, s0  }
0x473: {  	s0 =	sshll.u32 s10, $0x8;
	s11 =	sshll.u32 s10, $0x4;
	[tilespmem:v2+s24+$0x0] =	vst.idx.msk $0xffff, v1  }
0x474: {  	v2 =	vor.u32 s0, v0;
	v1 =	vld [tilespmem:s11+$0x6000];
	_ =	sdelay $0x4  }
0x475: {  	s12 =	sor.u32 $0x1, s0;
	[tilespmem:v2+s24+$0x0] =	vst.idx.msk $0xffff, v1  }
0x476: {  	v2 =	vor.u32 s12, v0;
	v1 =	vld [tilespmem:s11+$0x6080];
	_ =	sdelay $0x4  }
0x477: {  	s13 =	sor.u32 $0x2, s0;
	[tilespmem:v2+s24+$0x0] =	vst.idx.msk $0xffff, v1  }
0x478: {  	v2 =	vor.u32 s13, v0;
	v1 =	vld [tilespmem:s11+$0x6100];
	_ =	sdelay $0x4  }
0x479: {  	s14 =	sor.u32 $0x3, s0;
	[tilespmem:v2+s24+$0x0] =	vst.idx.msk $0xffff, v1  }
0x47a: {  	v2 =	vor.u32 s14, v0;
	v1 =	vld [tilespmem:s11+$0x6180];
	_ =	sdelay $0x4  }
0x47b: {  	s15 =	sor.u32 $0x4, s0;
	[tilespmem:v2+s24+$0x0] =	vst.idx.msk $0xffff, v1  }
0x47c: {  	v2 =	vor.u32 s15, v0;
	v1 =	vld [tilespmem:s11+$0x6200];
	_ =	sdelay $0x4  }
0x47d: {  	s16 =	sor.u32 $0x5, s0;
	[tilespmem:v2+s24+$0x0] =	vst.idx.msk $0xffff, v1  }
0x47e: {  	v2 =	vor.u32 s16, v0;
	v1 =	vld [tilespmem:s11+$0x6280];
	_ =	sdelay $0x4  }
0x47f: {  	s17 =	sor.u32 $0x6, s0;
	[tilespmem:v2+s24+$0x0] =	vst.idx.msk $0xffff, v1  }
0x480: {  	v2 =	vor.u32 s17, v0;
	v1 =	vld [tilespmem:s11+$0x6300];
	_ =	sdelay $0x4  }
0x481: {  	s18 =	sor.u32 $0x7, s0;
	[tilespmem:v2+s24+$0x0] =	vst.idx.msk $0xffff, v1  }
0x482: {  	v2 =	vor.u32 s18, v0;
	v1 =	vld [tilespmem:s11+$0x6380];
	_ =	sdelay $0x4  }
0x483: {  	s19 =	sor.u32 $0x8, s0;
	[tilespmem:v2+s24+$0x0] =	vst.idx.msk $0xffff, v1  }
0x484: {  	v2 =	vor.u32 s19, v0;
	v1 =	vld [tilespmem:s11+$0x9000];
	_ =	sdelay $0x4  }
0x485: {  	s25 =	sor.u32 $0x9, s0;
	[tilespmem:v2+s24+$0x0] =	vst.idx.msk $0xffff, v1  }
0x486: {  	v2 =	vor.u32 s25, v0;
	v1 =	vld [tilespmem:s11+$0x9080];
	_ =	sdelay $0x4  }
0x487: {  	s26 =	sor.u32 $0xA, s0;
	[tilespmem:v2+s24+$0x0] =	vst.idx.msk $0xffff, v1  }
0x488: {  	v2 =	vor.u32 s26, v0;
	v1 =	vld [tilespmem:s11+$0x9100];
	_ =	sdelay $0x4  }
0x489: {  	s28 =	sor.u32 $0xB, s0;
	[tilespmem:v2+s24+$0x0] =	vst.idx.msk $0xffff, v1  }
0x48a: {  	v2 =	vor.u32 s28, v0;
	v1 =	vld [tilespmem:s11+$0x9180];
	_ =	sdelay $0x4  }
0x48b: {  	s29 =	sor.u32 $0xC, s0;
	[tilespmem:v2+s24+$0x0] =	vst.idx.msk $0xffff, v1  }
0x48c: {  	v2 =	vor.u32 s29, v0;
	v1 =	vld [tilespmem:s11+$0x9200];
	_ =	sdelay $0x4  }
0x48d: {  	s30 =	sor.u32 $0xD, s0;
	[tilespmem:v2+s24+$0x0] =	vst.idx.msk $0xffff, v1  }
0x48e: {  	v2 =	vor.u32 s30, v0;
	v1 =	vld [tilespmem:s11+$0x9280];
	_ =	sdelay $0x4  }
0x48f: {  	s31 =	sor.u32 $0xE, s0;
	[tilespmem:v2+s24+$0x0] =	vst.idx.msk $0xffff, v1  }
0x490: {  	v2 =	vor.u32 s31, v0;
	v1 =	vld [tilespmem:s11+$0x9300];
	_ =	sdelay $0x4  }
0x491: {  	s0 =	sor.u32 $0xF, s0;
	[tilespmem:v2+s24+$0x0] =	vst.idx.msk $0xffff, v1  }
0x492: {  	p2 =	por p1, p1;
	v2 =	vor.u32 s0, v0;
	v1 =	vld [tilespmem:s11+$0x9380]  }
.Ltmp10:
0x493: {  	_ = 	snop;
	(pc) =	sbr.rel @p2 .LBB2_15-.Ltmp10, $2  }
0x494: {  	_ =	sdelay $0x2  }
0x495: {  	p1 =	por $0x0, $0x0;
	s0 =	simm.s32 $0x4;
	[tilespmem:v2+s24+$0x0] =	vst.idx.msk $0xffff, v1  }
0x496: {  	s0 =	rddreg [dreg:$0xa];
	s1 =	simm.s32 $0x5  }
0x497: {  	[hbm4b:s0+s3] =	stream.linear.scatter [tilespmem:s24], [sflag:$0x5], $0x800, $0x38;
	[tilespmem:$0x18000] =	vst v63  }
0x498: {  	_ =	swait.ge [sflag:s1], $0x800  }
0x499: {  	[sflag:s1] =	ssyncset.done $0x0  }
0x49a: {  	s30 =	rddreg [dreg:$0xb];
	[sflag:s1] =	ssyncadd.s32 $0xFFFFF800  }
0x49b: {  	[tilespmem:s21], [sflag:$0x5] =	stream.linear.gather [hbm4b:s30+s3], $0x200, $0x38;
	[tilespmem:$0x18000] =	vst v63  }
0x49c: {  	_ =	swait.ge [sflag:s1], $0x200  }
0x49d: {  	[sflag:s1] =	ssyncset.done $0x0  }
.Ltmp11:
0x49e: {  	s31 =	rddreg [dreg:$0xc];
	[sflag:s1] =	ssyncadd.s32 $0xFFFFFE00;
	(pc) =	sbr.rel .LBB2_17-.Ltmp11, $4  }
0x49f: {  	[hbm4b:s31+s3] =	stream.linear.scatter [tilespmem:s21], [sflag:$0x5], $0x200, $0x38;
	[tilespmem:$0x18000] =	vst v63  }
0x4a0: {  	_ =	swait.ge [sflag:s1], $0x200  }
0x4a1: {  	[sflag:s1] =	ssyncset.done $0x0  }
0x4a2: {  	[sflag:s1] =	ssyncadd.s32 $0xFFFFFE00;
	s1 =	rddreg [dreg:$0xe]  }
.LBB2_18:
0x4a3: {  	_ =	sfence.sel $0x180000  }
0x4a4: {  	[bflag:$0x0] =	sbarrier.arrive $0xFFFF  }
0x4a5: {  	_ =	strace $0x90000047  }
0x4a6: {  	s0 =	stileid.u32;
	[bflag:$0x2] =	sbarrier.arrive $0xFFFF  }
0x4a7: {  	p0 =	sne.s32 s0, $0x0;
	s0 =	rddreg [dreg:$0x3]  }
0x4a8: {  	s0 =	sadd.s32 @!p0 $0x100000, s0  }
0x4a9: {  	[sflag:s0] =	ssyncadd.tile.s32 @!p0 $0x1;
	_ =	shalt  }
.Lfunc_end2:
_tile_overlayer_lowered:
.L_overlay_start_2:
0x4aa: {  	(tag) =	ssettag $0x2  }
0x4ab: {  	s0 =	rddreg [dreg:$0x0];
	s2 =	stileid.u32  }
0x4ac: {  	s1 =	rddreg [dreg:$0x1];
	p0 =	sne.s32 s2, $0x0  }
0x4ad: {  	s3 =	rddreg [dreg:$0x2];
	[bflag:$0x3] =	sbarrier.arrive $0xFFFF;
	s2 =	simm.s32 @!p0 $0x1C05  }
0x4ae: {  	[timem:s3], [sflag:s2] =	dma.local @!p0 [hbm:s0], s1  }
0x4af: {  	s0 =	simm.s32 @!p0 $0x5  }
0x4b0: {  	_ =	swait.ge @!p0 [sflag:s0], s1  }
0x4b1: {  	s1 =	ssub.s32 @!p0 $0x0, s1;
	[sflag:s0] =	ssyncset.done @!p0 $0x0  }
0x4b2: {  	[sflag:s0] =	ssyncadd.s32 @!p0 s1  }
0x4b3: {  	[bflag:$0x3] =	sbarrier.arrive $0xFFFF  }
0x4b4: {  	_ =	shalt  }

</sc_bundles>
